<compile_context>
chip_gen: v7x
topology: tpu7x:2x2x1
jax: 0.10.2.dev20260603
libtpu: 0.0.44.dev20260713+nightly
codegen_flags: <defaults>
</compile_context>

<pallas_src>
import functools

import jax
import jax.numpy as jnp
from jax import lax
from jax.experimental import pallas as pl
from jax.experimental.pallas import tpu as pltpu
from jax.experimental.pallas import tpu_sc as plsc


@functools.cache
def _build(B, D, V):
    info = plsc.get_sparse_core_info()
    NC, NS, L = info.num_cores, info.num_subcores, info.num_lanes
    NW = NC * NS
    assert B % (L * NW) == 0 and D % L == 0 and V % 8 == 0
    bpw = B // NW
    NG = bpw // L
    mesh = plsc.VectorSubcoreMesh(core_axis_name="c", subcore_axis_name="s")

    @functools.partial(
        pl.kernel,
        mesh=mesh,
        out_type=(
            jax.ShapeDtypeStruct((B, D), jnp.float32),
            jax.ShapeDtypeStruct((B, D), jnp.float32),
        ),
        scratch_types=[
            pltpu.VMEM((bpw,), jnp.int32),
            pltpu.VMEM((bpw, D), jnp.float32),
            pltpu.SemaphoreType.DMA,
        ],
    )
    def k(uid, pid, ut3, pt3, u_out, p_out, ids_v, rows_v, sem):
        wid = lax.axis_index("s") * NC + lax.axis_index("c")
        base = pl.multiple_of(wid * bpw, bpw)

        def one_table(idx_hbm, tab3, out_hbm):
            pltpu.sync_copy(idx_hbm.at[pl.ds(base, bpw)], ids_v)

            def fire(g):
                vec = ids_v[pl.ds(g * L, L)]
                for l in range(L):
                    id_s = vec[l]
                    bid = lax.shift_right_logical(id_s, 3)
                    sub = id_s & 7
                    pltpu.async_copy(
                        tab3.at[bid, sub], rows_v.at[g * L + l], sem)

            def drain():
                for _ in range(L):
                    pltpu.make_async_copy(
                        tab3.at[0, 0], rows_v.at[0], sem).wait()

            fire(0)
            fire(1)

            def group_body(g, carry):
                fire(g)
                drain()
                return carry

            lax.fori_loop(2, NG, group_body, 0)
            drain()
            drain()
            pltpu.sync_copy(rows_v, out_hbm.at[pl.ds(base, bpw)])

        one_table(uid, ut3, u_out)
        one_table(pid, pt3, p_out)

    return k


def kernel(user_ids, product_ids, user_table, product_table):
    V, D = user_table.shape
    B = user_ids.shape[0]
    k = _build(B, D, V)
    ut3 = user_table.reshape(V // 8, 8, D)
    pt3 = product_table.reshape(V // 8, 8, D)
    return k(user_ids.astype(jnp.int32), product_ids.astype(jnp.int32),
             ut3, pt3)

# --- scband reference (transcript-rebuilt; emitter-appended) ---
"""Pipeline reference for scband-hetero-embedding-3959959847137 (READ-ONLY COPY).

The authoritative reference and input builder live on the scoring server;
editing this copy changes nothing except your own understanding.
"""

import jax, jax.numpy as jnp
import numpy as np
import math

NUM_USERS = 1000000
NUM_PRODUCTS = 1000000
DIM = 64
BATCH = 16384

def setup_inputs(seed: int = 0) -> dict:
    key = jax.random.key(seed)
    k1, k2, k3, k4 = jax.random.split(key, 4)
    a = math.sqrt(6.0 / (DIM + DIM))
    user_table = jax.random.uniform(k1, (NUM_USERS, DIM), dtype=jnp.float32, minval=-a, maxval=a)
    product_table = jax.random.uniform(k2, (NUM_PRODUCTS, DIM), dtype=jnp.float32, minval=-a, maxval=a)
    user_ids = jax.random.randint(k3, (BATCH,), 0, NUM_USERS, dtype=jnp.int64 if jax.config.jax_enable_x64 else jnp.int32)
    product_ids = jax.random.randint(k4, (BATCH,), 0, NUM_PRODUCTS, dtype=jnp.int64 if jax.config.jax_enable_x64 else jnp.int32)
    return {"user_ids": user_ids, "product_ids": product_ids, "user_table": user_table, "product_table": product_table}

def reference(user_ids, product_ids, user_table, product_table):
    u = jnp.take(user_table, user_ids, axis=0)
    p = jnp.take(product_table, product_ids, axis=0)
    return (u, p)

if __name__ == "__main__":
    import jax
    _d = setup_inputs()
    print(jax.jit(kernel)(*tuple(_d.values())))

</pallas_src>

<mosaic_0001>
#map = affine_map<(d0, d1) -> (0)>
#map1 = affine_map<(d0, d1) -> (0, 0, 0)>
#map2 = affine_map<(d0, d1) -> (0, 0)>
module attributes {stable_mosaic.version = 14 : i64} {
  func.func @k(%arg0: i32, %arg1: i32, %arg2: memref<16384xi32, #tpu.memory_space<hbm>>, %arg3: memref<16384xi32, #tpu.memory_space<hbm>>, %arg4: memref<125000x8x64xf32, #tpu.memory_space<hbm>>, %arg5: memref<125000x8x64xf32, #tpu.memory_space<hbm>>, %arg6: memref<16384x64xf32, #tpu.memory_space<hbm>>, %arg7: memref<16384x64xf32, #tpu.memory_space<hbm>>, %arg8: memref<512xi32, #tpu.memory_space<vmem>>, %arg9: memref<512x64xf32, #tpu.memory_space<vmem>>, %arg10: memref<!tpu.dma_semaphore, #tpu.memory_space<semaphore_mem>>) attributes {dimension_semantics = [#tpu.dimension_semantics<core_parallel>, #tpu.dimension_semantics<subcore_parallel>], iteration_bounds = array<i64: 2, 16>, scalar_prefetch = 0 : i64, scratch_operands = 3 : i64, tpu.core_type = #tpu.core_type<sc_vector_subcore>, window_params = [{transform_indices = #map}, {transform_indices = #map}, {transform_indices = #map1}, {transform_indices = #map1}, {transform_indices = #map2}, {transform_indices = #map2}]} {
    %mul3A = arith.constant 2 : i32
    %mul3A_0 = arith.muli %arg1, %mul3A : i32
    %add3A = arith.addi %mul3A_0, %arg0 : i32
    %mul3A_1 = arith.constant 512 : i32
    %mul3A_2 = arith.muli %add3A, %mul3A_1 : i32
    %multiple_of3A = tpu.assume_multiple %mul3A_2, 512 : i32
    "tpu.region"() ({
      %run_scoped3A = tpu.sem_alloc : memref<!tpu.dma_semaphore, #tpu.memory_space<semaphore_mem>>
      %dma_start3A_2195 = tpu.memref_slice %arg2[%multiple_of3A] : memref<16384xi32, #tpu.memory_space<hbm>> -> memref<512xi32, #tpu.memory_space<hbm>>
      %dma_start3A_2196 = tpu.memref_slice %arg2[%multiple_of3A] : memref<16384xi32, #tpu.memory_space<hbm>> -> memref<512xi32, #tpu.memory_space<hbm>>
      tpu.enqueue_dma source(%dma_start3A_2196 : memref<512xi32, #tpu.memory_space<hbm>>) target(%arg8 : memref<512xi32, #tpu.memory_space<vmem>>) target_semaphore(%run_scoped3A : memref<!tpu.dma_semaphore, #tpu.memory_space<semaphore_mem>>)
      %dma_wait3A_2197 = tpu.memref_slice %arg2[%multiple_of3A] : memref<16384xi32, #tpu.memory_space<hbm>> -> memref<512xi32, #tpu.memory_space<hbm>>
      %dma_wait3A_2198 = tpu.memref_slice %arg2[%multiple_of3A] : memref<16384xi32, #tpu.memory_space<hbm>> -> memref<512xi32, #tpu.memory_space<hbm>>
      tpu.wait_dma2 semaphore(%run_scoped3A : memref<!tpu.dma_semaphore, #tpu.memory_space<semaphore_mem>>) src(%dma_wait3A_2198 : memref<512xi32, #tpu.memory_space<hbm>>) dst(%arg8 : memref<512xi32, #tpu.memory_space<vmem>>)
      tpu.yield
    }) : () -> ()
    %get3A = arith.constant 0 : index
    %get3A_3 = tpu.vector_load %arg8[%get3A] {strides = array<i32>} : memref<512xi32, #tpu.memory_space<vmem>>, vector<16xi32>,
    %get3A_4 = vector.shape_cast %get3A_3 : vector<16xi32> to vector<16xi32>
    %slice3A = vector.extract_strided_slice %get3A_4 {offsets = [0], sizes = [1], strides = [1]} : vector<16xi32> to vector<1xi32>
    %squeeze3A = vector.extract %slice3A[0] : i32 from vector<1xi32>
    %shift_right_logical3A = arith.constant 3 : i32
    %shift_right_logical3A_5 = arith.shrui %squeeze3A, %shift_right_logical3A : i32
    %and3A = arith.constant 7 : i32
    %and3A_6 = arith.andi %squeeze3A, %and3A : i32
    %dma_start3A = arith.constant 0 : i32
    %dma_start3A_7 = arith.constant 0 : i32
    %dma_start3A_8 = tpu.memref_slice %arg9[%dma_start3A, %dma_start3A_7] : memref<512x64xf32, #tpu.memory_space<vmem>> -> memref<1x64xf32, #tpu.memory_space<vmem>>
    %dma_start3A_9 = tpu.memref_squeeze %dma_start3A_8 : memref<1x64xf32, #tpu.memory_space<vmem>> -> memref<64xf32, #tpu.memory_space<vmem>>
    %dma_start3A_10 = arith.constant 0 : i32
    %dma_start3A_11 = tpu.memref_slice %arg4[%shift_right_logical3A_5, %and3A_6, %dma_start3A_10] : memref<125000x8x64xf32, #tpu.memory_space<hbm>> -> memref<1x1x64xf32, #tpu.memory_space<hbm>>
    %dma_start3A_12 = tpu.memref_squeeze %dma_start3A_11 : memref<1x1x64xf32, #tpu.memory_space<hbm>> -> memref<64xf32, #tpu.memory_space<hbm>>
    %dma_start3A_13 = arith.constant 0 : i32
    %dma_start3A_14 = tpu.memref_slice %arg9[%dma_start3A, %dma_start3A_13] : memref<512x64xf32, #tpu.memory_space<vmem>> -> memref<1x64xf32, #tpu.memory_space<vmem>>
    %dma_start3A_15 = tpu.memref_squeeze %dma_start3A_14 : memref<1x64xf32, #tpu.memory_space<vmem>> -> memref<64xf32, #tpu.memory_space<vmem>>
    %dma_start3A_16 = arith.constant 0 : i32
    %dma_start3A_17 = tpu.memref_slice %arg4[%shift_right_logical3A_5, %and3A_6, %dma_start3A_16] : memref<125000x8x64xf32, #tpu.memory_space<hbm>> -> memref<1x1x64xf32, #tpu.memory_space<hbm>>
    %dma_start3A_18 = tpu.memref_squeeze %dma_start3A_17 : memref<1x1x64xf32, #tpu.memory_space<hbm>> -> memref<64xf32, #tpu.memory_space<hbm>>
    tpu.enqueue_dma source(%dma_start3A_18 : memref<64xf32, #tpu.memory_space<hbm>>) target(%dma_start3A_15 : memref<64xf32, #tpu.memory_space<vmem>>) target_semaphore(%arg10 : memref<!tpu.dma_semaphore, #tpu.memory_space<semaphore_mem>>)
    %slice3A_19 = vector.extract_strided_slice %get3A_4 {offsets = [1], sizes = [1], strides = [1]} : vector<16xi32> to vector<1xi32>
    %squeeze3A_20 = vector.extract %slice3A_19[0] : i32 from vector<1xi32>
    %shift_right_logical3A_21 = arith.constant 3 : i32
    %shift_right_logical3A_22 = arith.shrui %squeeze3A_20, %shift_right_logical3A_21 : i32
    %and3A_23 = arith.constant 7 : i32
    %and3A_24 = arith.andi %squeeze3A_20, %and3A_23 : i32
    %dma_start3A_25 = arith.constant 1 : i32
    %dma_start3A_26 = arith.constant 0 : i32
    %dma_start3A_27 = tpu.memref_slice %arg9[%dma_start3A_25, %dma_start3A_26] : memref<512x64xf32, #tpu.memory_space<vmem>> -> memref<1x64xf32, #tpu.memory_space<vmem>>
    %dma_start3A_28 = tpu.memref_squeeze %dma_start3A_27 : memref<1x64xf32, #tpu.memory_space<vmem>> -> memref<64xf32, #tpu.memory_space<vmem>>
    %dma_start3A_29 = arith.constant 0 : i32
    %dma_start3A_30 = tpu.memref_slice %arg4[%shift_right_logical3A_22, %and3A_24, %dma_start3A_29] : memref<125000x8x64xf32, #tpu.memory_space<hbm>> -> memref<1x1x64xf32, #tpu.memory_space<hbm>>
    %dma_start3A_31 = tpu.memref_squeeze %dma_start3A_30 : memref<1x1x64xf32, #tpu.memory_space<hbm>> -> memref<64xf32, #tpu.memory_space<hbm>>
    %dma_start3A_32 = arith.constant 0 : i32
    %dma_start3A_33 = tpu.memref_slice %arg9[%dma_start3A_25, %dma_start3A_32] : memref<512x64xf32, #tpu.memory_space<vmem>> -> memref<1x64xf32, #tpu.memory_space<vmem>>
    %dma_start3A_34 = tpu.memref_squeeze %dma_start3A_33 : memref<1x64xf32, #tpu.memory_space<vmem>> -> memref<64xf32, #tpu.memory_space<vmem>>
    %dma_start3A_35 = arith.constant 0 : i32
    %dma_start3A_36 = tpu.memref_slice %arg4[%shift_right_logical3A_22, %and3A_24, %dma_start3A_35] : memref<125000x8x64xf32, #tpu.memory_space<hbm>> -> memref<1x1x64xf32, #tpu.memory_space<hbm>>
    %dma_start3A_37 = tpu.memref_squeeze %dma_start3A_36 : memref<1x1x64xf32, #tpu.memory_space<hbm>> -> memref<64xf32, #tpu.memory_space<hbm>>
    tpu.enqueue_dma source(%dma_start3A_37 : memref<64xf32, #tpu.memory_space<hbm>>) target(%dma_start3A_34 : memref<64xf32, #tpu.memory_space<vmem>>) target_semaphore(%arg10 : memref<!tpu.dma_semaphore, #tpu.memory_space<semaphore_mem>>)
    %slice3A_38 = vector.extract_strided_slice %get3A_4 {offsets = [2], sizes = [1], strides = [1]} : vector<16xi32> to vector<1xi32>
    %squeeze3A_39 = vector.extract %slice3A_38[0] : i32 from vector<1xi32>
    %shift_right_logical3A_40 = arith.constant 3 : i32
    %shift_right_logical3A_41 = arith.shrui %squeeze3A_39, %shift_right_logical3A_40 : i32
    %and3A_42 = arith.constant 7 : i32
    %and3A_43 = arith.andi %squeeze3A_39, %and3A_42 : i32
    %dma_start3A_44 = arith.constant 2 : i32
    %dma_start3A_45 = arith.constant 0 : i32
    %dma_start3A_46 = tpu.memref_slice %arg9[%dma_start3A_44, %dma_start3A_45] : memref<512x64xf32, #tpu.memory_space<vmem>> -> memref<1x64xf32, #tpu.memory_space<vmem>>
    %dma_start3A_47 = tpu.memref_squeeze %dma_start3A_46 : memref<1x64xf32, #tpu.memory_space<vmem>> -> memref<64xf32, #tpu.memory_space<vmem>>
    %dma_start3A_48 = arith.constant 0 : i32
    %dma_start3A_49 = tpu.memref_slice %arg4[%shift_right_logical3A_41, %and3A_43, %dma_start3A_48] : memref<125000x8x64xf32, #tpu.memory_space<hbm>> -> memref<1x1x64xf32, #tpu.memory_space<hbm>>
    %dma_start3A_50 = tpu.memref_squeeze %dma_start3A_49 : memref<1x1x64xf32, #tpu.memory_space<hbm>> -> memref<64xf32, #tpu.memory_space<hbm>>
    %dma_start3A_51 = arith.constant 0 : i32
    %dma_start3A_52 = tpu.memref_slice %arg9[%dma_start3A_44, %dma_start3A_51] : memref<512x64xf32, #tpu.memory_space<vmem>> -> memref<1x64xf32, #tpu.memory_space<vmem>>
    %dma_start3A_53 = tpu.memref_squeeze %dma_start3A_52 : memref<1x64xf32, #tpu.memory_space<vmem>> -> memref<64xf32, #tpu.memory_space<vmem>>
    %dma_start3A_54 = arith.constant 0 : i32
    %dma_start3A_55 = tpu.memref_slice %arg4[%shift_right_logical3A_41, %and3A_43, %dma_start3A_54] : memref<125000x8x64xf32, #tpu.memory_space<hbm>> -> memref<1x1x64xf32, #tpu.memory_space<hbm>>
    %dma_start3A_56 = tpu.memref_squeeze %dma_start3A_55 : memref<1x1x64xf32, #tpu.memory_space<hbm>> -> memref<64xf32, #tpu.memory_space<hbm>>
    tpu.enqueue_dma source(%dma_start3A_56 : memref<64xf32, #tpu.memory_space<hbm>>) target(%dma_start3A_53 : memref<64xf32, #tpu.memory_space<vmem>>) target_semaphore(%arg10 : memref<!tpu.dma_semaphore, #tpu.memory_space<semaphore_mem>>)
    %slice3A_57 = vector.extract_strided_slice %get3A_4 {offsets = [3], sizes = [1], strides = [1]} : vector<16xi32> to vector<1xi32>
    %squeeze3A_58 = vector.extract %slice3A_57[0] : i32 from vector<1xi32>
    %shift_right_logical3A_59 = arith.constant 3 : i32
    %shift_right_logical3A_60 = arith.shrui %squeeze3A_58, %shift_right_logical3A_59 : i32
    %and3A_61 = arith.constant 7 : i32
    %and3A_62 = arith.andi %squeeze3A_58, %and3A_61 : i32
    %dma_start3A_63 = arith.constant 3 : i32
    %dma_start3A_64 = arith.constant 0 : i32
    %dma_start3A_65 = tpu.memref_slice %arg9[%dma_start3A_63, %dma_start3A_64] : memref<512x64xf32, #tpu.memory_space<vmem>> -> memref<1x64xf32, #tpu.memory_space<vmem>>
    %dma_start3A_66 = tpu.memref_squeeze %dma_start3A_65 : memref<1x64xf32, #tpu.memory_space<vmem>> -> memref<64xf32, #tpu.memory_space<vmem>>
    %dma_start3A_67 = arith.constant 0 : i32
    %dma_start3A_68 = tpu.memref_slice %arg4[%shift_right_logical3A_60, %and3A_62, %dma_start3A_67] : memref<125000x8x64xf32, #tpu.memory_space<hbm>> -> memref<1x1x64xf32, #tpu.memory_space<hbm>>
    %dma_start3A_69 = tpu.memref_squeeze %dma_start3A_68 : memref<1x1x64xf32, #tpu.memory_space<hbm>> -> memref<64xf32, #tpu.memory_space<hbm>>
    %dma_start3A_70 = arith.constant 0 : i32
    %dma_start3A_71 = tpu.memref_slice %arg9[%dma_start3A_63, %dma_start3A_70] : memref<512x64xf32, #tpu.memory_space<vmem>> -> memref<1x64xf32, #tpu.memory_space<vmem>>
    %dma_start3A_72 = tpu.memref_squeeze %dma_start3A_71 : memref<1x64xf32, #tpu.memory_space<vmem>> -> memref<64xf32, #tpu.memory_space<vmem>>
    %dma_start3A_73 = arith.constant 0 : i32
    %dma_start3A_74 = tpu.memref_slice %arg4[%shift_right_logical3A_60, %and3A_62, %dma_start3A_73] : memref<125000x8x64xf32, #tpu.memory_space<hbm>> -> memref<1x1x64xf32, #tpu.memory_space<hbm>>
    %dma_start3A_75 = tpu.memref_squeeze %dma_start3A_74 : memref<1x1x64xf32, #tpu.memory_space<hbm>> -> memref<64xf32, #tpu.memory_space<hbm>>
    tpu.enqueue_dma source(%dma_start3A_75 : memref<64xf32, #tpu.memory_space<hbm>>) target(%dma_start3A_72 : memref<64xf32, #tpu.memory_space<vmem>>) target_semaphore(%arg10 : memref<!tpu.dma_semaphore, #tpu.memory_space<semaphore_mem>>)
    %slice3A_76 = vector.extract_strided_slice %get3A_4 {offsets = [4], sizes = [1], strides = [1]} : vector<16xi32> to vector<1xi32>
    %squeeze3A_77 = vector.extract %slice3A_76[0] : i32 from vector<1xi32>
    %shift_right_logical3A_78 = arith.constant 3 : i32
    %shift_right_logical3A_79 = arith.shrui %squeeze3A_77, %shift_right_logical3A_78 : i32
    %and3A_80 = arith.constant 7 : i32
    %and3A_81 = arith.andi %squeeze3A_77, %and3A_80 : i32
    %dma_start3A_82 = arith.constant 4 : i32
    %dma_start3A_83 = arith.constant 0 : i32
    %dma_start3A_84 = tpu.memref_slice %arg9[%dma_start3A_82, %dma_start3A_83] : memref<512x64xf32, #tpu.memory_space<vmem>> -> memref<1x64xf32, #tpu.memory_space<vmem>>
    %dma_start3A_85 = tpu.memref_squeeze %dma_start3A_84 : memref<1x64xf32, #tpu.memory_space<vmem>> -> memref<64xf32, #tpu.memory_space<vmem>>
    %dma_start3A_86 = arith.constant 0 : i32
    %dma_start3A_87 = tpu.memref_slice %arg4[%shift_right_logical3A_79, %and3A_81, %dma_start3A_86] : memref<125000x8x64xf32, #tpu.memory_space<hbm>> -> memref<1x1x64xf32, #tpu.memory_space<hbm>>
    %dma_start3A_88 = tpu.memref_squeeze %dma_start3A_87 : memref<1x1x64xf32, #tpu.memory_space<hbm>> -> memref<64xf32, #tpu.memory_space<hbm>>
    %dma_start3A_89 = arith.constant 0 : i32
    %dma_start3A_90 = tpu.memref_slice %arg9[%dma_start3A_82, %dma_start3A_89] : memref<512x64xf32, #tpu.memory_space<vmem>> -> memref<1x64xf32, #tpu.memory_space<vmem>>
    %dma_start3A_91 = tpu.memref_squeeze %dma_start3A_90 : memref<1x64xf32, #tpu.memory_space<vmem>> -> memref<64xf32, #tpu.memory_space<vmem>>
    %dma_start3A_92 = arith.constant 0 : i32
    %dma_start3A_93 = tpu.memref_slice %arg4[%shift_right_logical3A_79, %and3A_81, %dma_start3A_92] : memref<125000x8x64xf32, #tpu.memory_space<hbm>> -> memref<1x1x64xf32, #tpu.memory_space<hbm>>
    %dma_start3A_94 = tpu.memref_squeeze %dma_start3A_93 : memref<1x1x64xf32, #tpu.memory_space<hbm>> -> memref<64xf32, #tpu.memory_space<hbm>>
    tpu.enqueue_dma source(%dma_start3A_94 : memref<64xf32, #tpu.memory_space<hbm>>) target(%dma_start3A_91 : memref<64xf32, #tpu.memory_space<vmem>>) target_semaphore(%arg10 : memref<!tpu.dma_semaphore, #tpu.memory_space<semaphore_mem>>)
    %slice3A_95 = vector.extract_strided_slice %get3A_4 {offsets = [5], sizes = [1], strides = [1]} : vector<16xi32> to vector<1xi32>
    %squeeze3A_96 = vector.extract %slice3A_95[0] : i32 from vector<1xi32>
    %shift_right_logical3A_97 = arith.constant 3 : i32
    %shift_right_logical3A_98 = arith.shrui %squeeze3A_96, %shift_right_logical3A_97 : i32
    %and3A_99 = arith.constant 7 : i32
    %and3A_100 = arith.andi %squeeze3A_96, %and3A_99 : i32
    %dma_start3A_101 = arith.constant 5 : i32
    %dma_start3A_102 = arith.constant 0 : i32
    %dma_start3A_103 = tpu.memref_slice %arg9[%dma_start3A_101, %dma_start3A_102] : memref<512x64xf32, #tpu.memory_space<vmem>> -> memref<1x64xf32, #tpu.memory_space<vmem>>
    %dma_start3A_104 = tpu.memref_squeeze %dma_start3A_103 : memref<1x64xf32, #tpu.memory_space<vmem>> -> memref<64xf32, #tpu.memory_space<vmem>>
    %dma_start3A_105 = arith.constant 0 : i32
    %dma_start3A_106 = tpu.memref_slice %arg4[%shift_right_logical3A_98, %and3A_100, %dma_start3A_105] : memref<125000x8x64xf32, #tpu.memory_space<hbm>> -> memref<1x1x64xf32, #tpu.memory_space<hbm>>
    %dma_start3A_107 = tpu.memref_squeeze %dma_start3A_106 : memref<1x1x64xf32, #tpu.memory_space<hbm>> -> memref<64xf32, #tpu.memory_space<hbm>>
    %dma_start3A_108 = arith.constant 0 : i32
    %dma_start3A_109 = tpu.memref_slice %arg9[%dma_start3A_101, %dma_start3A_108] : memref<512x64xf32, #tpu.memory_space<vmem>> -> memref<1x64xf32, #tpu.memory_space<vmem>>
    %dma_start3A_110 = tpu.memref_squeeze %dma_start3A_109 : memref<1x64xf32, #tpu.memory_space<vmem>> -> memref<64xf32, #tpu.memory_space<vmem>>
    %dma_start3A_111 = arith.constant 0 : i32
    %dma_start3A_112 = tpu.memref_slice %arg4[%shift_right_logical3A_98, %and3A_100, %dma_start3A_111] : memref<125000x8x64xf32, #tpu.memory_space<hbm>> -> memref<1x1x64xf32, #tpu.memory_space<hbm>>
    %dma_start3A_113 = tpu.memref_squeeze %dma_start3A_112 : memref<1x1x64xf32, #tpu.memory_space<hbm>> -> memref<64xf32, #tpu.memory_space<hbm>>
    tpu.enqueue_dma source(%dma_start3A_113 : memref<64xf32, #tpu.memory_space<hbm>>) target(%dma_start3A_110 : memref<64xf32, #tpu.memory_space<vmem>>) target_semaphore(%arg10 : memref<!tpu.dma_semaphore, #tpu.memory_space<semaphore_mem>>)
    %slice3A_114 = vector.extract_strided_slice %get3A_4 {offsets = [6], sizes = [1], strides = [1]} : vector<16xi32> to vector<1xi32>
    %squeeze3A_115 = vector.extract %slice3A_114[0] : i32 from vector<1xi32>
    %shift_right_logical3A_116 = arith.constant 3 : i32
    %shift_right_logical3A_117 = arith.shrui %squeeze3A_115, %shift_right_logical3A_116 : i32
    %and3A_118 = arith.constant 7 : i32
    %and3A_119 = arith.andi %squeeze3A_115, %and3A_118 : i32
    %dma_start3A_120 = arith.constant 6 : i32
    %dma_start3A_121 = arith.constant 0 : i32
    %dma_start3A_122 = tpu.memref_slice %arg9[%dma_start3A_120, %dma_start3A_121] : memref<512x64xf32, #tpu.memory_space<vmem>> -> memref<1x64xf32, #tpu.memory_space<vmem>>
    %dma_start3A_123 = tpu.memref_squeeze %dma_start3A_122 : memref<1x64xf32, #tpu.memory_space<vmem>> -> memref<64xf32, #tpu.memory_space<vmem>>
    %dma_start3A_124 = arith.constant 0 : i32
    %dma_start3A_125 = tpu.memref_slice %arg4[%shift_right_logical3A_117, %and3A_119, %dma_start3A_124] : memref<125000x8x64xf32, #tpu.memory_space<hbm>> -> memref<1x1x64xf32, #tpu.memory_space<hbm>>
    %dma_start3A_126 = tpu.memref_squeeze %dma_start3A_125 : memref<1x1x64xf32, #tpu.memory_space<hbm>> -> memref<64xf32, #tpu.memory_space<hbm>>
    %dma_start3A_127 = arith.constant 0 : i32
    %dma_start3A_128 = tpu.memref_slice %arg9[%dma_start3A_120, %dma_start3A_127] : memref<512x64xf32, #tpu.memory_space<vmem>> -> memref<1x64xf32, #tpu.memory_space<vmem>>
    %dma_start3A_129 = tpu.memref_squeeze %dma_start3A_128 : memref<1x64xf32, #tpu.memory_space<vmem>> -> memref<64xf32, #tpu.memory_space<vmem>>
    %dma_start3A_130 = arith.constant 0 : i32
    %dma_start3A_131 = tpu.memref_slice %arg4[%shift_right_logical3A_117, %and3A_119, %dma_start3A_130] : memref<125000x8x64xf32, #tpu.memory_space<hbm>> -> memref<1x1x64xf32, #tpu.memory_space<hbm>>
    %dma_start3A_132 = tpu.memref_squeeze %dma_start3A_131 : memref<1x1x64xf32, #tpu.memory_space<hbm>> -> memref<64xf32, #tpu.memory_space<hbm>>
    tpu.enqueue_dma source(%dma_start3A_132 : memref<64xf32, #tpu.memory_space<hbm>>) target(%dma_start3A_129 : memref<64xf32, #tpu.memory_space<vmem>>) target_semaphore(%arg10 : memref<!tpu.dma_semaphore, #tpu.memory_space<semaphore_mem>>)
    %slice3A_133 = vector.extract_strided_slice %get3A_4 {offsets = [7], sizes = [1], strides = [1]} : vector<16xi32> to vector<1xi32>
    %squeeze3A_134 = vector.extract %slice3A_133[0] : i32 from vector<1xi32>
    %shift_right_logical3A_135 = arith.constant 3 : i32
    %shift_right_logical3A_136 = arith.shrui %squeeze3A_134, %shift_right_logical3A_135 : i32
    %and3A_137 = arith.constant 7 : i32
    %and3A_138 = arith.andi %squeeze3A_134, %and3A_137 : i32
    %dma_start3A_139 = arith.constant 7 : i32
    %dma_start3A_140 = arith.constant 0 : i32
    %dma_start3A_141 = tpu.memref_slice %arg9[%dma_start3A_139, %dma_start3A_140] : memref<512x64xf32, #tpu.memory_space<vmem>> -> memref<1x64xf32, #tpu.memory_space<vmem>>
    %dma_start3A_142 = tpu.memref_squeeze %dma_start3A_141 : memref<1x64xf32, #tpu.memory_space<vmem>> -> memref<64xf32, #tpu.memory_space<vmem>>
    %dma_start3A_143 = arith.constant 0 : i32
    %dma_start3A_144 = tpu.memref_slice %arg4[%shift_right_logical3A_136, %and3A_138, %dma_start3A_143] : memref<125000x8x64xf32, #tpu.memory_space<hbm>> -> memref<1x1x64xf32, #tpu.memory_space<hbm>>
    %dma_start3A_145 = tpu.memref_squeeze %dma_start3A_144 : memref<1x1x64xf32, #tpu.memory_space<hbm>> -> memref<64xf32, #tpu.memory_space<hbm>>
    %dma_start3A_146 = arith.constant 0 : i32
    %dma_start3A_147 = tpu.memref_slice %arg9[%dma_start3A_139, %dma_start3A_146] : memref<512x64xf32, #tpu.memory_space<vmem>> -> memref<1x64xf32, #tpu.memory_space<vmem>>
    %dma_start3A_148 = tpu.memref_squeeze %dma_start3A_147 : memref<1x64xf32, #tpu.memory_space<vmem>> -> memref<64xf32, #tpu.memory_space<vmem>>
    %dma_start3A_149 = arith.constant 0 : i32
    %dma_start3A_150 = tpu.memref_slice %arg4[%shift_right_logical3A_136, %and3A_138, %dma_start3A_149] : memref<125000x8x64xf32, #tpu.memory_space<hbm>> -> memref<1x1x64xf32, #tpu.memory_space<hbm>>
    %dma_start3A_151 = tpu.memref_squeeze %dma_start3A_150 : memref<1x1x64xf32, #tpu.memory_space<hbm>> -> memref<64xf32, #tpu.memory_space<hbm>>
    tpu.enqueue_dma source(%dma_start3A_151 : memref<64xf32, #tpu.memory_space<hbm>>) target(%dma_start3A_148 : memref<64xf32, #tpu.memory_space<vmem>>) target_semaphore(%arg10 : memref<!tpu.dma_semaphore, #tpu.memory_space<semaphore_mem>>)
    %slice3A_152 = vector.extract_strided_slice %get3A_4 {offsets = [8], sizes = [1], strides = [1]} : vector<16xi32> to vector<1xi32>
    %squeeze3A_153 = vector.extract %slice3A_152[0] : i32 from vector<1xi32>
    %shift_right_logical3A_154 = arith.constant 3 : i32
    %shift_right_logical3A_155 = arith.shrui %squeeze3A_153, %shift_right_logical3A_154 : i32
    %and3A_156 = arith.constant 7 : i32
    %and3A_157 = arith.andi %squeeze3A_153, %and3A_156 : i32
    %dma_start3A_158 = arith.constant 8 : i32
    %dma_start3A_159 = arith.constant 0 : i32
    %dma_start3A_160 = tpu.memref_slice %arg9[%dma_start3A_158, %dma_start3A_159] : memref<512x64xf32, #tpu.memory_space<vmem>> -> memref<1x64xf32, #tpu.memory_space<vmem>>
    %dma_start3A_161 = tpu.memref_squeeze %dma_start3A_160 : memref<1x64xf32, #tpu.memory_space<vmem>> -> memref<64xf32, #tpu.memory_space<vmem>>
    %dma_start3A_162 = arith.constant 0 : i32
    %dma_start3A_163 = tpu.memref_slice %arg4[%shift_right_logical3A_155, %and3A_157, %dma_start3A_162] : memref<125000x8x64xf32, #tpu.memory_space<hbm>> -> memref<1x1x64xf32, #tpu.memory_space<hbm>>
    %dma_start3A_164 = tpu.memref_squeeze %dma_start3A_163 : memref<1x1x64xf32, #tpu.memory_space<hbm>> -> memref<64xf32, #tpu.memory_space<hbm>>
    %dma_start3A_165 = arith.constant 0 : i32
    %dma_start3A_166 = tpu.memref_slice %arg9[%dma_start3A_158, %dma_start3A_165] : memref<512x64xf32, #tpu.memory_space<vmem>> -> memref<1x64xf32, #tpu.memory_space<vmem>>
    %dma_start3A_167 = tpu.memref_squeeze %dma_start3A_166 : memref<1x64xf32, #tpu.memory_space<vmem>> -> memref<64xf32, #tpu.memory_space<vmem>>
    %dma_start3A_168 = arith.constant 0 : i32
    %dma_start3A_169 = tpu.memref_slice %arg4[%shift_right_logical3A_155, %and3A_157, %dma_start3A_168] : memref<125000x8x64xf32, #tpu.memory_space<hbm>> -> memref<1x1x64xf32, #tpu.memory_space<hbm>>
    %dma_start3A_170 = tpu.memref_squeeze %dma_start3A_169 : memref<1x1x64xf32, #tpu.memory_space<hbm>> -> memref<64xf32, #tpu.memory_space<hbm>>
    tpu.enqueue_dma source(%dma_start3A_170 : memref<64xf32, #tpu.memory_space<hbm>>) target(%dma_start3A_167 : memref<64xf32, #tpu.memory_space<vmem>>) target_semaphore(%arg10 : memref<!tpu.dma_semaphore, #tpu.memory_space<semaphore_mem>>)
    %slice3A_171 = vector.extract_strided_slice %get3A_4 {offsets = [9], sizes = [1], strides = [1]} : vector<16xi32> to vector<1xi32>
    %squeeze3A_172 = vector.extract %slice3A_171[0] : i32 from vector<1xi32>
    %shift_right_logical3A_173 = arith.constant 3 : i32
    %shift_right_logical3A_174 = arith.shrui %squeeze3A_172, %shift_right_logical3A_173 : i32
    %and3A_175 = arith.constant 7 : i32
    %and3A_176 = arith.andi %squeeze3A_172, %and3A_175 : i32
    %dma_start3A_177 = arith.constant 9 : i32
    %dma_start3A_178 = arith.constant 0 : i32
    %dma_start3A_179 = tpu.memref_slice %arg9[%dma_start3A_177, %dma_start3A_178] : memref<512x64xf32, #tpu.memory_space<vmem>> -> memref<1x64xf32, #tpu.memory_space<vmem>>
    %dma_start3A_180 = tpu.memref_squeeze %dma_start3A_179 : memref<1x64xf32, #tpu.memory_space<vmem>> -> memref<64xf32, #tpu.memory_space<vmem>>
    %dma_start3A_181 = arith.constant 0 : i32
    %dma_start3A_182 = tpu.memref_slice %arg4[%shift_right_logical3A_174, %and3A_176, %dma_start3A_181] : memref<125000x8x64xf32, #tpu.memory_space<hbm>> -> memref<1x1x64xf32, #tpu.memory_space<hbm>>
    %dma_start3A_183 = tpu.memref_squeeze %dma_start3A_182 : memref<1x1x64xf32, #tpu.memory_space<hbm>> -> memref<64xf32, #tpu.memory_space<hbm>>
    %dma_start3A_184 = arith.constant 0 : i32
    %dma_start3A_185 = tpu.memref_slice %arg9[%dma_start3A_177, %dma_start3A_184] : memref<512x64xf32, #tpu.memory_space<vmem>> -> memref<1x64xf32, #tpu.memory_space<vmem>>
    %dma_start3A_186 = tpu.memref_squeeze %dma_start3A_185 : memref<1x64xf32, #tpu.memory_space<vmem>> -> memref<64xf32, #tpu.memory_space<vmem>>
    %dma_start3A_187 = arith.constant 0 : i32
    %dma_start3A_188 = tpu.memref_slice %arg4[%shift_right_logical3A_174, %and3A_176, %dma_start3A_187] : memref<125000x8x64xf32, #tpu.memory_space<hbm>> -> memref<1x1x64xf32, #tpu.memory_space<hbm>>
    %dma_start3A_189 = tpu.memref_squeeze %dma_start3A_188 : memref<1x1x64xf32, #tpu.memory_space<hbm>> -> memref<64xf32, #tpu.memory_space<hbm>>
    tpu.enqueue_dma source(%dma_start3A_189 : memref<64xf32, #tpu.memory_space<hbm>>) target(%dma_start3A_186 : memref<64xf32, #tpu.memory_space<vmem>>) target_semaphore(%arg10 : memref<!tpu.dma_semaphore, #tpu.memory_space<semaphore_mem>>)
    %slice3A_190 = vector.extract_strided_slice %get3A_4 {offsets = [10], sizes = [1], strides = [1]} : vector<16xi32> to vector<1xi32>
    %squeeze3A_191 = vector.extract %slice3A_190[0] : i32 from vector<1xi32>
    %shift_right_logical3A_192 = arith.constant 3 : i32
    %shift_right_logical3A_193 = arith.shrui %squeeze3A_191, %shift_right_logical3A_192 : i32
    %and3A_194 = arith.constant 7 : i32
    %and3A_195 = arith.andi %squeeze3A_191, %and3A_194 : i32
    %dma_start3A_196 = arith.constant 10 : i32
    %dma_start3A_197 = arith.constant 0 : i32
    %dma_start3A_198 = tpu.memref_slice %arg9[%dma_start3A_196, %dma_start3A_197] : memref<512x64xf32, #tpu.memory_space<vmem>> -> memref<1x64xf32, #tpu.memory_space<vmem>>
    %dma_start3A_199 = tpu.memref_squeeze %dma_start3A_198 : memref<1x64xf32, #tpu.memory_space<vmem>> -> memref<64xf32, #tpu.memory_space<vmem>>
    %dma_start3A_200 = arith.constant 0 : i32
    %dma_start3A_201 = tpu.memref_slice %arg4[%shift_right_logical3A_193, %and3A_195, %dma_start3A_200] : memref<125000x8x64xf32, #tpu.memory_space<hbm>> -> memref<1x1x64xf32, #tpu.memory_space<hbm>>
    %dma_start3A_202 = tpu.memref_squeeze %dma_start3A_201 : memref<1x1x64xf32, #tpu.memory_space<hbm>> -> memref<64xf32, #tpu.memory_space<hbm>>
    %dma_start3A_203 = arith.constant 0 : i32
    %dma_start3A_204 = tpu.memref_slice %arg9[%dma_start3A_196, %dma_start3A_203] : memref<512x64xf32, #tpu.memory_space<vmem>> -> memref<1x64xf32, #tpu.memory_space<vmem>>
    %dma_start3A_205 = tpu.memref_squeeze %dma_start3A_204 : memref<1x64xf32, #tpu.memory_space<vmem>> -> memref<64xf32, #tpu.memory_space<vmem>>
    %dma_start3A_206 = arith.constant 0 : i32
    %dma_start3A_207 = tpu.memref_slice %arg4[%shift_right_logical3A_193, %and3A_195, %dma_start3A_206] : memref<125000x8x64xf32, #tpu.memory_space<hbm>> -> memref<1x1x64xf32, #tpu.memory_space<hbm>>
    %dma_start3A_208 = tpu.memref_squeeze %dma_start3A_207 : memref<1x1x64xf32, #tpu.memory_space<hbm>> -> memref<64xf32, #tpu.memory_space<hbm>>
    tpu.enqueue_dma source(%dma_start3A_208 : memref<64xf32, #tpu.memory_space<hbm>>) target(%dma_start3A_205 : memref<64xf32, #tpu.memory_space<vmem>>) target_semaphore(%arg10 : memref<!tpu.dma_semaphore, #tpu.memory_space<semaphore_mem>>)
    %slice3A_209 = vector.extract_strided_slice %get3A_4 {offsets = [11], sizes = [1], strides = [1]} : vector<16xi32> to vector<1xi32>
    %squeeze3A_210 = vector.extract %slice3A_209[0] : i32 from vector<1xi32>
    %shift_right_logical3A_211 = arith.constant 3 : i32
    %shift_right_logical3A_212 = arith.shrui %squeeze3A_210, %shift_right_logical3A_211 : i32
    %and3A_213 = arith.constant 7 : i32
    %and3A_214 = arith.andi %squeeze3A_210, %and3A_213 : i32
    %dma_start3A_215 = arith.constant 11 : i32
    %dma_start3A_216 = arith.constant 0 : i32
    %dma_start3A_217 = tpu.memref_slice %arg9[%dma_start3A_215, %dma_start3A_216] : memref<512x64xf32, #tpu.memory_space<vmem>> -> memref<1x64xf32, #tpu.memory_space<vmem>>
    %dma_start3A_218 = tpu.memref_squeeze %dma_start3A_217 : memref<1x64xf32, #tpu.memory_space<vmem>> -> memref<64xf32, #tpu.memory_space<vmem>>
    %dma_start3A_219 = arith.constant 0 : i32
    %dma_start3A_220 = tpu.memref_slice %arg4[%shift_right_logical3A_212, %and3A_214, %dma_start3A_219] : memref<125000x8x64xf32, #tpu.memory_space<hbm>> -> memref<1x1x64xf32, #tpu.memory_space<hbm>>
    %dma_start3A_221 = tpu.memref_squeeze %dma_start3A_220 : memref<1x1x64xf32, #tpu.memory_space<hbm>> -> memref<64xf32, #tpu.memory_space<hbm>>
    %dma_start3A_222 = arith.constant 0 : i32
    %dma_start3A_223 = tpu.memref_slice %arg9[%dma_start3A_215, %dma_start3A_222] : memref<512x64xf32, #tpu.memory_space<vmem>> -> memref<1x64xf32, #tpu.memory_space<vmem>>
    %dma_start3A_224 = tpu.memref_squeeze %dma_start3A_223 : memref<1x64xf32, #tpu.memory_space<vmem>> -> memref<64xf32, #tpu.memory_space<vmem>>
    %dma_start3A_225 = arith.constant 0 : i32
    %dma_start3A_226 = tpu.memref_slice %arg4[%shift_right_logical3A_212, %and3A_214, %dma_start3A_225] : memref<125000x8x64xf32, #tpu.memory_space<hbm>> -> memref<1x1x64xf32, #tpu.memory_space<hbm>>
    %dma_start3A_227 = tpu.memref_squeeze %dma_start3A_226 : memref<1x1x64xf32, #tpu.memory_space<hbm>> -> memref<64xf32, #tpu.memory_space<hbm>>
    tpu.enqueue_dma source(%dma_start3A_227 : memref<64xf32, #tpu.memory_space<hbm>>) target(%dma_start3A_224 : memref<64xf32, #tpu.memory_space<vmem>>) target_semaphore(%arg10 : memref<!tpu.dma_semaphore, #tpu.memory_space<semaphore_mem>>)
    %slice3A_228 = vector.extract_strided_slice %get3A_4 {offsets = [12], sizes = [1], strides = [1]} : vector<16xi32> to vector<1xi32>
    %squeeze3A_229 = vector.extract %slice3A_228[0] : i32 from vector<1xi32>
    %shift_right_logical3A_230 = arith.constant 3 : i32
    %shift_right_logical3A_231 = arith.shrui %squeeze3A_229, %shift_right_logical3A_230 : i32
    %and3A_232 = arith.constant 7 : i32
    %and3A_233 = arith.andi %squeeze3A_229, %and3A_232 : i32
    %dma_start3A_234 = arith.constant 12 : i32
    %dma_start3A_235 = arith.constant 0 : i32
    %dma_start3A_236 = tpu.memref_slice %arg9[%dma_start3A_234, %dma_start3A_235] : memref<512x64xf32, #tpu.memory_space<vmem>> -> memref<1x64xf32, #tpu.memory_space<vmem>>
    %dma_start3A_237 = tpu.memref_squeeze %dma_start3A_236 : memref<1x64xf32, #tpu.memory_space<vmem>> -> memref<64xf32, #tpu.memory_space<vmem>>
    %dma_start3A_238 = arith.constant 0 : i32
    %dma_start3A_239 = tpu.memref_slice %arg4[%shift_right_logical3A_231, %and3A_233, %dma_start3A_238] : memref<125000x8x64xf32, #tpu.memory_space<hbm>> -> memref<1x1x64xf32, #tpu.memory_space<hbm>>
    %dma_start3A_240 = tpu.memref_squeeze %dma_start3A_239 : memref<1x1x64xf32, #tpu.memory_space<hbm>> -> memref<64xf32, #tpu.memory_space<hbm>>
    %dma_start3A_241 = arith.constant 0 : i32
    %dma_start3A_242 = tpu.memref_slice %arg9[%dma_start3A_234, %dma_start3A_241] : memref<512x64xf32, #tpu.memory_space<vmem>> -> memref<1x64xf32, #tpu.memory_space<vmem>>
    %dma_start3A_243 = tpu.memref_squeeze %dma_start3A_242 : memref<1x64xf32, #tpu.memory_space<vmem>> -> memref<64xf32, #tpu.memory_space<vmem>>
    %dma_start3A_244 = arith.constant 0 : i32
    %dma_start3A_245 = tpu.memref_slice %arg4[%shift_right_logical3A_231, %and3A_233, %dma_start3A_244] : memref<125000x8x64xf32, #tpu.memory_space<hbm>> -> memref<1x1x64xf32, #tpu.memory_space<hbm>>
    %dma_start3A_246 = tpu.memref_squeeze %dma_start3A_245 : memref<1x1x64xf32, #tpu.memory_space<hbm>> -> memref<64xf32, #tpu.memory_space<hbm>>
    tpu.enqueue_dma source(%dma_start3A_246 : memref<64xf32, #tpu.memory_space<hbm>>) target(%dma_start3A_243 : memref<64xf32, #tpu.memory_space<vmem>>) target_semaphore(%arg10 : memref<!tpu.dma_semaphore, #tpu.memory_space<semaphore_mem>>)
    %slice3A_247 = vector.extract_strided_slice %get3A_4 {offsets = [13], sizes = [1], strides = [1]} : vector<16xi32> to vector<1xi32>
    %squeeze3A_248 = vector.extract %slice3A_247[0] : i32 from vector<1xi32>
    %shift_right_logical3A_249 = arith.constant 3 : i32
    %shift_right_logical3A_250 = arith.shrui %squeeze3A_248, %shift_right_logical3A_249 : i32
    %and3A_251 = arith.constant 7 : i32
    %and3A_252 = arith.andi %squeeze3A_248, %and3A_251 : i32
    %dma_start3A_253 = arith.constant 13 : i32
    %dma_start3A_254 = arith.constant 0 : i32
    %dma_start3A_255 = tpu.memref_slice %arg9[%dma_start3A_253, %dma_start3A_254] : memref<512x64xf32, #tpu.memory_space<vmem>> -> memref<1x64xf32, #tpu.memory_space<vmem>>
    %dma_start3A_256 = tpu.memref_squeeze %dma_start3A_255 : memref<1x64xf32, #tpu.memory_space<vmem>> -> memref<64xf32, #tpu.memory_space<vmem>>
    %dma_start3A_257 = arith.constant 0 : i32
    %dma_start3A_258 = tpu.memref_slice %arg4[%shift_right_logical3A_250, %and3A_252, %dma_start3A_257] : memref<125000x8x64xf32, #tpu.memory_space<hbm>> -> memref<1x1x64xf32, #tpu.memory_space<hbm>>
    %dma_start3A_259 = tpu.memref_squeeze %dma_start3A_258 : memref<1x1x64xf32, #tpu.memory_space<hbm>> -> memref<64xf32, #tpu.memory_space<hbm>>
    %dma_start3A_260 = arith.constant 0 : i32
    %dma_start3A_261 = tpu.memref_slice %arg9[%dma_start3A_253, %dma_start3A_260] : memref<512x64xf32, #tpu.memory_space<vmem>> -> memref<1x64xf32, #tpu.memory_space<vmem>>
    %dma_start3A_262 = tpu.memref_squeeze %dma_start3A_261 : memref<1x64xf32, #tpu.memory_space<vmem>> -> memref<64xf32, #tpu.memory_space<vmem>>
    %dma_start3A_263 = arith.constant 0 : i32
    %dma_start3A_264 = tpu.memref_slice %arg4[%shift_right_logical3A_250, %and3A_252, %dma_start3A_263] : memref<125000x8x64xf32, #tpu.memory_space<hbm>> -> memref<1x1x64xf32, #tpu.memory_space<hbm>>
    %dma_start3A_265 = tpu.memref_squeeze %dma_start3A_264 : memref<1x1x64xf32, #tpu.memory_space<hbm>> -> memref<64xf32, #tpu.memory_space<hbm>>
    tpu.enqueue_dma source(%dma_start3A_265 : memref<64xf32, #tpu.memory_space<hbm>>) target(%dma_start3A_262 : memref<64xf32, #tpu.memory_space<vmem>>) target_semaphore(%arg10 : memref<!tpu.dma_semaphore, #tpu.memory_space<semaphore_mem>>)
    %slice3A_266 = vector.extract_strided_slice %get3A_4 {offsets = [14], sizes = [1], strides = [1]} : vector<16xi32> to vector<1xi32>
    %squeeze3A_267 = vector.extract %slice3A_266[0] : i32 from vector<1xi32>
    %shift_right_logical3A_268 = arith.constant 3 : i32
    %shift_right_logical3A_269 = arith.shrui %squeeze3A_267, %shift_right_logical3A_268 : i32
    %and3A_270 = arith.constant 7 : i32
    %and3A_271 = arith.andi %squeeze3A_267, %and3A_270 : i32
    %dma_start3A_272 = arith.constant 14 : i32
    %dma_start3A_273 = arith.constant 0 : i32
    %dma_start3A_274 = tpu.memref_slice %arg9[%dma_start3A_272, %dma_start3A_273] : memref<512x64xf32, #tpu.memory_space<vmem>> -> memref<1x64xf32, #tpu.memory_space<vmem>>
    %dma_start3A_275 = tpu.memref_squeeze %dma_start3A_274 : memref<1x64xf32, #tpu.memory_space<vmem>> -> memref<64xf32, #tpu.memory_space<vmem>>
    %dma_start3A_276 = arith.constant 0 : i32
    %dma_start3A_277 = tpu.memref_slice %arg4[%shift_right_logical3A_269, %and3A_271, %dma_start3A_276] : memref<125000x8x64xf32, #tpu.memory_space<hbm>> -> memref<1x1x64xf32, #tpu.memory_space<hbm>>
    %dma_start3A_278 = tpu.memref_squeeze %dma_start3A_277 : memref<1x1x64xf32, #tpu.memory_space<hbm>> -> memref<64xf32, #tpu.memory_space<hbm>>
    %dma_start3A_279 = arith.constant 0 : i32
    %dma_start3A_280 = tpu.memref_slice %arg9[%dma_start3A_272, %dma_start3A_279] : memref<512x64xf32, #tpu.memory_space<vmem>> -> memref<1x64xf32, #tpu.memory_space<vmem>>
    %dma_start3A_281 = tpu.memref_squeeze %dma_start3A_280 : memref<1x64xf32, #tpu.memory_space<vmem>> -> memref<64xf32, #tpu.memory_space<vmem>>
    %dma_start3A_282 = arith.constant 0 : i32
    %dma_start3A_283 = tpu.memref_slice %arg4[%shift_right_logical3A_269, %and3A_271, %dma_start3A_282] : memref<125000x8x64xf32, #tpu.memory_space<hbm>> -> memref<1x1x64xf32, #tpu.memory_space<hbm>>
    %dma_start3A_284 = tpu.memref_squeeze %dma_start3A_283 : memref<1x1x64xf32, #tpu.memory_space<hbm>> -> memref<64xf32, #tpu.memory_space<hbm>>
    tpu.enqueue_dma source(%dma_start3A_284 : memref<64xf32, #tpu.memory_space<hbm>>) target(%dma_start3A_281 : memref<64xf32, #tpu.memory_space<vmem>>) target_semaphore(%arg10 : memref<!tpu.dma_semaphore, #tpu.memory_space<semaphore_mem>>)
    %slice3A_285 = vector.extract_strided_slice %get3A_4 {offsets = [15], sizes = [1], strides = [1]} : vector<16xi32> to vector<1xi32>
    %squeeze3A_286 = vector.extract %slice3A_285[0] : i32 from vector<1xi32>
    %shift_right_logical3A_287 = arith.constant 3 : i32
    %shift_right_logical3A_288 = arith.shrui %squeeze3A_286, %shift_right_logical3A_287 : i32
    %and3A_289 = arith.constant 7 : i32
    %and3A_290 = arith.andi %squeeze3A_286, %and3A_289 : i32
    %dma_start3A_291 = arith.constant 15 : i32
    %dma_start3A_292 = arith.constant 0 : i32
    %dma_start3A_293 = tpu.memref_slice %arg9[%dma_start3A_291, %dma_start3A_292] : memref<512x64xf32, #tpu.memory_space<vmem>> -> memref<1x64xf32, #tpu.memory_space<vmem>>
    %dma_start3A_294 = tpu.memref_squeeze %dma_start3A_293 : memref<1x64xf32, #tpu.memory_space<vmem>> -> memref<64xf32, #tpu.memory_space<vmem>>
    %dma_start3A_295 = arith.constant 0 : i32
    %dma_start3A_296 = tpu.memref_slice %arg4[%shift_right_logical3A_288, %and3A_290, %dma_start3A_295] : memref<125000x8x64xf32, #tpu.memory_space<hbm>> -> memref<1x1x64xf32, #tpu.memory_space<hbm>>
    %dma_start3A_297 = tpu.memref_squeeze %dma_start3A_296 : memref<1x1x64xf32, #tpu.memory_space<hbm>> -> memref<64xf32, #tpu.memory_space<hbm>>
    %dma_start3A_298 = arith.constant 0 : i32
    %dma_start3A_299 = tpu.memref_slice %arg9[%dma_start3A_291, %dma_start3A_298] : memref<512x64xf32, #tpu.memory_space<vmem>> -> memref<1x64xf32, #tpu.memory_space<vmem>>
    %dma_start3A_300 = tpu.memref_squeeze %dma_start3A_299 : memref<1x64xf32, #tpu.memory_space<vmem>> -> memref<64xf32, #tpu.memory_space<vmem>>
    %dma_start3A_301 = arith.constant 0 : i32
    %dma_start3A_302 = tpu.memref_slice %arg4[%shift_right_logical3A_288, %and3A_290, %dma_start3A_301] : memref<125000x8x64xf32, #tpu.memory_space<hbm>> -> memref<1x1x64xf32, #tpu.memory_space<hbm>>
    %dma_start3A_303 = tpu.memref_squeeze %dma_start3A_302 : memref<1x1x64xf32, #tpu.memory_space<hbm>> -> memref<64xf32, #tpu.memory_space<hbm>>
    tpu.enqueue_dma source(%dma_start3A_303 : memref<64xf32, #tpu.memory_space<hbm>>) target(%dma_start3A_300 : memref<64xf32, #tpu.memory_space<vmem>>) target_semaphore(%arg10 : memref<!tpu.dma_semaphore, #tpu.memory_space<semaphore_mem>>)
    %get3A_304 = arith.constant 16 : index
    %get3A_305 = tpu.vector_load %arg8[%get3A_304] {strides = array<i32>} : memref<512xi32, #tpu.memory_space<vmem>>, vector<16xi32>,
    %get3A_306 = vector.shape_cast %get3A_305 : vector<16xi32> to vector<16xi32>
    %slice3A_307 = vector.extract_strided_slice %get3A_306 {offsets = [0], sizes = [1], strides = [1]} : vector<16xi32> to vector<1xi32>
    %squeeze3A_308 = vector.extract %slice3A_307[0] : i32 from vector<1xi32>
    %shift_right_logical3A_309 = arith.constant 3 : i32
    %shift_right_logical3A_310 = arith.shrui %squeeze3A_308, %shift_right_logical3A_309 : i32
    %and3A_311 = arith.constant 7 : i32
    %and3A_312 = arith.andi %squeeze3A_308, %and3A_311 : i32
    %dma_start3A_313 = arith.constant 16 : i32
    %dma_start3A_314 = arith.constant 0 : i32
    %dma_start3A_315 = tpu.memref_slice %arg9[%dma_start3A_313, %dma_start3A_314] : memref<512x64xf32, #tpu.memory_space<vmem>> -> memref<1x64xf32, #tpu.memory_space<vmem>>
    %dma_start3A_316 = tpu.memref_squeeze %dma_start3A_315 : memref<1x64xf32, #tpu.memory_space<vmem>> -> memref<64xf32, #tpu.memory_space<vmem>>
    %dma_start3A_317 = arith.constant 0 : i32
    %dma_start3A_318 = tpu.memref_slice %arg4[%shift_right_logical3A_310, %and3A_312, %dma_start3A_317] : memref<125000x8x64xf32, #tpu.memory_space<hbm>> -> memref<1x1x64xf32, #tpu.memory_space<hbm>>
    %dma_start3A_319 = tpu.memref_squeeze %dma_start3A_318 : memref<1x1x64xf32, #tpu.memory_space<hbm>> -> memref<64xf32, #tpu.memory_space<hbm>>
    %dma_start3A_320 = arith.constant 0 : i32
    %dma_start3A_321 = tpu.memref_slice %arg9[%dma_start3A_313, %dma_start3A_320] : memref<512x64xf32, #tpu.memory_space<vmem>> -> memref<1x64xf32, #tpu.memory_space<vmem>>
    %dma_start3A_322 = tpu.memref_squeeze %dma_start3A_321 : memref<1x64xf32, #tpu.memory_space<vmem>> -> memref<64xf32, #tpu.memory_space<vmem>>
    %dma_start3A_323 = arith.constant 0 : i32
    %dma_start3A_324 = tpu.memref_slice %arg4[%shift_right_logical3A_310, %and3A_312, %dma_start3A_323] : memref<125000x8x64xf32, #tpu.memory_space<hbm>> -> memref<1x1x64xf32, #tpu.memory_space<hbm>>
    %dma_start3A_325 = tpu.memref_squeeze %dma_start3A_324 : memref<1x1x64xf32, #tpu.memory_space<hbm>> -> memref<64xf32, #tpu.memory_space<hbm>>
    tpu.enqueue_dma source(%dma_start3A_325 : memref<64xf32, #tpu.memory_space<hbm>>) target(%dma_start3A_322 : memref<64xf32, #tpu.memory_space<vmem>>) target_semaphore(%arg10 : memref<!tpu.dma_semaphore, #tpu.memory_space<semaphore_mem>>)
    %slice3A_326 = vector.extract_strided_slice %get3A_306 {offsets = [1], sizes = [1], strides = [1]} : vector<16xi32> to vector<1xi32>
    %squeeze3A_327 = vector.extract %slice3A_326[0] : i32 from vector<1xi32>
    %shift_right_logical3A_328 = arith.constant 3 : i32
    %shift_right_logical3A_329 = arith.shrui %squeeze3A_327, %shift_right_logical3A_328 : i32
    %and3A_330 = arith.constant 7 : i32
    %and3A_331 = arith.andi %squeeze3A_327, %and3A_330 : i32
    %dma_start3A_332 = arith.constant 17 : i32
    %dma_start3A_333 = arith.constant 0 : i32
    %dma_start3A_334 = tpu.memref_slice %arg9[%dma_start3A_332, %dma_start3A_333] : memref<512x64xf32, #tpu.memory_space<vmem>> -> memref<1x64xf32, #tpu.memory_space<vmem>>
    %dma_start3A_335 = tpu.memref_squeeze %dma_start3A_334 : memref<1x64xf32, #tpu.memory_space<vmem>> -> memref<64xf32, #tpu.memory_space<vmem>>
    %dma_start3A_336 = arith.constant 0 : i32
    %dma_start3A_337 = tpu.memref_slice %arg4[%shift_right_logical3A_329, %and3A_331, %dma_start3A_336] : memref<125000x8x64xf32, #tpu.memory_space<hbm>> -> memref<1x1x64xf32, #tpu.memory_space<hbm>>
    %dma_start3A_338 = tpu.memref_squeeze %dma_start3A_337 : memref<1x1x64xf32, #tpu.memory_space<hbm>> -> memref<64xf32, #tpu.memory_space<hbm>>
    %dma_start3A_339 = arith.constant 0 : i32
    %dma_start3A_340 = tpu.memref_slice %arg9[%dma_start3A_332, %dma_start3A_339] : memref<512x64xf32, #tpu.memory_space<vmem>> -> memref<1x64xf32, #tpu.memory_space<vmem>>
    %dma_start3A_341 = tpu.memref_squeeze %dma_start3A_340 : memref<1x64xf32, #tpu.memory_space<vmem>> -> memref<64xf32, #tpu.memory_space<vmem>>
    %dma_start3A_342 = arith.constant 0 : i32
    %dma_start3A_343 = tpu.memref_slice %arg4[%shift_right_logical3A_329, %and3A_331, %dma_start3A_342] : memref<125000x8x64xf32, #tpu.memory_space<hbm>> -> memref<1x1x64xf32, #tpu.memory_space<hbm>>
    %dma_start3A_344 = tpu.memref_squeeze %dma_start3A_343 : memref<1x1x64xf32, #tpu.memory_space<hbm>> -> memref<64xf32, #tpu.memory_space<hbm>>
    tpu.enqueue_dma source(%dma_start3A_344 : memref<64xf32, #tpu.memory_space<hbm>>) target(%dma_start3A_341 : memref<64xf32, #tpu.memory_space<vmem>>) target_semaphore(%arg10 : memref<!tpu.dma_semaphore, #tpu.memory_space<semaphore_mem>>)
    %slice3A_345 = vector.extract_strided_slice %get3A_306 {offsets = [2], sizes = [1], strides = [1]} : vector<16xi32> to vector<1xi32>
    %squeeze3A_346 = vector.extract %slice3A_345[0] : i32 from vector<1xi32>
    %shift_right_logical3A_347 = arith.constant 3 : i32
    %shift_right_logical3A_348 = arith.shrui %squeeze3A_346, %shift_right_logical3A_347 : i32
    %and3A_349 = arith.constant 7 : i32
    %and3A_350 = arith.andi %squeeze3A_346, %and3A_349 : i32
    %dma_start3A_351 = arith.constant 18 : i32
    %dma_start3A_352 = arith.constant 0 : i32
    %dma_start3A_353 = tpu.memref_slice %arg9[%dma_start3A_351, %dma_start3A_352] : memref<512x64xf32, #tpu.memory_space<vmem>> -> memref<1x64xf32, #tpu.memory_space<vmem>>
    %dma_start3A_354 = tpu.memref_squeeze %dma_start3A_353 : memref<1x64xf32, #tpu.memory_space<vmem>> -> memref<64xf32, #tpu.memory_space<vmem>>
    %dma_start3A_355 = arith.constant 0 : i32
    %dma_start3A_356 = tpu.memref_slice %arg4[%shift_right_logical3A_348, %and3A_350, %dma_start3A_355] : memref<125000x8x64xf32, #tpu.memory_space<hbm>> -> memref<1x1x64xf32, #tpu.memory_space<hbm>>
    %dma_start3A_357 = tpu.memref_squeeze %dma_start3A_356 : memref<1x1x64xf32, #tpu.memory_space<hbm>> -> memref<64xf32, #tpu.memory_space<hbm>>
    %dma_start3A_358 = arith.constant 0 : i32
    %dma_start3A_359 = tpu.memref_slice %arg9[%dma_start3A_351, %dma_start3A_358] : memref<512x64xf32, #tpu.memory_space<vmem>> -> memref<1x64xf32, #tpu.memory_space<vmem>>
    %dma_start3A_360 = tpu.memref_squeeze %dma_start3A_359 : memref<1x64xf32, #tpu.memory_space<vmem>> -> memref<64xf32, #tpu.memory_space<vmem>>
    %dma_start3A_361 = arith.constant 0 : i32
    %dma_start3A_362 = tpu.memref_slice %arg4[%shift_right_logical3A_348, %and3A_350, %dma_start3A_361] : memref<125000x8x64xf32, #tpu.memory_space<hbm>> -> memref<1x1x64xf32, #tpu.memory_space<hbm>>
    %dma_start3A_363 = tpu.memref_squeeze %dma_start3A_362 : memref<1x1x64xf32, #tpu.memory_space<hbm>> -> memref<64xf32, #tpu.memory_space<hbm>>
    tpu.enqueue_dma source(%dma_start3A_363 : memref<64xf32, #tpu.memory_space<hbm>>) target(%dma_start3A_360 : memref<64xf32, #tpu.memory_space<vmem>>) target_semaphore(%arg10 : memref<!tpu.dma_semaphore, #tpu.memory_space<semaphore_mem>>)
    %slice3A_364 = vector.extract_strided_slice %get3A_306 {offsets = [3], sizes = [1], strides = [1]} : vector<16xi32> to vector<1xi32>
    %squeeze3A_365 = vector.extract %slice3A_364[0] : i32 from vector<1xi32>
    %shift_right_logical3A_366 = arith.constant 3 : i32
    %shift_right_logical3A_367 = arith.shrui %squeeze3A_365, %shift_right_logical3A_366 : i32
    %and3A_368 = arith.constant 7 : i32
    %and3A_369 = arith.andi %squeeze3A_365, %and3A_368 : i32
    %dma_start3A_370 = arith.constant 19 : i32
    %dma_start3A_371 = arith.constant 0 : i32
    %dma_start3A_372 = tpu.memref_slice %arg9[%dma_start3A_370, %dma_start3A_371] : memref<512x64xf32, #tpu.memory_space<vmem>> -> memref<1x64xf32, #tpu.memory_space<vmem>>
    %dma_start3A_373 = tpu.memref_squeeze %dma_start3A_372 : memref<1x64xf32, #tpu.memory_space<vmem>> -> memref<64xf32, #tpu.memory_space<vmem>>
    %dma_start3A_374 = arith.constant 0 : i32
    %dma_start3A_375 = tpu.memref_slice %arg4[%shift_right_logical3A_367, %and3A_369, %dma_start3A_374] : memref<125000x8x64xf32, #tpu.memory_space<hbm>> -> memref<1x1x64xf32, #tpu.memory_space<hbm>>
    %dma_start3A_376 = tpu.memref_squeeze %dma_start3A_375 : memref<1x1x64xf32, #tpu.memory_space<hbm>> -> memref<64xf32, #tpu.memory_space<hbm>>
    %dma_start3A_377 = arith.constant 0 : i32
    %dma_start3A_378 = tpu.memref_slice %arg9[%dma_start3A_370, %dma_start3A_377] : memref<512x64xf32, #tpu.memory_space<vmem>> -> memref<1x64xf32, #tpu.memory_space<vmem>>
    %dma_start3A_379 = tpu.memref_squeeze %dma_start3A_378 : memref<1x64xf32, #tpu.memory_space<vmem>> -> memref<64xf32, #tpu.memory_space<vmem>>
    %dma_start3A_380 = arith.constant 0 : i32
    %dma_start3A_381 = tpu.memref_slice %arg4[%shift_right_logical3A_367, %and3A_369, %dma_start3A_380] : memref<125000x8x64xf32, #tpu.memory_space<hbm>> -> memref<1x1x64xf32, #tpu.memory_space<hbm>>
    %dma_start3A_382 = tpu.memref_squeeze %dma_start3A_381 : memref<1x1x64xf32, #tpu.memory_space<hbm>> -> memref<64xf32, #tpu.memory_space<hbm>>
    tpu.enqueue_dma source(%dma_start3A_382 : memref<64xf32, #tpu.memory_space<hbm>>) target(%dma_start3A_379 : memref<64xf32, #tpu.memory_space<vmem>>) target_semaphore(%arg10 : memref<!tpu.dma_semaphore, #tpu.memory_space<semaphore_mem>>)
    %slice3A_383 = vector.extract_strided_slice %get3A_306 {offsets = [4], sizes = [1], strides = [1]} : vector<16xi32> to vector<1xi32>
    %squeeze3A_384 = vector.extract %slice3A_383[0] : i32 from vector<1xi32>
    %shift_right_logical3A_385 = arith.constant 3 : i32
    %shift_right_logical3A_386 = arith.shrui %squeeze3A_384, %shift_right_logical3A_385 : i32
    %and3A_387 = arith.constant 7 : i32
    %and3A_388 = arith.andi %squeeze3A_384, %and3A_387 : i32
    %dma_start3A_389 = arith.constant 20 : i32
    %dma_start3A_390 = arith.constant 0 : i32
    %dma_start3A_391 = tpu.memref_slice %arg9[%dma_start3A_389, %dma_start3A_390] : memref<512x64xf32, #tpu.memory_space<vmem>> -> memref<1x64xf32, #tpu.memory_space<vmem>>
    %dma_start3A_392 = tpu.memref_squeeze %dma_start3A_391 : memref<1x64xf32, #tpu.memory_space<vmem>> -> memref<64xf32, #tpu.memory_space<vmem>>
    %dma_start3A_393 = arith.constant 0 : i32
    %dma_start3A_394 = tpu.memref_slice %arg4[%shift_right_logical3A_386, %and3A_388, %dma_start3A_393] : memref<125000x8x64xf32, #tpu.memory_space<hbm>> -> memref<1x1x64xf32, #tpu.memory_space<hbm>>
    %dma_start3A_395 = tpu.memref_squeeze %dma_start3A_394 : memref<1x1x64xf32, #tpu.memory_space<hbm>> -> memref<64xf32, #tpu.memory_space<hbm>>
    %dma_start3A_396 = arith.constant 0 : i32
    %dma_start3A_397 = tpu.memref_slice %arg9[%dma_start3A_389, %dma_start3A_396] : memref<512x64xf32, #tpu.memory_space<vmem>> -> memref<1x64xf32, #tpu.memory_space<vmem>>
    %dma_start3A_398 = tpu.memref_squeeze %dma_start3A_397 : memref<1x64xf32, #tpu.memory_space<vmem>> -> memref<64xf32, #tpu.memory_space<vmem>>
    %dma_start3A_399 = arith.constant 0 : i32
    %dma_start3A_400 = tpu.memref_slice %arg4[%shift_right_logical3A_386, %and3A_388, %dma_start3A_399] : memref<125000x8x64xf32, #tpu.memory_space<hbm>> -> memref<1x1x64xf32, #tpu.memory_space<hbm>>
    %dma_start3A_401 = tpu.memref_squeeze %dma_start3A_400 : memref<1x1x64xf32, #tpu.memory_space<hbm>> -> memref<64xf32, #tpu.memory_space<hbm>>
    tpu.enqueue_dma source(%dma_start3A_401 : memref<64xf32, #tpu.memory_space<hbm>>) target(%dma_start3A_398 : memref<64xf32, #tpu.memory_space<vmem>>) target_semaphore(%arg10 : memref<!tpu.dma_semaphore, #tpu.memory_space<semaphore_mem>>)
    %slice3A_402 = vector.extract_strided_slice %get3A_306 {offsets = [5], sizes = [1], strides = [1]} : vector<16xi32> to vector<1xi32>
    %squeeze3A_403 = vector.extract %slice3A_402[0] : i32 from vector<1xi32>
    %shift_right_logical3A_404 = arith.constant 3 : i32
    %shift_right_logical3A_405 = arith.shrui %squeeze3A_403, %shift_right_logical3A_404 : i32
    %and3A_406 = arith.constant 7 : i32
    %and3A_407 = arith.andi %squeeze3A_403, %and3A_406 : i32
    %dma_start3A_408 = arith.constant 21 : i32
    %dma_start3A_409 = arith.constant 0 : i32
    %dma_start3A_410 = tpu.memref_slice %arg9[%dma_start3A_408, %dma_start3A_409] : memref<512x64xf32, #tpu.memory_space<vmem>> -> memref<1x64xf32, #tpu.memory_space<vmem>>
    %dma_start3A_411 = tpu.memref_squeeze %dma_start3A_410 : memref<1x64xf32, #tpu.memory_space<vmem>> -> memref<64xf32, #tpu.memory_space<vmem>>
    %dma_start3A_412 = arith.constant 0 : i32
    %dma_start3A_413 = tpu.memref_slice %arg4[%shift_right_logical3A_405, %and3A_407, %dma_start3A_412] : memref<125000x8x64xf32, #tpu.memory_space<hbm>> -> memref<1x1x64xf32, #tpu.memory_space<hbm>>
    %dma_start3A_414 = tpu.memref_squeeze %dma_start3A_413 : memref<1x1x64xf32, #tpu.memory_space<hbm>> -> memref<64xf32, #tpu.memory_space<hbm>>
    %dma_start3A_415 = arith.constant 0 : i32
    %dma_start3A_416 = tpu.memref_slice %arg9[%dma_start3A_408, %dma_start3A_415] : memref<512x64xf32, #tpu.memory_space<vmem>> -> memref<1x64xf32, #tpu.memory_space<vmem>>
    %dma_start3A_417 = tpu.memref_squeeze %dma_start3A_416 : memref<1x64xf32, #tpu.memory_space<vmem>> -> memref<64xf32, #tpu.memory_space<vmem>>
    %dma_start3A_418 = arith.constant 0 : i32
    %dma_start3A_419 = tpu.memref_slice %arg4[%shift_right_logical3A_405, %and3A_407, %dma_start3A_418] : memref<125000x8x64xf32, #tpu.memory_space<hbm>> -> memref<1x1x64xf32, #tpu.memory_space<hbm>>
    %dma_start3A_420 = tpu.memref_squeeze %dma_start3A_419 : memref<1x1x64xf32, #tpu.memory_space<hbm>> -> memref<64xf32, #tpu.memory_space<hbm>>
    tpu.enqueue_dma source(%dma_start3A_420 : memref<64xf32, #tpu.memory_space<hbm>>) target(%dma_start3A_417 : memref<64xf32, #tpu.memory_space<vmem>>) target_semaphore(%arg10 : memref<!tpu.dma_semaphore, #tpu.memory_space<semaphore_mem>>)
    %slice3A_421 = vector.extract_strided_slice %get3A_306 {offsets = [6], sizes = [1], strides = [1]} : vector<16xi32> to vector<1xi32>
    %squeeze3A_422 = vector.extract %slice3A_421[0] : i32 from vector<1xi32>
    %shift_right_logical3A_423 = arith.constant 3 : i32
    %shift_right_logical3A_424 = arith.shrui %squeeze3A_422, %shift_right_logical3A_423 : i32
    %and3A_425 = arith.constant 7 : i32
    %and3A_426 = arith.andi %squeeze3A_422, %and3A_425 : i32
    %dma_start3A_427 = arith.constant 22 : i32
    %dma_start3A_428 = arith.constant 0 : i32
    %dma_start3A_429 = tpu.memref_slice %arg9[%dma_start3A_427, %dma_start3A_428] : memref<512x64xf32, #tpu.memory_space<vmem>> -> memref<1x64xf32, #tpu.memory_space<vmem>>
    %dma_start3A_430 = tpu.memref_squeeze %dma_start3A_429 : memref<1x64xf32, #tpu.memory_space<vmem>> -> memref<64xf32, #tpu.memory_space<vmem>>
    %dma_start3A_431 = arith.constant 0 : i32
    %dma_start3A_432 = tpu.memref_slice %arg4[%shift_right_logical3A_424, %and3A_426, %dma_start3A_431] : memref<125000x8x64xf32, #tpu.memory_space<hbm>> -> memref<1x1x64xf32, #tpu.memory_space<hbm>>
    %dma_start3A_433 = tpu.memref_squeeze %dma_start3A_432 : memref<1x1x64xf32, #tpu.memory_space<hbm>> -> memref<64xf32, #tpu.memory_space<hbm>>
    %dma_start3A_434 = arith.constant 0 : i32
    %dma_start3A_435 = tpu.memref_slice %arg9[%dma_start3A_427, %dma_start3A_434] : memref<512x64xf32, #tpu.memory_space<vmem>> -> memref<1x64xf32, #tpu.memory_space<vmem>>
    %dma_start3A_436 = tpu.memref_squeeze %dma_start3A_435 : memref<1x64xf32, #tpu.memory_space<vmem>> -> memref<64xf32, #tpu.memory_space<vmem>>
    %dma_start3A_437 = arith.constant 0 : i32
    %dma_start3A_438 = tpu.memref_slice %arg4[%shift_right_logical3A_424, %and3A_426, %dma_start3A_437] : memref<125000x8x64xf32, #tpu.memory_space<hbm>> -> memref<1x1x64xf32, #tpu.memory_space<hbm>>
    %dma_start3A_439 = tpu.memref_squeeze %dma_start3A_438 : memref<1x1x64xf32, #tpu.memory_space<hbm>> -> memref<64xf32, #tpu.memory_space<hbm>>
    tpu.enqueue_dma source(%dma_start3A_439 : memref<64xf32, #tpu.memory_space<hbm>>) target(%dma_start3A_436 : memref<64xf32, #tpu.memory_space<vmem>>) target_semaphore(%arg10 : memref<!tpu.dma_semaphore, #tpu.memory_space<semaphore_mem>>)
    %slice3A_440 = vector.extract_strided_slice %get3A_306 {offsets = [7], sizes = [1], strides = [1]} : vector<16xi32> to vector<1xi32>
    %squeeze3A_441 = vector.extract %slice3A_440[0] : i32 from vector<1xi32>
    %shift_right_logical3A_442 = arith.constant 3 : i32
    %shift_right_logical3A_443 = arith.shrui %squeeze3A_441, %shift_right_logical3A_442 : i32
    %and3A_444 = arith.constant 7 : i32
    %and3A_445 = arith.andi %squeeze3A_441, %and3A_444 : i32
    %dma_start3A_446 = arith.constant 23 : i32
    %dma_start3A_447 = arith.constant 0 : i32
    %dma_start3A_448 = tpu.memref_slice %arg9[%dma_start3A_446, %dma_start3A_447] : memref<512x64xf32, #tpu.memory_space<vmem>> -> memref<1x64xf32, #tpu.memory_space<vmem>>
    %dma_start3A_449 = tpu.memref_squeeze %dma_start3A_448 : memref<1x64xf32, #tpu.memory_space<vmem>> -> memref<64xf32, #tpu.memory_space<vmem>>
    %dma_start3A_450 = arith.constant 0 : i32
    %dma_start3A_451 = tpu.memref_slice %arg4[%shift_right_logical3A_443, %and3A_445, %dma_start3A_450] : memref<125000x8x64xf32, #tpu.memory_space<hbm>> -> memref<1x1x64xf32, #tpu.memory_space<hbm>>
    %dma_start3A_452 = tpu.memref_squeeze %dma_start3A_451 : memref<1x1x64xf32, #tpu.memory_space<hbm>> -> memref<64xf32, #tpu.memory_space<hbm>>
    %dma_start3A_453 = arith.constant 0 : i32
    %dma_start3A_454 = tpu.memref_slice %arg9[%dma_start3A_446, %dma_start3A_453] : memref<512x64xf32, #tpu.memory_space<vmem>> -> memref<1x64xf32, #tpu.memory_space<vmem>>
    %dma_start3A_455 = tpu.memref_squeeze %dma_start3A_454 : memref<1x64xf32, #tpu.memory_space<vmem>> -> memref<64xf32, #tpu.memory_space<vmem>>
    %dma_start3A_456 = arith.constant 0 : i32
    %dma_start3A_457 = tpu.memref_slice %arg4[%shift_right_logical3A_443, %and3A_445, %dma_start3A_456] : memref<125000x8x64xf32, #tpu.memory_space<hbm>> -> memref<1x1x64xf32, #tpu.memory_space<hbm>>
    %dma_start3A_458 = tpu.memref_squeeze %dma_start3A_457 : memref<1x1x64xf32, #tpu.memory_space<hbm>> -> memref<64xf32, #tpu.memory_space<hbm>>
    tpu.enqueue_dma source(%dma_start3A_458 : memref<64xf32, #tpu.memory_space<hbm>>) target(%dma_start3A_455 : memref<64xf32, #tpu.memory_space<vmem>>) target_semaphore(%arg10 : memref<!tpu.dma_semaphore, #tpu.memory_space<semaphore_mem>>)
    %slice3A_459 = vector.extract_strided_slice %get3A_306 {offsets = [8], sizes = [1], strides = [1]} : vector<16xi32> to vector<1xi32>
    %squeeze3A_460 = vector.extract %slice3A_459[0] : i32 from vector<1xi32>
    %shift_right_logical3A_461 = arith.constant 3 : i32
    %shift_right_logical3A_462 = arith.shrui %squeeze3A_460, %shift_right_logical3A_461 : i32
    %and3A_463 = arith.constant 7 : i32
    %and3A_464 = arith.andi %squeeze3A_460, %and3A_463 : i32
    %dma_start3A_465 = arith.constant 24 : i32
    %dma_start3A_466 = arith.constant 0 : i32
    %dma_start3A_467 = tpu.memref_slice %arg9[%dma_start3A_465, %dma_start3A_466] : memref<512x64xf32, #tpu.memory_space<vmem>> -> memref<1x64xf32, #tpu.memory_space<vmem>>
    %dma_start3A_468 = tpu.memref_squeeze %dma_start3A_467 : memref<1x64xf32, #tpu.memory_space<vmem>> -> memref<64xf32, #tpu.memory_space<vmem>>
    %dma_start3A_469 = arith.constant 0 : i32
    %dma_start3A_470 = tpu.memref_slice %arg4[%shift_right_logical3A_462, %and3A_464, %dma_start3A_469] : memref<125000x8x64xf32, #tpu.memory_space<hbm>> -> memref<1x1x64xf32, #tpu.memory_space<hbm>>
    %dma_start3A_471 = tpu.memref_squeeze %dma_start3A_470 : memref<1x1x64xf32, #tpu.memory_space<hbm>> -> memref<64xf32, #tpu.memory_space<hbm>>
    %dma_start3A_472 = arith.constant 0 : i32
    %dma_start3A_473 = tpu.memref_slice %arg9[%dma_start3A_465, %dma_start3A_472] : memref<512x64xf32, #tpu.memory_space<vmem>> -> memref<1x64xf32, #tpu.memory_space<vmem>>
    %dma_start3A_474 = tpu.memref_squeeze %dma_start3A_473 : memref<1x64xf32, #tpu.memory_space<vmem>> -> memref<64xf32, #tpu.memory_space<vmem>>
    %dma_start3A_475 = arith.constant 0 : i32
    %dma_start3A_476 = tpu.memref_slice %arg4[%shift_right_logical3A_462, %and3A_464, %dma_start3A_475] : memref<125000x8x64xf32, #tpu.memory_space<hbm>> -> memref<1x1x64xf32, #tpu.memory_space<hbm>>
    %dma_start3A_477 = tpu.memref_squeeze %dma_start3A_476 : memref<1x1x64xf32, #tpu.memory_space<hbm>> -> memref<64xf32, #tpu.memory_space<hbm>>
    tpu.enqueue_dma source(%dma_start3A_477 : memref<64xf32, #tpu.memory_space<hbm>>) target(%dma_start3A_474 : memref<64xf32, #tpu.memory_space<vmem>>) target_semaphore(%arg10 : memref<!tpu.dma_semaphore, #tpu.memory_space<semaphore_mem>>)
    %slice3A_478 = vector.extract_strided_slice %get3A_306 {offsets = [9], sizes = [1], strides = [1]} : vector<16xi32> to vector<1xi32>
    %squeeze3A_479 = vector.extract %slice3A_478[0] : i32 from vector<1xi32>
    %shift_right_logical3A_480 = arith.constant 3 : i32
    %shift_right_logical3A_481 = arith.shrui %squeeze3A_479, %shift_right_logical3A_480 : i32
    %and3A_482 = arith.constant 7 : i32
    %and3A_483 = arith.andi %squeeze3A_479, %and3A_482 : i32
    %dma_start3A_484 = arith.constant 25 : i32
    %dma_start3A_485 = arith.constant 0 : i32
    %dma_start3A_486 = tpu.memref_slice %arg9[%dma_start3A_484, %dma_start3A_485] : memref<512x64xf32, #tpu.memory_space<vmem>> -> memref<1x64xf32, #tpu.memory_space<vmem>>
    %dma_start3A_487 = tpu.memref_squeeze %dma_start3A_486 : memref<1x64xf32, #tpu.memory_space<vmem>> -> memref<64xf32, #tpu.memory_space<vmem>>
    %dma_start3A_488 = arith.constant 0 : i32
    %dma_start3A_489 = tpu.memref_slice %arg4[%shift_right_logical3A_481, %and3A_483, %dma_start3A_488] : memref<125000x8x64xf32, #tpu.memory_space<hbm>> -> memref<1x1x64xf32, #tpu.memory_space<hbm>>
    %dma_start3A_490 = tpu.memref_squeeze %dma_start3A_489 : memref<1x1x64xf32, #tpu.memory_space<hbm>> -> memref<64xf32, #tpu.memory_space<hbm>>
    %dma_start3A_491 = arith.constant 0 : i32
    %dma_start3A_492 = tpu.memref_slice %arg9[%dma_start3A_484, %dma_start3A_491] : memref<512x64xf32, #tpu.memory_space<vmem>> -> memref<1x64xf32, #tpu.memory_space<vmem>>
    %dma_start3A_493 = tpu.memref_squeeze %dma_start3A_492 : memref<1x64xf32, #tpu.memory_space<vmem>> -> memref<64xf32, #tpu.memory_space<vmem>>
    %dma_start3A_494 = arith.constant 0 : i32
    %dma_start3A_495 = tpu.memref_slice %arg4[%shift_right_logical3A_481, %and3A_483, %dma_start3A_494] : memref<125000x8x64xf32, #tpu.memory_space<hbm>> -> memref<1x1x64xf32, #tpu.memory_space<hbm>>
    %dma_start3A_496 = tpu.memref_squeeze %dma_start3A_495 : memref<1x1x64xf32, #tpu.memory_space<hbm>> -> memref<64xf32, #tpu.memory_space<hbm>>
    tpu.enqueue_dma source(%dma_start3A_496 : memref<64xf32, #tpu.memory_space<hbm>>) target(%dma_start3A_493 : memref<64xf32, #tpu.memory_space<vmem>>) target_semaphore(%arg10 : memref<!tpu.dma_semaphore, #tpu.memory_space<semaphore_mem>>)
    %slice3A_497 = vector.extract_strided_slice %get3A_306 {offsets = [10], sizes = [1], strides = [1]} : vector<16xi32> to vector<1xi32>
    %squeeze3A_498 = vector.extract %slice3A_497[0] : i32 from vector<1xi32>
    %shift_right_logical3A_499 = arith.constant 3 : i32
    %shift_right_logical3A_500 = arith.shrui %squeeze3A_498, %shift_right_logical3A_499 : i32
    %and3A_501 = arith.constant 7 : i32
    %and3A_502 = arith.andi %squeeze3A_498, %and3A_501 : i32
    %dma_start3A_503 = arith.constant 26 : i32
    %dma_start3A_504 = arith.constant 0 : i32
    %dma_start3A_505 = tpu.memref_slice %arg9[%dma_start3A_503, %dma_start3A_504] : memref<512x64xf32, #tpu.memory_space<vmem>> -> memref<1x64xf32, #tpu.memory_space<vmem>>
    %dma_start3A_506 = tpu.memref_squeeze %dma_start3A_505 : memref<1x64xf32, #tpu.memory_space<vmem>> -> memref<64xf32, #tpu.memory_space<vmem>>
    %dma_start3A_507 = arith.constant 0 : i32
    %dma_start3A_508 = tpu.memref_slice %arg4[%shift_right_logical3A_500, %and3A_502, %dma_start3A_507] : memref<125000x8x64xf32, #tpu.memory_space<hbm>> -> memref<1x1x64xf32, #tpu.memory_space<hbm>>
    %dma_start3A_509 = tpu.memref_squeeze %dma_start3A_508 : memref<1x1x64xf32, #tpu.memory_space<hbm>> -> memref<64xf32, #tpu.memory_space<hbm>>
    %dma_start3A_510 = arith.constant 0 : i32
    %dma_start3A_511 = tpu.memref_slice %arg9[%dma_start3A_503, %dma_start3A_510] : memref<512x64xf32, #tpu.memory_space<vmem>> -> memref<1x64xf32, #tpu.memory_space<vmem>>
    %dma_start3A_512 = tpu.memref_squeeze %dma_start3A_511 : memref<1x64xf32, #tpu.memory_space<vmem>> -> memref<64xf32, #tpu.memory_space<vmem>>
    %dma_start3A_513 = arith.constant 0 : i32
    %dma_start3A_514 = tpu.memref_slice %arg4[%shift_right_logical3A_500, %and3A_502, %dma_start3A_513] : memref<125000x8x64xf32, #tpu.memory_space<hbm>> -> memref<1x1x64xf32, #tpu.memory_space<hbm>>
    %dma_start3A_515 = tpu.memref_squeeze %dma_start3A_514 : memref<1x1x64xf32, #tpu.memory_space<hbm>> -> memref<64xf32, #tpu.memory_space<hbm>>
    tpu.enqueue_dma source(%dma_start3A_515 : memref<64xf32, #tpu.memory_space<hbm>>) target(%dma_start3A_512 : memref<64xf32, #tpu.memory_space<vmem>>) target_semaphore(%arg10 : memref<!tpu.dma_semaphore, #tpu.memory_space<semaphore_mem>>)
    %slice3A_516 = vector.extract_strided_slice %get3A_306 {offsets = [11], sizes = [1], strides = [1]} : vector<16xi32> to vector<1xi32>
    %squeeze3A_517 = vector.extract %slice3A_516[0] : i32 from vector<1xi32>
    %shift_right_logical3A_518 = arith.constant 3 : i32
    %shift_right_logical3A_519 = arith.shrui %squeeze3A_517, %shift_right_logical3A_518 : i32
    %and3A_520 = arith.constant 7 : i32
    %and3A_521 = arith.andi %squeeze3A_517, %and3A_520 : i32
    %dma_start3A_522 = arith.constant 27 : i32
    %dma_start3A_523 = arith.constant 0 : i32
    %dma_start3A_524 = tpu.memref_slice %arg9[%dma_start3A_522, %dma_start3A_523] : memref<512x64xf32, #tpu.memory_space<vmem>> -> memref<1x64xf32, #tpu.memory_space<vmem>>
    %dma_start3A_525 = tpu.memref_squeeze %dma_start3A_524 : memref<1x64xf32, #tpu.memory_space<vmem>> -> memref<64xf32, #tpu.memory_space<vmem>>
    %dma_start3A_526 = arith.constant 0 : i32
    %dma_start3A_527 = tpu.memref_slice %arg4[%shift_right_logical3A_519, %and3A_521, %dma_start3A_526] : memref<125000x8x64xf32, #tpu.memory_space<hbm>> -> memref<1x1x64xf32, #tpu.memory_space<hbm>>
    %dma_start3A_528 = tpu.memref_squeeze %dma_start3A_527 : memref<1x1x64xf32, #tpu.memory_space<hbm>> -> memref<64xf32, #tpu.memory_space<hbm>>
    %dma_start3A_529 = arith.constant 0 : i32
    %dma_start3A_530 = tpu.memref_slice %arg9[%dma_start3A_522, %dma_start3A_529] : memref<512x64xf32, #tpu.memory_space<vmem>> -> memref<1x64xf32, #tpu.memory_space<vmem>>
    %dma_start3A_531 = tpu.memref_squeeze %dma_start3A_530 : memref<1x64xf32, #tpu.memory_space<vmem>> -> memref<64xf32, #tpu.memory_space<vmem>>
    %dma_start3A_532 = arith.constant 0 : i32
    %dma_start3A_533 = tpu.memref_slice %arg4[%shift_right_logical3A_519, %and3A_521, %dma_start3A_532] : memref<125000x8x64xf32, #tpu.memory_space<hbm>> -> memref<1x1x64xf32, #tpu.memory_space<hbm>>
    %dma_start3A_534 = tpu.memref_squeeze %dma_start3A_533 : memref<1x1x64xf32, #tpu.memory_space<hbm>> -> memref<64xf32, #tpu.memory_space<hbm>>
    tpu.enqueue_dma source(%dma_start3A_534 : memref<64xf32, #tpu.memory_space<hbm>>) target(%dma_start3A_531 : memref<64xf32, #tpu.memory_space<vmem>>) target_semaphore(%arg10 : memref<!tpu.dma_semaphore, #tpu.memory_space<semaphore_mem>>)
    %slice3A_535 = vector.extract_strided_slice %get3A_306 {offsets = [12], sizes = [1], strides = [1]} : vector<16xi32> to vector<1xi32>
    %squeeze3A_536 = vector.extract %slice3A_535[0] : i32 from vector<1xi32>
    %shift_right_logical3A_537 = arith.constant 3 : i32
    %shift_right_logical3A_538 = arith.shrui %squeeze3A_536, %shift_right_logical3A_537 : i32
    %and3A_539 = arith.constant 7 : i32
    %and3A_540 = arith.andi %squeeze3A_536, %and3A_539 : i32
    %dma_start3A_541 = arith.constant 28 : i32
    %dma_start3A_542 = arith.constant 0 : i32
    %dma_start3A_543 = tpu.memref_slice %arg9[%dma_start3A_541, %dma_start3A_542] : memref<512x64xf32, #tpu.memory_space<vmem>> -> memref<1x64xf32, #tpu.memory_space<vmem>>
    %dma_start3A_544 = tpu.memref_squeeze %dma_start3A_543 : memref<1x64xf32, #tpu.memory_space<vmem>> -> memref<64xf32, #tpu.memory_space<vmem>>
    %dma_start3A_545 = arith.constant 0 : i32
    %dma_start3A_546 = tpu.memref_slice %arg4[%shift_right_logical3A_538, %and3A_540, %dma_start3A_545] : memref<125000x8x64xf32, #tpu.memory_space<hbm>> -> memref<1x1x64xf32, #tpu.memory_space<hbm>>
    %dma_start3A_547 = tpu.memref_squeeze %dma_start3A_546 : memref<1x1x64xf32, #tpu.memory_space<hbm>> -> memref<64xf32, #tpu.memory_space<hbm>>
    %dma_start3A_548 = arith.constant 0 : i32
    %dma_start3A_549 = tpu.memref_slice %arg9[%dma_start3A_541, %dma_start3A_548] : memref<512x64xf32, #tpu.memory_space<vmem>> -> memref<1x64xf32, #tpu.memory_space<vmem>>
    %dma_start3A_550 = tpu.memref_squeeze %dma_start3A_549 : memref<1x64xf32, #tpu.memory_space<vmem>> -> memref<64xf32, #tpu.memory_space<vmem>>
    %dma_start3A_551 = arith.constant 0 : i32
    %dma_start3A_552 = tpu.memref_slice %arg4[%shift_right_logical3A_538, %and3A_540, %dma_start3A_551] : memref<125000x8x64xf32, #tpu.memory_space<hbm>> -> memref<1x1x64xf32, #tpu.memory_space<hbm>>
    %dma_start3A_553 = tpu.memref_squeeze %dma_start3A_552 : memref<1x1x64xf32, #tpu.memory_space<hbm>> -> memref<64xf32, #tpu.memory_space<hbm>>
    tpu.enqueue_dma source(%dma_start3A_553 : memref<64xf32, #tpu.memory_space<hbm>>) target(%dma_start3A_550 : memref<64xf32, #tpu.memory_space<vmem>>) target_semaphore(%arg10 : memref<!tpu.dma_semaphore, #tpu.memory_space<semaphore_mem>>)
    %slice3A_554 = vector.extract_strided_slice %get3A_306 {offsets = [13], sizes = [1], strides = [1]} : vector<16xi32> to vector<1xi32>
    %squeeze3A_555 = vector.extract %slice3A_554[0] : i32 from vector<1xi32>
    %shift_right_logical3A_556 = arith.constant 3 : i32
    %shift_right_logical3A_557 = arith.shrui %squeeze3A_555, %shift_right_logical3A_556 : i32
    %and3A_558 = arith.constant 7 : i32
    %and3A_559 = arith.andi %squeeze3A_555, %and3A_558 : i32
    %dma_start3A_560 = arith.constant 29 : i32
    %dma_start3A_561 = arith.constant 0 : i32
    %dma_start3A_562 = tpu.memref_slice %arg9[%dma_start3A_560, %dma_start3A_561] : memref<512x64xf32, #tpu.memory_space<vmem>> -> memref<1x64xf32, #tpu.memory_space<vmem>>
    %dma_start3A_563 = tpu.memref_squeeze %dma_start3A_562 : memref<1x64xf32, #tpu.memory_space<vmem>> -> memref<64xf32, #tpu.memory_space<vmem>>
    %dma_start3A_564 = arith.constant 0 : i32
    %dma_start3A_565 = tpu.memref_slice %arg4[%shift_right_logical3A_557, %and3A_559, %dma_start3A_564] : memref<125000x8x64xf32, #tpu.memory_space<hbm>> -> memref<1x1x64xf32, #tpu.memory_space<hbm>>
    %dma_start3A_566 = tpu.memref_squeeze %dma_start3A_565 : memref<1x1x64xf32, #tpu.memory_space<hbm>> -> memref<64xf32, #tpu.memory_space<hbm>>
    %dma_start3A_567 = arith.constant 0 : i32
    %dma_start3A_568 = tpu.memref_slice %arg9[%dma_start3A_560, %dma_start3A_567] : memref<512x64xf32, #tpu.memory_space<vmem>> -> memref<1x64xf32, #tpu.memory_space<vmem>>
    %dma_start3A_569 = tpu.memref_squeeze %dma_start3A_568 : memref<1x64xf32, #tpu.memory_space<vmem>> -> memref<64xf32, #tpu.memory_space<vmem>>
    %dma_start3A_570 = arith.constant 0 : i32
    %dma_start3A_571 = tpu.memref_slice %arg4[%shift_right_logical3A_557, %and3A_559, %dma_start3A_570] : memref<125000x8x64xf32, #tpu.memory_space<hbm>> -> memref<1x1x64xf32, #tpu.memory_space<hbm>>
    %dma_start3A_572 = tpu.memref_squeeze %dma_start3A_571 : memref<1x1x64xf32, #tpu.memory_space<hbm>> -> memref<64xf32, #tpu.memory_space<hbm>>
    tpu.enqueue_dma source(%dma_start3A_572 : memref<64xf32, #tpu.memory_space<hbm>>) target(%dma_start3A_569 : memref<64xf32, #tpu.memory_space<vmem>>) target_semaphore(%arg10 : memref<!tpu.dma_semaphore, #tpu.memory_space<semaphore_mem>>)
    %slice3A_573 = vector.extract_strided_slice %get3A_306 {offsets = [14], sizes = [1], strides = [1]} : vector<16xi32> to vector<1xi32>
    %squeeze3A_574 = vector.extract %slice3A_573[0] : i32 from vector<1xi32>
    %shift_right_logical3A_575 = arith.constant 3 : i32
    %shift_right_logical3A_576 = arith.shrui %squeeze3A_574, %shift_right_logical3A_575 : i32
    %and3A_577 = arith.constant 7 : i32
    %and3A_578 = arith.andi %squeeze3A_574, %and3A_577 : i32
    %dma_start3A_579 = arith.constant 30 : i32
    %dma_start3A_580 = arith.constant 0 : i32
    %dma_start3A_581 = tpu.memref_slice %arg9[%dma_start3A_579, %dma_start3A_580] : memref<512x64xf32, #tpu.memory_space<vmem>> -> memref<1x64xf32, #tpu.memory_space<vmem>>
    %dma_start3A_582 = tpu.memref_squeeze %dma_start3A_581 : memref<1x64xf32, #tpu.memory_space<vmem>> -> memref<64xf32, #tpu.memory_space<vmem>>
    %dma_start3A_583 = arith.constant 0 : i32
    %dma_start3A_584 = tpu.memref_slice %arg4[%shift_right_logical3A_576, %and3A_578, %dma_start3A_583] : memref<125000x8x64xf32, #tpu.memory_space<hbm>> -> memref<1x1x64xf32, #tpu.memory_space<hbm>>
    %dma_start3A_585 = tpu.memref_squeeze %dma_start3A_584 : memref<1x1x64xf32, #tpu.memory_space<hbm>> -> memref<64xf32, #tpu.memory_space<hbm>>
    %dma_start3A_586 = arith.constant 0 : i32
    %dma_start3A_587 = tpu.memref_slice %arg9[%dma_start3A_579, %dma_start3A_586] : memref<512x64xf32, #tpu.memory_space<vmem>> -> memref<1x64xf32, #tpu.memory_space<vmem>>
    %dma_start3A_588 = tpu.memref_squeeze %dma_start3A_587 : memref<1x64xf32, #tpu.memory_space<vmem>> -> memref<64xf32, #tpu.memory_space<vmem>>
    %dma_start3A_589 = arith.constant 0 : i32
    %dma_start3A_590 = tpu.memref_slice %arg4[%shift_right_logical3A_576, %and3A_578, %dma_start3A_589] : memref<125000x8x64xf32, #tpu.memory_space<hbm>> -> memref<1x1x64xf32, #tpu.memory_space<hbm>>
    %dma_start3A_591 = tpu.memref_squeeze %dma_start3A_590 : memref<1x1x64xf32, #tpu.memory_space<hbm>> -> memref<64xf32, #tpu.memory_space<hbm>>
    tpu.enqueue_dma source(%dma_start3A_591 : memref<64xf32, #tpu.memory_space<hbm>>) target(%dma_start3A_588 : memref<64xf32, #tpu.memory_space<vmem>>) target_semaphore(%arg10 : memref<!tpu.dma_semaphore, #tpu.memory_space<semaphore_mem>>)
    %slice3A_592 = vector.extract_strided_slice %get3A_306 {offsets = [15], sizes = [1], strides = [1]} : vector<16xi32> to vector<1xi32>
    %squeeze3A_593 = vector.extract %slice3A_592[0] : i32 from vector<1xi32>
    %shift_right_logical3A_594 = arith.constant 3 : i32
    %shift_right_logical3A_595 = arith.shrui %squeeze3A_593, %shift_right_logical3A_594 : i32
    %and3A_596 = arith.constant 7 : i32
    %and3A_597 = arith.andi %squeeze3A_593, %and3A_596 : i32
    %dma_start3A_598 = arith.constant 31 : i32
    %dma_start3A_599 = arith.constant 0 : i32
    %dma_start3A_600 = tpu.memref_slice %arg9[%dma_start3A_598, %dma_start3A_599] : memref<512x64xf32, #tpu.memory_space<vmem>> -> memref<1x64xf32, #tpu.memory_space<vmem>>
    %dma_start3A_601 = tpu.memref_squeeze %dma_start3A_600 : memref<1x64xf32, #tpu.memory_space<vmem>> -> memref<64xf32, #tpu.memory_space<vmem>>
    %dma_start3A_602 = arith.constant 0 : i32
    %dma_start3A_603 = tpu.memref_slice %arg4[%shift_right_logical3A_595, %and3A_597, %dma_start3A_602] : memref<125000x8x64xf32, #tpu.memory_space<hbm>> -> memref<1x1x64xf32, #tpu.memory_space<hbm>>
    %dma_start3A_604 = tpu.memref_squeeze %dma_start3A_603 : memref<1x1x64xf32, #tpu.memory_space<hbm>> -> memref<64xf32, #tpu.memory_space<hbm>>
    %dma_start3A_605 = arith.constant 0 : i32
    %dma_start3A_606 = tpu.memref_slice %arg9[%dma_start3A_598, %dma_start3A_605] : memref<512x64xf32, #tpu.memory_space<vmem>> -> memref<1x64xf32, #tpu.memory_space<vmem>>
    %dma_start3A_607 = tpu.memref_squeeze %dma_start3A_606 : memref<1x64xf32, #tpu.memory_space<vmem>> -> memref<64xf32, #tpu.memory_space<vmem>>
    %dma_start3A_608 = arith.constant 0 : i32
    %dma_start3A_609 = tpu.memref_slice %arg4[%shift_right_logical3A_595, %and3A_597, %dma_start3A_608] : memref<125000x8x64xf32, #tpu.memory_space<hbm>> -> memref<1x1x64xf32, #tpu.memory_space<hbm>>
    %dma_start3A_610 = tpu.memref_squeeze %dma_start3A_609 : memref<1x1x64xf32, #tpu.memory_space<hbm>> -> memref<64xf32, #tpu.memory_space<hbm>>
    tpu.enqueue_dma source(%dma_start3A_610 : memref<64xf32, #tpu.memory_space<hbm>>) target(%dma_start3A_607 : memref<64xf32, #tpu.memory_space<vmem>>) target_semaphore(%arg10 : memref<!tpu.dma_semaphore, #tpu.memory_space<semaphore_mem>>)
    %scan3A = arith.constant 0 : i32
    %scan3A_611 = arith.constant 2 : i32
    %scan3A_612 = arith.constant 30 : i32
    %scan3A_613 = arith.addi %scan3A_611, %scan3A_612 : i32
    %scan3A_614 = arith.constant 1 : i32
    scf.for %scan3A_2195 = %scan3A_611 to %scan3A_613 step %scan3A_614  : i32 {
      %mul3A_2196 = arith.constant 16 : i32
      %mul3A_2197 = arith.muli %scan3A_2195, %mul3A_2196 : i32
      %get3A_2198 = arith.index_cast %mul3A_2197 : i32 to index
      %get3A_2199 = tpu.vector_load %arg8[%get3A_2198] {strides = array<i32>} : memref<512xi32, #tpu.memory_space<vmem>>, vector<16xi32>,
      %get3A_2200 = vector.shape_cast %get3A_2199 : vector<16xi32> to vector<16xi32>
      %slice3A_2201 = vector.extract_strided_slice %get3A_2200 {offsets = [0], sizes = [1], strides = [1]} : vector<16xi32> to vector<1xi32>
      %squeeze3A_2202 = vector.extract %slice3A_2201[0] : i32 from vector<1xi32>
      %shift_right_logical3A_2203 = arith.constant 3 : i32
      %shift_right_logical3A_2204 = arith.shrui %squeeze3A_2202, %shift_right_logical3A_2203 : i32
      %and3A_2205 = arith.constant 7 : i32
      %and3A_2206 = arith.andi %squeeze3A_2202, %and3A_2205 : i32
      %mul3A_2207 = arith.constant 16 : i32
      %mul3A_2208 = arith.muli %scan3A_2195, %mul3A_2207 : i32
      %add3A_2209 = arith.constant 0 : i32
      %add3A_2210 = arith.addi %mul3A_2208, %add3A_2209 : i32
      %dma_start3A_2211 = arith.constant 0 : i32
      %dma_start3A_2212 = tpu.memref_slice %arg9[%add3A_2210, %dma_start3A_2211] : memref<512x64xf32, #tpu.memory_space<vmem>> -> memref<1x64xf32, #tpu.memory_space<vmem>>
      %dma_start3A_2213 = tpu.memref_squeeze %dma_start3A_2212 : memref<1x64xf32, #tpu.memory_space<vmem>> -> memref<64xf32, #tpu.memory_space<vmem>>
      %dma_start3A_2214 = arith.constant 0 : i32
      %dma_start3A_2215 = tpu.memref_slice %arg4[%shift_right_logical3A_2204, %and3A_2206, %dma_start3A_2214] : memref<125000x8x64xf32, #tpu.memory_space<hbm>> -> memref<1x1x64xf32, #tpu.memory_space<hbm>>
      %dma_start3A_2216 = tpu.memref_squeeze %dma_start3A_2215 : memref<1x1x64xf32, #tpu.memory_space<hbm>> -> memref<64xf32, #tpu.memory_space<hbm>>
      %dma_start3A_2217 = arith.constant 0 : i32
      %dma_start3A_2218 = tpu.memref_slice %arg9[%add3A_2210, %dma_start3A_2217] : memref<512x64xf32, #tpu.memory_space<vmem>> -> memref<1x64xf32, #tpu.memory_space<vmem>>
      %dma_start3A_2219 = tpu.memref_squeeze %dma_start3A_2218 : memref<1x64xf32, #tpu.memory_space<vmem>> -> memref<64xf32, #tpu.memory_space<vmem>>
      %dma_start3A_2220 = arith.constant 0 : i32
      %dma_start3A_2221 = tpu.memref_slice %arg4[%shift_right_logical3A_2204, %and3A_2206, %dma_start3A_2220] : memref<125000x8x64xf32, #tpu.memory_space<hbm>> -> memref<1x1x64xf32, #tpu.memory_space<hbm>>
      %dma_start3A_2222 = tpu.memref_squeeze %dma_start3A_2221 : memref<1x1x64xf32, #tpu.memory_space<hbm>> -> memref<64xf32, #tpu.memory_space<hbm>>
      tpu.enqueue_dma source(%dma_start3A_2222 : memref<64xf32, #tpu.memory_space<hbm>>) target(%dma_start3A_2219 : memref<64xf32, #tpu.memory_space<vmem>>) target_semaphore(%arg10 : memref<!tpu.dma_semaphore, #tpu.memory_space<semaphore_mem>>)
      %slice3A_2223 = vector.extract_strided_slice %get3A_2200 {offsets = [1], sizes = [1], strides = [1]} : vector<16xi32> to vector<1xi32>
      %squeeze3A_2224 = vector.extract %slice3A_2223[0] : i32 from vector<1xi32>
      %shift_right_logical3A_2225 = arith.constant 3 : i32
      %shift_right_logical3A_2226 = arith.shrui %squeeze3A_2224, %shift_right_logical3A_2225 : i32
      %and3A_2227 = arith.constant 7 : i32
      %and3A_2228 = arith.andi %squeeze3A_2224, %and3A_2227 : i32
      %mul3A_2229 = arith.constant 16 : i32
      %mul3A_2230 = arith.muli %scan3A_2195, %mul3A_2229 : i32
      %add3A_2231 = arith.constant 1 : i32
      %add3A_2232 = arith.addi %mul3A_2230, %add3A_2231 : i32
      %dma_start3A_2233 = arith.constant 0 : i32
      %dma_start3A_2234 = tpu.memref_slice %arg9[%add3A_2232, %dma_start3A_2233] : memref<512x64xf32, #tpu.memory_space<vmem>> -> memref<1x64xf32, #tpu.memory_space<vmem>>
      %dma_start3A_2235 = tpu.memref_squeeze %dma_start3A_2234 : memref<1x64xf32, #tpu.memory_space<vmem>> -> memref<64xf32, #tpu.memory_space<vmem>>
      %dma_start3A_2236 = arith.constant 0 : i32
      %dma_start3A_2237 = tpu.memref_slice %arg4[%shift_right_logical3A_2226, %and3A_2228, %dma_start3A_2236] : memref<125000x8x64xf32, #tpu.memory_space<hbm>> -> memref<1x1x64xf32, #tpu.memory_space<hbm>>
      %dma_start3A_2238 = tpu.memref_squeeze %dma_start3A_2237 : memref<1x1x64xf32, #tpu.memory_space<hbm>> -> memref<64xf32, #tpu.memory_space<hbm>>
      %dma_start3A_2239 = arith.constant 0 : i32
      %dma_start3A_2240 = tpu.memref_slice %arg9[%add3A_2232, %dma_start3A_2239] : memref<512x64xf32, #tpu.memory_space<vmem>> -> memref<1x64xf32, #tpu.memory_space<vmem>>
      %dma_start3A_2241 = tpu.memref_squeeze %dma_start3A_2240 : memref<1x64xf32, #tpu.memory_space<vmem>> -> memref<64xf32, #tpu.memory_space<vmem>>
      %dma_start3A_2242 = arith.constant 0 : i32
      %dma_start3A_2243 = tpu.memref_slice %arg4[%shift_right_logical3A_2226, %and3A_2228, %dma_start3A_2242] : memref<125000x8x64xf32, #tpu.memory_space<hbm>> -> memref<1x1x64xf32, #tpu.memory_space<hbm>>
      %dma_start3A_2244 = tpu.memref_squeeze %dma_start3A_2243 : memref<1x1x64xf32, #tpu.memory_space<hbm>> -> memref<64xf32, #tpu.memory_space<hbm>>
      tpu.enqueue_dma source(%dma_start3A_2244 : memref<64xf32, #tpu.memory_space<hbm>>) target(%dma_start3A_2241 : memref<64xf32, #tpu.memory_space<vmem>>) target_semaphore(%arg10 : memref<!tpu.dma_semaphore, #tpu.memory_space<semaphore_mem>>)
      %slice3A_2245 = vector.extract_strided_slice %get3A_2200 {offsets = [2], sizes = [1], strides = [1]} : vector<16xi32> to vector<1xi32>
      %squeeze3A_2246 = vector.extract %slice3A_2245[0] : i32 from vector<1xi32>
      %shift_right_logical3A_2247 = arith.constant 3 : i32
      %shift_right_logical3A_2248 = arith.shrui %squeeze3A_2246, %shift_right_logical3A_2247 : i32
      %and3A_2249 = arith.constant 7 : i32
      %and3A_2250 = arith.andi %squeeze3A_2246, %and3A_2249 : i32
      %mul3A_2251 = arith.constant 16 : i32
      %mul3A_2252 = arith.muli %scan3A_2195, %mul3A_2251 : i32
      %add3A_2253 = arith.constant 2 : i32
      %add3A_2254 = arith.addi %mul3A_2252, %add3A_2253 : i32
      %dma_start3A_2255 = arith.constant 0 : i32
      %dma_start3A_2256 = tpu.memref_slice %arg9[%add3A_2254, %dma_start3A_2255] : memref<512x64xf32, #tpu.memory_space<vmem>> -> memref<1x64xf32, #tpu.memory_space<vmem>>
      %dma_start3A_2257 = tpu.memref_squeeze %dma_start3A_2256 : memref<1x64xf32, #tpu.memory_space<vmem>> -> memref<64xf32, #tpu.memory_space<vmem>>
      %dma_start3A_2258 = arith.constant 0 : i32
      %dma_start3A_2259 = tpu.memref_slice %arg4[%shift_right_logical3A_2248, %and3A_2250, %dma_start3A_2258] : memref<125000x8x64xf32, #tpu.memory_space<hbm>> -> memref<1x1x64xf32, #tpu.memory_space<hbm>>
      %dma_start3A_2260 = tpu.memref_squeeze %dma_start3A_2259 : memref<1x1x64xf32, #tpu.memory_space<hbm>> -> memref<64xf32, #tpu.memory_space<hbm>>
      %dma_start3A_2261 = arith.constant 0 : i32
      %dma_start3A_2262 = tpu.memref_slice %arg9[%add3A_2254, %dma_start3A_2261] : memref<512x64xf32, #tpu.memory_space<vmem>> -> memref<1x64xf32, #tpu.memory_space<vmem>>
      %dma_start3A_2263 = tpu.memref_squeeze %dma_start3A_2262 : memref<1x64xf32, #tpu.memory_space<vmem>> -> memref<64xf32, #tpu.memory_space<vmem>>
      %dma_start3A_2264 = arith.constant 0 : i32
      %dma_start3A_2265 = tpu.memref_slice %arg4[%shift_right_logical3A_2248, %and3A_2250, %dma_start3A_2264] : memref<125000x8x64xf32, #tpu.memory_space<hbm>> -> memref<1x1x64xf32, #tpu.memory_space<hbm>>
      %dma_start3A_2266 = tpu.memref_squeeze %dma_start3A_2265 : memref<1x1x64xf32, #tpu.memory_space<hbm>> -> memref<64xf32, #tpu.memory_space<hbm>>
      tpu.enqueue_dma source(%dma_start3A_2266 : memref<64xf32, #tpu.memory_space<hbm>>) target(%dma_start3A_2263 : memref<64xf32, #tpu.memory_space<vmem>>) target_semaphore(%arg10 : memref<!tpu.dma_semaphore, #tpu.memory_space<semaphore_mem>>)
      %slice3A_2267 = vector.extract_strided_slice %get3A_2200 {offsets = [3], sizes = [1], strides = [1]} : vector<16xi32> to vector<1xi32>
      %squeeze3A_2268 = vector.extract %slice3A_2267[0] : i32 from vector<1xi32>
      %shift_right_logical3A_2269 = arith.constant 3 : i32
      %shift_right_logical3A_2270 = arith.shrui %squeeze3A_2268, %shift_right_logical3A_2269 : i32
      %and3A_2271 = arith.constant 7 : i32
      %and3A_2272 = arith.andi %squeeze3A_2268, %and3A_2271 : i32
      %mul3A_2273 = arith.constant 16 : i32
      %mul3A_2274 = arith.muli %scan3A_2195, %mul3A_2273 : i32
      %add3A_2275 = arith.constant 3 : i32
      %add3A_2276 = arith.addi %mul3A_2274, %add3A_2275 : i32
      %dma_start3A_2277 = arith.constant 0 : i32
      %dma_start3A_2278 = tpu.memref_slice %arg9[%add3A_2276, %dma_start3A_2277] : memref<512x64xf32, #tpu.memory_space<vmem>> -> memref<1x64xf32, #tpu.memory_space<vmem>>
      %dma_start3A_2279 = tpu.memref_squeeze %dma_start3A_2278 : memref<1x64xf32, #tpu.memory_space<vmem>> -> memref<64xf32, #tpu.memory_space<vmem>>
      %dma_start3A_2280 = arith.constant 0 : i32
      %dma_start3A_2281 = tpu.memref_slice %arg4[%shift_right_logical3A_2270, %and3A_2272, %dma_start3A_2280] : memref<125000x8x64xf32, #tpu.memory_space<hbm>> -> memref<1x1x64xf32, #tpu.memory_space<hbm>>
      %dma_start3A_2282 = tpu.memref_squeeze %dma_start3A_2281 : memref<1x1x64xf32, #tpu.memory_space<hbm>> -> memref<64xf32, #tpu.memory_space<hbm>>
      %dma_start3A_2283 = arith.constant 0 : i32
      %dma_start3A_2284 = tpu.memref_slice %arg9[%add3A_2276, %dma_start3A_2283] : memref<512x64xf32, #tpu.memory_space<vmem>> -> memref<1x64xf32, #tpu.memory_space<vmem>>
      %dma_start3A_2285 = tpu.memref_squeeze %dma_start3A_2284 : memref<1x64xf32, #tpu.memory_space<vmem>> -> memref<64xf32, #tpu.memory_space<vmem>>
      %dma_start3A_2286 = arith.constant 0 : i32
      %dma_start3A_2287 = tpu.memref_slice %arg4[%shift_right_logical3A_2270, %and3A_2272, %dma_start3A_2286] : memref<125000x8x64xf32, #tpu.memory_space<hbm>> -> memref<1x1x64xf32, #tpu.memory_space<hbm>>
      %dma_start3A_2288 = tpu.memref_squeeze %dma_start3A_2287 : memref<1x1x64xf32, #tpu.memory_space<hbm>> -> memref<64xf32, #tpu.memory_space<hbm>>
      tpu.enqueue_dma source(%dma_start3A_2288 : memref<64xf32, #tpu.memory_space<hbm>>) target(%dma_start3A_2285 : memref<64xf32, #tpu.memory_space<vmem>>) target_semaphore(%arg10 : memref<!tpu.dma_semaphore, #tpu.memory_space<semaphore_mem>>)
      %slice3A_2289 = vector.extract_strided_slice %get3A_2200 {offsets = [4], sizes = [1], strides = [1]} : vector<16xi32> to vector<1xi32>
      %squeeze3A_2290 = vector.extract %slice3A_2289[0] : i32 from vector<1xi32>
      %shift_right_logical3A_2291 = arith.constant 3 : i32
      %shift_right_logical3A_2292 = arith.shrui %squeeze3A_2290, %shift_right_logical3A_2291 : i32
      %and3A_2293 = arith.constant 7 : i32
      %and3A_2294 = arith.andi %squeeze3A_2290, %and3A_2293 : i32
      %mul3A_2295 = arith.constant 16 : i32
      %mul3A_2296 = arith.muli %scan3A_2195, %mul3A_2295 : i32
      %add3A_2297 = arith.constant 4 : i32
      %add3A_2298 = arith.addi %mul3A_2296, %add3A_2297 : i32
      %dma_start3A_2299 = arith.constant 0 : i32
      %dma_start3A_2300 = tpu.memref_slice %arg9[%add3A_2298, %dma_start3A_2299] : memref<512x64xf32, #tpu.memory_space<vmem>> -> memref<1x64xf32, #tpu.memory_space<vmem>>
      %dma_start3A_2301 = tpu.memref_squeeze %dma_start3A_2300 : memref<1x64xf32, #tpu.memory_space<vmem>> -> memref<64xf32, #tpu.memory_space<vmem>>
      %dma_start3A_2302 = arith.constant 0 : i32
      %dma_start3A_2303 = tpu.memref_slice %arg4[%shift_right_logical3A_2292, %and3A_2294, %dma_start3A_2302] : memref<125000x8x64xf32, #tpu.memory_space<hbm>> -> memref<1x1x64xf32, #tpu.memory_space<hbm>>
      %dma_start3A_2304 = tpu.memref_squeeze %dma_start3A_2303 : memref<1x1x64xf32, #tpu.memory_space<hbm>> -> memref<64xf32, #tpu.memory_space<hbm>>
      %dma_start3A_2305 = arith.constant 0 : i32
      %dma_start3A_2306 = tpu.memref_slice %arg9[%add3A_2298, %dma_start3A_2305] : memref<512x64xf32, #tpu.memory_space<vmem>> -> memref<1x64xf32, #tpu.memory_space<vmem>>
      %dma_start3A_2307 = tpu.memref_squeeze %dma_start3A_2306 : memref<1x64xf32, #tpu.memory_space<vmem>> -> memref<64xf32, #tpu.memory_space<vmem>>
      %dma_start3A_2308 = arith.constant 0 : i32
      %dma_start3A_2309 = tpu.memref_slice %arg4[%shift_right_logical3A_2292, %and3A_2294, %dma_start3A_2308] : memref<125000x8x64xf32, #tpu.memory_space<hbm>> -> memref<1x1x64xf32, #tpu.memory_space<hbm>>
      %dma_start3A_2310 = tpu.memref_squeeze %dma_start3A_2309 : memref<1x1x64xf32, #tpu.memory_space<hbm>> -> memref<64xf32, #tpu.memory_space<hbm>>
      tpu.enqueue_dma source(%dma_start3A_2310 : memref<64xf32, #tpu.memory_space<hbm>>) target(%dma_start3A_2307 : memref<64xf32, #tpu.memory_space<vmem>>) target_semaphore(%arg10 : memref<!tpu.dma_semaphore, #tpu.memory_space<semaphore_mem>>)
      %slice3A_2311 = vector.extract_strided_slice %get3A_2200 {offsets = [5], sizes = [1], strides = [1]} : vector<16xi32> to vector<1xi32>
      %squeeze3A_2312 = vector.extract %slice3A_2311[0] : i32 from vector<1xi32>
      %shift_right_logical3A_2313 = arith.constant 3 : i32
      %shift_right_logical3A_2314 = arith.shrui %squeeze3A_2312, %shift_right_logical3A_2313 : i32
      %and3A_2315 = arith.constant 7 : i32
      %and3A_2316 = arith.andi %squeeze3A_2312, %and3A_2315 : i32
      %mul3A_2317 = arith.constant 16 : i32
      %mul3A_2318 = arith.muli %scan3A_2195, %mul3A_2317 : i32
      %add3A_2319 = arith.constant 5 : i32
      %add3A_2320 = arith.addi %mul3A_2318, %add3A_2319 : i32
      %dma_start3A_2321 = arith.constant 0 : i32
      %dma_start3A_2322 = tpu.memref_slice %arg9[%add3A_2320, %dma_start3A_2321] : memref<512x64xf32, #tpu.memory_space<vmem>> -> memref<1x64xf32, #tpu.memory_space<vmem>>
      %dma_start3A_2323 = tpu.memref_squeeze %dma_start3A_2322 : memref<1x64xf32, #tpu.memory_space<vmem>> -> memref<64xf32, #tpu.memory_space<vmem>>
      %dma_start3A_2324 = arith.constant 0 : i32
      %dma_start3A_2325 = tpu.memref_slice %arg4[%shift_right_logical3A_2314, %and3A_2316, %dma_start3A_2324] : memref<125000x8x64xf32, #tpu.memory_space<hbm>> -> memref<1x1x64xf32, #tpu.memory_space<hbm>>
      %dma_start3A_2326 = tpu.memref_squeeze %dma_start3A_2325 : memref<1x1x64xf32, #tpu.memory_space<hbm>> -> memref<64xf32, #tpu.memory_space<hbm>>
      %dma_start3A_2327 = arith.constant 0 : i32
      %dma_start3A_2328 = tpu.memref_slice %arg9[%add3A_2320, %dma_start3A_2327] : memref<512x64xf32, #tpu.memory_space<vmem>> -> memref<1x64xf32, #tpu.memory_space<vmem>>
      %dma_start3A_2329 = tpu.memref_squeeze %dma_start3A_2328 : memref<1x64xf32, #tpu.memory_space<vmem>> -> memref<64xf32, #tpu.memory_space<vmem>>
      %dma_start3A_2330 = arith.constant 0 : i32
      %dma_start3A_2331 = tpu.memref_slice %arg4[%shift_right_logical3A_2314, %and3A_2316, %dma_start3A_2330] : memref<125000x8x64xf32, #tpu.memory_space<hbm>> -> memref<1x1x64xf32, #tpu.memory_space<hbm>>
      %dma_start3A_2332 = tpu.memref_squeeze %dma_start3A_2331 : memref<1x1x64xf32, #tpu.memory_space<hbm>> -> memref<64xf32, #tpu.memory_space<hbm>>
      tpu.enqueue_dma source(%dma_start3A_2332 : memref<64xf32, #tpu.memory_space<hbm>>) target(%dma_start3A_2329 : memref<64xf32, #tpu.memory_space<vmem>>) target_semaphore(%arg10 : memref<!tpu.dma_semaphore, #tpu.memory_space<semaphore_mem>>)
      %slice3A_2333 = vector.extract_strided_slice %get3A_2200 {offsets = [6], sizes = [1], strides = [1]} : vector<16xi32> to vector<1xi32>
      %squeeze3A_2334 = vector.extract %slice3A_2333[0] : i32 from vector<1xi32>
      %shift_right_logical3A_2335 = arith.constant 3 : i32
      %shift_right_logical3A_2336 = arith.shrui %squeeze3A_2334, %shift_right_logical3A_2335 : i32
      %and3A_2337 = arith.constant 7 : i32
      %and3A_2338 = arith.andi %squeeze3A_2334, %and3A_2337 : i32
      %mul3A_2339 = arith.constant 16 : i32
      %mul3A_2340 = arith.muli %scan3A_2195, %mul3A_2339 : i32
      %add3A_2341 = arith.constant 6 : i32
      %add3A_2342 = arith.addi %mul3A_2340, %add3A_2341 : i32
      %dma_start3A_2343 = arith.constant 0 : i32
      %dma_start3A_2344 = tpu.memref_slice %arg9[%add3A_2342, %dma_start3A_2343] : memref<512x64xf32, #tpu.memory_space<vmem>> -> memref<1x64xf32, #tpu.memory_space<vmem>>
      %dma_start3A_2345 = tpu.memref_squeeze %dma_start3A_2344 : memref<1x64xf32, #tpu.memory_space<vmem>> -> memref<64xf32, #tpu.memory_space<vmem>>
      %dma_start3A_2346 = arith.constant 0 : i32
      %dma_start3A_2347 = tpu.memref_slice %arg4[%shift_right_logical3A_2336, %and3A_2338, %dma_start3A_2346] : memref<125000x8x64xf32, #tpu.memory_space<hbm>> -> memref<1x1x64xf32, #tpu.memory_space<hbm>>
      %dma_start3A_2348 = tpu.memref_squeeze %dma_start3A_2347 : memref<1x1x64xf32, #tpu.memory_space<hbm>> -> memref<64xf32, #tpu.memory_space<hbm>>
      %dma_start3A_2349 = arith.constant 0 : i32
      %dma_start3A_2350 = tpu.memref_slice %arg9[%add3A_2342, %dma_start3A_2349] : memref<512x64xf32, #tpu.memory_space<vmem>> -> memref<1x64xf32, #tpu.memory_space<vmem>>
      %dma_start3A_2351 = tpu.memref_squeeze %dma_start3A_2350 : memref<1x64xf32, #tpu.memory_space<vmem>> -> memref<64xf32, #tpu.memory_space<vmem>>
      %dma_start3A_2352 = arith.constant 0 : i32
      %dma_start3A_2353 = tpu.memref_slice %arg4[%shift_right_logical3A_2336, %and3A_2338, %dma_start3A_2352] : memref<125000x8x64xf32, #tpu.memory_space<hbm>> -> memref<1x1x64xf32, #tpu.memory_space<hbm>>
      %dma_start3A_2354 = tpu.memref_squeeze %dma_start3A_2353 : memref<1x1x64xf32, #tpu.memory_space<hbm>> -> memref<64xf32, #tpu.memory_space<hbm>>
      tpu.enqueue_dma source(%dma_start3A_2354 : memref<64xf32, #tpu.memory_space<hbm>>) target(%dma_start3A_2351 : memref<64xf32, #tpu.memory_space<vmem>>) target_semaphore(%arg10 : memref<!tpu.dma_semaphore, #tpu.memory_space<semaphore_mem>>)
      %slice3A_2355 = vector.extract_strided_slice %get3A_2200 {offsets = [7], sizes = [1], strides = [1]} : vector<16xi32> to vector<1xi32>
      %squeeze3A_2356 = vector.extract %slice3A_2355[0] : i32 from vector<1xi32>
      %shift_right_logical3A_2357 = arith.constant 3 : i32
      %shift_right_logical3A_2358 = arith.shrui %squeeze3A_2356, %shift_right_logical3A_2357 : i32
      %and3A_2359 = arith.constant 7 : i32
      %and3A_2360 = arith.andi %squeeze3A_2356, %and3A_2359 : i32
      %mul3A_2361 = arith.constant 16 : i32
      %mul3A_2362 = arith.muli %scan3A_2195, %mul3A_2361 : i32
      %add3A_2363 = arith.constant 7 : i32
      %add3A_2364 = arith.addi %mul3A_2362, %add3A_2363 : i32
      %dma_start3A_2365 = arith.constant 0 : i32
      %dma_start3A_2366 = tpu.memref_slice %arg9[%add3A_2364, %dma_start3A_2365] : memref<512x64xf32, #tpu.memory_space<vmem>> -> memref<1x64xf32, #tpu.memory_space<vmem>>
      %dma_start3A_2367 = tpu.memref_squeeze %dma_start3A_2366 : memref<1x64xf32, #tpu.memory_space<vmem>> -> memref<64xf32, #tpu.memory_space<vmem>>
      %dma_start3A_2368 = arith.constant 0 : i32
      %dma_start3A_2369 = tpu.memref_slice %arg4[%shift_right_logical3A_2358, %and3A_2360, %dma_start3A_2368] : memref<125000x8x64xf32, #tpu.memory_space<hbm>> -> memref<1x1x64xf32, #tpu.memory_space<hbm>>
      %dma_start3A_2370 = tpu.memref_squeeze %dma_start3A_2369 : memref<1x1x64xf32, #tpu.memory_space<hbm>> -> memref<64xf32, #tpu.memory_space<hbm>>
      %dma_start3A_2371 = arith.constant 0 : i32
      %dma_start3A_2372 = tpu.memref_slice %arg9[%add3A_2364, %dma_start3A_2371] : memref<512x64xf32, #tpu.memory_space<vmem>> -> memref<1x64xf32, #tpu.memory_space<vmem>>
      %dma_start3A_2373 = tpu.memref_squeeze %dma_start3A_2372 : memref<1x64xf32, #tpu.memory_space<vmem>> -> memref<64xf32, #tpu.memory_space<vmem>>
      %dma_start3A_2374 = arith.constant 0 : i32
      %dma_start3A_2375 = tpu.memref_slice %arg4[%shift_right_logical3A_2358, %and3A_2360, %dma_start3A_2374] : memref<125000x8x64xf32, #tpu.memory_space<hbm>> -> memref<1x1x64xf32, #tpu.memory_space<hbm>>
      %dma_start3A_2376 = tpu.memref_squeeze %dma_start3A_2375 : memref<1x1x64xf32, #tpu.memory_space<hbm>> -> memref<64xf32, #tpu.memory_space<hbm>>
      tpu.enqueue_dma source(%dma_start3A_2376 : memref<64xf32, #tpu.memory_space<hbm>>) target(%dma_start3A_2373 : memref<64xf32, #tpu.memory_space<vmem>>) target_semaphore(%arg10 : memref<!tpu.dma_semaphore, #tpu.memory_space<semaphore_mem>>)
      %slice3A_2377 = vector.extract_strided_slice %get3A_2200 {offsets = [8], sizes = [1], strides = [1]} : vector<16xi32> to vector<1xi32>
      %squeeze3A_2378 = vector.extract %slice3A_2377[0] : i32 from vector<1xi32>
      %shift_right_logical3A_2379 = arith.constant 3 : i32
      %shift_right_logical3A_2380 = arith.shrui %squeeze3A_2378, %shift_right_logical3A_2379 : i32
      %and3A_2381 = arith.constant 7 : i32
      %and3A_2382 = arith.andi %squeeze3A_2378, %and3A_2381 : i32
      %mul3A_2383 = arith.constant 16 : i32
      %mul3A_2384 = arith.muli %scan3A_2195, %mul3A_2383 : i32
      %add3A_2385 = arith.constant 8 : i32
      %add3A_2386 = arith.addi %mul3A_2384, %add3A_2385 : i32
      %dma_start3A_2387 = arith.constant 0 : i32
      %dma_start3A_2388 = tpu.memref_slice %arg9[%add3A_2386, %dma_start3A_2387] : memref<512x64xf32, #tpu.memory_space<vmem>> -> memref<1x64xf32, #tpu.memory_space<vmem>>
      %dma_start3A_2389 = tpu.memref_squeeze %dma_start3A_2388 : memref<1x64xf32, #tpu.memory_space<vmem>> -> memref<64xf32, #tpu.memory_space<vmem>>
      %dma_start3A_2390 = arith.constant 0 : i32
      %dma_start3A_2391 = tpu.memref_slice %arg4[%shift_right_logical3A_2380, %and3A_2382, %dma_start3A_2390] : memref<125000x8x64xf32, #tpu.memory_space<hbm>> -> memref<1x1x64xf32, #tpu.memory_space<hbm>>
      %dma_start3A_2392 = tpu.memref_squeeze %dma_start3A_2391 : memref<1x1x64xf32, #tpu.memory_space<hbm>> -> memref<64xf32, #tpu.memory_space<hbm>>
      %dma_start3A_2393 = arith.constant 0 : i32
      %dma_start3A_2394 = tpu.memref_slice %arg9[%add3A_2386, %dma_start3A_2393] : memref<512x64xf32, #tpu.memory_space<vmem>> -> memref<1x64xf32, #tpu.memory_space<vmem>>
      %dma_start3A_2395 = tpu.memref_squeeze %dma_start3A_2394 : memref<1x64xf32, #tpu.memory_space<vmem>> -> memref<64xf32, #tpu.memory_space<vmem>>
      %dma_start3A_2396 = arith.constant 0 : i32
      %dma_start3A_2397 = tpu.memref_slice %arg4[%shift_right_logical3A_2380, %and3A_2382, %dma_start3A_2396] : memref<125000x8x64xf32, #tpu.memory_space<hbm>> -> memref<1x1x64xf32, #tpu.memory_space<hbm>>
      %dma_start3A_2398 = tpu.memref_squeeze %dma_start3A_2397 : memref<1x1x64xf32, #tpu.memory_space<hbm>> -> memref<64xf32, #tpu.memory_space<hbm>>
      tpu.enqueue_dma source(%dma_start3A_2398 : memref<64xf32, #tpu.memory_space<hbm>>) target(%dma_start3A_2395 : memref<64xf32, #tpu.memory_space<vmem>>) target_semaphore(%arg10 : memref<!tpu.dma_semaphore, #tpu.memory_space<semaphore_mem>>)
      %slice3A_2399 = vector.extract_strided_slice %get3A_2200 {offsets = [9], sizes = [1], strides = [1]} : vector<16xi32> to vector<1xi32>
      %squeeze3A_2400 = vector.extract %slice3A_2399[0] : i32 from vector<1xi32>
      %shift_right_logical3A_2401 = arith.constant 3 : i32
      %shift_right_logical3A_2402 = arith.shrui %squeeze3A_2400, %shift_right_logical3A_2401 : i32
      %and3A_2403 = arith.constant 7 : i32
      %and3A_2404 = arith.andi %squeeze3A_2400, %and3A_2403 : i32
      %mul3A_2405 = arith.constant 16 : i32
      %mul3A_2406 = arith.muli %scan3A_2195, %mul3A_2405 : i32
      %add3A_2407 = arith.constant 9 : i32
      %add3A_2408 = arith.addi %mul3A_2406, %add3A_2407 : i32
      %dma_start3A_2409 = arith.constant 0 : i32
      %dma_start3A_2410 = tpu.memref_slice %arg9[%add3A_2408, %dma_start3A_2409] : memref<512x64xf32, #tpu.memory_space<vmem>> -> memref<1x64xf32, #tpu.memory_space<vmem>>
      %dma_start3A_2411 = tpu.memref_squeeze %dma_start3A_2410 : memref<1x64xf32, #tpu.memory_space<vmem>> -> memref<64xf32, #tpu.memory_space<vmem>>
      %dma_start3A_2412 = arith.constant 0 : i32
      %dma_start3A_2413 = tpu.memref_slice %arg4[%shift_right_logical3A_2402, %and3A_2404, %dma_start3A_2412] : memref<125000x8x64xf32, #tpu.memory_space<hbm>> -> memref<1x1x64xf32, #tpu.memory_space<hbm>>
      %dma_start3A_2414 = tpu.memref_squeeze %dma_start3A_2413 : memref<1x1x64xf32, #tpu.memory_space<hbm>> -> memref<64xf32, #tpu.memory_space<hbm>>
      %dma_start3A_2415 = arith.constant 0 : i32
      %dma_start3A_2416 = tpu.memref_slice %arg9[%add3A_2408, %dma_start3A_2415] : memref<512x64xf32, #tpu.memory_space<vmem>> -> memref<1x64xf32, #tpu.memory_space<vmem>>
      %dma_start3A_2417 = tpu.memref_squeeze %dma_start3A_2416 : memref<1x64xf32, #tpu.memory_space<vmem>> -> memref<64xf32, #tpu.memory_space<vmem>>
      %dma_start3A_2418 = arith.constant 0 : i32
      %dma_start3A_2419 = tpu.memref_slice %arg4[%shift_right_logical3A_2402, %and3A_2404, %dma_start3A_2418] : memref<125000x8x64xf32, #tpu.memory_space<hbm>> -> memref<1x1x64xf32, #tpu.memory_space<hbm>>
      %dma_start3A_2420 = tpu.memref_squeeze %dma_start3A_2419 : memref<1x1x64xf32, #tpu.memory_space<hbm>> -> memref<64xf32, #tpu.memory_space<hbm>>
      tpu.enqueue_dma source(%dma_start3A_2420 : memref<64xf32, #tpu.memory_space<hbm>>) target(%dma_start3A_2417 : memref<64xf32, #tpu.memory_space<vmem>>) target_semaphore(%arg10 : memref<!tpu.dma_semaphore, #tpu.memory_space<semaphore_mem>>)
      %slice3A_2421 = vector.extract_strided_slice %get3A_2200 {offsets = [10], sizes = [1], strides = [1]} : vector<16xi32> to vector<1xi32>
      %squeeze3A_2422 = vector.extract %slice3A_2421[0] : i32 from vector<1xi32>
      %shift_right_logical3A_2423 = arith.constant 3 : i32
      %shift_right_logical3A_2424 = arith.shrui %squeeze3A_2422, %shift_right_logical3A_2423 : i32
      %and3A_2425 = arith.constant 7 : i32
      %and3A_2426 = arith.andi %squeeze3A_2422, %and3A_2425 : i32
      %mul3A_2427 = arith.constant 16 : i32
      %mul3A_2428 = arith.muli %scan3A_2195, %mul3A_2427 : i32
      %add3A_2429 = arith.constant 10 : i32
      %add3A_2430 = arith.addi %mul3A_2428, %add3A_2429 : i32
      %dma_start3A_2431 = arith.constant 0 : i32
      %dma_start3A_2432 = tpu.memref_slice %arg9[%add3A_2430, %dma_start3A_2431] : memref<512x64xf32, #tpu.memory_space<vmem>> -> memref<1x64xf32, #tpu.memory_space<vmem>>
      %dma_start3A_2433 = tpu.memref_squeeze %dma_start3A_2432 : memref<1x64xf32, #tpu.memory_space<vmem>> -> memref<64xf32, #tpu.memory_space<vmem>>
      %dma_start3A_2434 = arith.constant 0 : i32
      %dma_start3A_2435 = tpu.memref_slice %arg4[%shift_right_logical3A_2424, %and3A_2426, %dma_start3A_2434] : memref<125000x8x64xf32, #tpu.memory_space<hbm>> -> memref<1x1x64xf32, #tpu.memory_space<hbm>>
      %dma_start3A_2436 = tpu.memref_squeeze %dma_start3A_2435 : memref<1x1x64xf32, #tpu.memory_space<hbm>> -> memref<64xf32, #tpu.memory_space<hbm>>
      %dma_start3A_2437 = arith.constant 0 : i32
      %dma_start3A_2438 = tpu.memref_slice %arg9[%add3A_2430, %dma_start3A_2437] : memref<512x64xf32, #tpu.memory_space<vmem>> -> memref<1x64xf32, #tpu.memory_space<vmem>>
      %dma_start3A_2439 = tpu.memref_squeeze %dma_start3A_2438 : memref<1x64xf32, #tpu.memory_space<vmem>> -> memref<64xf32, #tpu.memory_space<vmem>>
      %dma_start3A_2440 = arith.constant 0 : i32
      %dma_start3A_2441 = tpu.memref_slice %arg4[%shift_right_logical3A_2424, %and3A_2426, %dma_start3A_2440] : memref<125000x8x64xf32, #tpu.memory_space<hbm>> -> memref<1x1x64xf32, #tpu.memory_space<hbm>>
      %dma_start3A_2442 = tpu.memref_squeeze %dma_start3A_2441 : memref<1x1x64xf32, #tpu.memory_space<hbm>> -> memref<64xf32, #tpu.memory_space<hbm>>
      tpu.enqueue_dma source(%dma_start3A_2442 : memref<64xf32, #tpu.memory_space<hbm>>) target(%dma_start3A_2439 : memref<64xf32, #tpu.memory_space<vmem>>) target_semaphore(%arg10 : memref<!tpu.dma_semaphore, #tpu.memory_space<semaphore_mem>>)
      %slice3A_2443 = vector.extract_strided_slice %get3A_2200 {offsets = [11], sizes = [1], strides = [1]} : vector<16xi32> to vector<1xi32>
      %squeeze3A_2444 = vector.extract %slice3A_2443[0] : i32 from vector<1xi32>
      %shift_right_logical3A_2445 = arith.constant 3 : i32
      %shift_right_logical3A_2446 = arith.shrui %squeeze3A_2444, %shift_right_logical3A_2445 : i32
      %and3A_2447 = arith.constant 7 : i32
      %and3A_2448 = arith.andi %squeeze3A_2444, %and3A_2447 : i32
      %mul3A_2449 = arith.constant 16 : i32
      %mul3A_2450 = arith.muli %scan3A_2195, %mul3A_2449 : i32
      %add3A_2451 = arith.constant 11 : i32
      %add3A_2452 = arith.addi %mul3A_2450, %add3A_2451 : i32
      %dma_start3A_2453 = arith.constant 0 : i32
      %dma_start3A_2454 = tpu.memref_slice %arg9[%add3A_2452, %dma_start3A_2453] : memref<512x64xf32, #tpu.memory_space<vmem>> -> memref<1x64xf32, #tpu.memory_space<vmem>>
      %dma_start3A_2455 = tpu.memref_squeeze %dma_start3A_2454 : memref<1x64xf32, #tpu.memory_space<vmem>> -> memref<64xf32, #tpu.memory_space<vmem>>
      %dma_start3A_2456 = arith.constant 0 : i32
      %dma_start3A_2457 = tpu.memref_slice %arg4[%shift_right_logical3A_2446, %and3A_2448, %dma_start3A_2456] : memref<125000x8x64xf32, #tpu.memory_space<hbm>> -> memref<1x1x64xf32, #tpu.memory_space<hbm>>
      %dma_start3A_2458 = tpu.memref_squeeze %dma_start3A_2457 : memref<1x1x64xf32, #tpu.memory_space<hbm>> -> memref<64xf32, #tpu.memory_space<hbm>>
      %dma_start3A_2459 = arith.constant 0 : i32
      %dma_start3A_2460 = tpu.memref_slice %arg9[%add3A_2452, %dma_start3A_2459] : memref<512x64xf32, #tpu.memory_space<vmem>> -> memref<1x64xf32, #tpu.memory_space<vmem>>
      %dma_start3A_2461 = tpu.memref_squeeze %dma_start3A_2460 : memref<1x64xf32, #tpu.memory_space<vmem>> -> memref<64xf32, #tpu.memory_space<vmem>>
      %dma_start3A_2462 = arith.constant 0 : i32
      %dma_start3A_2463 = tpu.memref_slice %arg4[%shift_right_logical3A_2446, %and3A_2448, %dma_start3A_2462] : memref<125000x8x64xf32, #tpu.memory_space<hbm>> -> memref<1x1x64xf32, #tpu.memory_space<hbm>>
      %dma_start3A_2464 = tpu.memref_squeeze %dma_start3A_2463 : memref<1x1x64xf32, #tpu.memory_space<hbm>> -> memref<64xf32, #tpu.memory_space<hbm>>
      tpu.enqueue_dma source(%dma_start3A_2464 : memref<64xf32, #tpu.memory_space<hbm>>) target(%dma_start3A_2461 : memref<64xf32, #tpu.memory_space<vmem>>) target_semaphore(%arg10 : memref<!tpu.dma_semaphore, #tpu.memory_space<semaphore_mem>>)
      %slice3A_2465 = vector.extract_strided_slice %get3A_2200 {offsets = [12], sizes = [1], strides = [1]} : vector<16xi32> to vector<1xi32>
      %squeeze3A_2466 = vector.extract %slice3A_2465[0] : i32 from vector<1xi32>
      %shift_right_logical3A_2467 = arith.constant 3 : i32
      %shift_right_logical3A_2468 = arith.shrui %squeeze3A_2466, %shift_right_logical3A_2467 : i32
      %and3A_2469 = arith.constant 7 : i32
      %and3A_2470 = arith.andi %squeeze3A_2466, %and3A_2469 : i32
      %mul3A_2471 = arith.constant 16 : i32
      %mul3A_2472 = arith.muli %scan3A_2195, %mul3A_2471 : i32
      %add3A_2473 = arith.constant 12 : i32
      %add3A_2474 = arith.addi %mul3A_2472, %add3A_2473 : i32
      %dma_start3A_2475 = arith.constant 0 : i32
      %dma_start3A_2476 = tpu.memref_slice %arg9[%add3A_2474, %dma_start3A_2475] : memref<512x64xf32, #tpu.memory_space<vmem>> -> memref<1x64xf32, #tpu.memory_space<vmem>>
      %dma_start3A_2477 = tpu.memref_squeeze %dma_start3A_2476 : memref<1x64xf32, #tpu.memory_space<vmem>> -> memref<64xf32, #tpu.memory_space<vmem>>
      %dma_start3A_2478 = arith.constant 0 : i32
      %dma_start3A_2479 = tpu.memref_slice %arg4[%shift_right_logical3A_2468, %and3A_2470, %dma_start3A_2478] : memref<125000x8x64xf32, #tpu.memory_space<hbm>> -> memref<1x1x64xf32, #tpu.memory_space<hbm>>
      %dma_start3A_2480 = tpu.memref_squeeze %dma_start3A_2479 : memref<1x1x64xf32, #tpu.memory_space<hbm>> -> memref<64xf32, #tpu.memory_space<hbm>>
      %dma_start3A_2481 = arith.constant 0 : i32
      %dma_start3A_2482 = tpu.memref_slice %arg9[%add3A_2474, %dma_start3A_2481] : memref<512x64xf32, #tpu.memory_space<vmem>> -> memref<1x64xf32, #tpu.memory_space<vmem>>
      %dma_start3A_2483 = tpu.memref_squeeze %dma_start3A_2482 : memref<1x64xf32, #tpu.memory_space<vmem>> -> memref<64xf32, #tpu.memory_space<vmem>>
      %dma_start3A_2484 = arith.constant 0 : i32
      %dma_start3A_2485 = tpu.memref_slice %arg4[%shift_right_logical3A_2468, %and3A_2470, %dma_start3A_2484] : memref<125000x8x64xf32, #tpu.memory_space<hbm>> -> memref<1x1x64xf32, #tpu.memory_space<hbm>>
      %dma_start3A_2486 = tpu.memref_squeeze %dma_start3A_2485 : memref<1x1x64xf32, #tpu.memory_space<hbm>> -> memref<64xf32, #tpu.memory_space<hbm>>
      tpu.enqueue_dma source(%dma_start3A_2486 : memref<64xf32, #tpu.memory_space<hbm>>) target(%dma_start3A_2483 : memref<64xf32, #tpu.memory_space<vmem>>) target_semaphore(%arg10 : memref<!tpu.dma_semaphore, #tpu.memory_space<semaphore_mem>>)
      %slice3A_2487 = vector.extract_strided_slice %get3A_2200 {offsets = [13], sizes = [1], strides = [1]} : vector<16xi32> to vector<1xi32>
      %squeeze3A_2488 = vector.extract %slice3A_2487[0] : i32 from vector<1xi32>
      %shift_right_logical3A_2489 = arith.constant 3 : i32
      %shift_right_logical3A_2490 = arith.shrui %squeeze3A_2488, %shift_right_logical3A_2489 : i32
      %and3A_2491 = arith.constant 7 : i32
      %and3A_2492 = arith.andi %squeeze3A_2488, %and3A_2491 : i32
      %mul3A_2493 = arith.constant 16 : i32
      %mul3A_2494 = arith.muli %scan3A_2195, %mul3A_2493 : i32
      %add3A_2495 = arith.constant 13 : i32
      %add3A_2496 = arith.addi %mul3A_2494, %add3A_2495 : i32
      %dma_start3A_2497 = arith.constant 0 : i32
      %dma_start3A_2498 = tpu.memref_slice %arg9[%add3A_2496, %dma_start3A_2497] : memref<512x64xf32, #tpu.memory_space<vmem>> -> memref<1x64xf32, #tpu.memory_space<vmem>>
      %dma_start3A_2499 = tpu.memref_squeeze %dma_start3A_2498 : memref<1x64xf32, #tpu.memory_space<vmem>> -> memref<64xf32, #tpu.memory_space<vmem>>
      %dma_start3A_2500 = arith.constant 0 : i32
      %dma_start3A_2501 = tpu.memref_slice %arg4[%shift_right_logical3A_2490, %and3A_2492, %dma_start3A_2500] : memref<125000x8x64xf32, #tpu.memory_space<hbm>> -> memref<1x1x64xf32, #tpu.memory_space<hbm>>
      %dma_start3A_2502 = tpu.memref_squeeze %dma_start3A_2501 : memref<1x1x64xf32, #tpu.memory_space<hbm>> -> memref<64xf32, #tpu.memory_space<hbm>>
      %dma_start3A_2503 = arith.constant 0 : i32
      %dma_start3A_2504 = tpu.memref_slice %arg9[%add3A_2496, %dma_start3A_2503] : memref<512x64xf32, #tpu.memory_space<vmem>> -> memref<1x64xf32, #tpu.memory_space<vmem>>
      %dma_start3A_2505 = tpu.memref_squeeze %dma_start3A_2504 : memref<1x64xf32, #tpu.memory_space<vmem>> -> memref<64xf32, #tpu.memory_space<vmem>>
      %dma_start3A_2506 = arith.constant 0 : i32
      %dma_start3A_2507 = tpu.memref_slice %arg4[%shift_right_logical3A_2490, %and3A_2492, %dma_start3A_2506] : memref<125000x8x64xf32, #tpu.memory_space<hbm>> -> memref<1x1x64xf32, #tpu.memory_space<hbm>>
      %dma_start3A_2508 = tpu.memref_squeeze %dma_start3A_2507 : memref<1x1x64xf32, #tpu.memory_space<hbm>> -> memref<64xf32, #tpu.memory_space<hbm>>
      tpu.enqueue_dma source(%dma_start3A_2508 : memref<64xf32, #tpu.memory_space<hbm>>) target(%dma_start3A_2505 : memref<64xf32, #tpu.memory_space<vmem>>) target_semaphore(%arg10 : memref<!tpu.dma_semaphore, #tpu.memory_space<semaphore_mem>>)
      %slice3A_2509 = vector.extract_strided_slice %get3A_2200 {offsets = [14], sizes = [1], strides = [1]} : vector<16xi32> to vector<1xi32>
      %squeeze3A_2510 = vector.extract %slice3A_2509[0] : i32 from vector<1xi32>
      %shift_right_logical3A_2511 = arith.constant 3 : i32
      %shift_right_logical3A_2512 = arith.shrui %squeeze3A_2510, %shift_right_logical3A_2511 : i32
      %and3A_2513 = arith.constant 7 : i32
      %and3A_2514 = arith.andi %squeeze3A_2510, %and3A_2513 : i32
      %mul3A_2515 = arith.constant 16 : i32
      %mul3A_2516 = arith.muli %scan3A_2195, %mul3A_2515 : i32
      %add3A_2517 = arith.constant 14 : i32
      %add3A_2518 = arith.addi %mul3A_2516, %add3A_2517 : i32
      %dma_start3A_2519 = arith.constant 0 : i32
      %dma_start3A_2520 = tpu.memref_slice %arg9[%add3A_2518, %dma_start3A_2519] : memref<512x64xf32, #tpu.memory_space<vmem>> -> memref<1x64xf32, #tpu.memory_space<vmem>>
      %dma_start3A_2521 = tpu.memref_squeeze %dma_start3A_2520 : memref<1x64xf32, #tpu.memory_space<vmem>> -> memref<64xf32, #tpu.memory_space<vmem>>
      %dma_start3A_2522 = arith.constant 0 : i32
      %dma_start3A_2523 = tpu.memref_slice %arg4[%shift_right_logical3A_2512, %and3A_2514, %dma_start3A_2522] : memref<125000x8x64xf32, #tpu.memory_space<hbm>> -> memref<1x1x64xf32, #tpu.memory_space<hbm>>
      %dma_start3A_2524 = tpu.memref_squeeze %dma_start3A_2523 : memref<1x1x64xf32, #tpu.memory_space<hbm>> -> memref<64xf32, #tpu.memory_space<hbm>>
      %dma_start3A_2525 = arith.constant 0 : i32
      %dma_start3A_2526 = tpu.memref_slice %arg9[%add3A_2518, %dma_start3A_2525] : memref<512x64xf32, #tpu.memory_space<vmem>> -> memref<1x64xf32, #tpu.memory_space<vmem>>
      %dma_start3A_2527 = tpu.memref_squeeze %dma_start3A_2526 : memref<1x64xf32, #tpu.memory_space<vmem>> -> memref<64xf32, #tpu.memory_space<vmem>>
      %dma_start3A_2528 = arith.constant 0 : i32
      %dma_start3A_2529 = tpu.memref_slice %arg4[%shift_right_logical3A_2512, %and3A_2514, %dma_start3A_2528] : memref<125000x8x64xf32, #tpu.memory_space<hbm>> -> memref<1x1x64xf32, #tpu.memory_space<hbm>>
      %dma_start3A_2530 = tpu.memref_squeeze %dma_start3A_2529 : memref<1x1x64xf32, #tpu.memory_space<hbm>> -> memref<64xf32, #tpu.memory_space<hbm>>
      tpu.enqueue_dma source(%dma_start3A_2530 : memref<64xf32, #tpu.memory_space<hbm>>) target(%dma_start3A_2527 : memref<64xf32, #tpu.memory_space<vmem>>) target_semaphore(%arg10 : memref<!tpu.dma_semaphore, #tpu.memory_space<semaphore_mem>>)
      %slice3A_2531 = vector.extract_strided_slice %get3A_2200 {offsets = [15], sizes = [1], strides = [1]} : vector<16xi32> to vector<1xi32>
      %squeeze3A_2532 = vector.extract %slice3A_2531[0] : i32 from vector<1xi32>
      %shift_right_logical3A_2533 = arith.constant 3 : i32
      %shift_right_logical3A_2534 = arith.shrui %squeeze3A_2532, %shift_right_logical3A_2533 : i32
      %and3A_2535 = arith.constant 7 : i32
      %and3A_2536 = arith.andi %squeeze3A_2532, %and3A_2535 : i32
      %mul3A_2537 = arith.constant 16 : i32
      %mul3A_2538 = arith.muli %scan3A_2195, %mul3A_2537 : i32
      %add3A_2539 = arith.constant 15 : i32
      %add3A_2540 = arith.addi %mul3A_2538, %add3A_2539 : i32
      %dma_start3A_2541 = arith.constant 0 : i32
      %dma_start3A_2542 = tpu.memref_slice %arg9[%add3A_2540, %dma_start3A_2541] : memref<512x64xf32, #tpu.memory_space<vmem>> -> memref<1x64xf32, #tpu.memory_space<vmem>>
      %dma_start3A_2543 = tpu.memref_squeeze %dma_start3A_2542 : memref<1x64xf32, #tpu.memory_space<vmem>> -> memref<64xf32, #tpu.memory_space<vmem>>
      %dma_start3A_2544 = arith.constant 0 : i32
      %dma_start3A_2545 = tpu.memref_slice %arg4[%shift_right_logical3A_2534, %and3A_2536, %dma_start3A_2544] : memref<125000x8x64xf32, #tpu.memory_space<hbm>> -> memref<1x1x64xf32, #tpu.memory_space<hbm>>
      %dma_start3A_2546 = tpu.memref_squeeze %dma_start3A_2545 : memref<1x1x64xf32, #tpu.memory_space<hbm>> -> memref<64xf32, #tpu.memory_space<hbm>>
      %dma_start3A_2547 = arith.constant 0 : i32
      %dma_start3A_2548 = tpu.memref_slice %arg9[%add3A_2540, %dma_start3A_2547] : memref<512x64xf32, #tpu.memory_space<vmem>> -> memref<1x64xf32, #tpu.memory_space<vmem>>
      %dma_start3A_2549 = tpu.memref_squeeze %dma_start3A_2548 : memref<1x64xf32, #tpu.memory_space<vmem>> -> memref<64xf32, #tpu.memory_space<vmem>>
      %dma_start3A_2550 = arith.constant 0 : i32
      %dma_start3A_2551 = tpu.memref_slice %arg4[%shift_right_logical3A_2534, %and3A_2536, %dma_start3A_2550] : memref<125000x8x64xf32, #tpu.memory_space<hbm>> -> memref<1x1x64xf32, #tpu.memory_space<hbm>>
      %dma_start3A_2552 = tpu.memref_squeeze %dma_start3A_2551 : memref<1x1x64xf32, #tpu.memory_space<hbm>> -> memref<64xf32, #tpu.memory_space<hbm>>
      tpu.enqueue_dma source(%dma_start3A_2552 : memref<64xf32, #tpu.memory_space<hbm>>) target(%dma_start3A_2549 : memref<64xf32, #tpu.memory_space<vmem>>) target_semaphore(%arg10 : memref<!tpu.dma_semaphore, #tpu.memory_space<semaphore_mem>>)
      %dma_wait3A_2553 = arith.constant 0 : i32
      %dma_wait3A_2554 = arith.constant 0 : i32
      %dma_wait3A_2555 = arith.constant 0 : i32
      %dma_wait3A_2556 = arith.constant 0 : i32
      %dma_wait3A_2557 = tpu.memref_slice %arg9[%dma_wait3A_2555, %dma_wait3A_2556] : memref<512x64xf32, #tpu.memory_space<vmem>> -> memref<1x64xf32, #tpu.memory_space<vmem>>
      %dma_wait3A_2558 = tpu.memref_squeeze %dma_wait3A_2557 : memref<1x64xf32, #tpu.memory_space<vmem>> -> memref<64xf32, #tpu.memory_space<vmem>>
      %dma_wait3A_2559 = arith.constant 0 : i32
      %dma_wait3A_2560 = tpu.memref_slice %arg4[%dma_wait3A_2553, %dma_wait3A_2554, %dma_wait3A_2559] : memref<125000x8x64xf32, #tpu.memory_space<hbm>> -> memref<1x1x64xf32, #tpu.memory_space<hbm>>
      %dma_wait3A_2561 = tpu.memref_squeeze %dma_wait3A_2560 : memref<1x1x64xf32, #tpu.memory_space<hbm>> -> memref<64xf32, #tpu.memory_space<hbm>>
      %dma_wait3A_2562 = arith.constant 0 : i32
      %dma_wait3A_2563 = tpu.memref_slice %arg9[%dma_wait3A_2555, %dma_wait3A_2562] : memref<512x64xf32, #tpu.memory_space<vmem>> -> memref<1x64xf32, #tpu.memory_space<vmem>>
      %dma_wait3A_2564 = tpu.memref_squeeze %dma_wait3A_2563 : memref<1x64xf32, #tpu.memory_space<vmem>> -> memref<64xf32, #tpu.memory_space<vmem>>
      %dma_wait3A_2565 = arith.constant 0 : i32
      %dma_wait3A_2566 = tpu.memref_slice %arg4[%dma_wait3A_2553, %dma_wait3A_2554, %dma_wait3A_2565] : memref<125000x8x64xf32, #tpu.memory_space<hbm>> -> memref<1x1x64xf32, #tpu.memory_space<hbm>>
      %dma_wait3A_2567 = tpu.memref_squeeze %dma_wait3A_2566 : memref<1x1x64xf32, #tpu.memory_space<hbm>> -> memref<64xf32, #tpu.memory_space<hbm>>
      tpu.wait_dma2 semaphore(%arg10 : memref<!tpu.dma_semaphore, #tpu.memory_space<semaphore_mem>>) src(%dma_wait3A_2567 : memref<64xf32, #tpu.memory_space<hbm>>) dst(%dma_wait3A_2564 : memref<64xf32, #tpu.memory_space<vmem>>)
      %dma_wait3A_2568 = arith.constant 0 : i32
      %dma_wait3A_2569 = arith.constant 0 : i32
      %dma_wait3A_2570 = arith.constant 0 : i32
      %dma_wait3A_2571 = arith.constant 0 : i32
      %dma_wait3A_2572 = tpu.memref_slice %arg9[%dma_wait3A_2570, %dma_wait3A_2571] : memref<512x64xf32, #tpu.memory_space<vmem>> -> memref<1x64xf32, #tpu.memory_space<vmem>>
      %dma_wait3A_2573 = tpu.memref_squeeze %dma_wait3A_2572 : memref<1x64xf32, #tpu.memory_space<vmem>> -> memref<64xf32, #tpu.memory_space<vmem>>
      %dma_wait3A_2574 = arith.constant 0 : i32
      %dma_wait3A_2575 = tpu.memref_slice %arg4[%dma_wait3A_2568, %dma_wait3A_2569, %dma_wait3A_2574] : memref<125000x8x64xf32, #tpu.memory_space<hbm>> -> memref<1x1x64xf32, #tpu.memory_space<hbm>>
      %dma_wait3A_2576 = tpu.memref_squeeze %dma_wait3A_2575 : memref<1x1x64xf32, #tpu.memory_space<hbm>> -> memref<64xf32, #tpu.memory_space<hbm>>
      %dma_wait3A_2577 = arith.constant 0 : i32
      %dma_wait3A_2578 = tpu.memref_slice %arg9[%dma_wait3A_2570, %dma_wait3A_2577] : memref<512x64xf32, #tpu.memory_space<vmem>> -> memref<1x64xf32, #tpu.memory_space<vmem>>
      %dma_wait3A_2579 = tpu.memref_squeeze %dma_wait3A_2578 : memref<1x64xf32, #tpu.memory_space<vmem>> -> memref<64xf32, #tpu.memory_space<vmem>>
      %dma_wait3A_2580 = arith.constant 0 : i32
      %dma_wait3A_2581 = tpu.memref_slice %arg4[%dma_wait3A_2568, %dma_wait3A_2569, %dma_wait3A_2580] : memref<125000x8x64xf32, #tpu.memory_space<hbm>> -> memref<1x1x64xf32, #tpu.memory_space<hbm>>
      %dma_wait3A_2582 = tpu.memref_squeeze %dma_wait3A_2581 : memref<1x1x64xf32, #tpu.memory_space<hbm>> -> memref<64xf32, #tpu.memory_space<hbm>>
      tpu.wait_dma2 semaphore(%arg10 : memref<!tpu.dma_semaphore, #tpu.memory_space<semaphore_mem>>) src(%dma_wait3A_2582 : memref<64xf32, #tpu.memory_space<hbm>>) dst(%dma_wait3A_2579 : memref<64xf32, #tpu.memory_space<vmem>>)
      %dma_wait3A_2583 = arith.constant 0 : i32
      %dma_wait3A_2584 = arith.constant 0 : i32
      %dma_wait3A_2585 = arith.constant 0 : i32
      %dma_wait3A_2586 = arith.constant 0 : i32
      %dma_wait3A_2587 = tpu.memref_slice %arg9[%dma_wait3A_2585, %dma_wait3A_2586] : memref<512x64xf32, #tpu.memory_space<vmem>> -> memref<1x64xf32, #tpu.memory_space<vmem>>
      %dma_wait3A_2588 = tpu.memref_squeeze %dma_wait3A_2587 : memref<1x64xf32, #tpu.memory_space<vmem>> -> memref<64xf32, #tpu.memory_space<vmem>>
      %dma_wait3A_2589 = arith.constant 0 : i32
      %dma_wait3A_2590 = tpu.memref_slice %arg4[%dma_wait3A_2583, %dma_wait3A_2584, %dma_wait3A_2589] : memref<125000x8x64xf32, #tpu.memory_space<hbm>> -> memref<1x1x64xf32, #tpu.memory_space<hbm>>
      %dma_wait3A_2591 = tpu.memref_squeeze %dma_wait3A_2590 : memref<1x1x64xf32, #tpu.memory_space<hbm>> -> memref<64xf32, #tpu.memory_space<hbm>>
      %dma_wait3A_2592 = arith.constant 0 : i32
      %dma_wait3A_2593 = tpu.memref_slice %arg9[%dma_wait3A_2585, %dma_wait3A_2592] : memref<512x64xf32, #tpu.memory_space<vmem>> -> memref<1x64xf32, #tpu.memory_space<vmem>>
      %dma_wait3A_2594 = tpu.memref_squeeze %dma_wait3A_2593 : memref<1x64xf32, #tpu.memory_space<vmem>> -> memref<64xf32, #tpu.memory_space<vmem>>
      %dma_wait3A_2595 = arith.constant 0 : i32
      %dma_wait3A_2596 = tpu.memref_slice %arg4[%dma_wait3A_2583, %dma_wait3A_2584, %dma_wait3A_2595] : memref<125000x8x64xf32, #tpu.memory_space<hbm>> -> memref<1x1x64xf32, #tpu.memory_space<hbm>>
      %dma_wait3A_2597 = tpu.memref_squeeze %dma_wait3A_2596 : memref<1x1x64xf32, #tpu.memory_space<hbm>> -> memref<64xf32, #tpu.memory_space<hbm>>
      tpu.wait_dma2 semaphore(%arg10 : memref<!tpu.dma_semaphore, #tpu.memory_space<semaphore_mem>>) src(%dma_wait3A_2597 : memref<64xf32, #tpu.memory_space<hbm>>) dst(%dma_wait3A_2594 : memref<64xf32, #tpu.memory_space<vmem>>)
      %dma_wait3A_2598 = arith.constant 0 : i32
      %dma_wait3A_2599 = arith.constant 0 : i32
      %dma_wait3A_2600 = arith.constant 0 : i32
      %dma_wait3A_2601 = arith.constant 0 : i32
      %dma_wait3A_2602 = tpu.memref_slice %arg9[%dma_wait3A_2600, %dma_wait3A_2601] : memref<512x64xf32, #tpu.memory_space<vmem>> -> memref<1x64xf32, #tpu.memory_space<vmem>>
      %dma_wait3A_2603 = tpu.memref_squeeze %dma_wait3A_2602 : memref<1x64xf32, #tpu.memory_space<vmem>> -> memref<64xf32, #tpu.memory_space<vmem>>
      %dma_wait3A_2604 = arith.constant 0 : i32
      %dma_wait3A_2605 = tpu.memref_slice %arg4[%dma_wait3A_2598, %dma_wait3A_2599, %dma_wait3A_2604] : memref<125000x8x64xf32, #tpu.memory_space<hbm>> -> memref<1x1x64xf32, #tpu.memory_space<hbm>>
      %dma_wait3A_2606 = tpu.memref_squeeze %dma_wait3A_2605 : memref<1x1x64xf32, #tpu.memory_space<hbm>> -> memref<64xf32, #tpu.memory_space<hbm>>
      %dma_wait3A_2607 = arith.constant 0 : i32
      %dma_wait3A_2608 = tpu.memref_slice %arg9[%dma_wait3A_2600, %dma_wait3A_2607] : memref<512x64xf32, #tpu.memory_space<vmem>> -> memref<1x64xf32, #tpu.memory_space<vmem>>
      %dma_wait3A_2609 = tpu.memref_squeeze %dma_wait3A_2608 : memref<1x64xf32, #tpu.memory_space<vmem>> -> memref<64xf32, #tpu.memory_space<vmem>>
      %dma_wait3A_2610 = arith.constant 0 : i32
      %dma_wait3A_2611 = tpu.memref_slice %arg4[%dma_wait3A_2598, %dma_wait3A_2599, %dma_wait3A_2610] : memref<125000x8x64xf32, #tpu.memory_space<hbm>> -> memref<1x1x64xf32, #tpu.memory_space<hbm>>
      %dma_wait3A_2612 = tpu.memref_squeeze %dma_wait3A_2611 : memref<1x1x64xf32, #tpu.memory_space<hbm>> -> memref<64xf32, #tpu.memory_space<hbm>>
      tpu.wait_dma2 semaphore(%arg10 : memref<!tpu.dma_semaphore, #tpu.memory_space<semaphore_mem>>) src(%dma_wait3A_2612 : memref<64xf32, #tpu.memory_space<hbm>>) dst(%dma_wait3A_2609 : memref<64xf32, #tpu.memory_space<vmem>>)
      %dma_wait3A_2613 = arith.constant 0 : i32
      %dma_wait3A_2614 = arith.constant 0 : i32
      %dma_wait3A_2615 = arith.constant 0 : i32
      %dma_wait3A_2616 = arith.constant 0 : i32
      %dma_wait3A_2617 = tpu.memref_slice %arg9[%dma_wait3A_2615, %dma_wait3A_2616] : memref<512x64xf32, #tpu.memory_space<vmem>> -> memref<1x64xf32, #tpu.memory_space<vmem>>
      %dma_wait3A_2618 = tpu.memref_squeeze %dma_wait3A_2617 : memref<1x64xf32, #tpu.memory_space<vmem>> -> memref<64xf32, #tpu.memory_space<vmem>>
      %dma_wait3A_2619 = arith.constant 0 : i32
      %dma_wait3A_2620 = tpu.memref_slice %arg4[%dma_wait3A_2613, %dma_wait3A_2614, %dma_wait3A_2619] : memref<125000x8x64xf32, #tpu.memory_space<hbm>> -> memref<1x1x64xf32, #tpu.memory_space<hbm>>
      %dma_wait3A_2621 = tpu.memref_squeeze %dma_wait3A_2620 : memref<1x1x64xf32, #tpu.memory_space<hbm>> -> memref<64xf32, #tpu.memory_space<hbm>>
      %dma_wait3A_2622 = arith.constant 0 : i32
      %dma_wait3A_2623 = tpu.memref_slice %arg9[%dma_wait3A_2615, %dma_wait3A_2622] : memref<512x64xf32, #tpu.memory_space<vmem>> -> memref<1x64xf32, #tpu.memory_space<vmem>>
      %dma_wait3A_2624 = tpu.memref_squeeze %dma_wait3A_2623 : memref<1x64xf32, #tpu.memory_space<vmem>> -> memref<64xf32, #tpu.memory_space<vmem>>
      %dma_wait3A_2625 = arith.constant 0 : i32
      %dma_wait3A_2626 = tpu.memref_slice %arg4[%dma_wait3A_2613, %dma_wait3A_2614, %dma_wait3A_2625] : memref<125000x8x64xf32, #tpu.memory_space<hbm>> -> memref<1x1x64xf32, #tpu.memory_space<hbm>>
      %dma_wait3A_2627 = tpu.memref_squeeze %dma_wait3A_2626 : memref<1x1x64xf32, #tpu.memory_space<hbm>> -> memref<64xf32, #tpu.memory_space<hbm>>
      tpu.wait_dma2 semaphore(%arg10 : memref<!tpu.dma_semaphore, #tpu.memory_space<semaphore_mem>>) src(%dma_wait3A_2627 : memref<64xf32, #tpu.memory_space<hbm>>) dst(%dma_wait3A_2624 : memref<64xf32, #tpu.memory_space<vmem>>)
      %dma_wait3A_2628 = arith.constant 0 : i32
      %dma_wait3A_2629 = arith.constant 0 : i32
      %dma_wait3A_2630 = arith.constant 0 : i32
      %dma_wait3A_2631 = arith.constant 0 : i32
      %dma_wait3A_2632 = tpu.memref_slice %arg9[%dma_wait3A_2630, %dma_wait3A_2631] : memref<512x64xf32, #tpu.memory_space<vmem>> -> memref<1x64xf32, #tpu.memory_space<vmem>>
      %dma_wait3A_2633 = tpu.memref_squeeze %dma_wait3A_2632 : memref<1x64xf32, #tpu.memory_space<vmem>> -> memref<64xf32, #tpu.memory_space<vmem>>
      %dma_wait3A_2634 = arith.constant 0 : i32
      %dma_wait3A_2635 = tpu.memref_slice %arg4[%dma_wait3A_2628, %dma_wait3A_2629, %dma_wait3A_2634] : memref<125000x8x64xf32, #tpu.memory_space<hbm>> -> memref<1x1x64xf32, #tpu.memory_space<hbm>>
      %dma_wait3A_2636 = tpu.memref_squeeze %dma_wait3A_2635 : memref<1x1x64xf32, #tpu.memory_space<hbm>> -> memref<64xf32, #tpu.memory_space<hbm>>
      %dma_wait3A_2637 = arith.constant 0 : i32
      %dma_wait3A_2638 = tpu.memref_slice %arg9[%dma_wait3A_2630, %dma_wait3A_2637] : memref<512x64xf32, #tpu.memory_space<vmem>> -> memref<1x64xf32, #tpu.memory_space<vmem>>
      %dma_wait3A_2639 = tpu.memref_squeeze %dma_wait3A_2638 : memref<1x64xf32, #tpu.memory_space<vmem>> -> memref<64xf32, #tpu.memory_space<vmem>>
      %dma_wait3A_2640 = arith.constant 0 : i32
      %dma_wait3A_2641 = tpu.memref_slice %arg4[%dma_wait3A_2628, %dma_wait3A_2629, %dma_wait3A_2640] : memref<125000x8x64xf32, #tpu.memory_space<hbm>> -> memref<1x1x64xf32, #tpu.memory_space<hbm>>
      %dma_wait3A_2642 = tpu.memref_squeeze %dma_wait3A_2641 : memref<1x1x64xf32, #tpu.memory_space<hbm>> -> memref<64xf32, #tpu.memory_space<hbm>>
      tpu.wait_dma2 semaphore(%arg10 : memref<!tpu.dma_semaphore, #tpu.memory_space<semaphore_mem>>) src(%dma_wait3A_2642 : memref<64xf32, #tpu.memory_space<hbm>>) dst(%dma_wait3A_2639 : memref<64xf32, #tpu.memory_space<vmem>>)
      %dma_wait3A_2643 = arith.constant 0 : i32
      %dma_wait3A_2644 = arith.constant 0 : i32
      %dma_wait3A_2645 = arith.constant 0 : i32
      %dma_wait3A_2646 = arith.constant 0 : i32
      %dma_wait3A_2647 = tpu.memref_slice %arg9[%dma_wait3A_2645, %dma_wait3A_2646] : memref<512x64xf32, #tpu.memory_space<vmem>> -> memref<1x64xf32, #tpu.memory_space<vmem>>
      %dma_wait3A_2648 = tpu.memref_squeeze %dma_wait3A_2647 : memref<1x64xf32, #tpu.memory_space<vmem>> -> memref<64xf32, #tpu.memory_space<vmem>>
      %dma_wait3A_2649 = arith.constant 0 : i32
      %dma_wait3A_2650 = tpu.memref_slice %arg4[%dma_wait3A_2643, %dma_wait3A_2644, %dma_wait3A_2649] : memref<125000x8x64xf32, #tpu.memory_space<hbm>> -> memref<1x1x64xf32, #tpu.memory_space<hbm>>
      %dma_wait3A_2651 = tpu.memref_squeeze %dma_wait3A_2650 : memref<1x1x64xf32, #tpu.memory_space<hbm>> -> memref<64xf32, #tpu.memory_space<hbm>>
      %dma_wait3A_2652 = arith.constant 0 : i32
      %dma_wait3A_2653 = tpu.memref_slice %arg9[%dma_wait3A_2645, %dma_wait3A_2652] : memref<512x64xf32, #tpu.memory_space<vmem>> -> memref<1x64xf32, #tpu.memory_space<vmem>>
      %dma_wait3A_2654 = tpu.memref_squeeze %dma_wait3A_2653 : memref<1x64xf32, #tpu.memory_space<vmem>> -> memref<64xf32, #tpu.memory_space<vmem>>
      %dma_wait3A_2655 = arith.constant 0 : i32
      %dma_wait3A_2656 = tpu.memref_slice %arg4[%dma_wait3A_2643, %dma_wait3A_2644, %dma_wait3A_2655] : memref<125000x8x64xf32, #tpu.memory_space<hbm>> -> memref<1x1x64xf32, #tpu.memory_space<hbm>>
      %dma_wait3A_2657 = tpu.memref_squeeze %dma_wait3A_2656 : memref<1x1x64xf32, #tpu.memory_space<hbm>> -> memref<64xf32, #tpu.memory_space<hbm>>
      tpu.wait_dma2 semaphore(%arg10 : memref<!tpu.dma_semaphore, #tpu.memory_space<semaphore_mem>>) src(%dma_wait3A_2657 : memref<64xf32, #tpu.memory_space<hbm>>) dst(%dma_wait3A_2654 : memref<64xf32, #tpu.memory_space<vmem>>)
      %dma_wait3A_2658 = arith.constant 0 : i32
      %dma_wait3A_2659 = arith.constant 0 : i32
      %dma_wait3A_2660 = arith.constant 0 : i32
      %dma_wait3A_2661 = arith.constant 0 : i32
      %dma_wait3A_2662 = tpu.memref_slice %arg9[%dma_wait3A_2660, %dma_wait3A_2661] : memref<512x64xf32, #tpu.memory_space<vmem>> -> memref<1x64xf32, #tpu.memory_space<vmem>>
      %dma_wait3A_2663 = tpu.memref_squeeze %dma_wait3A_2662 : memref<1x64xf32, #tpu.memory_space<vmem>> -> memref<64xf32, #tpu.memory_space<vmem>>
      %dma_wait3A_2664 = arith.constant 0 : i32
      %dma_wait3A_2665 = tpu.memref_slice %arg4[%dma_wait3A_2658, %dma_wait3A_2659, %dma_wait3A_2664] : memref<125000x8x64xf32, #tpu.memory_space<hbm>> -> memref<1x1x64xf32, #tpu.memory_space<hbm>>
      %dma_wait3A_2666 = tpu.memref_squeeze %dma_wait3A_2665 : memref<1x1x64xf32, #tpu.memory_space<hbm>> -> memref<64xf32, #tpu.memory_space<hbm>>
      %dma_wait3A_2667 = arith.constant 0 : i32
      %dma_wait3A_2668 = tpu.memref_slice %arg9[%dma_wait3A_2660, %dma_wait3A_2667] : memref<512x64xf32, #tpu.memory_space<vmem>> -> memref<1x64xf32, #tpu.memory_space<vmem>>
      %dma_wait3A_2669 = tpu.memref_squeeze %dma_wait3A_2668 : memref<1x64xf32, #tpu.memory_space<vmem>> -> memref<64xf32, #tpu.memory_space<vmem>>
      %dma_wait3A_2670 = arith.constant 0 : i32
      %dma_wait3A_2671 = tpu.memref_slice %arg4[%dma_wait3A_2658, %dma_wait3A_2659, %dma_wait3A_2670] : memref<125000x8x64xf32, #tpu.memory_space<hbm>> -> memref<1x1x64xf32, #tpu.memory_space<hbm>>
      %dma_wait3A_2672 = tpu.memref_squeeze %dma_wait3A_2671 : memref<1x1x64xf32, #tpu.memory_space<hbm>> -> memref<64xf32, #tpu.memory_space<hbm>>
      tpu.wait_dma2 semaphore(%arg10 : memref<!tpu.dma_semaphore, #tpu.memory_space<semaphore_mem>>) src(%dma_wait3A_2672 : memref<64xf32, #tpu.memory_space<hbm>>) dst(%dma_wait3A_2669 : memref<64xf32, #tpu.memory_space<vmem>>)
      %dma_wait3A_2673 = arith.constant 0 : i32
      %dma_wait3A_2674 = arith.constant 0 : i32
      %dma_wait3A_2675 = arith.constant 0 : i32
      %dma_wait3A_2676 = arith.constant 0 : i32
      %dma_wait3A_2677 = tpu.memref_slice %arg9[%dma_wait3A_2675, %dma_wait3A_2676] : memref<512x64xf32, #tpu.memory_space<vmem>> -> memref<1x64xf32, #tpu.memory_space<vmem>>
      %dma_wait3A_2678 = tpu.memref_squeeze %dma_wait3A_2677 : memref<1x64xf32, #tpu.memory_space<vmem>> -> memref<64xf32, #tpu.memory_space<vmem>>
      %dma_wait3A_2679 = arith.constant 0 : i32
      %dma_wait3A_2680 = tpu.memref_slice %arg4[%dma_wait3A_2673, %dma_wait3A_2674, %dma_wait3A_2679] : memref<125000x8x64xf32, #tpu.memory_space<hbm>> -> memref<1x1x64xf32, #tpu.memory_space<hbm>>
      %dma_wait3A_2681 = tpu.memref_squeeze %dma_wait3A_2680 : memref<1x1x64xf32, #tpu.memory_space<hbm>> -> memref<64xf32, #tpu.memory_space<hbm>>
      %dma_wait3A_2682 = arith.constant 0 : i32
      %dma_wait3A_2683 = tpu.memref_slice %arg9[%dma_wait3A_2675, %dma_wait3A_2682] : memref<512x64xf32, #tpu.memory_space<vmem>> -> memref<1x64xf32, #tpu.memory_space<vmem>>
      %dma_wait3A_2684 = tpu.memref_squeeze %dma_wait3A_2683 : memref<1x64xf32, #tpu.memory_space<vmem>> -> memref<64xf32, #tpu.memory_space<vmem>>
      %dma_wait3A_2685 = arith.constant 0 : i32
      %dma_wait3A_2686 = tpu.memref_slice %arg4[%dma_wait3A_2673, %dma_wait3A_2674, %dma_wait3A_2685] : memref<125000x8x64xf32, #tpu.memory_space<hbm>> -> memref<1x1x64xf32, #tpu.memory_space<hbm>>
      %dma_wait3A_2687 = tpu.memref_squeeze %dma_wait3A_2686 : memref<1x1x64xf32, #tpu.memory_space<hbm>> -> memref<64xf32, #tpu.memory_space<hbm>>
      tpu.wait_dma2 semaphore(%arg10 : memref<!tpu.dma_semaphore, #tpu.memory_space<semaphore_mem>>) src(%dma_wait3A_2687 : memref<64xf32, #tpu.memory_space<hbm>>) dst(%dma_wait3A_2684 : memref<64xf32, #tpu.memory_space<vmem>>)
      %dma_wait3A_2688 = arith.constant 0 : i32
      %dma_wait3A_2689 = arith.constant 0 : i32
      %dma_wait3A_2690 = arith.constant 0 : i32
      %dma_wait3A_2691 = arith.constant 0 : i32
      %dma_wait3A_2692 = tpu.memref_slice %arg9[%dma_wait3A_2690, %dma_wait3A_2691] : memref<512x64xf32, #tpu.memory_space<vmem>> -> memref<1x64xf32, #tpu.memory_space<vmem>>
      %dma_wait3A_2693 = tpu.memref_squeeze %dma_wait3A_2692 : memref<1x64xf32, #tpu.memory_space<vmem>> -> memref<64xf32, #tpu.memory_space<vmem>>
      %dma_wait3A_2694 = arith.constant 0 : i32
      %dma_wait3A_2695 = tpu.memref_slice %arg4[%dma_wait3A_2688, %dma_wait3A_2689, %dma_wait3A_2694] : memref<125000x8x64xf32, #tpu.memory_space<hbm>> -> memref<1x1x64xf32, #tpu.memory_space<hbm>>
      %dma_wait3A_2696 = tpu.memref_squeeze %dma_wait3A_2695 : memref<1x1x64xf32, #tpu.memory_space<hbm>> -> memref<64xf32, #tpu.memory_space<hbm>>
      %dma_wait3A_2697 = arith.constant 0 : i32
      %dma_wait3A_2698 = tpu.memref_slice %arg9[%dma_wait3A_2690, %dma_wait3A_2697] : memref<512x64xf32, #tpu.memory_space<vmem>> -> memref<1x64xf32, #tpu.memory_space<vmem>>
      %dma_wait3A_2699 = tpu.memref_squeeze %dma_wait3A_2698 : memref<1x64xf32, #tpu.memory_space<vmem>> -> memref<64xf32, #tpu.memory_space<vmem>>
      %dma_wait3A_2700 = arith.constant 0 : i32
      %dma_wait3A_2701 = tpu.memref_slice %arg4[%dma_wait3A_2688, %dma_wait3A_2689, %dma_wait3A_2700] : memref<125000x8x64xf32, #tpu.memory_space<hbm>> -> memref<1x1x64xf32, #tpu.memory_space<hbm>>
      %dma_wait3A_2702 = tpu.memref_squeeze %dma_wait3A_2701 : memref<1x1x64xf32, #tpu.memory_space<hbm>> -> memref<64xf32, #tpu.memory_space<hbm>>
      tpu.wait_dma2 semaphore(%arg10 : memref<!tpu.dma_semaphore, #tpu.memory_space<semaphore_mem>>) src(%dma_wait3A_2702 : memref<64xf32, #tpu.memory_space<hbm>>) dst(%dma_wait3A_2699 : memref<64xf32, #tpu.memory_space<vmem>>)
      %dma_wait3A_2703 = arith.constant 0 : i32
      %dma_wait3A_2704 = arith.constant 0 : i32
      %dma_wait3A_2705 = arith.constant 0 : i32
      %dma_wait3A_2706 = arith.constant 0 : i32
      %dma_wait3A_2707 = tpu.memref_slice %arg9[%dma_wait3A_2705, %dma_wait3A_2706] : memref<512x64xf32, #tpu.memory_space<vmem>> -> memref<1x64xf32, #tpu.memory_space<vmem>>
      %dma_wait3A_2708 = tpu.memref_squeeze %dma_wait3A_2707 : memref<1x64xf32, #tpu.memory_space<vmem>> -> memref<64xf32, #tpu.memory_space<vmem>>
      %dma_wait3A_2709 = arith.constant 0 : i32
      %dma_wait3A_2710 = tpu.memref_slice %arg4[%dma_wait3A_2703, %dma_wait3A_2704, %dma_wait3A_2709] : memref<125000x8x64xf32, #tpu.memory_space<hbm>> -> memref<1x1x64xf32, #tpu.memory_space<hbm>>
      %dma_wait3A_2711 = tpu.memref_squeeze %dma_wait3A_2710 : memref<1x1x64xf32, #tpu.memory_space<hbm>> -> memref<64xf32, #tpu.memory_space<hbm>>
      %dma_wait3A_2712 = arith.constant 0 : i32
      %dma_wait3A_2713 = tpu.memref_slice %arg9[%dma_wait3A_2705, %dma_wait3A_2712] : memref<512x64xf32, #tpu.memory_space<vmem>> -> memref<1x64xf32, #tpu.memory_space<vmem>>
      %dma_wait3A_2714 = tpu.memref_squeeze %dma_wait3A_2713 : memref<1x64xf32, #tpu.memory_space<vmem>> -> memref<64xf32, #tpu.memory_space<vmem>>
      %dma_wait3A_2715 = arith.constant 0 : i32
      %dma_wait3A_2716 = tpu.memref_slice %arg4[%dma_wait3A_2703, %dma_wait3A_2704, %dma_wait3A_2715] : memref<125000x8x64xf32, #tpu.memory_space<hbm>> -> memref<1x1x64xf32, #tpu.memory_space<hbm>>
      %dma_wait3A_2717 = tpu.memref_squeeze %dma_wait3A_2716 : memref<1x1x64xf32, #tpu.memory_space<hbm>> -> memref<64xf32, #tpu.memory_space<hbm>>
      tpu.wait_dma2 semaphore(%arg10 : memref<!tpu.dma_semaphore, #tpu.memory_space<semaphore_mem>>) src(%dma_wait3A_2717 : memref<64xf32, #tpu.memory_space<hbm>>) dst(%dma_wait3A_2714 : memref<64xf32, #tpu.memory_space<vmem>>)
      %dma_wait3A_2718 = arith.constant 0 : i32
      %dma_wait3A_2719 = arith.constant 0 : i32
      %dma_wait3A_2720 = arith.constant 0 : i32
      %dma_wait3A_2721 = arith.constant 0 : i32
      %dma_wait3A_2722 = tpu.memref_slice %arg9[%dma_wait3A_2720, %dma_wait3A_2721] : memref<512x64xf32, #tpu.memory_space<vmem>> -> memref<1x64xf32, #tpu.memory_space<vmem>>
      %dma_wait3A_2723 = tpu.memref_squeeze %dma_wait3A_2722 : memref<1x64xf32, #tpu.memory_space<vmem>> -> memref<64xf32, #tpu.memory_space<vmem>>
      %dma_wait3A_2724 = arith.constant 0 : i32
      %dma_wait3A_2725 = tpu.memref_slice %arg4[%dma_wait3A_2718, %dma_wait3A_2719, %dma_wait3A_2724] : memref<125000x8x64xf32, #tpu.memory_space<hbm>> -> memref<1x1x64xf32, #tpu.memory_space<hbm>>
      %dma_wait3A_2726 = tpu.memref_squeeze %dma_wait3A_2725 : memref<1x1x64xf32, #tpu.memory_space<hbm>> -> memref<64xf32, #tpu.memory_space<hbm>>
      %dma_wait3A_2727 = arith.constant 0 : i32
      %dma_wait3A_2728 = tpu.memref_slice %arg9[%dma_wait3A_2720, %dma_wait3A_2727] : memref<512x64xf32, #tpu.memory_space<vmem>> -> memref<1x64xf32, #tpu.memory_space<vmem>>
      %dma_wait3A_2729 = tpu.memref_squeeze %dma_wait3A_2728 : memref<1x64xf32, #tpu.memory_space<vmem>> -> memref<64xf32, #tpu.memory_space<vmem>>
      %dma_wait3A_2730 = arith.constant 0 : i32
      %dma_wait3A_2731 = tpu.memref_slice %arg4[%dma_wait3A_2718, %dma_wait3A_2719, %dma_wait3A_2730] : memref<125000x8x64xf32, #tpu.memory_space<hbm>> -> memref<1x1x64xf32, #tpu.memory_space<hbm>>
      %dma_wait3A_2732 = tpu.memref_squeeze %dma_wait3A_2731 : memref<1x1x64xf32, #tpu.memory_space<hbm>> -> memref<64xf32, #tpu.memory_space<hbm>>
      tpu.wait_dma2 semaphore(%arg10 : memref<!tpu.dma_semaphore, #tpu.memory_space<semaphore_mem>>) src(%dma_wait3A_2732 : memref<64xf32, #tpu.memory_space<hbm>>) dst(%dma_wait3A_2729 : memref<64xf32, #tpu.memory_space<vmem>>)
      %dma_wait3A_2733 = arith.constant 0 : i32
      %dma_wait3A_2734 = arith.constant 0 : i32
      %dma_wait3A_2735 = arith.constant 0 : i32
      %dma_wait3A_2736 = arith.constant 0 : i32
      %dma_wait3A_2737 = tpu.memref_slice %arg9[%dma_wait3A_2735, %dma_wait3A_2736] : memref<512x64xf32, #tpu.memory_space<vmem>> -> memref<1x64xf32, #tpu.memory_space<vmem>>
      %dma_wait3A_2738 = tpu.memref_squeeze %dma_wait3A_2737 : memref<1x64xf32, #tpu.memory_space<vmem>> -> memref<64xf32, #tpu.memory_space<vmem>>
      %dma_wait3A_2739 = arith.constant 0 : i32
      %dma_wait3A_2740 = tpu.memref_slice %arg4[%dma_wait3A_2733, %dma_wait3A_2734, %dma_wait3A_2739] : memref<125000x8x64xf32, #tpu.memory_space<hbm>> -> memref<1x1x64xf32, #tpu.memory_space<hbm>>
      %dma_wait3A_2741 = tpu.memref_squeeze %dma_wait3A_2740 : memref<1x1x64xf32, #tpu.memory_space<hbm>> -> memref<64xf32, #tpu.memory_space<hbm>>
      %dma_wait3A_2742 = arith.constant 0 : i32
      %dma_wait3A_2743 = tpu.memref_slice %arg9[%dma_wait3A_2735, %dma_wait3A_2742] : memref<512x64xf32, #tpu.memory_space<vmem>> -> memref<1x64xf32, #tpu.memory_space<vmem>>
      %dma_wait3A_2744 = tpu.memref_squeeze %dma_wait3A_2743 : memref<1x64xf32, #tpu.memory_space<vmem>> -> memref<64xf32, #tpu.memory_space<vmem>>
      %dma_wait3A_2745 = arith.constant 0 : i32
      %dma_wait3A_2746 = tpu.memref_slice %arg4[%dma_wait3A_2733, %dma_wait3A_2734, %dma_wait3A_2745] : memref<125000x8x64xf32, #tpu.memory_space<hbm>> -> memref<1x1x64xf32, #tpu.memory_space<hbm>>
      %dma_wait3A_2747 = tpu.memref_squeeze %dma_wait3A_2746 : memref<1x1x64xf32, #tpu.memory_space<hbm>> -> memref<64xf32, #tpu.memory_space<hbm>>
      tpu.wait_dma2 semaphore(%arg10 : memref<!tpu.dma_semaphore, #tpu.memory_space<semaphore_mem>>) src(%dma_wait3A_2747 : memref<64xf32, #tpu.memory_space<hbm>>) dst(%dma_wait3A_2744 : memref<64xf32, #tpu.memory_space<vmem>>)
      %dma_wait3A_2748 = arith.constant 0 : i32
      %dma_wait3A_2749 = arith.constant 0 : i32
      %dma_wait3A_2750 = arith.constant 0 : i32
      %dma_wait3A_2751 = arith.constant 0 : i32
      %dma_wait3A_2752 = tpu.memref_slice %arg9[%dma_wait3A_2750, %dma_wait3A_2751] : memref<512x64xf32, #tpu.memory_space<vmem>> -> memref<1x64xf32, #tpu.memory_space<vmem>>
      %dma_wait3A_2753 = tpu.memref_squeeze %dma_wait3A_2752 : memref<1x64xf32, #tpu.memory_space<vmem>> -> memref<64xf32, #tpu.memory_space<vmem>>
      %dma_wait3A_2754 = arith.constant 0 : i32
      %dma_wait3A_2755 = tpu.memref_slice %arg4[%dma_wait3A_2748, %dma_wait3A_2749, %dma_wait3A_2754] : memref<125000x8x64xf32, #tpu.memory_space<hbm>> -> memref<1x1x64xf32, #tpu.memory_space<hbm>>
      %dma_wait3A_2756 = tpu.memref_squeeze %dma_wait3A_2755 : memref<1x1x64xf32, #tpu.memory_space<hbm>> -> memref<64xf32, #tpu.memory_space<hbm>>
      %dma_wait3A_2757 = arith.constant 0 : i32
      %dma_wait3A_2758 = tpu.memref_slice %arg9[%dma_wait3A_2750, %dma_wait3A_2757] : memref<512x64xf32, #tpu.memory_space<vmem>> -> memref<1x64xf32, #tpu.memory_space<vmem>>
      %dma_wait3A_2759 = tpu.memref_squeeze %dma_wait3A_2758 : memref<1x64xf32, #tpu.memory_space<vmem>> -> memref<64xf32, #tpu.memory_space<vmem>>
      %dma_wait3A_2760 = arith.constant 0 : i32
      %dma_wait3A_2761 = tpu.memref_slice %arg4[%dma_wait3A_2748, %dma_wait3A_2749, %dma_wait3A_2760] : memref<125000x8x64xf32, #tpu.memory_space<hbm>> -> memref<1x1x64xf32, #tpu.memory_space<hbm>>
      %dma_wait3A_2762 = tpu.memref_squeeze %dma_wait3A_2761 : memref<1x1x64xf32, #tpu.memory_space<hbm>> -> memref<64xf32, #tpu.memory_space<hbm>>
      tpu.wait_dma2 semaphore(%arg10 : memref<!tpu.dma_semaphore, #tpu.memory_space<semaphore_mem>>) src(%dma_wait3A_2762 : memref<64xf32, #tpu.memory_space<hbm>>) dst(%dma_wait3A_2759 : memref<64xf32, #tpu.memory_space<vmem>>)
      %dma_wait3A_2763 = arith.constant 0 : i32
      %dma_wait3A_2764 = arith.constant 0 : i32
      %dma_wait3A_2765 = arith.constant 0 : i32
      %dma_wait3A_2766 = arith.constant 0 : i32
      %dma_wait3A_2767 = tpu.memref_slice %arg9[%dma_wait3A_2765, %dma_wait3A_2766] : memref<512x64xf32, #tpu.memory_space<vmem>> -> memref<1x64xf32, #tpu.memory_space<vmem>>
      %dma_wait3A_2768 = tpu.memref_squeeze %dma_wait3A_2767 : memref<1x64xf32, #tpu.memory_space<vmem>> -> memref<64xf32, #tpu.memory_space<vmem>>
      %dma_wait3A_2769 = arith.constant 0 : i32
      %dma_wait3A_2770 = tpu.memref_slice %arg4[%dma_wait3A_2763, %dma_wait3A_2764, %dma_wait3A_2769] : memref<125000x8x64xf32, #tpu.memory_space<hbm>> -> memref<1x1x64xf32, #tpu.memory_space<hbm>>
      %dma_wait3A_2771 = tpu.memref_squeeze %dma_wait3A_2770 : memref<1x1x64xf32, #tpu.memory_space<hbm>> -> memref<64xf32, #tpu.memory_space<hbm>>
      %dma_wait3A_2772 = arith.constant 0 : i32
      %dma_wait3A_2773 = tpu.memref_slice %arg9[%dma_wait3A_2765, %dma_wait3A_2772] : memref<512x64xf32, #tpu.memory_space<vmem>> -> memref<1x64xf32, #tpu.memory_space<vmem>>
      %dma_wait3A_2774 = tpu.memref_squeeze %dma_wait3A_2773 : memref<1x64xf32, #tpu.memory_space<vmem>> -> memref<64xf32, #tpu.memory_space<vmem>>
      %dma_wait3A_2775 = arith.constant 0 : i32
      %dma_wait3A_2776 = tpu.memref_slice %arg4[%dma_wait3A_2763, %dma_wait3A_2764, %dma_wait3A_2775] : memref<125000x8x64xf32, #tpu.memory_space<hbm>> -> memref<1x1x64xf32, #tpu.memory_space<hbm>>
      %dma_wait3A_2777 = tpu.memref_squeeze %dma_wait3A_2776 : memref<1x1x64xf32, #tpu.memory_space<hbm>> -> memref<64xf32, #tpu.memory_space<hbm>>
      tpu.wait_dma2 semaphore(%arg10 : memref<!tpu.dma_semaphore, #tpu.memory_space<semaphore_mem>>) src(%dma_wait3A_2777 : memref<64xf32, #tpu.memory_space<hbm>>) dst(%dma_wait3A_2774 : memref<64xf32, #tpu.memory_space<vmem>>)
      %dma_wait3A_2778 = arith.constant 0 : i32
      %dma_wait3A_2779 = arith.constant 0 : i32
      %dma_wait3A_2780 = arith.constant 0 : i32
      %dma_wait3A_2781 = arith.constant 0 : i32
      %dma_wait3A_2782 = tpu.memref_slice %arg9[%dma_wait3A_2780, %dma_wait3A_2781] : memref<512x64xf32, #tpu.memory_space<vmem>> -> memref<1x64xf32, #tpu.memory_space<vmem>>
      %dma_wait3A_2783 = tpu.memref_squeeze %dma_wait3A_2782 : memref<1x64xf32, #tpu.memory_space<vmem>> -> memref<64xf32, #tpu.memory_space<vmem>>
      %dma_wait3A_2784 = arith.constant 0 : i32
      %dma_wait3A_2785 = tpu.memref_slice %arg4[%dma_wait3A_2778, %dma_wait3A_2779, %dma_wait3A_2784] : memref<125000x8x64xf32, #tpu.memory_space<hbm>> -> memref<1x1x64xf32, #tpu.memory_space<hbm>>
      %dma_wait3A_2786 = tpu.memref_squeeze %dma_wait3A_2785 : memref<1x1x64xf32, #tpu.memory_space<hbm>> -> memref<64xf32, #tpu.memory_space<hbm>>
      %dma_wait3A_2787 = arith.constant 0 : i32
      %dma_wait3A_2788 = tpu.memref_slice %arg9[%dma_wait3A_2780, %dma_wait3A_2787] : memref<512x64xf32, #tpu.memory_space<vmem>> -> memref<1x64xf32, #tpu.memory_space<vmem>>
      %dma_wait3A_2789 = tpu.memref_squeeze %dma_wait3A_2788 : memref<1x64xf32, #tpu.memory_space<vmem>> -> memref<64xf32, #tpu.memory_space<vmem>>
      %dma_wait3A_2790 = arith.constant 0 : i32
      %dma_wait3A_2791 = tpu.memref_slice %arg4[%dma_wait3A_2778, %dma_wait3A_2779, %dma_wait3A_2790] : memref<125000x8x64xf32, #tpu.memory_space<hbm>> -> memref<1x1x64xf32, #tpu.memory_space<hbm>>
      %dma_wait3A_2792 = tpu.memref_squeeze %dma_wait3A_2791 : memref<1x1x64xf32, #tpu.memory_space<hbm>> -> memref<64xf32, #tpu.memory_space<hbm>>
      tpu.wait_dma2 semaphore(%arg10 : memref<!tpu.dma_semaphore, #tpu.memory_space<semaphore_mem>>) src(%dma_wait3A_2792 : memref<64xf32, #tpu.memory_space<hbm>>) dst(%dma_wait3A_2789 : memref<64xf32, #tpu.memory_space<vmem>>)
    }
    %scan3A_615 = arith.constant 30 : i32
    %dma_wait3A = arith.constant 0 : i32
    %dma_wait3A_616 = arith.constant 0 : i32
    %dma_wait3A_617 = arith.constant 0 : i32
    %dma_wait3A_618 = arith.constant 0 : i32
    %dma_wait3A_619 = tpu.memref_slice %arg9[%dma_wait3A_617, %dma_wait3A_618] : memref<512x64xf32, #tpu.memory_space<vmem>> -> memref<1x64xf32, #tpu.memory_space<vmem>>
    %dma_wait3A_620 = tpu.memref_squeeze %dma_wait3A_619 : memref<1x64xf32, #tpu.memory_space<vmem>> -> memref<64xf32, #tpu.memory_space<vmem>>
    %dma_wait3A_621 = arith.constant 0 : i32
    %dma_wait3A_622 = tpu.memref_slice %arg4[%dma_wait3A, %dma_wait3A_616, %dma_wait3A_621] : memref<125000x8x64xf32, #tpu.memory_space<hbm>> -> memref<1x1x64xf32, #tpu.memory_space<hbm>>
    %dma_wait3A_623 = tpu.memref_squeeze %dma_wait3A_622 : memref<1x1x64xf32, #tpu.memory_space<hbm>> -> memref<64xf32, #tpu.memory_space<hbm>>
    %dma_wait3A_624 = arith.constant 0 : i32
    %dma_wait3A_625 = tpu.memref_slice %arg9[%dma_wait3A_617, %dma_wait3A_624] : memref<512x64xf32, #tpu.memory_space<vmem>> -> memref<1x64xf32, #tpu.memory_space<vmem>>
    %dma_wait3A_626 = tpu.memref_squeeze %dma_wait3A_625 : memref<1x64xf32, #tpu.memory_space<vmem>> -> memref<64xf32, #tpu.memory_space<vmem>>
    %dma_wait3A_627 = arith.constant 0 : i32
    %dma_wait3A_628 = tpu.memref_slice %arg4[%dma_wait3A, %dma_wait3A_616, %dma_wait3A_627] : memref<125000x8x64xf32, #tpu.memory_space<hbm>> -> memref<1x1x64xf32, #tpu.memory_space<hbm>>
    %dma_wait3A_629 = tpu.memref_squeeze %dma_wait3A_628 : memref<1x1x64xf32, #tpu.memory_space<hbm>> -> memref<64xf32, #tpu.memory_space<hbm>>
    tpu.wait_dma2 semaphore(%arg10 : memref<!tpu.dma_semaphore, #tpu.memory_space<semaphore_mem>>) src(%dma_wait3A_629 : memref<64xf32, #tpu.memory_space<hbm>>) dst(%dma_wait3A_626 : memref<64xf32, #tpu.memory_space<vmem>>)
    %dma_wait3A_630 = arith.constant 0 : i32
    %dma_wait3A_631 = arith.constant 0 : i32
    %dma_wait3A_632 = arith.constant 0 : i32
    %dma_wait3A_633 = arith.constant 0 : i32
    %dma_wait3A_634 = tpu.memref_slice %arg9[%dma_wait3A_632, %dma_wait3A_633] : memref<512x64xf32, #tpu.memory_space<vmem>> -> memref<1x64xf32, #tpu.memory_space<vmem>>
    %dma_wait3A_635 = tpu.memref_squeeze %dma_wait3A_634 : memref<1x64xf32, #tpu.memory_space<vmem>> -> memref<64xf32, #tpu.memory_space<vmem>>
    %dma_wait3A_636 = arith.constant 0 : i32
    %dma_wait3A_637 = tpu.memref_slice %arg4[%dma_wait3A_630, %dma_wait3A_631, %dma_wait3A_636] : memref<125000x8x64xf32, #tpu.memory_space<hbm>> -> memref<1x1x64xf32, #tpu.memory_space<hbm>>
    %dma_wait3A_638 = tpu.memref_squeeze %dma_wait3A_637 : memref<1x1x64xf32, #tpu.memory_space<hbm>> -> memref<64xf32, #tpu.memory_space<hbm>>
    %dma_wait3A_639 = arith.constant 0 : i32
    %dma_wait3A_640 = tpu.memref_slice %arg9[%dma_wait3A_632, %dma_wait3A_639] : memref<512x64xf32, #tpu.memory_space<vmem>> -> memref<1x64xf32, #tpu.memory_space<vmem>>
    %dma_wait3A_641 = tpu.memref_squeeze %dma_wait3A_640 : memref<1x64xf32, #tpu.memory_space<vmem>> -> memref<64xf32, #tpu.memory_space<vmem>>
    %dma_wait3A_642 = arith.constant 0 : i32
    %dma_wait3A_643 = tpu.memref_slice %arg4[%dma_wait3A_630, %dma_wait3A_631, %dma_wait3A_642] : memref<125000x8x64xf32, #tpu.memory_space<hbm>> -> memref<1x1x64xf32, #tpu.memory_space<hbm>>
    %dma_wait3A_644 = tpu.memref_squeeze %dma_wait3A_643 : memref<1x1x64xf32, #tpu.memory_space<hbm>> -> memref<64xf32, #tpu.memory_space<hbm>>
    tpu.wait_dma2 semaphore(%arg10 : memref<!tpu.dma_semaphore, #tpu.memory_space<semaphore_mem>>) src(%dma_wait3A_644 : memref<64xf32, #tpu.memory_space<hbm>>) dst(%dma_wait3A_641 : memref<64xf32, #tpu.memory_space<vmem>>)
    %dma_wait3A_645 = arith.constant 0 : i32
    %dma_wait3A_646 = arith.constant 0 : i32
    %dma_wait3A_647 = arith.constant 0 : i32
    %dma_wait3A_648 = arith.constant 0 : i32
    %dma_wait3A_649 = tpu.memref_slice %arg9[%dma_wait3A_647, %dma_wait3A_648] : memref<512x64xf32, #tpu.memory_space<vmem>> -> memref<1x64xf32, #tpu.memory_space<vmem>>
    %dma_wait3A_650 = tpu.memref_squeeze %dma_wait3A_649 : memref<1x64xf32, #tpu.memory_space<vmem>> -> memref<64xf32, #tpu.memory_space<vmem>>
    %dma_wait3A_651 = arith.constant 0 : i32
    %dma_wait3A_652 = tpu.memref_slice %arg4[%dma_wait3A_645, %dma_wait3A_646, %dma_wait3A_651] : memref<125000x8x64xf32, #tpu.memory_space<hbm>> -> memref<1x1x64xf32, #tpu.memory_space<hbm>>
    %dma_wait3A_653 = tpu.memref_squeeze %dma_wait3A_652 : memref<1x1x64xf32, #tpu.memory_space<hbm>> -> memref<64xf32, #tpu.memory_space<hbm>>
    %dma_wait3A_654 = arith.constant 0 : i32
    %dma_wait3A_655 = tpu.memref_slice %arg9[%dma_wait3A_647, %dma_wait3A_654] : memref<512x64xf32, #tpu.memory_space<vmem>> -> memref<1x64xf32, #tpu.memory_space<vmem>>
    %dma_wait3A_656 = tpu.memref_squeeze %dma_wait3A_655 : memref<1x64xf32, #tpu.memory_space<vmem>> -> memref<64xf32, #tpu.memory_space<vmem>>
    %dma_wait3A_657 = arith.constant 0 : i32
    %dma_wait3A_658 = tpu.memref_slice %arg4[%dma_wait3A_645, %dma_wait3A_646, %dma_wait3A_657] : memref<125000x8x64xf32, #tpu.memory_space<hbm>> -> memref<1x1x64xf32, #tpu.memory_space<hbm>>
    %dma_wait3A_659 = tpu.memref_squeeze %dma_wait3A_658 : memref<1x1x64xf32, #tpu.memory_space<hbm>> -> memref<64xf32, #tpu.memory_space<hbm>>
    tpu.wait_dma2 semaphore(%arg10 : memref<!tpu.dma_semaphore, #tpu.memory_space<semaphore_mem>>) src(%dma_wait3A_659 : memref<64xf32, #tpu.memory_space<hbm>>) dst(%dma_wait3A_656 : memref<64xf32, #tpu.memory_space<vmem>>)
    %dma_wait3A_660 = arith.constant 0 : i32
    %dma_wait3A_661 = arith.constant 0 : i32
    %dma_wait3A_662 = arith.constant 0 : i32
    %dma_wait3A_663 = arith.constant 0 : i32
    %dma_wait3A_664 = tpu.memref_slice %arg9[%dma_wait3A_662, %dma_wait3A_663] : memref<512x64xf32, #tpu.memory_space<vmem>> -> memref<1x64xf32, #tpu.memory_space<vmem>>
    %dma_wait3A_665 = tpu.memref_squeeze %dma_wait3A_664 : memref<1x64xf32, #tpu.memory_space<vmem>> -> memref<64xf32, #tpu.memory_space<vmem>>
    %dma_wait3A_666 = arith.constant 0 : i32
    %dma_wait3A_667 = tpu.memref_slice %arg4[%dma_wait3A_660, %dma_wait3A_661, %dma_wait3A_666] : memref<125000x8x64xf32, #tpu.memory_space<hbm>> -> memref<1x1x64xf32, #tpu.memory_space<hbm>>
    %dma_wait3A_668 = tpu.memref_squeeze %dma_wait3A_667 : memref<1x1x64xf32, #tpu.memory_space<hbm>> -> memref<64xf32, #tpu.memory_space<hbm>>
    %dma_wait3A_669 = arith.constant 0 : i32
    %dma_wait3A_670 = tpu.memref_slice %arg9[%dma_wait3A_662, %dma_wait3A_669] : memref<512x64xf32, #tpu.memory_space<vmem>> -> memref<1x64xf32, #tpu.memory_space<vmem>>
    %dma_wait3A_671 = tpu.memref_squeeze %dma_wait3A_670 : memref<1x64xf32, #tpu.memory_space<vmem>> -> memref<64xf32, #tpu.memory_space<vmem>>
    %dma_wait3A_672 = arith.constant 0 : i32
    %dma_wait3A_673 = tpu.memref_slice %arg4[%dma_wait3A_660, %dma_wait3A_661, %dma_wait3A_672] : memref<125000x8x64xf32, #tpu.memory_space<hbm>> -> memref<1x1x64xf32, #tpu.memory_space<hbm>>
    %dma_wait3A_674 = tpu.memref_squeeze %dma_wait3A_673 : memref<1x1x64xf32, #tpu.memory_space<hbm>> -> memref<64xf32, #tpu.memory_space<hbm>>
    tpu.wait_dma2 semaphore(%arg10 : memref<!tpu.dma_semaphore, #tpu.memory_space<semaphore_mem>>) src(%dma_wait3A_674 : memref<64xf32, #tpu.memory_space<hbm>>) dst(%dma_wait3A_671 : memref<64xf32, #tpu.memory_space<vmem>>)
    %dma_wait3A_675 = arith.constant 0 : i32
    %dma_wait3A_676 = arith.constant 0 : i32
    %dma_wait3A_677 = arith.constant 0 : i32
    %dma_wait3A_678 = arith.constant 0 : i32
    %dma_wait3A_679 = tpu.memref_slice %arg9[%dma_wait3A_677, %dma_wait3A_678] : memref<512x64xf32, #tpu.memory_space<vmem>> -> memref<1x64xf32, #tpu.memory_space<vmem>>
    %dma_wait3A_680 = tpu.memref_squeeze %dma_wait3A_679 : memref<1x64xf32, #tpu.memory_space<vmem>> -> memref<64xf32, #tpu.memory_space<vmem>>
    %dma_wait3A_681 = arith.constant 0 : i32
    %dma_wait3A_682 = tpu.memref_slice %arg4[%dma_wait3A_675, %dma_wait3A_676, %dma_wait3A_681] : memref<125000x8x64xf32, #tpu.memory_space<hbm>> -> memref<1x1x64xf32, #tpu.memory_space<hbm>>
    %dma_wait3A_683 = tpu.memref_squeeze %dma_wait3A_682 : memref<1x1x64xf32, #tpu.memory_space<hbm>> -> memref<64xf32, #tpu.memory_space<hbm>>
    %dma_wait3A_684 = arith.constant 0 : i32
    %dma_wait3A_685 = tpu.memref_slice %arg9[%dma_wait3A_677, %dma_wait3A_684] : memref<512x64xf32, #tpu.memory_space<vmem>> -> memref<1x64xf32, #tpu.memory_space<vmem>>
    %dma_wait3A_686 = tpu.memref_squeeze %dma_wait3A_685 : memref<1x64xf32, #tpu.memory_space<vmem>> -> memref<64xf32, #tpu.memory_space<vmem>>
    %dma_wait3A_687 = arith.constant 0 : i32
    %dma_wait3A_688 = tpu.memref_slice %arg4[%dma_wait3A_675, %dma_wait3A_676, %dma_wait3A_687] : memref<125000x8x64xf32, #tpu.memory_space<hbm>> -> memref<1x1x64xf32, #tpu.memory_space<hbm>>
    %dma_wait3A_689 = tpu.memref_squeeze %dma_wait3A_688 : memref<1x1x64xf32, #tpu.memory_space<hbm>> -> memref<64xf32, #tpu.memory_space<hbm>>
    tpu.wait_dma2 semaphore(%arg10 : memref<!tpu.dma_semaphore, #tpu.memory_space<semaphore_mem>>) src(%dma_wait3A_689 : memref<64xf32, #tpu.memory_space<hbm>>) dst(%dma_wait3A_686 : memref<64xf32, #tpu.memory_space<vmem>>)
    %dma_wait3A_690 = arith.constant 0 : i32
    %dma_wait3A_691 = arith.constant 0 : i32
    %dma_wait3A_692 = arith.constant 0 : i32
    %dma_wait3A_693 = arith.constant 0 : i32
    %dma_wait3A_694 = tpu.memref_slice %arg9[%dma_wait3A_692, %dma_wait3A_693] : memref<512x64xf32, #tpu.memory_space<vmem>> -> memref<1x64xf32, #tpu.memory_space<vmem>>
    %dma_wait3A_695 = tpu.memref_squeeze %dma_wait3A_694 : memref<1x64xf32, #tpu.memory_space<vmem>> -> memref<64xf32, #tpu.memory_space<vmem>>
    %dma_wait3A_696 = arith.constant 0 : i32
    %dma_wait3A_697 = tpu.memref_slice %arg4[%dma_wait3A_690, %dma_wait3A_691, %dma_wait3A_696] : memref<125000x8x64xf32, #tpu.memory_space<hbm>> -> memref<1x1x64xf32, #tpu.memory_space<hbm>>
    %dma_wait3A_698 = tpu.memref_squeeze %dma_wait3A_697 : memref<1x1x64xf32, #tpu.memory_space<hbm>> -> memref<64xf32, #tpu.memory_space<hbm>>
    %dma_wait3A_699 = arith.constant 0 : i32
    %dma_wait3A_700 = tpu.memref_slice %arg9[%dma_wait3A_692, %dma_wait3A_699] : memref<512x64xf32, #tpu.memory_space<vmem>> -> memref<1x64xf32, #tpu.memory_space<vmem>>
    %dma_wait3A_701 = tpu.memref_squeeze %dma_wait3A_700 : memref<1x64xf32, #tpu.memory_space<vmem>> -> memref<64xf32, #tpu.memory_space<vmem>>
    %dma_wait3A_702 = arith.constant 0 : i32
    %dma_wait3A_703 = tpu.memref_slice %arg4[%dma_wait3A_690, %dma_wait3A_691, %dma_wait3A_702] : memref<125000x8x64xf32, #tpu.memory_space<hbm>> -> memref<1x1x64xf32, #tpu.memory_space<hbm>>
    %dma_wait3A_704 = tpu.memref_squeeze %dma_wait3A_703 : memref<1x1x64xf32, #tpu.memory_space<hbm>> -> memref<64xf32, #tpu.memory_space<hbm>>
    tpu.wait_dma2 semaphore(%arg10 : memref<!tpu.dma_semaphore, #tpu.memory_space<semaphore_mem>>) src(%dma_wait3A_704 : memref<64xf32, #tpu.memory_space<hbm>>) dst(%dma_wait3A_701 : memref<64xf32, #tpu.memory_space<vmem>>)
    %dma_wait3A_705 = arith.constant 0 : i32
    %dma_wait3A_706 = arith.constant 0 : i32
    %dma_wait3A_707 = arith.constant 0 : i32
    %dma_wait3A_708 = arith.constant 0 : i32
    %dma_wait3A_709 = tpu.memref_slice %arg9[%dma_wait3A_707, %dma_wait3A_708] : memref<512x64xf32, #tpu.memory_space<vmem>> -> memref<1x64xf32, #tpu.memory_space<vmem>>
    %dma_wait3A_710 = tpu.memref_squeeze %dma_wait3A_709 : memref<1x64xf32, #tpu.memory_space<vmem>> -> memref<64xf32, #tpu.memory_space<vmem>>
    %dma_wait3A_711 = arith.constant 0 : i32
    %dma_wait3A_712 = tpu.memref_slice %arg4[%dma_wait3A_705, %dma_wait3A_706, %dma_wait3A_711] : memref<125000x8x64xf32, #tpu.memory_space<hbm>> -> memref<1x1x64xf32, #tpu.memory_space<hbm>>
    %dma_wait3A_713 = tpu.memref_squeeze %dma_wait3A_712 : memref<1x1x64xf32, #tpu.memory_space<hbm>> -> memref<64xf32, #tpu.memory_space<hbm>>
    %dma_wait3A_714 = arith.constant 0 : i32
    %dma_wait3A_715 = tpu.memref_slice %arg9[%dma_wait3A_707, %dma_wait3A_714] : memref<512x64xf32, #tpu.memory_space<vmem>> -> memref<1x64xf32, #tpu.memory_space<vmem>>
    %dma_wait3A_716 = tpu.memref_squeeze %dma_wait3A_715 : memref<1x64xf32, #tpu.memory_space<vmem>> -> memref<64xf32, #tpu.memory_space<vmem>>
    %dma_wait3A_717 = arith.constant 0 : i32
    %dma_wait3A_718 = tpu.memref_slice %arg4[%dma_wait3A_705, %dma_wait3A_706, %dma_wait3A_717] : memref<125000x8x64xf32, #tpu.memory_space<hbm>> -> memref<1x1x64xf32, #tpu.memory_space<hbm>>
    %dma_wait3A_719 = tpu.memref_squeeze %dma_wait3A_718 : memref<1x1x64xf32, #tpu.memory_space<hbm>> -> memref<64xf32, #tpu.memory_space<hbm>>
    tpu.wait_dma2 semaphore(%arg10 : memref<!tpu.dma_semaphore, #tpu.memory_space<semaphore_mem>>) src(%dma_wait3A_719 : memref<64xf32, #tpu.memory_space<hbm>>) dst(%dma_wait3A_716 : memref<64xf32, #tpu.memory_space<vmem>>)
    %dma_wait3A_720 = arith.constant 0 : i32
    %dma_wait3A_721 = arith.constant 0 : i32
    %dma_wait3A_722 = arith.constant 0 : i32
    %dma_wait3A_723 = arith.constant 0 : i32
    %dma_wait3A_724 = tpu.memref_slice %arg9[%dma_wait3A_722, %dma_wait3A_723] : memref<512x64xf32, #tpu.memory_space<vmem>> -> memref<1x64xf32, #tpu.memory_space<vmem>>
    %dma_wait3A_725 = tpu.memref_squeeze %dma_wait3A_724 : memref<1x64xf32, #tpu.memory_space<vmem>> -> memref<64xf32, #tpu.memory_space<vmem>>
    %dma_wait3A_726 = arith.constant 0 : i32
    %dma_wait3A_727 = tpu.memref_slice %arg4[%dma_wait3A_720, %dma_wait3A_721, %dma_wait3A_726] : memref<125000x8x64xf32, #tpu.memory_space<hbm>> -> memref<1x1x64xf32, #tpu.memory_space<hbm>>
    %dma_wait3A_728 = tpu.memref_squeeze %dma_wait3A_727 : memref<1x1x64xf32, #tpu.memory_space<hbm>> -> memref<64xf32, #tpu.memory_space<hbm>>
    %dma_wait3A_729 = arith.constant 0 : i32
    %dma_wait3A_730 = tpu.memref_slice %arg9[%dma_wait3A_722, %dma_wait3A_729] : memref<512x64xf32, #tpu.memory_space<vmem>> -> memref<1x64xf32, #tpu.memory_space<vmem>>
    %dma_wait3A_731 = tpu.memref_squeeze %dma_wait3A_730 : memref<1x64xf32, #tpu.memory_space<vmem>> -> memref<64xf32, #tpu.memory_space<vmem>>
    %dma_wait3A_732 = arith.constant 0 : i32
    %dma_wait3A_733 = tpu.memref_slice %arg4[%dma_wait3A_720, %dma_wait3A_721, %dma_wait3A_732] : memref<125000x8x64xf32, #tpu.memory_space<hbm>> -> memref<1x1x64xf32, #tpu.memory_space<hbm>>
    %dma_wait3A_734 = tpu.memref_squeeze %dma_wait3A_733 : memref<1x1x64xf32, #tpu.memory_space<hbm>> -> memref<64xf32, #tpu.memory_space<hbm>>
    tpu.wait_dma2 semaphore(%arg10 : memref<!tpu.dma_semaphore, #tpu.memory_space<semaphore_mem>>) src(%dma_wait3A_734 : memref<64xf32, #tpu.memory_space<hbm>>) dst(%dma_wait3A_731 : memref<64xf32, #tpu.memory_space<vmem>>)
    %dma_wait3A_735 = arith.constant 0 : i32
    %dma_wait3A_736 = arith.constant 0 : i32
    %dma_wait3A_737 = arith.constant 0 : i32
    %dma_wait3A_738 = arith.constant 0 : i32
    %dma_wait3A_739 = tpu.memref_slice %arg9[%dma_wait3A_737, %dma_wait3A_738] : memref<512x64xf32, #tpu.memory_space<vmem>> -> memref<1x64xf32, #tpu.memory_space<vmem>>
    %dma_wait3A_740 = tpu.memref_squeeze %dma_wait3A_739 : memref<1x64xf32, #tpu.memory_space<vmem>> -> memref<64xf32, #tpu.memory_space<vmem>>
    %dma_wait3A_741 = arith.constant 0 : i32
    %dma_wait3A_742 = tpu.memref_slice %arg4[%dma_wait3A_735, %dma_wait3A_736, %dma_wait3A_741] : memref<125000x8x64xf32, #tpu.memory_space<hbm>> -> memref<1x1x64xf32, #tpu.memory_space<hbm>>
    %dma_wait3A_743 = tpu.memref_squeeze %dma_wait3A_742 : memref<1x1x64xf32, #tpu.memory_space<hbm>> -> memref<64xf32, #tpu.memory_space<hbm>>
    %dma_wait3A_744 = arith.constant 0 : i32
    %dma_wait3A_745 = tpu.memref_slice %arg9[%dma_wait3A_737, %dma_wait3A_744] : memref<512x64xf32, #tpu.memory_space<vmem>> -> memref<1x64xf32, #tpu.memory_space<vmem>>
    %dma_wait3A_746 = tpu.memref_squeeze %dma_wait3A_745 : memref<1x64xf32, #tpu.memory_space<vmem>> -> memref<64xf32, #tpu.memory_space<vmem>>
    %dma_wait3A_747 = arith.constant 0 : i32
    %dma_wait3A_748 = tpu.memref_slice %arg4[%dma_wait3A_735, %dma_wait3A_736, %dma_wait3A_747] : memref<125000x8x64xf32, #tpu.memory_space<hbm>> -> memref<1x1x64xf32, #tpu.memory_space<hbm>>
    %dma_wait3A_749 = tpu.memref_squeeze %dma_wait3A_748 : memref<1x1x64xf32, #tpu.memory_space<hbm>> -> memref<64xf32, #tpu.memory_space<hbm>>
    tpu.wait_dma2 semaphore(%arg10 : memref<!tpu.dma_semaphore, #tpu.memory_space<semaphore_mem>>) src(%dma_wait3A_749 : memref<64xf32, #tpu.memory_space<hbm>>) dst(%dma_wait3A_746 : memref<64xf32, #tpu.memory_space<vmem>>)
    %dma_wait3A_750 = arith.constant 0 : i32
    %dma_wait3A_751 = arith.constant 0 : i32
    %dma_wait3A_752 = arith.constant 0 : i32
    %dma_wait3A_753 = arith.constant 0 : i32
    %dma_wait3A_754 = tpu.memref_slice %arg9[%dma_wait3A_752, %dma_wait3A_753] : memref<512x64xf32, #tpu.memory_space<vmem>> -> memref<1x64xf32, #tpu.memory_space<vmem>>
    %dma_wait3A_755 = tpu.memref_squeeze %dma_wait3A_754 : memref<1x64xf32, #tpu.memory_space<vmem>> -> memref<64xf32, #tpu.memory_space<vmem>>
    %dma_wait3A_756 = arith.constant 0 : i32
    %dma_wait3A_757 = tpu.memref_slice %arg4[%dma_wait3A_750, %dma_wait3A_751, %dma_wait3A_756] : memref<125000x8x64xf32, #tpu.memory_space<hbm>> -> memref<1x1x64xf32, #tpu.memory_space<hbm>>
    %dma_wait3A_758 = tpu.memref_squeeze %dma_wait3A_757 : memref<1x1x64xf32, #tpu.memory_space<hbm>> -> memref<64xf32, #tpu.memory_space<hbm>>
    %dma_wait3A_759 = arith.constant 0 : i32
    %dma_wait3A_760 = tpu.memref_slice %arg9[%dma_wait3A_752, %dma_wait3A_759] : memref<512x64xf32, #tpu.memory_space<vmem>> -> memref<1x64xf32, #tpu.memory_space<vmem>>
    %dma_wait3A_761 = tpu.memref_squeeze %dma_wait3A_760 : memref<1x64xf32, #tpu.memory_space<vmem>> -> memref<64xf32, #tpu.memory_space<vmem>>
    %dma_wait3A_762 = arith.constant 0 : i32
    %dma_wait3A_763 = tpu.memref_slice %arg4[%dma_wait3A_750, %dma_wait3A_751, %dma_wait3A_762] : memref<125000x8x64xf32, #tpu.memory_space<hbm>> -> memref<1x1x64xf32, #tpu.memory_space<hbm>>
    %dma_wait3A_764 = tpu.memref_squeeze %dma_wait3A_763 : memref<1x1x64xf32, #tpu.memory_space<hbm>> -> memref<64xf32, #tpu.memory_space<hbm>>
    tpu.wait_dma2 semaphore(%arg10 : memref<!tpu.dma_semaphore, #tpu.memory_space<semaphore_mem>>) src(%dma_wait3A_764 : memref<64xf32, #tpu.memory_space<hbm>>) dst(%dma_wait3A_761 : memref<64xf32, #tpu.memory_space<vmem>>)
    %dma_wait3A_765 = arith.constant 0 : i32
    %dma_wait3A_766 = arith.constant 0 : i32
    %dma_wait3A_767 = arith.constant 0 : i32
    %dma_wait3A_768 = arith.constant 0 : i32
    %dma_wait3A_769 = tpu.memref_slice %arg9[%dma_wait3A_767, %dma_wait3A_768] : memref<512x64xf32, #tpu.memory_space<vmem>> -> memref<1x64xf32, #tpu.memory_space<vmem>>
    %dma_wait3A_770 = tpu.memref_squeeze %dma_wait3A_769 : memref<1x64xf32, #tpu.memory_space<vmem>> -> memref<64xf32, #tpu.memory_space<vmem>>
    %dma_wait3A_771 = arith.constant 0 : i32
    %dma_wait3A_772 = tpu.memref_slice %arg4[%dma_wait3A_765, %dma_wait3A_766, %dma_wait3A_771] : memref<125000x8x64xf32, #tpu.memory_space<hbm>> -> memref<1x1x64xf32, #tpu.memory_space<hbm>>
    %dma_wait3A_773 = tpu.memref_squeeze %dma_wait3A_772 : memref<1x1x64xf32, #tpu.memory_space<hbm>> -> memref<64xf32, #tpu.memory_space<hbm>>
    %dma_wait3A_774 = arith.constant 0 : i32
    %dma_wait3A_775 = tpu.memref_slice %arg9[%dma_wait3A_767, %dma_wait3A_774] : memref<512x64xf32, #tpu.memory_space<vmem>> -> memref<1x64xf32, #tpu.memory_space<vmem>>
    %dma_wait3A_776 = tpu.memref_squeeze %dma_wait3A_775 : memref<1x64xf32, #tpu.memory_space<vmem>> -> memref<64xf32, #tpu.memory_space<vmem>>
    %dma_wait3A_777 = arith.constant 0 : i32
    %dma_wait3A_778 = tpu.memref_slice %arg4[%dma_wait3A_765, %dma_wait3A_766, %dma_wait3A_777] : memref<125000x8x64xf32, #tpu.memory_space<hbm>> -> memref<1x1x64xf32, #tpu.memory_space<hbm>>
    %dma_wait3A_779 = tpu.memref_squeeze %dma_wait3A_778 : memref<1x1x64xf32, #tpu.memory_space<hbm>> -> memref<64xf32, #tpu.memory_space<hbm>>
    tpu.wait_dma2 semaphore(%arg10 : memref<!tpu.dma_semaphore, #tpu.memory_space<semaphore_mem>>) src(%dma_wait3A_779 : memref<64xf32, #tpu.memory_space<hbm>>) dst(%dma_wait3A_776 : memref<64xf32, #tpu.memory_space<vmem>>)
    %dma_wait3A_780 = arith.constant 0 : i32
    %dma_wait3A_781 = arith.constant 0 : i32
    %dma_wait3A_782 = arith.constant 0 : i32
    %dma_wait3A_783 = arith.constant 0 : i32
    %dma_wait3A_784 = tpu.memref_slice %arg9[%dma_wait3A_782, %dma_wait3A_783] : memref<512x64xf32, #tpu.memory_space<vmem>> -> memref<1x64xf32, #tpu.memory_space<vmem>>
    %dma_wait3A_785 = tpu.memref_squeeze %dma_wait3A_784 : memref<1x64xf32, #tpu.memory_space<vmem>> -> memref<64xf32, #tpu.memory_space<vmem>>
    %dma_wait3A_786 = arith.constant 0 : i32
    %dma_wait3A_787 = tpu.memref_slice %arg4[%dma_wait3A_780, %dma_wait3A_781, %dma_wait3A_786] : memref<125000x8x64xf32, #tpu.memory_space<hbm>> -> memref<1x1x64xf32, #tpu.memory_space<hbm>>
    %dma_wait3A_788 = tpu.memref_squeeze %dma_wait3A_787 : memref<1x1x64xf32, #tpu.memory_space<hbm>> -> memref<64xf32, #tpu.memory_space<hbm>>
    %dma_wait3A_789 = arith.constant 0 : i32
    %dma_wait3A_790 = tpu.memref_slice %arg9[%dma_wait3A_782, %dma_wait3A_789] : memref<512x64xf32, #tpu.memory_space<vmem>> -> memref<1x64xf32, #tpu.memory_space<vmem>>
    %dma_wait3A_791 = tpu.memref_squeeze %dma_wait3A_790 : memref<1x64xf32, #tpu.memory_space<vmem>> -> memref<64xf32, #tpu.memory_space<vmem>>
    %dma_wait3A_792 = arith.constant 0 : i32
    %dma_wait3A_793 = tpu.memref_slice %arg4[%dma_wait3A_780, %dma_wait3A_781, %dma_wait3A_792] : memref<125000x8x64xf32, #tpu.memory_space<hbm>> -> memref<1x1x64xf32, #tpu.memory_space<hbm>>
    %dma_wait3A_794 = tpu.memref_squeeze %dma_wait3A_793 : memref<1x1x64xf32, #tpu.memory_space<hbm>> -> memref<64xf32, #tpu.memory_space<hbm>>
    tpu.wait_dma2 semaphore(%arg10 : memref<!tpu.dma_semaphore, #tpu.memory_space<semaphore_mem>>) src(%dma_wait3A_794 : memref<64xf32, #tpu.memory_space<hbm>>) dst(%dma_wait3A_791 : memref<64xf32, #tpu.memory_space<vmem>>)
    %dma_wait3A_795 = arith.constant 0 : i32
    %dma_wait3A_796 = arith.constant 0 : i32
    %dma_wait3A_797 = arith.constant 0 : i32
    %dma_wait3A_798 = arith.constant 0 : i32
    %dma_wait3A_799 = tpu.memref_slice %arg9[%dma_wait3A_797, %dma_wait3A_798] : memref<512x64xf32, #tpu.memory_space<vmem>> -> memref<1x64xf32, #tpu.memory_space<vmem>>
    %dma_wait3A_800 = tpu.memref_squeeze %dma_wait3A_799 : memref<1x64xf32, #tpu.memory_space<vmem>> -> memref<64xf32, #tpu.memory_space<vmem>>
    %dma_wait3A_801 = arith.constant 0 : i32
    %dma_wait3A_802 = tpu.memref_slice %arg4[%dma_wait3A_795, %dma_wait3A_796, %dma_wait3A_801] : memref<125000x8x64xf32, #tpu.memory_space<hbm>> -> memref<1x1x64xf32, #tpu.memory_space<hbm>>
    %dma_wait3A_803 = tpu.memref_squeeze %dma_wait3A_802 : memref<1x1x64xf32, #tpu.memory_space<hbm>> -> memref<64xf32, #tpu.memory_space<hbm>>
    %dma_wait3A_804 = arith.constant 0 : i32
    %dma_wait3A_805 = tpu.memref_slice %arg9[%dma_wait3A_797, %dma_wait3A_804] : memref<512x64xf32, #tpu.memory_space<vmem>> -> memref<1x64xf32, #tpu.memory_space<vmem>>
    %dma_wait3A_806 = tpu.memref_squeeze %dma_wait3A_805 : memref<1x64xf32, #tpu.memory_space<vmem>> -> memref<64xf32, #tpu.memory_space<vmem>>
    %dma_wait3A_807 = arith.constant 0 : i32
    %dma_wait3A_808 = tpu.memref_slice %arg4[%dma_wait3A_795, %dma_wait3A_796, %dma_wait3A_807] : memref<125000x8x64xf32, #tpu.memory_space<hbm>> -> memref<1x1x64xf32, #tpu.memory_space<hbm>>
    %dma_wait3A_809 = tpu.memref_squeeze %dma_wait3A_808 : memref<1x1x64xf32, #tpu.memory_space<hbm>> -> memref<64xf32, #tpu.memory_space<hbm>>
    tpu.wait_dma2 semaphore(%arg10 : memref<!tpu.dma_semaphore, #tpu.memory_space<semaphore_mem>>) src(%dma_wait3A_809 : memref<64xf32, #tpu.memory_space<hbm>>) dst(%dma_wait3A_806 : memref<64xf32, #tpu.memory_space<vmem>>)
    %dma_wait3A_810 = arith.constant 0 : i32
    %dma_wait3A_811 = arith.constant 0 : i32
    %dma_wait3A_812 = arith.constant 0 : i32
    %dma_wait3A_813 = arith.constant 0 : i32
    %dma_wait3A_814 = tpu.memref_slice %arg9[%dma_wait3A_812, %dma_wait3A_813] : memref<512x64xf32, #tpu.memory_space<vmem>> -> memref<1x64xf32, #tpu.memory_space<vmem>>
    %dma_wait3A_815 = tpu.memref_squeeze %dma_wait3A_814 : memref<1x64xf32, #tpu.memory_space<vmem>> -> memref<64xf32, #tpu.memory_space<vmem>>
    %dma_wait3A_816 = arith.constant 0 : i32
    %dma_wait3A_817 = tpu.memref_slice %arg4[%dma_wait3A_810, %dma_wait3A_811, %dma_wait3A_816] : memref<125000x8x64xf32, #tpu.memory_space<hbm>> -> memref<1x1x64xf32, #tpu.memory_space<hbm>>
    %dma_wait3A_818 = tpu.memref_squeeze %dma_wait3A_817 : memref<1x1x64xf32, #tpu.memory_space<hbm>> -> memref<64xf32, #tpu.memory_space<hbm>>
    %dma_wait3A_819 = arith.constant 0 : i32
    %dma_wait3A_820 = tpu.memref_slice %arg9[%dma_wait3A_812, %dma_wait3A_819] : memref<512x64xf32, #tpu.memory_space<vmem>> -> memref<1x64xf32, #tpu.memory_space<vmem>>
    %dma_wait3A_821 = tpu.memref_squeeze %dma_wait3A_820 : memref<1x64xf32, #tpu.memory_space<vmem>> -> memref<64xf32, #tpu.memory_space<vmem>>
    %dma_wait3A_822 = arith.constant 0 : i32
    %dma_wait3A_823 = tpu.memref_slice %arg4[%dma_wait3A_810, %dma_wait3A_811, %dma_wait3A_822] : memref<125000x8x64xf32, #tpu.memory_space<hbm>> -> memref<1x1x64xf32, #tpu.memory_space<hbm>>
    %dma_wait3A_824 = tpu.memref_squeeze %dma_wait3A_823 : memref<1x1x64xf32, #tpu.memory_space<hbm>> -> memref<64xf32, #tpu.memory_space<hbm>>
    tpu.wait_dma2 semaphore(%arg10 : memref<!tpu.dma_semaphore, #tpu.memory_space<semaphore_mem>>) src(%dma_wait3A_824 : memref<64xf32, #tpu.memory_space<hbm>>) dst(%dma_wait3A_821 : memref<64xf32, #tpu.memory_space<vmem>>)
    %dma_wait3A_825 = arith.constant 0 : i32
    %dma_wait3A_826 = arith.constant 0 : i32
    %dma_wait3A_827 = arith.constant 0 : i32
    %dma_wait3A_828 = arith.constant 0 : i32
    %dma_wait3A_829 = tpu.memref_slice %arg9[%dma_wait3A_827, %dma_wait3A_828] : memref<512x64xf32, #tpu.memory_space<vmem>> -> memref<1x64xf32, #tpu.memory_space<vmem>>
    %dma_wait3A_830 = tpu.memref_squeeze %dma_wait3A_829 : memref<1x64xf32, #tpu.memory_space<vmem>> -> memref<64xf32, #tpu.memory_space<vmem>>
    %dma_wait3A_831 = arith.constant 0 : i32
    %dma_wait3A_832 = tpu.memref_slice %arg4[%dma_wait3A_825, %dma_wait3A_826, %dma_wait3A_831] : memref<125000x8x64xf32, #tpu.memory_space<hbm>> -> memref<1x1x64xf32, #tpu.memory_space<hbm>>
    %dma_wait3A_833 = tpu.memref_squeeze %dma_wait3A_832 : memref<1x1x64xf32, #tpu.memory_space<hbm>> -> memref<64xf32, #tpu.memory_space<hbm>>
    %dma_wait3A_834 = arith.constant 0 : i32
    %dma_wait3A_835 = tpu.memref_slice %arg9[%dma_wait3A_827, %dma_wait3A_834] : memref<512x64xf32, #tpu.memory_space<vmem>> -> memref<1x64xf32, #tpu.memory_space<vmem>>
    %dma_wait3A_836 = tpu.memref_squeeze %dma_wait3A_835 : memref<1x64xf32, #tpu.memory_space<vmem>> -> memref<64xf32, #tpu.memory_space<vmem>>
    %dma_wait3A_837 = arith.constant 0 : i32
    %dma_wait3A_838 = tpu.memref_slice %arg4[%dma_wait3A_825, %dma_wait3A_826, %dma_wait3A_837] : memref<125000x8x64xf32, #tpu.memory_space<hbm>> -> memref<1x1x64xf32, #tpu.memory_space<hbm>>
    %dma_wait3A_839 = tpu.memref_squeeze %dma_wait3A_838 : memref<1x1x64xf32, #tpu.memory_space<hbm>> -> memref<64xf32, #tpu.memory_space<hbm>>
    tpu.wait_dma2 semaphore(%arg10 : memref<!tpu.dma_semaphore, #tpu.memory_space<semaphore_mem>>) src(%dma_wait3A_839 : memref<64xf32, #tpu.memory_space<hbm>>) dst(%dma_wait3A_836 : memref<64xf32, #tpu.memory_space<vmem>>)
    %dma_wait3A_840 = arith.constant 0 : i32
    %dma_wait3A_841 = arith.constant 0 : i32
    %dma_wait3A_842 = arith.constant 0 : i32
    %dma_wait3A_843 = arith.constant 0 : i32
    %dma_wait3A_844 = tpu.memref_slice %arg9[%dma_wait3A_842, %dma_wait3A_843] : memref<512x64xf32, #tpu.memory_space<vmem>> -> memref<1x64xf32, #tpu.memory_space<vmem>>
    %dma_wait3A_845 = tpu.memref_squeeze %dma_wait3A_844 : memref<1x64xf32, #tpu.memory_space<vmem>> -> memref<64xf32, #tpu.memory_space<vmem>>
    %dma_wait3A_846 = arith.constant 0 : i32
    %dma_wait3A_847 = tpu.memref_slice %arg4[%dma_wait3A_840, %dma_wait3A_841, %dma_wait3A_846] : memref<125000x8x64xf32, #tpu.memory_space<hbm>> -> memref<1x1x64xf32, #tpu.memory_space<hbm>>
    %dma_wait3A_848 = tpu.memref_squeeze %dma_wait3A_847 : memref<1x1x64xf32, #tpu.memory_space<hbm>> -> memref<64xf32, #tpu.memory_space<hbm>>
    %dma_wait3A_849 = arith.constant 0 : i32
    %dma_wait3A_850 = tpu.memref_slice %arg9[%dma_wait3A_842, %dma_wait3A_849] : memref<512x64xf32, #tpu.memory_space<vmem>> -> memref<1x64xf32, #tpu.memory_space<vmem>>
    %dma_wait3A_851 = tpu.memref_squeeze %dma_wait3A_850 : memref<1x64xf32, #tpu.memory_space<vmem>> -> memref<64xf32, #tpu.memory_space<vmem>>
    %dma_wait3A_852 = arith.constant 0 : i32
    %dma_wait3A_853 = tpu.memref_slice %arg4[%dma_wait3A_840, %dma_wait3A_841, %dma_wait3A_852] : memref<125000x8x64xf32, #tpu.memory_space<hbm>> -> memref<1x1x64xf32, #tpu.memory_space<hbm>>
    %dma_wait3A_854 = tpu.memref_squeeze %dma_wait3A_853 : memref<1x1x64xf32, #tpu.memory_space<hbm>> -> memref<64xf32, #tpu.memory_space<hbm>>
    tpu.wait_dma2 semaphore(%arg10 : memref<!tpu.dma_semaphore, #tpu.memory_space<semaphore_mem>>) src(%dma_wait3A_854 : memref<64xf32, #tpu.memory_space<hbm>>) dst(%dma_wait3A_851 : memref<64xf32, #tpu.memory_space<vmem>>)
    %dma_wait3A_855 = arith.constant 0 : i32
    %dma_wait3A_856 = arith.constant 0 : i32
    %dma_wait3A_857 = arith.constant 0 : i32
    %dma_wait3A_858 = arith.constant 0 : i32
    %dma_wait3A_859 = tpu.memref_slice %arg9[%dma_wait3A_857, %dma_wait3A_858] : memref<512x64xf32, #tpu.memory_space<vmem>> -> memref<1x64xf32, #tpu.memory_space<vmem>>
    %dma_wait3A_860 = tpu.memref_squeeze %dma_wait3A_859 : memref<1x64xf32, #tpu.memory_space<vmem>> -> memref<64xf32, #tpu.memory_space<vmem>>
    %dma_wait3A_861 = arith.constant 0 : i32
    %dma_wait3A_862 = tpu.memref_slice %arg4[%dma_wait3A_855, %dma_wait3A_856, %dma_wait3A_861] : memref<125000x8x64xf32, #tpu.memory_space<hbm>> -> memref<1x1x64xf32, #tpu.memory_space<hbm>>
    %dma_wait3A_863 = tpu.memref_squeeze %dma_wait3A_862 : memref<1x1x64xf32, #tpu.memory_space<hbm>> -> memref<64xf32, #tpu.memory_space<hbm>>
    %dma_wait3A_864 = arith.constant 0 : i32
    %dma_wait3A_865 = tpu.memref_slice %arg9[%dma_wait3A_857, %dma_wait3A_864] : memref<512x64xf32, #tpu.memory_space<vmem>> -> memref<1x64xf32, #tpu.memory_space<vmem>>
    %dma_wait3A_866 = tpu.memref_squeeze %dma_wait3A_865 : memref<1x64xf32, #tpu.memory_space<vmem>> -> memref<64xf32, #tpu.memory_space<vmem>>
    %dma_wait3A_867 = arith.constant 0 : i32
    %dma_wait3A_868 = tpu.memref_slice %arg4[%dma_wait3A_855, %dma_wait3A_856, %dma_wait3A_867] : memref<125000x8x64xf32, #tpu.memory_space<hbm>> -> memref<1x1x64xf32, #tpu.memory_space<hbm>>
    %dma_wait3A_869 = tpu.memref_squeeze %dma_wait3A_868 : memref<1x1x64xf32, #tpu.memory_space<hbm>> -> memref<64xf32, #tpu.memory_space<hbm>>
    tpu.wait_dma2 semaphore(%arg10 : memref<!tpu.dma_semaphore, #tpu.memory_space<semaphore_mem>>) src(%dma_wait3A_869 : memref<64xf32, #tpu.memory_space<hbm>>) dst(%dma_wait3A_866 : memref<64xf32, #tpu.memory_space<vmem>>)
    %dma_wait3A_870 = arith.constant 0 : i32
    %dma_wait3A_871 = arith.constant 0 : i32
    %dma_wait3A_872 = arith.constant 0 : i32
    %dma_wait3A_873 = arith.constant 0 : i32
    %dma_wait3A_874 = tpu.memref_slice %arg9[%dma_wait3A_872, %dma_wait3A_873] : memref<512x64xf32, #tpu.memory_space<vmem>> -> memref<1x64xf32, #tpu.memory_space<vmem>>
    %dma_wait3A_875 = tpu.memref_squeeze %dma_wait3A_874 : memref<1x64xf32, #tpu.memory_space<vmem>> -> memref<64xf32, #tpu.memory_space<vmem>>
    %dma_wait3A_876 = arith.constant 0 : i32
    %dma_wait3A_877 = tpu.memref_slice %arg4[%dma_wait3A_870, %dma_wait3A_871, %dma_wait3A_876] : memref<125000x8x64xf32, #tpu.memory_space<hbm>> -> memref<1x1x64xf32, #tpu.memory_space<hbm>>
    %dma_wait3A_878 = tpu.memref_squeeze %dma_wait3A_877 : memref<1x1x64xf32, #tpu.memory_space<hbm>> -> memref<64xf32, #tpu.memory_space<hbm>>
    %dma_wait3A_879 = arith.constant 0 : i32
    %dma_wait3A_880 = tpu.memref_slice %arg9[%dma_wait3A_872, %dma_wait3A_879] : memref<512x64xf32, #tpu.memory_space<vmem>> -> memref<1x64xf32, #tpu.memory_space<vmem>>
    %dma_wait3A_881 = tpu.memref_squeeze %dma_wait3A_880 : memref<1x64xf32, #tpu.memory_space<vmem>> -> memref<64xf32, #tpu.memory_space<vmem>>
    %dma_wait3A_882 = arith.constant 0 : i32
    %dma_wait3A_883 = tpu.memref_slice %arg4[%dma_wait3A_870, %dma_wait3A_871, %dma_wait3A_882] : memref<125000x8x64xf32, #tpu.memory_space<hbm>> -> memref<1x1x64xf32, #tpu.memory_space<hbm>>
    %dma_wait3A_884 = tpu.memref_squeeze %dma_wait3A_883 : memref<1x1x64xf32, #tpu.memory_space<hbm>> -> memref<64xf32, #tpu.memory_space<hbm>>
    tpu.wait_dma2 semaphore(%arg10 : memref<!tpu.dma_semaphore, #tpu.memory_space<semaphore_mem>>) src(%dma_wait3A_884 : memref<64xf32, #tpu.memory_space<hbm>>) dst(%dma_wait3A_881 : memref<64xf32, #tpu.memory_space<vmem>>)
    %dma_wait3A_885 = arith.constant 0 : i32
    %dma_wait3A_886 = arith.constant 0 : i32
    %dma_wait3A_887 = arith.constant 0 : i32
    %dma_wait3A_888 = arith.constant 0 : i32
    %dma_wait3A_889 = tpu.memref_slice %arg9[%dma_wait3A_887, %dma_wait3A_888] : memref<512x64xf32, #tpu.memory_space<vmem>> -> memref<1x64xf32, #tpu.memory_space<vmem>>
    %dma_wait3A_890 = tpu.memref_squeeze %dma_wait3A_889 : memref<1x64xf32, #tpu.memory_space<vmem>> -> memref<64xf32, #tpu.memory_space<vmem>>
    %dma_wait3A_891 = arith.constant 0 : i32
    %dma_wait3A_892 = tpu.memref_slice %arg4[%dma_wait3A_885, %dma_wait3A_886, %dma_wait3A_891] : memref<125000x8x64xf32, #tpu.memory_space<hbm>> -> memref<1x1x64xf32, #tpu.memory_space<hbm>>
    %dma_wait3A_893 = tpu.memref_squeeze %dma_wait3A_892 : memref<1x1x64xf32, #tpu.memory_space<hbm>> -> memref<64xf32, #tpu.memory_space<hbm>>
    %dma_wait3A_894 = arith.constant 0 : i32
    %dma_wait3A_895 = tpu.memref_slice %arg9[%dma_wait3A_887, %dma_wait3A_894] : memref<512x64xf32, #tpu.memory_space<vmem>> -> memref<1x64xf32, #tpu.memory_space<vmem>>
    %dma_wait3A_896 = tpu.memref_squeeze %dma_wait3A_895 : memref<1x64xf32, #tpu.memory_space<vmem>> -> memref<64xf32, #tpu.memory_space<vmem>>
    %dma_wait3A_897 = arith.constant 0 : i32
    %dma_wait3A_898 = tpu.memref_slice %arg4[%dma_wait3A_885, %dma_wait3A_886, %dma_wait3A_897] : memref<125000x8x64xf32, #tpu.memory_space<hbm>> -> memref<1x1x64xf32, #tpu.memory_space<hbm>>
    %dma_wait3A_899 = tpu.memref_squeeze %dma_wait3A_898 : memref<1x1x64xf32, #tpu.memory_space<hbm>> -> memref<64xf32, #tpu.memory_space<hbm>>
    tpu.wait_dma2 semaphore(%arg10 : memref<!tpu.dma_semaphore, #tpu.memory_space<semaphore_mem>>) src(%dma_wait3A_899 : memref<64xf32, #tpu.memory_space<hbm>>) dst(%dma_wait3A_896 : memref<64xf32, #tpu.memory_space<vmem>>)
    %dma_wait3A_900 = arith.constant 0 : i32
    %dma_wait3A_901 = arith.constant 0 : i32
    %dma_wait3A_902 = arith.constant 0 : i32
    %dma_wait3A_903 = arith.constant 0 : i32
    %dma_wait3A_904 = tpu.memref_slice %arg9[%dma_wait3A_902, %dma_wait3A_903] : memref<512x64xf32, #tpu.memory_space<vmem>> -> memref<1x64xf32, #tpu.memory_space<vmem>>
    %dma_wait3A_905 = tpu.memref_squeeze %dma_wait3A_904 : memref<1x64xf32, #tpu.memory_space<vmem>> -> memref<64xf32, #tpu.memory_space<vmem>>
    %dma_wait3A_906 = arith.constant 0 : i32
    %dma_wait3A_907 = tpu.memref_slice %arg4[%dma_wait3A_900, %dma_wait3A_901, %dma_wait3A_906] : memref<125000x8x64xf32, #tpu.memory_space<hbm>> -> memref<1x1x64xf32, #tpu.memory_space<hbm>>
    %dma_wait3A_908 = tpu.memref_squeeze %dma_wait3A_907 : memref<1x1x64xf32, #tpu.memory_space<hbm>> -> memref<64xf32, #tpu.memory_space<hbm>>
    %dma_wait3A_909 = arith.constant 0 : i32
    %dma_wait3A_910 = tpu.memref_slice %arg9[%dma_wait3A_902, %dma_wait3A_909] : memref<512x64xf32, #tpu.memory_space<vmem>> -> memref<1x64xf32, #tpu.memory_space<vmem>>
    %dma_wait3A_911 = tpu.memref_squeeze %dma_wait3A_910 : memref<1x64xf32, #tpu.memory_space<vmem>> -> memref<64xf32, #tpu.memory_space<vmem>>
    %dma_wait3A_912 = arith.constant 0 : i32
    %dma_wait3A_913 = tpu.memref_slice %arg4[%dma_wait3A_900, %dma_wait3A_901, %dma_wait3A_912] : memref<125000x8x64xf32, #tpu.memory_space<hbm>> -> memref<1x1x64xf32, #tpu.memory_space<hbm>>
    %dma_wait3A_914 = tpu.memref_squeeze %dma_wait3A_913 : memref<1x1x64xf32, #tpu.memory_space<hbm>> -> memref<64xf32, #tpu.memory_space<hbm>>
    tpu.wait_dma2 semaphore(%arg10 : memref<!tpu.dma_semaphore, #tpu.memory_space<semaphore_mem>>) src(%dma_wait3A_914 : memref<64xf32, #tpu.memory_space<hbm>>) dst(%dma_wait3A_911 : memref<64xf32, #tpu.memory_space<vmem>>)
    %dma_wait3A_915 = arith.constant 0 : i32
    %dma_wait3A_916 = arith.constant 0 : i32
    %dma_wait3A_917 = arith.constant 0 : i32
    %dma_wait3A_918 = arith.constant 0 : i32
    %dma_wait3A_919 = tpu.memref_slice %arg9[%dma_wait3A_917, %dma_wait3A_918] : memref<512x64xf32, #tpu.memory_space<vmem>> -> memref<1x64xf32, #tpu.memory_space<vmem>>
    %dma_wait3A_920 = tpu.memref_squeeze %dma_wait3A_919 : memref<1x64xf32, #tpu.memory_space<vmem>> -> memref<64xf32, #tpu.memory_space<vmem>>
    %dma_wait3A_921 = arith.constant 0 : i32
    %dma_wait3A_922 = tpu.memref_slice %arg4[%dma_wait3A_915, %dma_wait3A_916, %dma_wait3A_921] : memref<125000x8x64xf32, #tpu.memory_space<hbm>> -> memref<1x1x64xf32, #tpu.memory_space<hbm>>
    %dma_wait3A_923 = tpu.memref_squeeze %dma_wait3A_922 : memref<1x1x64xf32, #tpu.memory_space<hbm>> -> memref<64xf32, #tpu.memory_space<hbm>>
    %dma_wait3A_924 = arith.constant 0 : i32
    %dma_wait3A_925 = tpu.memref_slice %arg9[%dma_wait3A_917, %dma_wait3A_924] : memref<512x64xf32, #tpu.memory_space<vmem>> -> memref<1x64xf32, #tpu.memory_space<vmem>>
    %dma_wait3A_926 = tpu.memref_squeeze %dma_wait3A_925 : memref<1x64xf32, #tpu.memory_space<vmem>> -> memref<64xf32, #tpu.memory_space<vmem>>
    %dma_wait3A_927 = arith.constant 0 : i32
    %dma_wait3A_928 = tpu.memref_slice %arg4[%dma_wait3A_915, %dma_wait3A_916, %dma_wait3A_927] : memref<125000x8x64xf32, #tpu.memory_space<hbm>> -> memref<1x1x64xf32, #tpu.memory_space<hbm>>
    %dma_wait3A_929 = tpu.memref_squeeze %dma_wait3A_928 : memref<1x1x64xf32, #tpu.memory_space<hbm>> -> memref<64xf32, #tpu.memory_space<hbm>>
    tpu.wait_dma2 semaphore(%arg10 : memref<!tpu.dma_semaphore, #tpu.memory_space<semaphore_mem>>) src(%dma_wait3A_929 : memref<64xf32, #tpu.memory_space<hbm>>) dst(%dma_wait3A_926 : memref<64xf32, #tpu.memory_space<vmem>>)
    %dma_wait3A_930 = arith.constant 0 : i32
    %dma_wait3A_931 = arith.constant 0 : i32
    %dma_wait3A_932 = arith.constant 0 : i32
    %dma_wait3A_933 = arith.constant 0 : i32
    %dma_wait3A_934 = tpu.memref_slice %arg9[%dma_wait3A_932, %dma_wait3A_933] : memref<512x64xf32, #tpu.memory_space<vmem>> -> memref<1x64xf32, #tpu.memory_space<vmem>>
    %dma_wait3A_935 = tpu.memref_squeeze %dma_wait3A_934 : memref<1x64xf32, #tpu.memory_space<vmem>> -> memref<64xf32, #tpu.memory_space<vmem>>
    %dma_wait3A_936 = arith.constant 0 : i32
    %dma_wait3A_937 = tpu.memref_slice %arg4[%dma_wait3A_930, %dma_wait3A_931, %dma_wait3A_936] : memref<125000x8x64xf32, #tpu.memory_space<hbm>> -> memref<1x1x64xf32, #tpu.memory_space<hbm>>
    %dma_wait3A_938 = tpu.memref_squeeze %dma_wait3A_937 : memref<1x1x64xf32, #tpu.memory_space<hbm>> -> memref<64xf32, #tpu.memory_space<hbm>>
    %dma_wait3A_939 = arith.constant 0 : i32
    %dma_wait3A_940 = tpu.memref_slice %arg9[%dma_wait3A_932, %dma_wait3A_939] : memref<512x64xf32, #tpu.memory_space<vmem>> -> memref<1x64xf32, #tpu.memory_space<vmem>>
    %dma_wait3A_941 = tpu.memref_squeeze %dma_wait3A_940 : memref<1x64xf32, #tpu.memory_space<vmem>> -> memref<64xf32, #tpu.memory_space<vmem>>
    %dma_wait3A_942 = arith.constant 0 : i32
    %dma_wait3A_943 = tpu.memref_slice %arg4[%dma_wait3A_930, %dma_wait3A_931, %dma_wait3A_942] : memref<125000x8x64xf32, #tpu.memory_space<hbm>> -> memref<1x1x64xf32, #tpu.memory_space<hbm>>
    %dma_wait3A_944 = tpu.memref_squeeze %dma_wait3A_943 : memref<1x1x64xf32, #tpu.memory_space<hbm>> -> memref<64xf32, #tpu.memory_space<hbm>>
    tpu.wait_dma2 semaphore(%arg10 : memref<!tpu.dma_semaphore, #tpu.memory_space<semaphore_mem>>) src(%dma_wait3A_944 : memref<64xf32, #tpu.memory_space<hbm>>) dst(%dma_wait3A_941 : memref<64xf32, #tpu.memory_space<vmem>>)
    %dma_wait3A_945 = arith.constant 0 : i32
    %dma_wait3A_946 = arith.constant 0 : i32
    %dma_wait3A_947 = arith.constant 0 : i32
    %dma_wait3A_948 = arith.constant 0 : i32
    %dma_wait3A_949 = tpu.memref_slice %arg9[%dma_wait3A_947, %dma_wait3A_948] : memref<512x64xf32, #tpu.memory_space<vmem>> -> memref<1x64xf32, #tpu.memory_space<vmem>>
    %dma_wait3A_950 = tpu.memref_squeeze %dma_wait3A_949 : memref<1x64xf32, #tpu.memory_space<vmem>> -> memref<64xf32, #tpu.memory_space<vmem>>
    %dma_wait3A_951 = arith.constant 0 : i32
    %dma_wait3A_952 = tpu.memref_slice %arg4[%dma_wait3A_945, %dma_wait3A_946, %dma_wait3A_951] : memref<125000x8x64xf32, #tpu.memory_space<hbm>> -> memref<1x1x64xf32, #tpu.memory_space<hbm>>
    %dma_wait3A_953 = tpu.memref_squeeze %dma_wait3A_952 : memref<1x1x64xf32, #tpu.memory_space<hbm>> -> memref<64xf32, #tpu.memory_space<hbm>>
    %dma_wait3A_954 = arith.constant 0 : i32
    %dma_wait3A_955 = tpu.memref_slice %arg9[%dma_wait3A_947, %dma_wait3A_954] : memref<512x64xf32, #tpu.memory_space<vmem>> -> memref<1x64xf32, #tpu.memory_space<vmem>>
    %dma_wait3A_956 = tpu.memref_squeeze %dma_wait3A_955 : memref<1x64xf32, #tpu.memory_space<vmem>> -> memref<64xf32, #tpu.memory_space<vmem>>
    %dma_wait3A_957 = arith.constant 0 : i32
    %dma_wait3A_958 = tpu.memref_slice %arg4[%dma_wait3A_945, %dma_wait3A_946, %dma_wait3A_957] : memref<125000x8x64xf32, #tpu.memory_space<hbm>> -> memref<1x1x64xf32, #tpu.memory_space<hbm>>
    %dma_wait3A_959 = tpu.memref_squeeze %dma_wait3A_958 : memref<1x1x64xf32, #tpu.memory_space<hbm>> -> memref<64xf32, #tpu.memory_space<hbm>>
    tpu.wait_dma2 semaphore(%arg10 : memref<!tpu.dma_semaphore, #tpu.memory_space<semaphore_mem>>) src(%dma_wait3A_959 : memref<64xf32, #tpu.memory_space<hbm>>) dst(%dma_wait3A_956 : memref<64xf32, #tpu.memory_space<vmem>>)
    %dma_wait3A_960 = arith.constant 0 : i32
    %dma_wait3A_961 = arith.constant 0 : i32
    %dma_wait3A_962 = arith.constant 0 : i32
    %dma_wait3A_963 = arith.constant 0 : i32
    %dma_wait3A_964 = tpu.memref_slice %arg9[%dma_wait3A_962, %dma_wait3A_963] : memref<512x64xf32, #tpu.memory_space<vmem>> -> memref<1x64xf32, #tpu.memory_space<vmem>>
    %dma_wait3A_965 = tpu.memref_squeeze %dma_wait3A_964 : memref<1x64xf32, #tpu.memory_space<vmem>> -> memref<64xf32, #tpu.memory_space<vmem>>
    %dma_wait3A_966 = arith.constant 0 : i32
    %dma_wait3A_967 = tpu.memref_slice %arg4[%dma_wait3A_960, %dma_wait3A_961, %dma_wait3A_966] : memref<125000x8x64xf32, #tpu.memory_space<hbm>> -> memref<1x1x64xf32, #tpu.memory_space<hbm>>
    %dma_wait3A_968 = tpu.memref_squeeze %dma_wait3A_967 : memref<1x1x64xf32, #tpu.memory_space<hbm>> -> memref<64xf32, #tpu.memory_space<hbm>>
    %dma_wait3A_969 = arith.constant 0 : i32
    %dma_wait3A_970 = tpu.memref_slice %arg9[%dma_wait3A_962, %dma_wait3A_969] : memref<512x64xf32, #tpu.memory_space<vmem>> -> memref<1x64xf32, #tpu.memory_space<vmem>>
    %dma_wait3A_971 = tpu.memref_squeeze %dma_wait3A_970 : memref<1x64xf32, #tpu.memory_space<vmem>> -> memref<64xf32, #tpu.memory_space<vmem>>
    %dma_wait3A_972 = arith.constant 0 : i32
    %dma_wait3A_973 = tpu.memref_slice %arg4[%dma_wait3A_960, %dma_wait3A_961, %dma_wait3A_972] : memref<125000x8x64xf32, #tpu.memory_space<hbm>> -> memref<1x1x64xf32, #tpu.memory_space<hbm>>
    %dma_wait3A_974 = tpu.memref_squeeze %dma_wait3A_973 : memref<1x1x64xf32, #tpu.memory_space<hbm>> -> memref<64xf32, #tpu.memory_space<hbm>>
    tpu.wait_dma2 semaphore(%arg10 : memref<!tpu.dma_semaphore, #tpu.memory_space<semaphore_mem>>) src(%dma_wait3A_974 : memref<64xf32, #tpu.memory_space<hbm>>) dst(%dma_wait3A_971 : memref<64xf32, #tpu.memory_space<vmem>>)
    %dma_wait3A_975 = arith.constant 0 : i32
    %dma_wait3A_976 = arith.constant 0 : i32
    %dma_wait3A_977 = arith.constant 0 : i32
    %dma_wait3A_978 = arith.constant 0 : i32
    %dma_wait3A_979 = tpu.memref_slice %arg9[%dma_wait3A_977, %dma_wait3A_978] : memref<512x64xf32, #tpu.memory_space<vmem>> -> memref<1x64xf32, #tpu.memory_space<vmem>>
    %dma_wait3A_980 = tpu.memref_squeeze %dma_wait3A_979 : memref<1x64xf32, #tpu.memory_space<vmem>> -> memref<64xf32, #tpu.memory_space<vmem>>
    %dma_wait3A_981 = arith.constant 0 : i32
    %dma_wait3A_982 = tpu.memref_slice %arg4[%dma_wait3A_975, %dma_wait3A_976, %dma_wait3A_981] : memref<125000x8x64xf32, #tpu.memory_space<hbm>> -> memref<1x1x64xf32, #tpu.memory_space<hbm>>
    %dma_wait3A_983 = tpu.memref_squeeze %dma_wait3A_982 : memref<1x1x64xf32, #tpu.memory_space<hbm>> -> memref<64xf32, #tpu.memory_space<hbm>>
    %dma_wait3A_984 = arith.constant 0 : i32
    %dma_wait3A_985 = tpu.memref_slice %arg9[%dma_wait3A_977, %dma_wait3A_984] : memref<512x64xf32, #tpu.memory_space<vmem>> -> memref<1x64xf32, #tpu.memory_space<vmem>>
    %dma_wait3A_986 = tpu.memref_squeeze %dma_wait3A_985 : memref<1x64xf32, #tpu.memory_space<vmem>> -> memref<64xf32, #tpu.memory_space<vmem>>
    %dma_wait3A_987 = arith.constant 0 : i32
    %dma_wait3A_988 = tpu.memref_slice %arg4[%dma_wait3A_975, %dma_wait3A_976, %dma_wait3A_987] : memref<125000x8x64xf32, #tpu.memory_space<hbm>> -> memref<1x1x64xf32, #tpu.memory_space<hbm>>
    %dma_wait3A_989 = tpu.memref_squeeze %dma_wait3A_988 : memref<1x1x64xf32, #tpu.memory_space<hbm>> -> memref<64xf32, #tpu.memory_space<hbm>>
    tpu.wait_dma2 semaphore(%arg10 : memref<!tpu.dma_semaphore, #tpu.memory_space<semaphore_mem>>) src(%dma_wait3A_989 : memref<64xf32, #tpu.memory_space<hbm>>) dst(%dma_wait3A_986 : memref<64xf32, #tpu.memory_space<vmem>>)
    %dma_wait3A_990 = arith.constant 0 : i32
    %dma_wait3A_991 = arith.constant 0 : i32
    %dma_wait3A_992 = arith.constant 0 : i32
    %dma_wait3A_993 = arith.constant 0 : i32
    %dma_wait3A_994 = tpu.memref_slice %arg9[%dma_wait3A_992, %dma_wait3A_993] : memref<512x64xf32, #tpu.memory_space<vmem>> -> memref<1x64xf32, #tpu.memory_space<vmem>>
    %dma_wait3A_995 = tpu.memref_squeeze %dma_wait3A_994 : memref<1x64xf32, #tpu.memory_space<vmem>> -> memref<64xf32, #tpu.memory_space<vmem>>
    %dma_wait3A_996 = arith.constant 0 : i32
    %dma_wait3A_997 = tpu.memref_slice %arg4[%dma_wait3A_990, %dma_wait3A_991, %dma_wait3A_996] : memref<125000x8x64xf32, #tpu.memory_space<hbm>> -> memref<1x1x64xf32, #tpu.memory_space<hbm>>
    %dma_wait3A_998 = tpu.memref_squeeze %dma_wait3A_997 : memref<1x1x64xf32, #tpu.memory_space<hbm>> -> memref<64xf32, #tpu.memory_space<hbm>>
    %dma_wait3A_999 = arith.constant 0 : i32
    %dma_wait3A_1000 = tpu.memref_slice %arg9[%dma_wait3A_992, %dma_wait3A_999] : memref<512x64xf32, #tpu.memory_space<vmem>> -> memref<1x64xf32, #tpu.memory_space<vmem>>
    %dma_wait3A_1001 = tpu.memref_squeeze %dma_wait3A_1000 : memref<1x64xf32, #tpu.memory_space<vmem>> -> memref<64xf32, #tpu.memory_space<vmem>>
    %dma_wait3A_1002 = arith.constant 0 : i32
    %dma_wait3A_1003 = tpu.memref_slice %arg4[%dma_wait3A_990, %dma_wait3A_991, %dma_wait3A_1002] : memref<125000x8x64xf32, #tpu.memory_space<hbm>> -> memref<1x1x64xf32, #tpu.memory_space<hbm>>
    %dma_wait3A_1004 = tpu.memref_squeeze %dma_wait3A_1003 : memref<1x1x64xf32, #tpu.memory_space<hbm>> -> memref<64xf32, #tpu.memory_space<hbm>>
    tpu.wait_dma2 semaphore(%arg10 : memref<!tpu.dma_semaphore, #tpu.memory_space<semaphore_mem>>) src(%dma_wait3A_1004 : memref<64xf32, #tpu.memory_space<hbm>>) dst(%dma_wait3A_1001 : memref<64xf32, #tpu.memory_space<vmem>>)
    %dma_wait3A_1005 = arith.constant 0 : i32
    %dma_wait3A_1006 = arith.constant 0 : i32
    %dma_wait3A_1007 = arith.constant 0 : i32
    %dma_wait3A_1008 = arith.constant 0 : i32
    %dma_wait3A_1009 = tpu.memref_slice %arg9[%dma_wait3A_1007, %dma_wait3A_1008] : memref<512x64xf32, #tpu.memory_space<vmem>> -> memref<1x64xf32, #tpu.memory_space<vmem>>
    %dma_wait3A_1010 = tpu.memref_squeeze %dma_wait3A_1009 : memref<1x64xf32, #tpu.memory_space<vmem>> -> memref<64xf32, #tpu.memory_space<vmem>>
    %dma_wait3A_1011 = arith.constant 0 : i32
    %dma_wait3A_1012 = tpu.memref_slice %arg4[%dma_wait3A_1005, %dma_wait3A_1006, %dma_wait3A_1011] : memref<125000x8x64xf32, #tpu.memory_space<hbm>> -> memref<1x1x64xf32, #tpu.memory_space<hbm>>
    %dma_wait3A_1013 = tpu.memref_squeeze %dma_wait3A_1012 : memref<1x1x64xf32, #tpu.memory_space<hbm>> -> memref<64xf32, #tpu.memory_space<hbm>>
    %dma_wait3A_1014 = arith.constant 0 : i32
    %dma_wait3A_1015 = tpu.memref_slice %arg9[%dma_wait3A_1007, %dma_wait3A_1014] : memref<512x64xf32, #tpu.memory_space<vmem>> -> memref<1x64xf32, #tpu.memory_space<vmem>>
    %dma_wait3A_1016 = tpu.memref_squeeze %dma_wait3A_1015 : memref<1x64xf32, #tpu.memory_space<vmem>> -> memref<64xf32, #tpu.memory_space<vmem>>
    %dma_wait3A_1017 = arith.constant 0 : i32
    %dma_wait3A_1018 = tpu.memref_slice %arg4[%dma_wait3A_1005, %dma_wait3A_1006, %dma_wait3A_1017] : memref<125000x8x64xf32, #tpu.memory_space<hbm>> -> memref<1x1x64xf32, #tpu.memory_space<hbm>>
    %dma_wait3A_1019 = tpu.memref_squeeze %dma_wait3A_1018 : memref<1x1x64xf32, #tpu.memory_space<hbm>> -> memref<64xf32, #tpu.memory_space<hbm>>
    tpu.wait_dma2 semaphore(%arg10 : memref<!tpu.dma_semaphore, #tpu.memory_space<semaphore_mem>>) src(%dma_wait3A_1019 : memref<64xf32, #tpu.memory_space<hbm>>) dst(%dma_wait3A_1016 : memref<64xf32, #tpu.memory_space<vmem>>)
    %dma_wait3A_1020 = arith.constant 0 : i32
    %dma_wait3A_1021 = arith.constant 0 : i32
    %dma_wait3A_1022 = arith.constant 0 : i32
    %dma_wait3A_1023 = arith.constant 0 : i32
    %dma_wait3A_1024 = tpu.memref_slice %arg9[%dma_wait3A_1022, %dma_wait3A_1023] : memref<512x64xf32, #tpu.memory_space<vmem>> -> memref<1x64xf32, #tpu.memory_space<vmem>>
    %dma_wait3A_1025 = tpu.memref_squeeze %dma_wait3A_1024 : memref<1x64xf32, #tpu.memory_space<vmem>> -> memref<64xf32, #tpu.memory_space<vmem>>
    %dma_wait3A_1026 = arith.constant 0 : i32
    %dma_wait3A_1027 = tpu.memref_slice %arg4[%dma_wait3A_1020, %dma_wait3A_1021, %dma_wait3A_1026] : memref<125000x8x64xf32, #tpu.memory_space<hbm>> -> memref<1x1x64xf32, #tpu.memory_space<hbm>>
    %dma_wait3A_1028 = tpu.memref_squeeze %dma_wait3A_1027 : memref<1x1x64xf32, #tpu.memory_space<hbm>> -> memref<64xf32, #tpu.memory_space<hbm>>
    %dma_wait3A_1029 = arith.constant 0 : i32
    %dma_wait3A_1030 = tpu.memref_slice %arg9[%dma_wait3A_1022, %dma_wait3A_1029] : memref<512x64xf32, #tpu.memory_space<vmem>> -> memref<1x64xf32, #tpu.memory_space<vmem>>
    %dma_wait3A_1031 = tpu.memref_squeeze %dma_wait3A_1030 : memref<1x64xf32, #tpu.memory_space<vmem>> -> memref<64xf32, #tpu.memory_space<vmem>>
    %dma_wait3A_1032 = arith.constant 0 : i32
    %dma_wait3A_1033 = tpu.memref_slice %arg4[%dma_wait3A_1020, %dma_wait3A_1021, %dma_wait3A_1032] : memref<125000x8x64xf32, #tpu.memory_space<hbm>> -> memref<1x1x64xf32, #tpu.memory_space<hbm>>
    %dma_wait3A_1034 = tpu.memref_squeeze %dma_wait3A_1033 : memref<1x1x64xf32, #tpu.memory_space<hbm>> -> memref<64xf32, #tpu.memory_space<hbm>>
    tpu.wait_dma2 semaphore(%arg10 : memref<!tpu.dma_semaphore, #tpu.memory_space<semaphore_mem>>) src(%dma_wait3A_1034 : memref<64xf32, #tpu.memory_space<hbm>>) dst(%dma_wait3A_1031 : memref<64xf32, #tpu.memory_space<vmem>>)
    %dma_wait3A_1035 = arith.constant 0 : i32
    %dma_wait3A_1036 = arith.constant 0 : i32
    %dma_wait3A_1037 = arith.constant 0 : i32
    %dma_wait3A_1038 = arith.constant 0 : i32
    %dma_wait3A_1039 = tpu.memref_slice %arg9[%dma_wait3A_1037, %dma_wait3A_1038] : memref<512x64xf32, #tpu.memory_space<vmem>> -> memref<1x64xf32, #tpu.memory_space<vmem>>
    %dma_wait3A_1040 = tpu.memref_squeeze %dma_wait3A_1039 : memref<1x64xf32, #tpu.memory_space<vmem>> -> memref<64xf32, #tpu.memory_space<vmem>>
    %dma_wait3A_1041 = arith.constant 0 : i32
    %dma_wait3A_1042 = tpu.memref_slice %arg4[%dma_wait3A_1035, %dma_wait3A_1036, %dma_wait3A_1041] : memref<125000x8x64xf32, #tpu.memory_space<hbm>> -> memref<1x1x64xf32, #tpu.memory_space<hbm>>
    %dma_wait3A_1043 = tpu.memref_squeeze %dma_wait3A_1042 : memref<1x1x64xf32, #tpu.memory_space<hbm>> -> memref<64xf32, #tpu.memory_space<hbm>>
    %dma_wait3A_1044 = arith.constant 0 : i32
    %dma_wait3A_1045 = tpu.memref_slice %arg9[%dma_wait3A_1037, %dma_wait3A_1044] : memref<512x64xf32, #tpu.memory_space<vmem>> -> memref<1x64xf32, #tpu.memory_space<vmem>>
    %dma_wait3A_1046 = tpu.memref_squeeze %dma_wait3A_1045 : memref<1x64xf32, #tpu.memory_space<vmem>> -> memref<64xf32, #tpu.memory_space<vmem>>
    %dma_wait3A_1047 = arith.constant 0 : i32
    %dma_wait3A_1048 = tpu.memref_slice %arg4[%dma_wait3A_1035, %dma_wait3A_1036, %dma_wait3A_1047] : memref<125000x8x64xf32, #tpu.memory_space<hbm>> -> memref<1x1x64xf32, #tpu.memory_space<hbm>>
    %dma_wait3A_1049 = tpu.memref_squeeze %dma_wait3A_1048 : memref<1x1x64xf32, #tpu.memory_space<hbm>> -> memref<64xf32, #tpu.memory_space<hbm>>
    tpu.wait_dma2 semaphore(%arg10 : memref<!tpu.dma_semaphore, #tpu.memory_space<semaphore_mem>>) src(%dma_wait3A_1049 : memref<64xf32, #tpu.memory_space<hbm>>) dst(%dma_wait3A_1046 : memref<64xf32, #tpu.memory_space<vmem>>)
    %dma_wait3A_1050 = arith.constant 0 : i32
    %dma_wait3A_1051 = arith.constant 0 : i32
    %dma_wait3A_1052 = arith.constant 0 : i32
    %dma_wait3A_1053 = arith.constant 0 : i32
    %dma_wait3A_1054 = tpu.memref_slice %arg9[%dma_wait3A_1052, %dma_wait3A_1053] : memref<512x64xf32, #tpu.memory_space<vmem>> -> memref<1x64xf32, #tpu.memory_space<vmem>>
    %dma_wait3A_1055 = tpu.memref_squeeze %dma_wait3A_1054 : memref<1x64xf32, #tpu.memory_space<vmem>> -> memref<64xf32, #tpu.memory_space<vmem>>
    %dma_wait3A_1056 = arith.constant 0 : i32
    %dma_wait3A_1057 = tpu.memref_slice %arg4[%dma_wait3A_1050, %dma_wait3A_1051, %dma_wait3A_1056] : memref<125000x8x64xf32, #tpu.memory_space<hbm>> -> memref<1x1x64xf32, #tpu.memory_space<hbm>>
    %dma_wait3A_1058 = tpu.memref_squeeze %dma_wait3A_1057 : memref<1x1x64xf32, #tpu.memory_space<hbm>> -> memref<64xf32, #tpu.memory_space<hbm>>
    %dma_wait3A_1059 = arith.constant 0 : i32
    %dma_wait3A_1060 = tpu.memref_slice %arg9[%dma_wait3A_1052, %dma_wait3A_1059] : memref<512x64xf32, #tpu.memory_space<vmem>> -> memref<1x64xf32, #tpu.memory_space<vmem>>
    %dma_wait3A_1061 = tpu.memref_squeeze %dma_wait3A_1060 : memref<1x64xf32, #tpu.memory_space<vmem>> -> memref<64xf32, #tpu.memory_space<vmem>>
    %dma_wait3A_1062 = arith.constant 0 : i32
    %dma_wait3A_1063 = tpu.memref_slice %arg4[%dma_wait3A_1050, %dma_wait3A_1051, %dma_wait3A_1062] : memref<125000x8x64xf32, #tpu.memory_space<hbm>> -> memref<1x1x64xf32, #tpu.memory_space<hbm>>
    %dma_wait3A_1064 = tpu.memref_squeeze %dma_wait3A_1063 : memref<1x1x64xf32, #tpu.memory_space<hbm>> -> memref<64xf32, #tpu.memory_space<hbm>>
    tpu.wait_dma2 semaphore(%arg10 : memref<!tpu.dma_semaphore, #tpu.memory_space<semaphore_mem>>) src(%dma_wait3A_1064 : memref<64xf32, #tpu.memory_space<hbm>>) dst(%dma_wait3A_1061 : memref<64xf32, #tpu.memory_space<vmem>>)
    %dma_wait3A_1065 = arith.constant 0 : i32
    %dma_wait3A_1066 = arith.constant 0 : i32
    %dma_wait3A_1067 = arith.constant 0 : i32
    %dma_wait3A_1068 = arith.constant 0 : i32
    %dma_wait3A_1069 = tpu.memref_slice %arg9[%dma_wait3A_1067, %dma_wait3A_1068] : memref<512x64xf32, #tpu.memory_space<vmem>> -> memref<1x64xf32, #tpu.memory_space<vmem>>
    %dma_wait3A_1070 = tpu.memref_squeeze %dma_wait3A_1069 : memref<1x64xf32, #tpu.memory_space<vmem>> -> memref<64xf32, #tpu.memory_space<vmem>>
    %dma_wait3A_1071 = arith.constant 0 : i32
    %dma_wait3A_1072 = tpu.memref_slice %arg4[%dma_wait3A_1065, %dma_wait3A_1066, %dma_wait3A_1071] : memref<125000x8x64xf32, #tpu.memory_space<hbm>> -> memref<1x1x64xf32, #tpu.memory_space<hbm>>
    %dma_wait3A_1073 = tpu.memref_squeeze %dma_wait3A_1072 : memref<1x1x64xf32, #tpu.memory_space<hbm>> -> memref<64xf32, #tpu.memory_space<hbm>>
    %dma_wait3A_1074 = arith.constant 0 : i32
    %dma_wait3A_1075 = tpu.memref_slice %arg9[%dma_wait3A_1067, %dma_wait3A_1074] : memref<512x64xf32, #tpu.memory_space<vmem>> -> memref<1x64xf32, #tpu.memory_space<vmem>>
    %dma_wait3A_1076 = tpu.memref_squeeze %dma_wait3A_1075 : memref<1x64xf32, #tpu.memory_space<vmem>> -> memref<64xf32, #tpu.memory_space<vmem>>
    %dma_wait3A_1077 = arith.constant 0 : i32
    %dma_wait3A_1078 = tpu.memref_slice %arg4[%dma_wait3A_1065, %dma_wait3A_1066, %dma_wait3A_1077] : memref<125000x8x64xf32, #tpu.memory_space<hbm>> -> memref<1x1x64xf32, #tpu.memory_space<hbm>>
    %dma_wait3A_1079 = tpu.memref_squeeze %dma_wait3A_1078 : memref<1x1x64xf32, #tpu.memory_space<hbm>> -> memref<64xf32, #tpu.memory_space<hbm>>
    tpu.wait_dma2 semaphore(%arg10 : memref<!tpu.dma_semaphore, #tpu.memory_space<semaphore_mem>>) src(%dma_wait3A_1079 : memref<64xf32, #tpu.memory_space<hbm>>) dst(%dma_wait3A_1076 : memref<64xf32, #tpu.memory_space<vmem>>)
    %dma_wait3A_1080 = arith.constant 0 : i32
    %dma_wait3A_1081 = arith.constant 0 : i32
    %dma_wait3A_1082 = arith.constant 0 : i32
    %dma_wait3A_1083 = arith.constant 0 : i32
    %dma_wait3A_1084 = tpu.memref_slice %arg9[%dma_wait3A_1082, %dma_wait3A_1083] : memref<512x64xf32, #tpu.memory_space<vmem>> -> memref<1x64xf32, #tpu.memory_space<vmem>>
    %dma_wait3A_1085 = tpu.memref_squeeze %dma_wait3A_1084 : memref<1x64xf32, #tpu.memory_space<vmem>> -> memref<64xf32, #tpu.memory_space<vmem>>
    %dma_wait3A_1086 = arith.constant 0 : i32
    %dma_wait3A_1087 = tpu.memref_slice %arg4[%dma_wait3A_1080, %dma_wait3A_1081, %dma_wait3A_1086] : memref<125000x8x64xf32, #tpu.memory_space<hbm>> -> memref<1x1x64xf32, #tpu.memory_space<hbm>>
    %dma_wait3A_1088 = tpu.memref_squeeze %dma_wait3A_1087 : memref<1x1x64xf32, #tpu.memory_space<hbm>> -> memref<64xf32, #tpu.memory_space<hbm>>
    %dma_wait3A_1089 = arith.constant 0 : i32
    %dma_wait3A_1090 = tpu.memref_slice %arg9[%dma_wait3A_1082, %dma_wait3A_1089] : memref<512x64xf32, #tpu.memory_space<vmem>> -> memref<1x64xf32, #tpu.memory_space<vmem>>
    %dma_wait3A_1091 = tpu.memref_squeeze %dma_wait3A_1090 : memref<1x64xf32, #tpu.memory_space<vmem>> -> memref<64xf32, #tpu.memory_space<vmem>>
    %dma_wait3A_1092 = arith.constant 0 : i32
    %dma_wait3A_1093 = tpu.memref_slice %arg4[%dma_wait3A_1080, %dma_wait3A_1081, %dma_wait3A_1092] : memref<125000x8x64xf32, #tpu.memory_space<hbm>> -> memref<1x1x64xf32, #tpu.memory_space<hbm>>
    %dma_wait3A_1094 = tpu.memref_squeeze %dma_wait3A_1093 : memref<1x1x64xf32, #tpu.memory_space<hbm>> -> memref<64xf32, #tpu.memory_space<hbm>>
    tpu.wait_dma2 semaphore(%arg10 : memref<!tpu.dma_semaphore, #tpu.memory_space<semaphore_mem>>) src(%dma_wait3A_1094 : memref<64xf32, #tpu.memory_space<hbm>>) dst(%dma_wait3A_1091 : memref<64xf32, #tpu.memory_space<vmem>>)
    "tpu.region"() ({
      %run_scoped3A = tpu.sem_alloc : memref<!tpu.dma_semaphore, #tpu.memory_space<semaphore_mem>>
      %dma_start3A_2195 = arith.constant 0 : i32
      %dma_start3A_2196 = tpu.memref_slice %arg6[%multiple_of3A, %dma_start3A_2195] : memref<16384x64xf32, #tpu.memory_space<hbm>> -> memref<512x64xf32, #tpu.memory_space<hbm>>
      %dma_start3A_2197 = arith.constant 0 : i32
      %dma_start3A_2198 = tpu.memref_slice %arg6[%multiple_of3A, %dma_start3A_2197] : memref<16384x64xf32, #tpu.memory_space<hbm>> -> memref<512x64xf32, #tpu.memory_space<hbm>>
      tpu.enqueue_dma source(%arg9 : memref<512x64xf32, #tpu.memory_space<vmem>>) target(%dma_start3A_2198 : memref<512x64xf32, #tpu.memory_space<hbm>>) target_semaphore(%run_scoped3A : memref<!tpu.dma_semaphore, #tpu.memory_space<semaphore_mem>>)
      %dma_wait3A_2199 = arith.constant 0 : i32
      %dma_wait3A_2200 = tpu.memref_slice %arg6[%multiple_of3A, %dma_wait3A_2199] : memref<16384x64xf32, #tpu.memory_space<hbm>> -> memref<512x64xf32, #tpu.memory_space<hbm>>
      %dma_wait3A_2201 = arith.constant 0 : i32
      %dma_wait3A_2202 = tpu.memref_slice %arg6[%multiple_of3A, %dma_wait3A_2201] : memref<16384x64xf32, #tpu.memory_space<hbm>> -> memref<512x64xf32, #tpu.memory_space<hbm>>
      tpu.wait_dma2 semaphore(%run_scoped3A : memref<!tpu.dma_semaphore, #tpu.memory_space<semaphore_mem>>) src(%arg9 : memref<512x64xf32, #tpu.memory_space<vmem>>) dst(%dma_wait3A_2202 : memref<512x64xf32, #tpu.memory_space<hbm>>)
      tpu.yield
    }) : () -> ()
    "tpu.region"() ({
      %run_scoped3A = tpu.sem_alloc : memref<!tpu.dma_semaphore, #tpu.memory_space<semaphore_mem>>
      %dma_start3A_2195 = tpu.memref_slice %arg3[%multiple_of3A] : memref<16384xi32, #tpu.memory_space<hbm>> -> memref<512xi32, #tpu.memory_space<hbm>>
      %dma_start3A_2196 = tpu.memref_slice %arg3[%multiple_of3A] : memref<16384xi32, #tpu.memory_space<hbm>> -> memref<512xi32, #tpu.memory_space<hbm>>
      tpu.enqueue_dma source(%dma_start3A_2196 : memref<512xi32, #tpu.memory_space<hbm>>) target(%arg8 : memref<512xi32, #tpu.memory_space<vmem>>) target_semaphore(%run_scoped3A : memref<!tpu.dma_semaphore, #tpu.memory_space<semaphore_mem>>)
      %dma_wait3A_2197 = tpu.memref_slice %arg3[%multiple_of3A] : memref<16384xi32, #tpu.memory_space<hbm>> -> memref<512xi32, #tpu.memory_space<hbm>>
      %dma_wait3A_2198 = tpu.memref_slice %arg3[%multiple_of3A] : memref<16384xi32, #tpu.memory_space<hbm>> -> memref<512xi32, #tpu.memory_space<hbm>>
      tpu.wait_dma2 semaphore(%run_scoped3A : memref<!tpu.dma_semaphore, #tpu.memory_space<semaphore_mem>>) src(%dma_wait3A_2198 : memref<512xi32, #tpu.memory_space<hbm>>) dst(%arg8 : memref<512xi32, #tpu.memory_space<vmem>>)
      tpu.yield
    }) : () -> ()
    %get3A_1095 = arith.constant 0 : index
    %get3A_1096 = tpu.vector_load %arg8[%get3A_1095] {strides = array<i32>} : memref<512xi32, #tpu.memory_space<vmem>>, vector<16xi32>,
    %get3A_1097 = vector.shape_cast %get3A_1096 : vector<16xi32> to vector<16xi32>
    %slice3A_1098 = vector.extract_strided_slice %get3A_1097 {offsets = [0], sizes = [1], strides = [1]} : vector<16xi32> to vector<1xi32>
    %squeeze3A_1099 = vector.extract %slice3A_1098[0] : i32 from vector<1xi32>
    %shift_right_logical3A_1100 = arith.constant 3 : i32
    %shift_right_logical3A_1101 = arith.shrui %squeeze3A_1099, %shift_right_logical3A_1100 : i32
    %and3A_1102 = arith.constant 7 : i32
    %and3A_1103 = arith.andi %squeeze3A_1099, %and3A_1102 : i32
    %dma_start3A_1104 = arith.constant 0 : i32
    %dma_start3A_1105 = arith.constant 0 : i32
    %dma_start3A_1106 = tpu.memref_slice %arg9[%dma_start3A_1104, %dma_start3A_1105] : memref<512x64xf32, #tpu.memory_space<vmem>> -> memref<1x64xf32, #tpu.memory_space<vmem>>
    %dma_start3A_1107 = tpu.memref_squeeze %dma_start3A_1106 : memref<1x64xf32, #tpu.memory_space<vmem>> -> memref<64xf32, #tpu.memory_space<vmem>>
    %dma_start3A_1108 = arith.constant 0 : i32
    %dma_start3A_1109 = tpu.memref_slice %arg5[%shift_right_logical3A_1101, %and3A_1103, %dma_start3A_1108] : memref<125000x8x64xf32, #tpu.memory_space<hbm>> -> memref<1x1x64xf32, #tpu.memory_space<hbm>>
    %dma_start3A_1110 = tpu.memref_squeeze %dma_start3A_1109 : memref<1x1x64xf32, #tpu.memory_space<hbm>> -> memref<64xf32, #tpu.memory_space<hbm>>
    %dma_start3A_1111 = arith.constant 0 : i32
    %dma_start3A_1112 = tpu.memref_slice %arg9[%dma_start3A_1104, %dma_start3A_1111] : memref<512x64xf32, #tpu.memory_space<vmem>> -> memref<1x64xf32, #tpu.memory_space<vmem>>
    %dma_start3A_1113 = tpu.memref_squeeze %dma_start3A_1112 : memref<1x64xf32, #tpu.memory_space<vmem>> -> memref<64xf32, #tpu.memory_space<vmem>>
    %dma_start3A_1114 = arith.constant 0 : i32
    %dma_start3A_1115 = tpu.memref_slice %arg5[%shift_right_logical3A_1101, %and3A_1103, %dma_start3A_1114] : memref<125000x8x64xf32, #tpu.memory_space<hbm>> -> memref<1x1x64xf32, #tpu.memory_space<hbm>>
    %dma_start3A_1116 = tpu.memref_squeeze %dma_start3A_1115 : memref<1x1x64xf32, #tpu.memory_space<hbm>> -> memref<64xf32, #tpu.memory_space<hbm>>
    tpu.enqueue_dma source(%dma_start3A_1116 : memref<64xf32, #tpu.memory_space<hbm>>) target(%dma_start3A_1113 : memref<64xf32, #tpu.memory_space<vmem>>) target_semaphore(%arg10 : memref<!tpu.dma_semaphore, #tpu.memory_space<semaphore_mem>>)
    %slice3A_1117 = vector.extract_strided_slice %get3A_1097 {offsets = [1], sizes = [1], strides = [1]} : vector<16xi32> to vector<1xi32>
    %squeeze3A_1118 = vector.extract %slice3A_1117[0] : i32 from vector<1xi32>
    %shift_right_logical3A_1119 = arith.constant 3 : i32
    %shift_right_logical3A_1120 = arith.shrui %squeeze3A_1118, %shift_right_logical3A_1119 : i32
    %and3A_1121 = arith.constant 7 : i32
    %and3A_1122 = arith.andi %squeeze3A_1118, %and3A_1121 : i32
    %dma_start3A_1123 = arith.constant 1 : i32
    %dma_start3A_1124 = arith.constant 0 : i32
    %dma_start3A_1125 = tpu.memref_slice %arg9[%dma_start3A_1123, %dma_start3A_1124] : memref<512x64xf32, #tpu.memory_space<vmem>> -> memref<1x64xf32, #tpu.memory_space<vmem>>
    %dma_start3A_1126 = tpu.memref_squeeze %dma_start3A_1125 : memref<1x64xf32, #tpu.memory_space<vmem>> -> memref<64xf32, #tpu.memory_space<vmem>>
    %dma_start3A_1127 = arith.constant 0 : i32
    %dma_start3A_1128 = tpu.memref_slice %arg5[%shift_right_logical3A_1120, %and3A_1122, %dma_start3A_1127] : memref<125000x8x64xf32, #tpu.memory_space<hbm>> -> memref<1x1x64xf32, #tpu.memory_space<hbm>>
    %dma_start3A_1129 = tpu.memref_squeeze %dma_start3A_1128 : memref<1x1x64xf32, #tpu.memory_space<hbm>> -> memref<64xf32, #tpu.memory_space<hbm>>
    %dma_start3A_1130 = arith.constant 0 : i32
    %dma_start3A_1131 = tpu.memref_slice %arg9[%dma_start3A_1123, %dma_start3A_1130] : memref<512x64xf32, #tpu.memory_space<vmem>> -> memref<1x64xf32, #tpu.memory_space<vmem>>
    %dma_start3A_1132 = tpu.memref_squeeze %dma_start3A_1131 : memref<1x64xf32, #tpu.memory_space<vmem>> -> memref<64xf32, #tpu.memory_space<vmem>>
    %dma_start3A_1133 = arith.constant 0 : i32
    %dma_start3A_1134 = tpu.memref_slice %arg5[%shift_right_logical3A_1120, %and3A_1122, %dma_start3A_1133] : memref<125000x8x64xf32, #tpu.memory_space<hbm>> -> memref<1x1x64xf32, #tpu.memory_space<hbm>>
    %dma_start3A_1135 = tpu.memref_squeeze %dma_start3A_1134 : memref<1x1x64xf32, #tpu.memory_space<hbm>> -> memref<64xf32, #tpu.memory_space<hbm>>
    tpu.enqueue_dma source(%dma_start3A_1135 : memref<64xf32, #tpu.memory_space<hbm>>) target(%dma_start3A_1132 : memref<64xf32, #tpu.memory_space<vmem>>) target_semaphore(%arg10 : memref<!tpu.dma_semaphore, #tpu.memory_space<semaphore_mem>>)
    %slice3A_1136 = vector.extract_strided_slice %get3A_1097 {offsets = [2], sizes = [1], strides = [1]} : vector<16xi32> to vector<1xi32>
    %squeeze3A_1137 = vector.extract %slice3A_1136[0] : i32 from vector<1xi32>
    %shift_right_logical3A_1138 = arith.constant 3 : i32
    %shift_right_logical3A_1139 = arith.shrui %squeeze3A_1137, %shift_right_logical3A_1138 : i32
    %and3A_1140 = arith.constant 7 : i32
    %and3A_1141 = arith.andi %squeeze3A_1137, %and3A_1140 : i32
    %dma_start3A_1142 = arith.constant 2 : i32
    %dma_start3A_1143 = arith.constant 0 : i32
    %dma_start3A_1144 = tpu.memref_slice %arg9[%dma_start3A_1142, %dma_start3A_1143] : memref<512x64xf32, #tpu.memory_space<vmem>> -> memref<1x64xf32, #tpu.memory_space<vmem>>
    %dma_start3A_1145 = tpu.memref_squeeze %dma_start3A_1144 : memref<1x64xf32, #tpu.memory_space<vmem>> -> memref<64xf32, #tpu.memory_space<vmem>>
    %dma_start3A_1146 = arith.constant 0 : i32
    %dma_start3A_1147 = tpu.memref_slice %arg5[%shift_right_logical3A_1139, %and3A_1141, %dma_start3A_1146] : memref<125000x8x64xf32, #tpu.memory_space<hbm>> -> memref<1x1x64xf32, #tpu.memory_space<hbm>>
    %dma_start3A_1148 = tpu.memref_squeeze %dma_start3A_1147 : memref<1x1x64xf32, #tpu.memory_space<hbm>> -> memref<64xf32, #tpu.memory_space<hbm>>
    %dma_start3A_1149 = arith.constant 0 : i32
    %dma_start3A_1150 = tpu.memref_slice %arg9[%dma_start3A_1142, %dma_start3A_1149] : memref<512x64xf32, #tpu.memory_space<vmem>> -> memref<1x64xf32, #tpu.memory_space<vmem>>
    %dma_start3A_1151 = tpu.memref_squeeze %dma_start3A_1150 : memref<1x64xf32, #tpu.memory_space<vmem>> -> memref<64xf32, #tpu.memory_space<vmem>>
    %dma_start3A_1152 = arith.constant 0 : i32
    %dma_start3A_1153 = tpu.memref_slice %arg5[%shift_right_logical3A_1139, %and3A_1141, %dma_start3A_1152] : memref<125000x8x64xf32, #tpu.memory_space<hbm>> -> memref<1x1x64xf32, #tpu.memory_space<hbm>>
    %dma_start3A_1154 = tpu.memref_squeeze %dma_start3A_1153 : memref<1x1x64xf32, #tpu.memory_space<hbm>> -> memref<64xf32, #tpu.memory_space<hbm>>
    tpu.enqueue_dma source(%dma_start3A_1154 : memref<64xf32, #tpu.memory_space<hbm>>) target(%dma_start3A_1151 : memref<64xf32, #tpu.memory_space<vmem>>) target_semaphore(%arg10 : memref<!tpu.dma_semaphore, #tpu.memory_space<semaphore_mem>>)
    %slice3A_1155 = vector.extract_strided_slice %get3A_1097 {offsets = [3], sizes = [1], strides = [1]} : vector<16xi32> to vector<1xi32>
    %squeeze3A_1156 = vector.extract %slice3A_1155[0] : i32 from vector<1xi32>
    %shift_right_logical3A_1157 = arith.constant 3 : i32
    %shift_right_logical3A_1158 = arith.shrui %squeeze3A_1156, %shift_right_logical3A_1157 : i32
    %and3A_1159 = arith.constant 7 : i32
    %and3A_1160 = arith.andi %squeeze3A_1156, %and3A_1159 : i32
    %dma_start3A_1161 = arith.constant 3 : i32
    %dma_start3A_1162 = arith.constant 0 : i32
    %dma_start3A_1163 = tpu.memref_slice %arg9[%dma_start3A_1161, %dma_start3A_1162] : memref<512x64xf32, #tpu.memory_space<vmem>> -> memref<1x64xf32, #tpu.memory_space<vmem>>
    %dma_start3A_1164 = tpu.memref_squeeze %dma_start3A_1163 : memref<1x64xf32, #tpu.memory_space<vmem>> -> memref<64xf32, #tpu.memory_space<vmem>>
    %dma_start3A_1165 = arith.constant 0 : i32
    %dma_start3A_1166 = tpu.memref_slice %arg5[%shift_right_logical3A_1158, %and3A_1160, %dma_start3A_1165] : memref<125000x8x64xf32, #tpu.memory_space<hbm>> -> memref<1x1x64xf32, #tpu.memory_space<hbm>>
    %dma_start3A_1167 = tpu.memref_squeeze %dma_start3A_1166 : memref<1x1x64xf32, #tpu.memory_space<hbm>> -> memref<64xf32, #tpu.memory_space<hbm>>
    %dma_start3A_1168 = arith.constant 0 : i32
    %dma_start3A_1169 = tpu.memref_slice %arg9[%dma_start3A_1161, %dma_start3A_1168] : memref<512x64xf32, #tpu.memory_space<vmem>> -> memref<1x64xf32, #tpu.memory_space<vmem>>
    %dma_start3A_1170 = tpu.memref_squeeze %dma_start3A_1169 : memref<1x64xf32, #tpu.memory_space<vmem>> -> memref<64xf32, #tpu.memory_space<vmem>>
    %dma_start3A_1171 = arith.constant 0 : i32
    %dma_start3A_1172 = tpu.memref_slice %arg5[%shift_right_logical3A_1158, %and3A_1160, %dma_start3A_1171] : memref<125000x8x64xf32, #tpu.memory_space<hbm>> -> memref<1x1x64xf32, #tpu.memory_space<hbm>>
    %dma_start3A_1173 = tpu.memref_squeeze %dma_start3A_1172 : memref<1x1x64xf32, #tpu.memory_space<hbm>> -> memref<64xf32, #tpu.memory_space<hbm>>
    tpu.enqueue_dma source(%dma_start3A_1173 : memref<64xf32, #tpu.memory_space<hbm>>) target(%dma_start3A_1170 : memref<64xf32, #tpu.memory_space<vmem>>) target_semaphore(%arg10 : memref<!tpu.dma_semaphore, #tpu.memory_space<semaphore_mem>>)
    %slice3A_1174 = vector.extract_strided_slice %get3A_1097 {offsets = [4], sizes = [1], strides = [1]} : vector<16xi32> to vector<1xi32>
    %squeeze3A_1175 = vector.extract %slice3A_1174[0] : i32 from vector<1xi32>
    %shift_right_logical3A_1176 = arith.constant 3 : i32
    %shift_right_logical3A_1177 = arith.shrui %squeeze3A_1175, %shift_right_logical3A_1176 : i32
    %and3A_1178 = arith.constant 7 : i32
    %and3A_1179 = arith.andi %squeeze3A_1175, %and3A_1178 : i32
    %dma_start3A_1180 = arith.constant 4 : i32
    %dma_start3A_1181 = arith.constant 0 : i32
    %dma_start3A_1182 = tpu.memref_slice %arg9[%dma_start3A_1180, %dma_start3A_1181] : memref<512x64xf32, #tpu.memory_space<vmem>> -> memref<1x64xf32, #tpu.memory_space<vmem>>
    %dma_start3A_1183 = tpu.memref_squeeze %dma_start3A_1182 : memref<1x64xf32, #tpu.memory_space<vmem>> -> memref<64xf32, #tpu.memory_space<vmem>>
    %dma_start3A_1184 = arith.constant 0 : i32
    %dma_start3A_1185 = tpu.memref_slice %arg5[%shift_right_logical3A_1177, %and3A_1179, %dma_start3A_1184] : memref<125000x8x64xf32, #tpu.memory_space<hbm>> -> memref<1x1x64xf32, #tpu.memory_space<hbm>>
    %dma_start3A_1186 = tpu.memref_squeeze %dma_start3A_1185 : memref<1x1x64xf32, #tpu.memory_space<hbm>> -> memref<64xf32, #tpu.memory_space<hbm>>
    %dma_start3A_1187 = arith.constant 0 : i32
    %dma_start3A_1188 = tpu.memref_slice %arg9[%dma_start3A_1180, %dma_start3A_1187] : memref<512x64xf32, #tpu.memory_space<vmem>> -> memref<1x64xf32, #tpu.memory_space<vmem>>
    %dma_start3A_1189 = tpu.memref_squeeze %dma_start3A_1188 : memref<1x64xf32, #tpu.memory_space<vmem>> -> memref<64xf32, #tpu.memory_space<vmem>>
    %dma_start3A_1190 = arith.constant 0 : i32
    %dma_start3A_1191 = tpu.memref_slice %arg5[%shift_right_logical3A_1177, %and3A_1179, %dma_start3A_1190] : memref<125000x8x64xf32, #tpu.memory_space<hbm>> -> memref<1x1x64xf32, #tpu.memory_space<hbm>>
    %dma_start3A_1192 = tpu.memref_squeeze %dma_start3A_1191 : memref<1x1x64xf32, #tpu.memory_space<hbm>> -> memref<64xf32, #tpu.memory_space<hbm>>
    tpu.enqueue_dma source(%dma_start3A_1192 : memref<64xf32, #tpu.memory_space<hbm>>) target(%dma_start3A_1189 : memref<64xf32, #tpu.memory_space<vmem>>) target_semaphore(%arg10 : memref<!tpu.dma_semaphore, #tpu.memory_space<semaphore_mem>>)
    %slice3A_1193 = vector.extract_strided_slice %get3A_1097 {offsets = [5], sizes = [1], strides = [1]} : vector<16xi32> to vector<1xi32>
    %squeeze3A_1194 = vector.extract %slice3A_1193[0] : i32 from vector<1xi32>
    %shift_right_logical3A_1195 = arith.constant 3 : i32
    %shift_right_logical3A_1196 = arith.shrui %squeeze3A_1194, %shift_right_logical3A_1195 : i32
    %and3A_1197 = arith.constant 7 : i32
    %and3A_1198 = arith.andi %squeeze3A_1194, %and3A_1197 : i32
    %dma_start3A_1199 = arith.constant 5 : i32
    %dma_start3A_1200 = arith.constant 0 : i32
    %dma_start3A_1201 = tpu.memref_slice %arg9[%dma_start3A_1199, %dma_start3A_1200] : memref<512x64xf32, #tpu.memory_space<vmem>> -> memref<1x64xf32, #tpu.memory_space<vmem>>
    %dma_start3A_1202 = tpu.memref_squeeze %dma_start3A_1201 : memref<1x64xf32, #tpu.memory_space<vmem>> -> memref<64xf32, #tpu.memory_space<vmem>>
    %dma_start3A_1203 = arith.constant 0 : i32
    %dma_start3A_1204 = tpu.memref_slice %arg5[%shift_right_logical3A_1196, %and3A_1198, %dma_start3A_1203] : memref<125000x8x64xf32, #tpu.memory_space<hbm>> -> memref<1x1x64xf32, #tpu.memory_space<hbm>>
    %dma_start3A_1205 = tpu.memref_squeeze %dma_start3A_1204 : memref<1x1x64xf32, #tpu.memory_space<hbm>> -> memref<64xf32, #tpu.memory_space<hbm>>
    %dma_start3A_1206 = arith.constant 0 : i32
    %dma_start3A_1207 = tpu.memref_slice %arg9[%dma_start3A_1199, %dma_start3A_1206] : memref<512x64xf32, #tpu.memory_space<vmem>> -> memref<1x64xf32, #tpu.memory_space<vmem>>
    %dma_start3A_1208 = tpu.memref_squeeze %dma_start3A_1207 : memref<1x64xf32, #tpu.memory_space<vmem>> -> memref<64xf32, #tpu.memory_space<vmem>>
    %dma_start3A_1209 = arith.constant 0 : i32
    %dma_start3A_1210 = tpu.memref_slice %arg5[%shift_right_logical3A_1196, %and3A_1198, %dma_start3A_1209] : memref<125000x8x64xf32, #tpu.memory_space<hbm>> -> memref<1x1x64xf32, #tpu.memory_space<hbm>>
    %dma_start3A_1211 = tpu.memref_squeeze %dma_start3A_1210 : memref<1x1x64xf32, #tpu.memory_space<hbm>> -> memref<64xf32, #tpu.memory_space<hbm>>
    tpu.enqueue_dma source(%dma_start3A_1211 : memref<64xf32, #tpu.memory_space<hbm>>) target(%dma_start3A_1208 : memref<64xf32, #tpu.memory_space<vmem>>) target_semaphore(%arg10 : memref<!tpu.dma_semaphore, #tpu.memory_space<semaphore_mem>>)
    %slice3A_1212 = vector.extract_strided_slice %get3A_1097 {offsets = [6], sizes = [1], strides = [1]} : vector<16xi32> to vector<1xi32>
    %squeeze3A_1213 = vector.extract %slice3A_1212[0] : i32 from vector<1xi32>
    %shift_right_logical3A_1214 = arith.constant 3 : i32
    %shift_right_logical3A_1215 = arith.shrui %squeeze3A_1213, %shift_right_logical3A_1214 : i32
    %and3A_1216 = arith.constant 7 : i32
    %and3A_1217 = arith.andi %squeeze3A_1213, %and3A_1216 : i32
    %dma_start3A_1218 = arith.constant 6 : i32
    %dma_start3A_1219 = arith.constant 0 : i32
    %dma_start3A_1220 = tpu.memref_slice %arg9[%dma_start3A_1218, %dma_start3A_1219] : memref<512x64xf32, #tpu.memory_space<vmem>> -> memref<1x64xf32, #tpu.memory_space<vmem>>
    %dma_start3A_1221 = tpu.memref_squeeze %dma_start3A_1220 : memref<1x64xf32, #tpu.memory_space<vmem>> -> memref<64xf32, #tpu.memory_space<vmem>>
    %dma_start3A_1222 = arith.constant 0 : i32
    %dma_start3A_1223 = tpu.memref_slice %arg5[%shift_right_logical3A_1215, %and3A_1217, %dma_start3A_1222] : memref<125000x8x64xf32, #tpu.memory_space<hbm>> -> memref<1x1x64xf32, #tpu.memory_space<hbm>>
    %dma_start3A_1224 = tpu.memref_squeeze %dma_start3A_1223 : memref<1x1x64xf32, #tpu.memory_space<hbm>> -> memref<64xf32, #tpu.memory_space<hbm>>
    %dma_start3A_1225 = arith.constant 0 : i32
    %dma_start3A_1226 = tpu.memref_slice %arg9[%dma_start3A_1218, %dma_start3A_1225] : memref<512x64xf32, #tpu.memory_space<vmem>> -> memref<1x64xf32, #tpu.memory_space<vmem>>
    %dma_start3A_1227 = tpu.memref_squeeze %dma_start3A_1226 : memref<1x64xf32, #tpu.memory_space<vmem>> -> memref<64xf32, #tpu.memory_space<vmem>>
    %dma_start3A_1228 = arith.constant 0 : i32
    %dma_start3A_1229 = tpu.memref_slice %arg5[%shift_right_logical3A_1215, %and3A_1217, %dma_start3A_1228] : memref<125000x8x64xf32, #tpu.memory_space<hbm>> -> memref<1x1x64xf32, #tpu.memory_space<hbm>>
    %dma_start3A_1230 = tpu.memref_squeeze %dma_start3A_1229 : memref<1x1x64xf32, #tpu.memory_space<hbm>> -> memref<64xf32, #tpu.memory_space<hbm>>
    tpu.enqueue_dma source(%dma_start3A_1230 : memref<64xf32, #tpu.memory_space<hbm>>) target(%dma_start3A_1227 : memref<64xf32, #tpu.memory_space<vmem>>) target_semaphore(%arg10 : memref<!tpu.dma_semaphore, #tpu.memory_space<semaphore_mem>>)
    %slice3A_1231 = vector.extract_strided_slice %get3A_1097 {offsets = [7], sizes = [1], strides = [1]} : vector<16xi32> to vector<1xi32>
    %squeeze3A_1232 = vector.extract %slice3A_1231[0] : i32 from vector<1xi32>
    %shift_right_logical3A_1233 = arith.constant 3 : i32
    %shift_right_logical3A_1234 = arith.shrui %squeeze3A_1232, %shift_right_logical3A_1233 : i32
    %and3A_1235 = arith.constant 7 : i32
    %and3A_1236 = arith.andi %squeeze3A_1232, %and3A_1235 : i32
    %dma_start3A_1237 = arith.constant 7 : i32
    %dma_start3A_1238 = arith.constant 0 : i32
    %dma_start3A_1239 = tpu.memref_slice %arg9[%dma_start3A_1237, %dma_start3A_1238] : memref<512x64xf32, #tpu.memory_space<vmem>> -> memref<1x64xf32, #tpu.memory_space<vmem>>
    %dma_start3A_1240 = tpu.memref_squeeze %dma_start3A_1239 : memref<1x64xf32, #tpu.memory_space<vmem>> -> memref<64xf32, #tpu.memory_space<vmem>>
    %dma_start3A_1241 = arith.constant 0 : i32
    %dma_start3A_1242 = tpu.memref_slice %arg5[%shift_right_logical3A_1234, %and3A_1236, %dma_start3A_1241] : memref<125000x8x64xf32, #tpu.memory_space<hbm>> -> memref<1x1x64xf32, #tpu.memory_space<hbm>>
    %dma_start3A_1243 = tpu.memref_squeeze %dma_start3A_1242 : memref<1x1x64xf32, #tpu.memory_space<hbm>> -> memref<64xf32, #tpu.memory_space<hbm>>
    %dma_start3A_1244 = arith.constant 0 : i32
    %dma_start3A_1245 = tpu.memref_slice %arg9[%dma_start3A_1237, %dma_start3A_1244] : memref<512x64xf32, #tpu.memory_space<vmem>> -> memref<1x64xf32, #tpu.memory_space<vmem>>
    %dma_start3A_1246 = tpu.memref_squeeze %dma_start3A_1245 : memref<1x64xf32, #tpu.memory_space<vmem>> -> memref<64xf32, #tpu.memory_space<vmem>>
    %dma_start3A_1247 = arith.constant 0 : i32
    %dma_start3A_1248 = tpu.memref_slice %arg5[%shift_right_logical3A_1234, %and3A_1236, %dma_start3A_1247] : memref<125000x8x64xf32, #tpu.memory_space<hbm>> -> memref<1x1x64xf32, #tpu.memory_space<hbm>>
    %dma_start3A_1249 = tpu.memref_squeeze %dma_start3A_1248 : memref<1x1x64xf32, #tpu.memory_space<hbm>> -> memref<64xf32, #tpu.memory_space<hbm>>
    tpu.enqueue_dma source(%dma_start3A_1249 : memref<64xf32, #tpu.memory_space<hbm>>) target(%dma_start3A_1246 : memref<64xf32, #tpu.memory_space<vmem>>) target_semaphore(%arg10 : memref<!tpu.dma_semaphore, #tpu.memory_space<semaphore_mem>>)
    %slice3A_1250 = vector.extract_strided_slice %get3A_1097 {offsets = [8], sizes = [1], strides = [1]} : vector<16xi32> to vector<1xi32>
    %squeeze3A_1251 = vector.extract %slice3A_1250[0] : i32 from vector<1xi32>
    %shift_right_logical3A_1252 = arith.constant 3 : i32
    %shift_right_logical3A_1253 = arith.shrui %squeeze3A_1251, %shift_right_logical3A_1252 : i32
    %and3A_1254 = arith.constant 7 : i32
    %and3A_1255 = arith.andi %squeeze3A_1251, %and3A_1254 : i32
    %dma_start3A_1256 = arith.constant 8 : i32
    %dma_start3A_1257 = arith.constant 0 : i32
    %dma_start3A_1258 = tpu.memref_slice %arg9[%dma_start3A_1256, %dma_start3A_1257] : memref<512x64xf32, #tpu.memory_space<vmem>> -> memref<1x64xf32, #tpu.memory_space<vmem>>
    %dma_start3A_1259 = tpu.memref_squeeze %dma_start3A_1258 : memref<1x64xf32, #tpu.memory_space<vmem>> -> memref<64xf32, #tpu.memory_space<vmem>>
    %dma_start3A_1260 = arith.constant 0 : i32
    %dma_start3A_1261 = tpu.memref_slice %arg5[%shift_right_logical3A_1253, %and3A_1255, %dma_start3A_1260] : memref<125000x8x64xf32, #tpu.memory_space<hbm>> -> memref<1x1x64xf32, #tpu.memory_space<hbm>>
    %dma_start3A_1262 = tpu.memref_squeeze %dma_start3A_1261 : memref<1x1x64xf32, #tpu.memory_space<hbm>> -> memref<64xf32, #tpu.memory_space<hbm>>
    %dma_start3A_1263 = arith.constant 0 : i32
    %dma_start3A_1264 = tpu.memref_slice %arg9[%dma_start3A_1256, %dma_start3A_1263] : memref<512x64xf32, #tpu.memory_space<vmem>> -> memref<1x64xf32, #tpu.memory_space<vmem>>
    %dma_start3A_1265 = tpu.memref_squeeze %dma_start3A_1264 : memref<1x64xf32, #tpu.memory_space<vmem>> -> memref<64xf32, #tpu.memory_space<vmem>>
    %dma_start3A_1266 = arith.constant 0 : i32
    %dma_start3A_1267 = tpu.memref_slice %arg5[%shift_right_logical3A_1253, %and3A_1255, %dma_start3A_1266] : memref<125000x8x64xf32, #tpu.memory_space<hbm>> -> memref<1x1x64xf32, #tpu.memory_space<hbm>>
    %dma_start3A_1268 = tpu.memref_squeeze %dma_start3A_1267 : memref<1x1x64xf32, #tpu.memory_space<hbm>> -> memref<64xf32, #tpu.memory_space<hbm>>
    tpu.enqueue_dma source(%dma_start3A_1268 : memref<64xf32, #tpu.memory_space<hbm>>) target(%dma_start3A_1265 : memref<64xf32, #tpu.memory_space<vmem>>) target_semaphore(%arg10 : memref<!tpu.dma_semaphore, #tpu.memory_space<semaphore_mem>>)
    %slice3A_1269 = vector.extract_strided_slice %get3A_1097 {offsets = [9], sizes = [1], strides = [1]} : vector<16xi32> to vector<1xi32>
    %squeeze3A_1270 = vector.extract %slice3A_1269[0] : i32 from vector<1xi32>
    %shift_right_logical3A_1271 = arith.constant 3 : i32
    %shift_right_logical3A_1272 = arith.shrui %squeeze3A_1270, %shift_right_logical3A_1271 : i32
    %and3A_1273 = arith.constant 7 : i32
    %and3A_1274 = arith.andi %squeeze3A_1270, %and3A_1273 : i32
    %dma_start3A_1275 = arith.constant 9 : i32
    %dma_start3A_1276 = arith.constant 0 : i32
    %dma_start3A_1277 = tpu.memref_slice %arg9[%dma_start3A_1275, %dma_start3A_1276] : memref<512x64xf32, #tpu.memory_space<vmem>> -> memref<1x64xf32, #tpu.memory_space<vmem>>
    %dma_start3A_1278 = tpu.memref_squeeze %dma_start3A_1277 : memref<1x64xf32, #tpu.memory_space<vmem>> -> memref<64xf32, #tpu.memory_space<vmem>>
    %dma_start3A_1279 = arith.constant 0 : i32
    %dma_start3A_1280 = tpu.memref_slice %arg5[%shift_right_logical3A_1272, %and3A_1274, %dma_start3A_1279] : memref<125000x8x64xf32, #tpu.memory_space<hbm>> -> memref<1x1x64xf32, #tpu.memory_space<hbm>>
    %dma_start3A_1281 = tpu.memref_squeeze %dma_start3A_1280 : memref<1x1x64xf32, #tpu.memory_space<hbm>> -> memref<64xf32, #tpu.memory_space<hbm>>
    %dma_start3A_1282 = arith.constant 0 : i32
    %dma_start3A_1283 = tpu.memref_slice %arg9[%dma_start3A_1275, %dma_start3A_1282] : memref<512x64xf32, #tpu.memory_space<vmem>> -> memref<1x64xf32, #tpu.memory_space<vmem>>
    %dma_start3A_1284 = tpu.memref_squeeze %dma_start3A_1283 : memref<1x64xf32, #tpu.memory_space<vmem>> -> memref<64xf32, #tpu.memory_space<vmem>>
    %dma_start3A_1285 = arith.constant 0 : i32
    %dma_start3A_1286 = tpu.memref_slice %arg5[%shift_right_logical3A_1272, %and3A_1274, %dma_start3A_1285] : memref<125000x8x64xf32, #tpu.memory_space<hbm>> -> memref<1x1x64xf32, #tpu.memory_space<hbm>>
    %dma_start3A_1287 = tpu.memref_squeeze %dma_start3A_1286 : memref<1x1x64xf32, #tpu.memory_space<hbm>> -> memref<64xf32, #tpu.memory_space<hbm>>
    tpu.enqueue_dma source(%dma_start3A_1287 : memref<64xf32, #tpu.memory_space<hbm>>) target(%dma_start3A_1284 : memref<64xf32, #tpu.memory_space<vmem>>) target_semaphore(%arg10 : memref<!tpu.dma_semaphore, #tpu.memory_space<semaphore_mem>>)
    %slice3A_1288 = vector.extract_strided_slice %get3A_1097 {offsets = [10], sizes = [1], strides = [1]} : vector<16xi32> to vector<1xi32>
    %squeeze3A_1289 = vector.extract %slice3A_1288[0] : i32 from vector<1xi32>
    %shift_right_logical3A_1290 = arith.constant 3 : i32
    %shift_right_logical3A_1291 = arith.shrui %squeeze3A_1289, %shift_right_logical3A_1290 : i32
    %and3A_1292 = arith.constant 7 : i32
    %and3A_1293 = arith.andi %squeeze3A_1289, %and3A_1292 : i32
    %dma_start3A_1294 = arith.constant 10 : i32
    %dma_start3A_1295 = arith.constant 0 : i32
    %dma_start3A_1296 = tpu.memref_slice %arg9[%dma_start3A_1294, %dma_start3A_1295] : memref<512x64xf32, #tpu.memory_space<vmem>> -> memref<1x64xf32, #tpu.memory_space<vmem>>
    %dma_start3A_1297 = tpu.memref_squeeze %dma_start3A_1296 : memref<1x64xf32, #tpu.memory_space<vmem>> -> memref<64xf32, #tpu.memory_space<vmem>>
    %dma_start3A_1298 = arith.constant 0 : i32
    %dma_start3A_1299 = tpu.memref_slice %arg5[%shift_right_logical3A_1291, %and3A_1293, %dma_start3A_1298] : memref<125000x8x64xf32, #tpu.memory_space<hbm>> -> memref<1x1x64xf32, #tpu.memory_space<hbm>>
    %dma_start3A_1300 = tpu.memref_squeeze %dma_start3A_1299 : memref<1x1x64xf32, #tpu.memory_space<hbm>> -> memref<64xf32, #tpu.memory_space<hbm>>
    %dma_start3A_1301 = arith.constant 0 : i32
    %dma_start3A_1302 = tpu.memref_slice %arg9[%dma_start3A_1294, %dma_start3A_1301] : memref<512x64xf32, #tpu.memory_space<vmem>> -> memref<1x64xf32, #tpu.memory_space<vmem>>
    %dma_start3A_1303 = tpu.memref_squeeze %dma_start3A_1302 : memref<1x64xf32, #tpu.memory_space<vmem>> -> memref<64xf32, #tpu.memory_space<vmem>>
    %dma_start3A_1304 = arith.constant 0 : i32
    %dma_start3A_1305 = tpu.memref_slice %arg5[%shift_right_logical3A_1291, %and3A_1293, %dma_start3A_1304] : memref<125000x8x64xf32, #tpu.memory_space<hbm>> -> memref<1x1x64xf32, #tpu.memory_space<hbm>>
    %dma_start3A_1306 = tpu.memref_squeeze %dma_start3A_1305 : memref<1x1x64xf32, #tpu.memory_space<hbm>> -> memref<64xf32, #tpu.memory_space<hbm>>
    tpu.enqueue_dma source(%dma_start3A_1306 : memref<64xf32, #tpu.memory_space<hbm>>) target(%dma_start3A_1303 : memref<64xf32, #tpu.memory_space<vmem>>) target_semaphore(%arg10 : memref<!tpu.dma_semaphore, #tpu.memory_space<semaphore_mem>>)
    %slice3A_1307 = vector.extract_strided_slice %get3A_1097 {offsets = [11], sizes = [1], strides = [1]} : vector<16xi32> to vector<1xi32>
    %squeeze3A_1308 = vector.extract %slice3A_1307[0] : i32 from vector<1xi32>
    %shift_right_logical3A_1309 = arith.constant 3 : i32
    %shift_right_logical3A_1310 = arith.shrui %squeeze3A_1308, %shift_right_logical3A_1309 : i32
    %and3A_1311 = arith.constant 7 : i32
    %and3A_1312 = arith.andi %squeeze3A_1308, %and3A_1311 : i32
    %dma_start3A_1313 = arith.constant 11 : i32
    %dma_start3A_1314 = arith.constant 0 : i32
    %dma_start3A_1315 = tpu.memref_slice %arg9[%dma_start3A_1313, %dma_start3A_1314] : memref<512x64xf32, #tpu.memory_space<vmem>> -> memref<1x64xf32, #tpu.memory_space<vmem>>
    %dma_start3A_1316 = tpu.memref_squeeze %dma_start3A_1315 : memref<1x64xf32, #tpu.memory_space<vmem>> -> memref<64xf32, #tpu.memory_space<vmem>>
    %dma_start3A_1317 = arith.constant 0 : i32
    %dma_start3A_1318 = tpu.memref_slice %arg5[%shift_right_logical3A_1310, %and3A_1312, %dma_start3A_1317] : memref<125000x8x64xf32, #tpu.memory_space<hbm>> -> memref<1x1x64xf32, #tpu.memory_space<hbm>>
    %dma_start3A_1319 = tpu.memref_squeeze %dma_start3A_1318 : memref<1x1x64xf32, #tpu.memory_space<hbm>> -> memref<64xf32, #tpu.memory_space<hbm>>
    %dma_start3A_1320 = arith.constant 0 : i32
    %dma_start3A_1321 = tpu.memref_slice %arg9[%dma_start3A_1313, %dma_start3A_1320] : memref<512x64xf32, #tpu.memory_space<vmem>> -> memref<1x64xf32, #tpu.memory_space<vmem>>
    %dma_start3A_1322 = tpu.memref_squeeze %dma_start3A_1321 : memref<1x64xf32, #tpu.memory_space<vmem>> -> memref<64xf32, #tpu.memory_space<vmem>>
    %dma_start3A_1323 = arith.constant 0 : i32
    %dma_start3A_1324 = tpu.memref_slice %arg5[%shift_right_logical3A_1310, %and3A_1312, %dma_start3A_1323] : memref<125000x8x64xf32, #tpu.memory_space<hbm>> -> memref<1x1x64xf32, #tpu.memory_space<hbm>>
    %dma_start3A_1325 = tpu.memref_squeeze %dma_start3A_1324 : memref<1x1x64xf32, #tpu.memory_space<hbm>> -> memref<64xf32, #tpu.memory_space<hbm>>
    tpu.enqueue_dma source(%dma_start3A_1325 : memref<64xf32, #tpu.memory_space<hbm>>) target(%dma_start3A_1322 : memref<64xf32, #tpu.memory_space<vmem>>) target_semaphore(%arg10 : memref<!tpu.dma_semaphore, #tpu.memory_space<semaphore_mem>>)
    %slice3A_1326 = vector.extract_strided_slice %get3A_1097 {offsets = [12], sizes = [1], strides = [1]} : vector<16xi32> to vector<1xi32>
    %squeeze3A_1327 = vector.extract %slice3A_1326[0] : i32 from vector<1xi32>
    %shift_right_logical3A_1328 = arith.constant 3 : i32
    %shift_right_logical3A_1329 = arith.shrui %squeeze3A_1327, %shift_right_logical3A_1328 : i32
    %and3A_1330 = arith.constant 7 : i32
    %and3A_1331 = arith.andi %squeeze3A_1327, %and3A_1330 : i32
    %dma_start3A_1332 = arith.constant 12 : i32
    %dma_start3A_1333 = arith.constant 0 : i32
    %dma_start3A_1334 = tpu.memref_slice %arg9[%dma_start3A_1332, %dma_start3A_1333] : memref<512x64xf32, #tpu.memory_space<vmem>> -> memref<1x64xf32, #tpu.memory_space<vmem>>
    %dma_start3A_1335 = tpu.memref_squeeze %dma_start3A_1334 : memref<1x64xf32, #tpu.memory_space<vmem>> -> memref<64xf32, #tpu.memory_space<vmem>>
    %dma_start3A_1336 = arith.constant 0 : i32
    %dma_start3A_1337 = tpu.memref_slice %arg5[%shift_right_logical3A_1329, %and3A_1331, %dma_start3A_1336] : memref<125000x8x64xf32, #tpu.memory_space<hbm>> -> memref<1x1x64xf32, #tpu.memory_space<hbm>>
    %dma_start3A_1338 = tpu.memref_squeeze %dma_start3A_1337 : memref<1x1x64xf32, #tpu.memory_space<hbm>> -> memref<64xf32, #tpu.memory_space<hbm>>
    %dma_start3A_1339 = arith.constant 0 : i32
    %dma_start3A_1340 = tpu.memref_slice %arg9[%dma_start3A_1332, %dma_start3A_1339] : memref<512x64xf32, #tpu.memory_space<vmem>> -> memref<1x64xf32, #tpu.memory_space<vmem>>
    %dma_start3A_1341 = tpu.memref_squeeze %dma_start3A_1340 : memref<1x64xf32, #tpu.memory_space<vmem>> -> memref<64xf32, #tpu.memory_space<vmem>>
    %dma_start3A_1342 = arith.constant 0 : i32
    %dma_start3A_1343 = tpu.memref_slice %arg5[%shift_right_logical3A_1329, %and3A_1331, %dma_start3A_1342] : memref<125000x8x64xf32, #tpu.memory_space<hbm>> -> memref<1x1x64xf32, #tpu.memory_space<hbm>>
    %dma_start3A_1344 = tpu.memref_squeeze %dma_start3A_1343 : memref<1x1x64xf32, #tpu.memory_space<hbm>> -> memref<64xf32, #tpu.memory_space<hbm>>
    tpu.enqueue_dma source(%dma_start3A_1344 : memref<64xf32, #tpu.memory_space<hbm>>) target(%dma_start3A_1341 : memref<64xf32, #tpu.memory_space<vmem>>) target_semaphore(%arg10 : memref<!tpu.dma_semaphore, #tpu.memory_space<semaphore_mem>>)
    %slice3A_1345 = vector.extract_strided_slice %get3A_1097 {offsets = [13], sizes = [1], strides = [1]} : vector<16xi32> to vector<1xi32>
    %squeeze3A_1346 = vector.extract %slice3A_1345[0] : i32 from vector<1xi32>
    %shift_right_logical3A_1347 = arith.constant 3 : i32
    %shift_right_logical3A_1348 = arith.shrui %squeeze3A_1346, %shift_right_logical3A_1347 : i32
    %and3A_1349 = arith.constant 7 : i32
    %and3A_1350 = arith.andi %squeeze3A_1346, %and3A_1349 : i32
    %dma_start3A_1351 = arith.constant 13 : i32
    %dma_start3A_1352 = arith.constant 0 : i32
    %dma_start3A_1353 = tpu.memref_slice %arg9[%dma_start3A_1351, %dma_start3A_1352] : memref<512x64xf32, #tpu.memory_space<vmem>> -> memref<1x64xf32, #tpu.memory_space<vmem>>
    %dma_start3A_1354 = tpu.memref_squeeze %dma_start3A_1353 : memref<1x64xf32, #tpu.memory_space<vmem>> -> memref<64xf32, #tpu.memory_space<vmem>>
    %dma_start3A_1355 = arith.constant 0 : i32
    %dma_start3A_1356 = tpu.memref_slice %arg5[%shift_right_logical3A_1348, %and3A_1350, %dma_start3A_1355] : memref<125000x8x64xf32, #tpu.memory_space<hbm>> -> memref<1x1x64xf32, #tpu.memory_space<hbm>>
    %dma_start3A_1357 = tpu.memref_squeeze %dma_start3A_1356 : memref<1x1x64xf32, #tpu.memory_space<hbm>> -> memref<64xf32, #tpu.memory_space<hbm>>
    %dma_start3A_1358 = arith.constant 0 : i32
    %dma_start3A_1359 = tpu.memref_slice %arg9[%dma_start3A_1351, %dma_start3A_1358] : memref<512x64xf32, #tpu.memory_space<vmem>> -> memref<1x64xf32, #tpu.memory_space<vmem>>
    %dma_start3A_1360 = tpu.memref_squeeze %dma_start3A_1359 : memref<1x64xf32, #tpu.memory_space<vmem>> -> memref<64xf32, #tpu.memory_space<vmem>>
    %dma_start3A_1361 = arith.constant 0 : i32
    %dma_start3A_1362 = tpu.memref_slice %arg5[%shift_right_logical3A_1348, %and3A_1350, %dma_start3A_1361] : memref<125000x8x64xf32, #tpu.memory_space<hbm>> -> memref<1x1x64xf32, #tpu.memory_space<hbm>>
    %dma_start3A_1363 = tpu.memref_squeeze %dma_start3A_1362 : memref<1x1x64xf32, #tpu.memory_space<hbm>> -> memref<64xf32, #tpu.memory_space<hbm>>
    tpu.enqueue_dma source(%dma_start3A_1363 : memref<64xf32, #tpu.memory_space<hbm>>) target(%dma_start3A_1360 : memref<64xf32, #tpu.memory_space<vmem>>) target_semaphore(%arg10 : memref<!tpu.dma_semaphore, #tpu.memory_space<semaphore_mem>>)
    %slice3A_1364 = vector.extract_strided_slice %get3A_1097 {offsets = [14], sizes = [1], strides = [1]} : vector<16xi32> to vector<1xi32>
    %squeeze3A_1365 = vector.extract %slice3A_1364[0] : i32 from vector<1xi32>
    %shift_right_logical3A_1366 = arith.constant 3 : i32
    %shift_right_logical3A_1367 = arith.shrui %squeeze3A_1365, %shift_right_logical3A_1366 : i32
    %and3A_1368 = arith.constant 7 : i32
    %and3A_1369 = arith.andi %squeeze3A_1365, %and3A_1368 : i32
    %dma_start3A_1370 = arith.constant 14 : i32
    %dma_start3A_1371 = arith.constant 0 : i32
    %dma_start3A_1372 = tpu.memref_slice %arg9[%dma_start3A_1370, %dma_start3A_1371] : memref<512x64xf32, #tpu.memory_space<vmem>> -> memref<1x64xf32, #tpu.memory_space<vmem>>
    %dma_start3A_1373 = tpu.memref_squeeze %dma_start3A_1372 : memref<1x64xf32, #tpu.memory_space<vmem>> -> memref<64xf32, #tpu.memory_space<vmem>>
    %dma_start3A_1374 = arith.constant 0 : i32
    %dma_start3A_1375 = tpu.memref_slice %arg5[%shift_right_logical3A_1367, %and3A_1369, %dma_start3A_1374] : memref<125000x8x64xf32, #tpu.memory_space<hbm>> -> memref<1x1x64xf32, #tpu.memory_space<hbm>>
    %dma_start3A_1376 = tpu.memref_squeeze %dma_start3A_1375 : memref<1x1x64xf32, #tpu.memory_space<hbm>> -> memref<64xf32, #tpu.memory_space<hbm>>
    %dma_start3A_1377 = arith.constant 0 : i32
    %dma_start3A_1378 = tpu.memref_slice %arg9[%dma_start3A_1370, %dma_start3A_1377] : memref<512x64xf32, #tpu.memory_space<vmem>> -> memref<1x64xf32, #tpu.memory_space<vmem>>
    %dma_start3A_1379 = tpu.memref_squeeze %dma_start3A_1378 : memref<1x64xf32, #tpu.memory_space<vmem>> -> memref<64xf32, #tpu.memory_space<vmem>>
    %dma_start3A_1380 = arith.constant 0 : i32
    %dma_start3A_1381 = tpu.memref_slice %arg5[%shift_right_logical3A_1367, %and3A_1369, %dma_start3A_1380] : memref<125000x8x64xf32, #tpu.memory_space<hbm>> -> memref<1x1x64xf32, #tpu.memory_space<hbm>>
    %dma_start3A_1382 = tpu.memref_squeeze %dma_start3A_1381 : memref<1x1x64xf32, #tpu.memory_space<hbm>> -> memref<64xf32, #tpu.memory_space<hbm>>
    tpu.enqueue_dma source(%dma_start3A_1382 : memref<64xf32, #tpu.memory_space<hbm>>) target(%dma_start3A_1379 : memref<64xf32, #tpu.memory_space<vmem>>) target_semaphore(%arg10 : memref<!tpu.dma_semaphore, #tpu.memory_space<semaphore_mem>>)
    %slice3A_1383 = vector.extract_strided_slice %get3A_1097 {offsets = [15], sizes = [1], strides = [1]} : vector<16xi32> to vector<1xi32>
    %squeeze3A_1384 = vector.extract %slice3A_1383[0] : i32 from vector<1xi32>
    %shift_right_logical3A_1385 = arith.constant 3 : i32
    %shift_right_logical3A_1386 = arith.shrui %squeeze3A_1384, %shift_right_logical3A_1385 : i32
    %and3A_1387 = arith.constant 7 : i32
    %and3A_1388 = arith.andi %squeeze3A_1384, %and3A_1387 : i32
    %dma_start3A_1389 = arith.constant 15 : i32
    %dma_start3A_1390 = arith.constant 0 : i32
    %dma_start3A_1391 = tpu.memref_slice %arg9[%dma_start3A_1389, %dma_start3A_1390] : memref<512x64xf32, #tpu.memory_space<vmem>> -> memref<1x64xf32, #tpu.memory_space<vmem>>
    %dma_start3A_1392 = tpu.memref_squeeze %dma_start3A_1391 : memref<1x64xf32, #tpu.memory_space<vmem>> -> memref<64xf32, #tpu.memory_space<vmem>>
    %dma_start3A_1393 = arith.constant 0 : i32
    %dma_start3A_1394 = tpu.memref_slice %arg5[%shift_right_logical3A_1386, %and3A_1388, %dma_start3A_1393] : memref<125000x8x64xf32, #tpu.memory_space<hbm>> -> memref<1x1x64xf32, #tpu.memory_space<hbm>>
    %dma_start3A_1395 = tpu.memref_squeeze %dma_start3A_1394 : memref<1x1x64xf32, #tpu.memory_space<hbm>> -> memref<64xf32, #tpu.memory_space<hbm>>
    %dma_start3A_1396 = arith.constant 0 : i32
    %dma_start3A_1397 = tpu.memref_slice %arg9[%dma_start3A_1389, %dma_start3A_1396] : memref<512x64xf32, #tpu.memory_space<vmem>> -> memref<1x64xf32, #tpu.memory_space<vmem>>
    %dma_start3A_1398 = tpu.memref_squeeze %dma_start3A_1397 : memref<1x64xf32, #tpu.memory_space<vmem>> -> memref<64xf32, #tpu.memory_space<vmem>>
    %dma_start3A_1399 = arith.constant 0 : i32
    %dma_start3A_1400 = tpu.memref_slice %arg5[%shift_right_logical3A_1386, %and3A_1388, %dma_start3A_1399] : memref<125000x8x64xf32, #tpu.memory_space<hbm>> -> memref<1x1x64xf32, #tpu.memory_space<hbm>>
    %dma_start3A_1401 = tpu.memref_squeeze %dma_start3A_1400 : memref<1x1x64xf32, #tpu.memory_space<hbm>> -> memref<64xf32, #tpu.memory_space<hbm>>
    tpu.enqueue_dma source(%dma_start3A_1401 : memref<64xf32, #tpu.memory_space<hbm>>) target(%dma_start3A_1398 : memref<64xf32, #tpu.memory_space<vmem>>) target_semaphore(%arg10 : memref<!tpu.dma_semaphore, #tpu.memory_space<semaphore_mem>>)
    %get3A_1402 = arith.constant 16 : index
    %get3A_1403 = tpu.vector_load %arg8[%get3A_1402] {strides = array<i32>} : memref<512xi32, #tpu.memory_space<vmem>>, vector<16xi32>,
    %get3A_1404 = vector.shape_cast %get3A_1403 : vector<16xi32> to vector<16xi32>
    %slice3A_1405 = vector.extract_strided_slice %get3A_1404 {offsets = [0], sizes = [1], strides = [1]} : vector<16xi32> to vector<1xi32>
    %squeeze3A_1406 = vector.extract %slice3A_1405[0] : i32 from vector<1xi32>
    %shift_right_logical3A_1407 = arith.constant 3 : i32
    %shift_right_logical3A_1408 = arith.shrui %squeeze3A_1406, %shift_right_logical3A_1407 : i32
    %and3A_1409 = arith.constant 7 : i32
    %and3A_1410 = arith.andi %squeeze3A_1406, %and3A_1409 : i32
    %dma_start3A_1411 = arith.constant 16 : i32
    %dma_start3A_1412 = arith.constant 0 : i32
    %dma_start3A_1413 = tpu.memref_slice %arg9[%dma_start3A_1411, %dma_start3A_1412] : memref<512x64xf32, #tpu.memory_space<vmem>> -> memref<1x64xf32, #tpu.memory_space<vmem>>
    %dma_start3A_1414 = tpu.memref_squeeze %dma_start3A_1413 : memref<1x64xf32, #tpu.memory_space<vmem>> -> memref<64xf32, #tpu.memory_space<vmem>>
    %dma_start3A_1415 = arith.constant 0 : i32
    %dma_start3A_1416 = tpu.memref_slice %arg5[%shift_right_logical3A_1408, %and3A_1410, %dma_start3A_1415] : memref<125000x8x64xf32, #tpu.memory_space<hbm>> -> memref<1x1x64xf32, #tpu.memory_space<hbm>>
    %dma_start3A_1417 = tpu.memref_squeeze %dma_start3A_1416 : memref<1x1x64xf32, #tpu.memory_space<hbm>> -> memref<64xf32, #tpu.memory_space<hbm>>
    %dma_start3A_1418 = arith.constant 0 : i32
    %dma_start3A_1419 = tpu.memref_slice %arg9[%dma_start3A_1411, %dma_start3A_1418] : memref<512x64xf32, #tpu.memory_space<vmem>> -> memref<1x64xf32, #tpu.memory_space<vmem>>
    %dma_start3A_1420 = tpu.memref_squeeze %dma_start3A_1419 : memref<1x64xf32, #tpu.memory_space<vmem>> -> memref<64xf32, #tpu.memory_space<vmem>>
    %dma_start3A_1421 = arith.constant 0 : i32
    %dma_start3A_1422 = tpu.memref_slice %arg5[%shift_right_logical3A_1408, %and3A_1410, %dma_start3A_1421] : memref<125000x8x64xf32, #tpu.memory_space<hbm>> -> memref<1x1x64xf32, #tpu.memory_space<hbm>>
    %dma_start3A_1423 = tpu.memref_squeeze %dma_start3A_1422 : memref<1x1x64xf32, #tpu.memory_space<hbm>> -> memref<64xf32, #tpu.memory_space<hbm>>
    tpu.enqueue_dma source(%dma_start3A_1423 : memref<64xf32, #tpu.memory_space<hbm>>) target(%dma_start3A_1420 : memref<64xf32, #tpu.memory_space<vmem>>) target_semaphore(%arg10 : memref<!tpu.dma_semaphore, #tpu.memory_space<semaphore_mem>>)
    %slice3A_1424 = vector.extract_strided_slice %get3A_1404 {offsets = [1], sizes = [1], strides = [1]} : vector<16xi32> to vector<1xi32>
    %squeeze3A_1425 = vector.extract %slice3A_1424[0] : i32 from vector<1xi32>
    %shift_right_logical3A_1426 = arith.constant 3 : i32
    %shift_right_logical3A_1427 = arith.shrui %squeeze3A_1425, %shift_right_logical3A_1426 : i32
    %and3A_1428 = arith.constant 7 : i32
    %and3A_1429 = arith.andi %squeeze3A_1425, %and3A_1428 : i32
    %dma_start3A_1430 = arith.constant 17 : i32
    %dma_start3A_1431 = arith.constant 0 : i32
    %dma_start3A_1432 = tpu.memref_slice %arg9[%dma_start3A_1430, %dma_start3A_1431] : memref<512x64xf32, #tpu.memory_space<vmem>> -> memref<1x64xf32, #tpu.memory_space<vmem>>
    %dma_start3A_1433 = tpu.memref_squeeze %dma_start3A_1432 : memref<1x64xf32, #tpu.memory_space<vmem>> -> memref<64xf32, #tpu.memory_space<vmem>>
    %dma_start3A_1434 = arith.constant 0 : i32
    %dma_start3A_1435 = tpu.memref_slice %arg5[%shift_right_logical3A_1427, %and3A_1429, %dma_start3A_1434] : memref<125000x8x64xf32, #tpu.memory_space<hbm>> -> memref<1x1x64xf32, #tpu.memory_space<hbm>>
    %dma_start3A_1436 = tpu.memref_squeeze %dma_start3A_1435 : memref<1x1x64xf32, #tpu.memory_space<hbm>> -> memref<64xf32, #tpu.memory_space<hbm>>
    %dma_start3A_1437 = arith.constant 0 : i32
    %dma_start3A_1438 = tpu.memref_slice %arg9[%dma_start3A_1430, %dma_start3A_1437] : memref<512x64xf32, #tpu.memory_space<vmem>> -> memref<1x64xf32, #tpu.memory_space<vmem>>
    %dma_start3A_1439 = tpu.memref_squeeze %dma_start3A_1438 : memref<1x64xf32, #tpu.memory_space<vmem>> -> memref<64xf32, #tpu.memory_space<vmem>>
    %dma_start3A_1440 = arith.constant 0 : i32
    %dma_start3A_1441 = tpu.memref_slice %arg5[%shift_right_logical3A_1427, %and3A_1429, %dma_start3A_1440] : memref<125000x8x64xf32, #tpu.memory_space<hbm>> -> memref<1x1x64xf32, #tpu.memory_space<hbm>>
    %dma_start3A_1442 = tpu.memref_squeeze %dma_start3A_1441 : memref<1x1x64xf32, #tpu.memory_space<hbm>> -> memref<64xf32, #tpu.memory_space<hbm>>
    tpu.enqueue_dma source(%dma_start3A_1442 : memref<64xf32, #tpu.memory_space<hbm>>) target(%dma_start3A_1439 : memref<64xf32, #tpu.memory_space<vmem>>) target_semaphore(%arg10 : memref<!tpu.dma_semaphore, #tpu.memory_space<semaphore_mem>>)
    %slice3A_1443 = vector.extract_strided_slice %get3A_1404 {offsets = [2], sizes = [1], strides = [1]} : vector<16xi32> to vector<1xi32>
    %squeeze3A_1444 = vector.extract %slice3A_1443[0] : i32 from vector<1xi32>
    %shift_right_logical3A_1445 = arith.constant 3 : i32
    %shift_right_logical3A_1446 = arith.shrui %squeeze3A_1444, %shift_right_logical3A_1445 : i32
    %and3A_1447 = arith.constant 7 : i32
    %and3A_1448 = arith.andi %squeeze3A_1444, %and3A_1447 : i32
    %dma_start3A_1449 = arith.constant 18 : i32
    %dma_start3A_1450 = arith.constant 0 : i32
    %dma_start3A_1451 = tpu.memref_slice %arg9[%dma_start3A_1449, %dma_start3A_1450] : memref<512x64xf32, #tpu.memory_space<vmem>> -> memref<1x64xf32, #tpu.memory_space<vmem>>
    %dma_start3A_1452 = tpu.memref_squeeze %dma_start3A_1451 : memref<1x64xf32, #tpu.memory_space<vmem>> -> memref<64xf32, #tpu.memory_space<vmem>>
    %dma_start3A_1453 = arith.constant 0 : i32
    %dma_start3A_1454 = tpu.memref_slice %arg5[%shift_right_logical3A_1446, %and3A_1448, %dma_start3A_1453] : memref<125000x8x64xf32, #tpu.memory_space<hbm>> -> memref<1x1x64xf32, #tpu.memory_space<hbm>>
    %dma_start3A_1455 = tpu.memref_squeeze %dma_start3A_1454 : memref<1x1x64xf32, #tpu.memory_space<hbm>> -> memref<64xf32, #tpu.memory_space<hbm>>
    %dma_start3A_1456 = arith.constant 0 : i32
    %dma_start3A_1457 = tpu.memref_slice %arg9[%dma_start3A_1449, %dma_start3A_1456] : memref<512x64xf32, #tpu.memory_space<vmem>> -> memref<1x64xf32, #tpu.memory_space<vmem>>
    %dma_start3A_1458 = tpu.memref_squeeze %dma_start3A_1457 : memref<1x64xf32, #tpu.memory_space<vmem>> -> memref<64xf32, #tpu.memory_space<vmem>>
    %dma_start3A_1459 = arith.constant 0 : i32
    %dma_start3A_1460 = tpu.memref_slice %arg5[%shift_right_logical3A_1446, %and3A_1448, %dma_start3A_1459] : memref<125000x8x64xf32, #tpu.memory_space<hbm>> -> memref<1x1x64xf32, #tpu.memory_space<hbm>>
    %dma_start3A_1461 = tpu.memref_squeeze %dma_start3A_1460 : memref<1x1x64xf32, #tpu.memory_space<hbm>> -> memref<64xf32, #tpu.memory_space<hbm>>
    tpu.enqueue_dma source(%dma_start3A_1461 : memref<64xf32, #tpu.memory_space<hbm>>) target(%dma_start3A_1458 : memref<64xf32, #tpu.memory_space<vmem>>) target_semaphore(%arg10 : memref<!tpu.dma_semaphore, #tpu.memory_space<semaphore_mem>>)
    %slice3A_1462 = vector.extract_strided_slice %get3A_1404 {offsets = [3], sizes = [1], strides = [1]} : vector<16xi32> to vector<1xi32>
    %squeeze3A_1463 = vector.extract %slice3A_1462[0] : i32 from vector<1xi32>
    %shift_right_logical3A_1464 = arith.constant 3 : i32
    %shift_right_logical3A_1465 = arith.shrui %squeeze3A_1463, %shift_right_logical3A_1464 : i32
    %and3A_1466 = arith.constant 7 : i32
    %and3A_1467 = arith.andi %squeeze3A_1463, %and3A_1466 : i32
    %dma_start3A_1468 = arith.constant 19 : i32
    %dma_start3A_1469 = arith.constant 0 : i32
    %dma_start3A_1470 = tpu.memref_slice %arg9[%dma_start3A_1468, %dma_start3A_1469] : memref<512x64xf32, #tpu.memory_space<vmem>> -> memref<1x64xf32, #tpu.memory_space<vmem>>
    %dma_start3A_1471 = tpu.memref_squeeze %dma_start3A_1470 : memref<1x64xf32, #tpu.memory_space<vmem>> -> memref<64xf32, #tpu.memory_space<vmem>>
    %dma_start3A_1472 = arith.constant 0 : i32
    %dma_start3A_1473 = tpu.memref_slice %arg5[%shift_right_logical3A_1465, %and3A_1467, %dma_start3A_1472] : memref<125000x8x64xf32, #tpu.memory_space<hbm>> -> memref<1x1x64xf32, #tpu.memory_space<hbm>>
    %dma_start3A_1474 = tpu.memref_squeeze %dma_start3A_1473 : memref<1x1x64xf32, #tpu.memory_space<hbm>> -> memref<64xf32, #tpu.memory_space<hbm>>
    %dma_start3A_1475 = arith.constant 0 : i32
    %dma_start3A_1476 = tpu.memref_slice %arg9[%dma_start3A_1468, %dma_start3A_1475] : memref<512x64xf32, #tpu.memory_space<vmem>> -> memref<1x64xf32, #tpu.memory_space<vmem>>
    %dma_start3A_1477 = tpu.memref_squeeze %dma_start3A_1476 : memref<1x64xf32, #tpu.memory_space<vmem>> -> memref<64xf32, #tpu.memory_space<vmem>>
    %dma_start3A_1478 = arith.constant 0 : i32
    %dma_start3A_1479 = tpu.memref_slice %arg5[%shift_right_logical3A_1465, %and3A_1467, %dma_start3A_1478] : memref<125000x8x64xf32, #tpu.memory_space<hbm>> -> memref<1x1x64xf32, #tpu.memory_space<hbm>>
    %dma_start3A_1480 = tpu.memref_squeeze %dma_start3A_1479 : memref<1x1x64xf32, #tpu.memory_space<hbm>> -> memref<64xf32, #tpu.memory_space<hbm>>
    tpu.enqueue_dma source(%dma_start3A_1480 : memref<64xf32, #tpu.memory_space<hbm>>) target(%dma_start3A_1477 : memref<64xf32, #tpu.memory_space<vmem>>) target_semaphore(%arg10 : memref<!tpu.dma_semaphore, #tpu.memory_space<semaphore_mem>>)
    %slice3A_1481 = vector.extract_strided_slice %get3A_1404 {offsets = [4], sizes = [1], strides = [1]} : vector<16xi32> to vector<1xi32>
    %squeeze3A_1482 = vector.extract %slice3A_1481[0] : i32 from vector<1xi32>
    %shift_right_logical3A_1483 = arith.constant 3 : i32
    %shift_right_logical3A_1484 = arith.shrui %squeeze3A_1482, %shift_right_logical3A_1483 : i32
    %and3A_1485 = arith.constant 7 : i32
    %and3A_1486 = arith.andi %squeeze3A_1482, %and3A_1485 : i32
    %dma_start3A_1487 = arith.constant 20 : i32
    %dma_start3A_1488 = arith.constant 0 : i32
    %dma_start3A_1489 = tpu.memref_slice %arg9[%dma_start3A_1487, %dma_start3A_1488] : memref<512x64xf32, #tpu.memory_space<vmem>> -> memref<1x64xf32, #tpu.memory_space<vmem>>
    %dma_start3A_1490 = tpu.memref_squeeze %dma_start3A_1489 : memref<1x64xf32, #tpu.memory_space<vmem>> -> memref<64xf32, #tpu.memory_space<vmem>>
    %dma_start3A_1491 = arith.constant 0 : i32
    %dma_start3A_1492 = tpu.memref_slice %arg5[%shift_right_logical3A_1484, %and3A_1486, %dma_start3A_1491] : memref<125000x8x64xf32, #tpu.memory_space<hbm>> -> memref<1x1x64xf32, #tpu.memory_space<hbm>>
    %dma_start3A_1493 = tpu.memref_squeeze %dma_start3A_1492 : memref<1x1x64xf32, #tpu.memory_space<hbm>> -> memref<64xf32, #tpu.memory_space<hbm>>
    %dma_start3A_1494 = arith.constant 0 : i32
    %dma_start3A_1495 = tpu.memref_slice %arg9[%dma_start3A_1487, %dma_start3A_1494] : memref<512x64xf32, #tpu.memory_space<vmem>> -> memref<1x64xf32, #tpu.memory_space<vmem>>
    %dma_start3A_1496 = tpu.memref_squeeze %dma_start3A_1495 : memref<1x64xf32, #tpu.memory_space<vmem>> -> memref<64xf32, #tpu.memory_space<vmem>>
    %dma_start3A_1497 = arith.constant 0 : i32
    %dma_start3A_1498 = tpu.memref_slice %arg5[%shift_right_logical3A_1484, %and3A_1486, %dma_start3A_1497] : memref<125000x8x64xf32, #tpu.memory_space<hbm>> -> memref<1x1x64xf32, #tpu.memory_space<hbm>>
    %dma_start3A_1499 = tpu.memref_squeeze %dma_start3A_1498 : memref<1x1x64xf32, #tpu.memory_space<hbm>> -> memref<64xf32, #tpu.memory_space<hbm>>
    tpu.enqueue_dma source(%dma_start3A_1499 : memref<64xf32, #tpu.memory_space<hbm>>) target(%dma_start3A_1496 : memref<64xf32, #tpu.memory_space<vmem>>) target_semaphore(%arg10 : memref<!tpu.dma_semaphore, #tpu.memory_space<semaphore_mem>>)
    %slice3A_1500 = vector.extract_strided_slice %get3A_1404 {offsets = [5], sizes = [1], strides = [1]} : vector<16xi32> to vector<1xi32>
    %squeeze3A_1501 = vector.extract %slice3A_1500[0] : i32 from vector<1xi32>
    %shift_right_logical3A_1502 = arith.constant 3 : i32
    %shift_right_logical3A_1503 = arith.shrui %squeeze3A_1501, %shift_right_logical3A_1502 : i32
    %and3A_1504 = arith.constant 7 : i32
    %and3A_1505 = arith.andi %squeeze3A_1501, %and3A_1504 : i32
    %dma_start3A_1506 = arith.constant 21 : i32
    %dma_start3A_1507 = arith.constant 0 : i32
    %dma_start3A_1508 = tpu.memref_slice %arg9[%dma_start3A_1506, %dma_start3A_1507] : memref<512x64xf32, #tpu.memory_space<vmem>> -> memref<1x64xf32, #tpu.memory_space<vmem>>
    %dma_start3A_1509 = tpu.memref_squeeze %dma_start3A_1508 : memref<1x64xf32, #tpu.memory_space<vmem>> -> memref<64xf32, #tpu.memory_space<vmem>>
    %dma_start3A_1510 = arith.constant 0 : i32
    %dma_start3A_1511 = tpu.memref_slice %arg5[%shift_right_logical3A_1503, %and3A_1505, %dma_start3A_1510] : memref<125000x8x64xf32, #tpu.memory_space<hbm>> -> memref<1x1x64xf32, #tpu.memory_space<hbm>>
    %dma_start3A_1512 = tpu.memref_squeeze %dma_start3A_1511 : memref<1x1x64xf32, #tpu.memory_space<hbm>> -> memref<64xf32, #tpu.memory_space<hbm>>
    %dma_start3A_1513 = arith.constant 0 : i32
    %dma_start3A_1514 = tpu.memref_slice %arg9[%dma_start3A_1506, %dma_start3A_1513] : memref<512x64xf32, #tpu.memory_space<vmem>> -> memref<1x64xf32, #tpu.memory_space<vmem>>
    %dma_start3A_1515 = tpu.memref_squeeze %dma_start3A_1514 : memref<1x64xf32, #tpu.memory_space<vmem>> -> memref<64xf32, #tpu.memory_space<vmem>>
    %dma_start3A_1516 = arith.constant 0 : i32
    %dma_start3A_1517 = tpu.memref_slice %arg5[%shift_right_logical3A_1503, %and3A_1505, %dma_start3A_1516] : memref<125000x8x64xf32, #tpu.memory_space<hbm>> -> memref<1x1x64xf32, #tpu.memory_space<hbm>>
    %dma_start3A_1518 = tpu.memref_squeeze %dma_start3A_1517 : memref<1x1x64xf32, #tpu.memory_space<hbm>> -> memref<64xf32, #tpu.memory_space<hbm>>
    tpu.enqueue_dma source(%dma_start3A_1518 : memref<64xf32, #tpu.memory_space<hbm>>) target(%dma_start3A_1515 : memref<64xf32, #tpu.memory_space<vmem>>) target_semaphore(%arg10 : memref<!tpu.dma_semaphore, #tpu.memory_space<semaphore_mem>>)
    %slice3A_1519 = vector.extract_strided_slice %get3A_1404 {offsets = [6], sizes = [1], strides = [1]} : vector<16xi32> to vector<1xi32>
    %squeeze3A_1520 = vector.extract %slice3A_1519[0] : i32 from vector<1xi32>
    %shift_right_logical3A_1521 = arith.constant 3 : i32
    %shift_right_logical3A_1522 = arith.shrui %squeeze3A_1520, %shift_right_logical3A_1521 : i32
    %and3A_1523 = arith.constant 7 : i32
    %and3A_1524 = arith.andi %squeeze3A_1520, %and3A_1523 : i32
    %dma_start3A_1525 = arith.constant 22 : i32
    %dma_start3A_1526 = arith.constant 0 : i32
    %dma_start3A_1527 = tpu.memref_slice %arg9[%dma_start3A_1525, %dma_start3A_1526] : memref<512x64xf32, #tpu.memory_space<vmem>> -> memref<1x64xf32, #tpu.memory_space<vmem>>
    %dma_start3A_1528 = tpu.memref_squeeze %dma_start3A_1527 : memref<1x64xf32, #tpu.memory_space<vmem>> -> memref<64xf32, #tpu.memory_space<vmem>>
    %dma_start3A_1529 = arith.constant 0 : i32
    %dma_start3A_1530 = tpu.memref_slice %arg5[%shift_right_logical3A_1522, %and3A_1524, %dma_start3A_1529] : memref<125000x8x64xf32, #tpu.memory_space<hbm>> -> memref<1x1x64xf32, #tpu.memory_space<hbm>>
    %dma_start3A_1531 = tpu.memref_squeeze %dma_start3A_1530 : memref<1x1x64xf32, #tpu.memory_space<hbm>> -> memref<64xf32, #tpu.memory_space<hbm>>
    %dma_start3A_1532 = arith.constant 0 : i32
    %dma_start3A_1533 = tpu.memref_slice %arg9[%dma_start3A_1525, %dma_start3A_1532] : memref<512x64xf32, #tpu.memory_space<vmem>> -> memref<1x64xf32, #tpu.memory_space<vmem>>
    %dma_start3A_1534 = tpu.memref_squeeze %dma_start3A_1533 : memref<1x64xf32, #tpu.memory_space<vmem>> -> memref<64xf32, #tpu.memory_space<vmem>>
    %dma_start3A_1535 = arith.constant 0 : i32
    %dma_start3A_1536 = tpu.memref_slice %arg5[%shift_right_logical3A_1522, %and3A_1524, %dma_start3A_1535] : memref<125000x8x64xf32, #tpu.memory_space<hbm>> -> memref<1x1x64xf32, #tpu.memory_space<hbm>>
    %dma_start3A_1537 = tpu.memref_squeeze %dma_start3A_1536 : memref<1x1x64xf32, #tpu.memory_space<hbm>> -> memref<64xf32, #tpu.memory_space<hbm>>
    tpu.enqueue_dma source(%dma_start3A_1537 : memref<64xf32, #tpu.memory_space<hbm>>) target(%dma_start3A_1534 : memref<64xf32, #tpu.memory_space<vmem>>) target_semaphore(%arg10 : memref<!tpu.dma_semaphore, #tpu.memory_space<semaphore_mem>>)
    %slice3A_1538 = vector.extract_strided_slice %get3A_1404 {offsets = [7], sizes = [1], strides = [1]} : vector<16xi32> to vector<1xi32>
    %squeeze3A_1539 = vector.extract %slice3A_1538[0] : i32 from vector<1xi32>
    %shift_right_logical3A_1540 = arith.constant 3 : i32
    %shift_right_logical3A_1541 = arith.shrui %squeeze3A_1539, %shift_right_logical3A_1540 : i32
    %and3A_1542 = arith.constant 7 : i32
    %and3A_1543 = arith.andi %squeeze3A_1539, %and3A_1542 : i32
    %dma_start3A_1544 = arith.constant 23 : i32
    %dma_start3A_1545 = arith.constant 0 : i32
    %dma_start3A_1546 = tpu.memref_slice %arg9[%dma_start3A_1544, %dma_start3A_1545] : memref<512x64xf32, #tpu.memory_space<vmem>> -> memref<1x64xf32, #tpu.memory_space<vmem>>
    %dma_start3A_1547 = tpu.memref_squeeze %dma_start3A_1546 : memref<1x64xf32, #tpu.memory_space<vmem>> -> memref<64xf32, #tpu.memory_space<vmem>>
    %dma_start3A_1548 = arith.constant 0 : i32
    %dma_start3A_1549 = tpu.memref_slice %arg5[%shift_right_logical3A_1541, %and3A_1543, %dma_start3A_1548] : memref<125000x8x64xf32, #tpu.memory_space<hbm>> -> memref<1x1x64xf32, #tpu.memory_space<hbm>>
    %dma_start3A_1550 = tpu.memref_squeeze %dma_start3A_1549 : memref<1x1x64xf32, #tpu.memory_space<hbm>> -> memref<64xf32, #tpu.memory_space<hbm>>
    %dma_start3A_1551 = arith.constant 0 : i32
    %dma_start3A_1552 = tpu.memref_slice %arg9[%dma_start3A_1544, %dma_start3A_1551] : memref<512x64xf32, #tpu.memory_space<vmem>> -> memref<1x64xf32, #tpu.memory_space<vmem>>
    %dma_start3A_1553 = tpu.memref_squeeze %dma_start3A_1552 : memref<1x64xf32, #tpu.memory_space<vmem>> -> memref<64xf32, #tpu.memory_space<vmem>>
    %dma_start3A_1554 = arith.constant 0 : i32
    %dma_start3A_1555 = tpu.memref_slice %arg5[%shift_right_logical3A_1541, %and3A_1543, %dma_start3A_1554] : memref<125000x8x64xf32, #tpu.memory_space<hbm>> -> memref<1x1x64xf32, #tpu.memory_space<hbm>>
    %dma_start3A_1556 = tpu.memref_squeeze %dma_start3A_1555 : memref<1x1x64xf32, #tpu.memory_space<hbm>> -> memref<64xf32, #tpu.memory_space<hbm>>
    tpu.enqueue_dma source(%dma_start3A_1556 : memref<64xf32, #tpu.memory_space<hbm>>) target(%dma_start3A_1553 : memref<64xf32, #tpu.memory_space<vmem>>) target_semaphore(%arg10 : memref<!tpu.dma_semaphore, #tpu.memory_space<semaphore_mem>>)
    %slice3A_1557 = vector.extract_strided_slice %get3A_1404 {offsets = [8], sizes = [1], strides = [1]} : vector<16xi32> to vector<1xi32>
    %squeeze3A_1558 = vector.extract %slice3A_1557[0] : i32 from vector<1xi32>
    %shift_right_logical3A_1559 = arith.constant 3 : i32
    %shift_right_logical3A_1560 = arith.shrui %squeeze3A_1558, %shift_right_logical3A_1559 : i32
    %and3A_1561 = arith.constant 7 : i32
    %and3A_1562 = arith.andi %squeeze3A_1558, %and3A_1561 : i32
    %dma_start3A_1563 = arith.constant 24 : i32
    %dma_start3A_1564 = arith.constant 0 : i32
    %dma_start3A_1565 = tpu.memref_slice %arg9[%dma_start3A_1563, %dma_start3A_1564] : memref<512x64xf32, #tpu.memory_space<vmem>> -> memref<1x64xf32, #tpu.memory_space<vmem>>
    %dma_start3A_1566 = tpu.memref_squeeze %dma_start3A_1565 : memref<1x64xf32, #tpu.memory_space<vmem>> -> memref<64xf32, #tpu.memory_space<vmem>>
    %dma_start3A_1567 = arith.constant 0 : i32
    %dma_start3A_1568 = tpu.memref_slice %arg5[%shift_right_logical3A_1560, %and3A_1562, %dma_start3A_1567] : memref<125000x8x64xf32, #tpu.memory_space<hbm>> -> memref<1x1x64xf32, #tpu.memory_space<hbm>>
    %dma_start3A_1569 = tpu.memref_squeeze %dma_start3A_1568 : memref<1x1x64xf32, #tpu.memory_space<hbm>> -> memref<64xf32, #tpu.memory_space<hbm>>
    %dma_start3A_1570 = arith.constant 0 : i32
    %dma_start3A_1571 = tpu.memref_slice %arg9[%dma_start3A_1563, %dma_start3A_1570] : memref<512x64xf32, #tpu.memory_space<vmem>> -> memref<1x64xf32, #tpu.memory_space<vmem>>
    %dma_start3A_1572 = tpu.memref_squeeze %dma_start3A_1571 : memref<1x64xf32, #tpu.memory_space<vmem>> -> memref<64xf32, #tpu.memory_space<vmem>>
    %dma_start3A_1573 = arith.constant 0 : i32
    %dma_start3A_1574 = tpu.memref_slice %arg5[%shift_right_logical3A_1560, %and3A_1562, %dma_start3A_1573] : memref<125000x8x64xf32, #tpu.memory_space<hbm>> -> memref<1x1x64xf32, #tpu.memory_space<hbm>>
    %dma_start3A_1575 = tpu.memref_squeeze %dma_start3A_1574 : memref<1x1x64xf32, #tpu.memory_space<hbm>> -> memref<64xf32, #tpu.memory_space<hbm>>
    tpu.enqueue_dma source(%dma_start3A_1575 : memref<64xf32, #tpu.memory_space<hbm>>) target(%dma_start3A_1572 : memref<64xf32, #tpu.memory_space<vmem>>) target_semaphore(%arg10 : memref<!tpu.dma_semaphore, #tpu.memory_space<semaphore_mem>>)
    %slice3A_1576 = vector.extract_strided_slice %get3A_1404 {offsets = [9], sizes = [1], strides = [1]} : vector<16xi32> to vector<1xi32>
    %squeeze3A_1577 = vector.extract %slice3A_1576[0] : i32 from vector<1xi32>
    %shift_right_logical3A_1578 = arith.constant 3 : i32
    %shift_right_logical3A_1579 = arith.shrui %squeeze3A_1577, %shift_right_logical3A_1578 : i32
    %and3A_1580 = arith.constant 7 : i32
    %and3A_1581 = arith.andi %squeeze3A_1577, %and3A_1580 : i32
    %dma_start3A_1582 = arith.constant 25 : i32
    %dma_start3A_1583 = arith.constant 0 : i32
    %dma_start3A_1584 = tpu.memref_slice %arg9[%dma_start3A_1582, %dma_start3A_1583] : memref<512x64xf32, #tpu.memory_space<vmem>> -> memref<1x64xf32, #tpu.memory_space<vmem>>
    %dma_start3A_1585 = tpu.memref_squeeze %dma_start3A_1584 : memref<1x64xf32, #tpu.memory_space<vmem>> -> memref<64xf32, #tpu.memory_space<vmem>>
    %dma_start3A_1586 = arith.constant 0 : i32
    %dma_start3A_1587 = tpu.memref_slice %arg5[%shift_right_logical3A_1579, %and3A_1581, %dma_start3A_1586] : memref<125000x8x64xf32, #tpu.memory_space<hbm>> -> memref<1x1x64xf32, #tpu.memory_space<hbm>>
    %dma_start3A_1588 = tpu.memref_squeeze %dma_start3A_1587 : memref<1x1x64xf32, #tpu.memory_space<hbm>> -> memref<64xf32, #tpu.memory_space<hbm>>
    %dma_start3A_1589 = arith.constant 0 : i32
    %dma_start3A_1590 = tpu.memref_slice %arg9[%dma_start3A_1582, %dma_start3A_1589] : memref<512x64xf32, #tpu.memory_space<vmem>> -> memref<1x64xf32, #tpu.memory_space<vmem>>
    %dma_start3A_1591 = tpu.memref_squeeze %dma_start3A_1590 : memref<1x64xf32, #tpu.memory_space<vmem>> -> memref<64xf32, #tpu.memory_space<vmem>>
    %dma_start3A_1592 = arith.constant 0 : i32
    %dma_start3A_1593 = tpu.memref_slice %arg5[%shift_right_logical3A_1579, %and3A_1581, %dma_start3A_1592] : memref<125000x8x64xf32, #tpu.memory_space<hbm>> -> memref<1x1x64xf32, #tpu.memory_space<hbm>>
    %dma_start3A_1594 = tpu.memref_squeeze %dma_start3A_1593 : memref<1x1x64xf32, #tpu.memory_space<hbm>> -> memref<64xf32, #tpu.memory_space<hbm>>
    tpu.enqueue_dma source(%dma_start3A_1594 : memref<64xf32, #tpu.memory_space<hbm>>) target(%dma_start3A_1591 : memref<64xf32, #tpu.memory_space<vmem>>) target_semaphore(%arg10 : memref<!tpu.dma_semaphore, #tpu.memory_space<semaphore_mem>>)
    %slice3A_1595 = vector.extract_strided_slice %get3A_1404 {offsets = [10], sizes = [1], strides = [1]} : vector<16xi32> to vector<1xi32>
    %squeeze3A_1596 = vector.extract %slice3A_1595[0] : i32 from vector<1xi32>
    %shift_right_logical3A_1597 = arith.constant 3 : i32
    %shift_right_logical3A_1598 = arith.shrui %squeeze3A_1596, %shift_right_logical3A_1597 : i32
    %and3A_1599 = arith.constant 7 : i32
    %and3A_1600 = arith.andi %squeeze3A_1596, %and3A_1599 : i32
    %dma_start3A_1601 = arith.constant 26 : i32
    %dma_start3A_1602 = arith.constant 0 : i32
    %dma_start3A_1603 = tpu.memref_slice %arg9[%dma_start3A_1601, %dma_start3A_1602] : memref<512x64xf32, #tpu.memory_space<vmem>> -> memref<1x64xf32, #tpu.memory_space<vmem>>
    %dma_start3A_1604 = tpu.memref_squeeze %dma_start3A_1603 : memref<1x64xf32, #tpu.memory_space<vmem>> -> memref<64xf32, #tpu.memory_space<vmem>>
    %dma_start3A_1605 = arith.constant 0 : i32
    %dma_start3A_1606 = tpu.memref_slice %arg5[%shift_right_logical3A_1598, %and3A_1600, %dma_start3A_1605] : memref<125000x8x64xf32, #tpu.memory_space<hbm>> -> memref<1x1x64xf32, #tpu.memory_space<hbm>>
    %dma_start3A_1607 = tpu.memref_squeeze %dma_start3A_1606 : memref<1x1x64xf32, #tpu.memory_space<hbm>> -> memref<64xf32, #tpu.memory_space<hbm>>
    %dma_start3A_1608 = arith.constant 0 : i32
    %dma_start3A_1609 = tpu.memref_slice %arg9[%dma_start3A_1601, %dma_start3A_1608] : memref<512x64xf32, #tpu.memory_space<vmem>> -> memref<1x64xf32, #tpu.memory_space<vmem>>
    %dma_start3A_1610 = tpu.memref_squeeze %dma_start3A_1609 : memref<1x64xf32, #tpu.memory_space<vmem>> -> memref<64xf32, #tpu.memory_space<vmem>>
    %dma_start3A_1611 = arith.constant 0 : i32
    %dma_start3A_1612 = tpu.memref_slice %arg5[%shift_right_logical3A_1598, %and3A_1600, %dma_start3A_1611] : memref<125000x8x64xf32, #tpu.memory_space<hbm>> -> memref<1x1x64xf32, #tpu.memory_space<hbm>>
    %dma_start3A_1613 = tpu.memref_squeeze %dma_start3A_1612 : memref<1x1x64xf32, #tpu.memory_space<hbm>> -> memref<64xf32, #tpu.memory_space<hbm>>
    tpu.enqueue_dma source(%dma_start3A_1613 : memref<64xf32, #tpu.memory_space<hbm>>) target(%dma_start3A_1610 : memref<64xf32, #tpu.memory_space<vmem>>) target_semaphore(%arg10 : memref<!tpu.dma_semaphore, #tpu.memory_space<semaphore_mem>>)
    %slice3A_1614 = vector.extract_strided_slice %get3A_1404 {offsets = [11], sizes = [1], strides = [1]} : vector<16xi32> to vector<1xi32>
    %squeeze3A_1615 = vector.extract %slice3A_1614[0] : i32 from vector<1xi32>
    %shift_right_logical3A_1616 = arith.constant 3 : i32
    %shift_right_logical3A_1617 = arith.shrui %squeeze3A_1615, %shift_right_logical3A_1616 : i32
    %and3A_1618 = arith.constant 7 : i32
    %and3A_1619 = arith.andi %squeeze3A_1615, %and3A_1618 : i32
    %dma_start3A_1620 = arith.constant 27 : i32
    %dma_start3A_1621 = arith.constant 0 : i32
    %dma_start3A_1622 = tpu.memref_slice %arg9[%dma_start3A_1620, %dma_start3A_1621] : memref<512x64xf32, #tpu.memory_space<vmem>> -> memref<1x64xf32, #tpu.memory_space<vmem>>
    %dma_start3A_1623 = tpu.memref_squeeze %dma_start3A_1622 : memref<1x64xf32, #tpu.memory_space<vmem>> -> memref<64xf32, #tpu.memory_space<vmem>>
    %dma_start3A_1624 = arith.constant 0 : i32
    %dma_start3A_1625 = tpu.memref_slice %arg5[%shift_right_logical3A_1617, %and3A_1619, %dma_start3A_1624] : memref<125000x8x64xf32, #tpu.memory_space<hbm>> -> memref<1x1x64xf32, #tpu.memory_space<hbm>>
    %dma_start3A_1626 = tpu.memref_squeeze %dma_start3A_1625 : memref<1x1x64xf32, #tpu.memory_space<hbm>> -> memref<64xf32, #tpu.memory_space<hbm>>
    %dma_start3A_1627 = arith.constant 0 : i32
    %dma_start3A_1628 = tpu.memref_slice %arg9[%dma_start3A_1620, %dma_start3A_1627] : memref<512x64xf32, #tpu.memory_space<vmem>> -> memref<1x64xf32, #tpu.memory_space<vmem>>
    %dma_start3A_1629 = tpu.memref_squeeze %dma_start3A_1628 : memref<1x64xf32, #tpu.memory_space<vmem>> -> memref<64xf32, #tpu.memory_space<vmem>>
    %dma_start3A_1630 = arith.constant 0 : i32
    %dma_start3A_1631 = tpu.memref_slice %arg5[%shift_right_logical3A_1617, %and3A_1619, %dma_start3A_1630] : memref<125000x8x64xf32, #tpu.memory_space<hbm>> -> memref<1x1x64xf32, #tpu.memory_space<hbm>>
    %dma_start3A_1632 = tpu.memref_squeeze %dma_start3A_1631 : memref<1x1x64xf32, #tpu.memory_space<hbm>> -> memref<64xf32, #tpu.memory_space<hbm>>
    tpu.enqueue_dma source(%dma_start3A_1632 : memref<64xf32, #tpu.memory_space<hbm>>) target(%dma_start3A_1629 : memref<64xf32, #tpu.memory_space<vmem>>) target_semaphore(%arg10 : memref<!tpu.dma_semaphore, #tpu.memory_space<semaphore_mem>>)
    %slice3A_1633 = vector.extract_strided_slice %get3A_1404 {offsets = [12], sizes = [1], strides = [1]} : vector<16xi32> to vector<1xi32>
    %squeeze3A_1634 = vector.extract %slice3A_1633[0] : i32 from vector<1xi32>
    %shift_right_logical3A_1635 = arith.constant 3 : i32
    %shift_right_logical3A_1636 = arith.shrui %squeeze3A_1634, %shift_right_logical3A_1635 : i32
    %and3A_1637 = arith.constant 7 : i32
    %and3A_1638 = arith.andi %squeeze3A_1634, %and3A_1637 : i32
    %dma_start3A_1639 = arith.constant 28 : i32
    %dma_start3A_1640 = arith.constant 0 : i32
    %dma_start3A_1641 = tpu.memref_slice %arg9[%dma_start3A_1639, %dma_start3A_1640] : memref<512x64xf32, #tpu.memory_space<vmem>> -> memref<1x64xf32, #tpu.memory_space<vmem>>
    %dma_start3A_1642 = tpu.memref_squeeze %dma_start3A_1641 : memref<1x64xf32, #tpu.memory_space<vmem>> -> memref<64xf32, #tpu.memory_space<vmem>>
    %dma_start3A_1643 = arith.constant 0 : i32
    %dma_start3A_1644 = tpu.memref_slice %arg5[%shift_right_logical3A_1636, %and3A_1638, %dma_start3A_1643] : memref<125000x8x64xf32, #tpu.memory_space<hbm>> -> memref<1x1x64xf32, #tpu.memory_space<hbm>>
    %dma_start3A_1645 = tpu.memref_squeeze %dma_start3A_1644 : memref<1x1x64xf32, #tpu.memory_space<hbm>> -> memref<64xf32, #tpu.memory_space<hbm>>
    %dma_start3A_1646 = arith.constant 0 : i32
    %dma_start3A_1647 = tpu.memref_slice %arg9[%dma_start3A_1639, %dma_start3A_1646] : memref<512x64xf32, #tpu.memory_space<vmem>> -> memref<1x64xf32, #tpu.memory_space<vmem>>
    %dma_start3A_1648 = tpu.memref_squeeze %dma_start3A_1647 : memref<1x64xf32, #tpu.memory_space<vmem>> -> memref<64xf32, #tpu.memory_space<vmem>>
    %dma_start3A_1649 = arith.constant 0 : i32
    %dma_start3A_1650 = tpu.memref_slice %arg5[%shift_right_logical3A_1636, %and3A_1638, %dma_start3A_1649] : memref<125000x8x64xf32, #tpu.memory_space<hbm>> -> memref<1x1x64xf32, #tpu.memory_space<hbm>>
    %dma_start3A_1651 = tpu.memref_squeeze %dma_start3A_1650 : memref<1x1x64xf32, #tpu.memory_space<hbm>> -> memref<64xf32, #tpu.memory_space<hbm>>
    tpu.enqueue_dma source(%dma_start3A_1651 : memref<64xf32, #tpu.memory_space<hbm>>) target(%dma_start3A_1648 : memref<64xf32, #tpu.memory_space<vmem>>) target_semaphore(%arg10 : memref<!tpu.dma_semaphore, #tpu.memory_space<semaphore_mem>>)
    %slice3A_1652 = vector.extract_strided_slice %get3A_1404 {offsets = [13], sizes = [1], strides = [1]} : vector<16xi32> to vector<1xi32>
    %squeeze3A_1653 = vector.extract %slice3A_1652[0] : i32 from vector<1xi32>
    %shift_right_logical3A_1654 = arith.constant 3 : i32
    %shift_right_logical3A_1655 = arith.shrui %squeeze3A_1653, %shift_right_logical3A_1654 : i32
    %and3A_1656 = arith.constant 7 : i32
    %and3A_1657 = arith.andi %squeeze3A_1653, %and3A_1656 : i32
    %dma_start3A_1658 = arith.constant 29 : i32
    %dma_start3A_1659 = arith.constant 0 : i32
    %dma_start3A_1660 = tpu.memref_slice %arg9[%dma_start3A_1658, %dma_start3A_1659] : memref<512x64xf32, #tpu.memory_space<vmem>> -> memref<1x64xf32, #tpu.memory_space<vmem>>
    %dma_start3A_1661 = tpu.memref_squeeze %dma_start3A_1660 : memref<1x64xf32, #tpu.memory_space<vmem>> -> memref<64xf32, #tpu.memory_space<vmem>>
    %dma_start3A_1662 = arith.constant 0 : i32
    %dma_start3A_1663 = tpu.memref_slice %arg5[%shift_right_logical3A_1655, %and3A_1657, %dma_start3A_1662] : memref<125000x8x64xf32, #tpu.memory_space<hbm>> -> memref<1x1x64xf32, #tpu.memory_space<hbm>>
    %dma_start3A_1664 = tpu.memref_squeeze %dma_start3A_1663 : memref<1x1x64xf32, #tpu.memory_space<hbm>> -> memref<64xf32, #tpu.memory_space<hbm>>
    %dma_start3A_1665 = arith.constant 0 : i32
    %dma_start3A_1666 = tpu.memref_slice %arg9[%dma_start3A_1658, %dma_start3A_1665] : memref<512x64xf32, #tpu.memory_space<vmem>> -> memref<1x64xf32, #tpu.memory_space<vmem>>
    %dma_start3A_1667 = tpu.memref_squeeze %dma_start3A_1666 : memref<1x64xf32, #tpu.memory_space<vmem>> -> memref<64xf32, #tpu.memory_space<vmem>>
    %dma_start3A_1668 = arith.constant 0 : i32
    %dma_start3A_1669 = tpu.memref_slice %arg5[%shift_right_logical3A_1655, %and3A_1657, %dma_start3A_1668] : memref<125000x8x64xf32, #tpu.memory_space<hbm>> -> memref<1x1x64xf32, #tpu.memory_space<hbm>>
    %dma_start3A_1670 = tpu.memref_squeeze %dma_start3A_1669 : memref<1x1x64xf32, #tpu.memory_space<hbm>> -> memref<64xf32, #tpu.memory_space<hbm>>
    tpu.enqueue_dma source(%dma_start3A_1670 : memref<64xf32, #tpu.memory_space<hbm>>) target(%dma_start3A_1667 : memref<64xf32, #tpu.memory_space<vmem>>) target_semaphore(%arg10 : memref<!tpu.dma_semaphore, #tpu.memory_space<semaphore_mem>>)
    %slice3A_1671 = vector.extract_strided_slice %get3A_1404 {offsets = [14], sizes = [1], strides = [1]} : vector<16xi32> to vector<1xi32>
    %squeeze3A_1672 = vector.extract %slice3A_1671[0] : i32 from vector<1xi32>
    %shift_right_logical3A_1673 = arith.constant 3 : i32
    %shift_right_logical3A_1674 = arith.shrui %squeeze3A_1672, %shift_right_logical3A_1673 : i32
    %and3A_1675 = arith.constant 7 : i32
    %and3A_1676 = arith.andi %squeeze3A_1672, %and3A_1675 : i32
    %dma_start3A_1677 = arith.constant 30 : i32
    %dma_start3A_1678 = arith.constant 0 : i32
    %dma_start3A_1679 = tpu.memref_slice %arg9[%dma_start3A_1677, %dma_start3A_1678] : memref<512x64xf32, #tpu.memory_space<vmem>> -> memref<1x64xf32, #tpu.memory_space<vmem>>
    %dma_start3A_1680 = tpu.memref_squeeze %dma_start3A_1679 : memref<1x64xf32, #tpu.memory_space<vmem>> -> memref<64xf32, #tpu.memory_space<vmem>>
    %dma_start3A_1681 = arith.constant 0 : i32
    %dma_start3A_1682 = tpu.memref_slice %arg5[%shift_right_logical3A_1674, %and3A_1676, %dma_start3A_1681] : memref<125000x8x64xf32, #tpu.memory_space<hbm>> -> memref<1x1x64xf32, #tpu.memory_space<hbm>>
    %dma_start3A_1683 = tpu.memref_squeeze %dma_start3A_1682 : memref<1x1x64xf32, #tpu.memory_space<hbm>> -> memref<64xf32, #tpu.memory_space<hbm>>
    %dma_start3A_1684 = arith.constant 0 : i32
    %dma_start3A_1685 = tpu.memref_slice %arg9[%dma_start3A_1677, %dma_start3A_1684] : memref<512x64xf32, #tpu.memory_space<vmem>> -> memref<1x64xf32, #tpu.memory_space<vmem>>
    %dma_start3A_1686 = tpu.memref_squeeze %dma_start3A_1685 : memref<1x64xf32, #tpu.memory_space<vmem>> -> memref<64xf32, #tpu.memory_space<vmem>>
    %dma_start3A_1687 = arith.constant 0 : i32
    %dma_start3A_1688 = tpu.memref_slice %arg5[%shift_right_logical3A_1674, %and3A_1676, %dma_start3A_1687] : memref<125000x8x64xf32, #tpu.memory_space<hbm>> -> memref<1x1x64xf32, #tpu.memory_space<hbm>>
    %dma_start3A_1689 = tpu.memref_squeeze %dma_start3A_1688 : memref<1x1x64xf32, #tpu.memory_space<hbm>> -> memref<64xf32, #tpu.memory_space<hbm>>
    tpu.enqueue_dma source(%dma_start3A_1689 : memref<64xf32, #tpu.memory_space<hbm>>) target(%dma_start3A_1686 : memref<64xf32, #tpu.memory_space<vmem>>) target_semaphore(%arg10 : memref<!tpu.dma_semaphore, #tpu.memory_space<semaphore_mem>>)
    %slice3A_1690 = vector.extract_strided_slice %get3A_1404 {offsets = [15], sizes = [1], strides = [1]} : vector<16xi32> to vector<1xi32>
    %squeeze3A_1691 = vector.extract %slice3A_1690[0] : i32 from vector<1xi32>
    %shift_right_logical3A_1692 = arith.constant 3 : i32
    %shift_right_logical3A_1693 = arith.shrui %squeeze3A_1691, %shift_right_logical3A_1692 : i32
    %and3A_1694 = arith.constant 7 : i32
    %and3A_1695 = arith.andi %squeeze3A_1691, %and3A_1694 : i32
    %dma_start3A_1696 = arith.constant 31 : i32
    %dma_start3A_1697 = arith.constant 0 : i32
    %dma_start3A_1698 = tpu.memref_slice %arg9[%dma_start3A_1696, %dma_start3A_1697] : memref<512x64xf32, #tpu.memory_space<vmem>> -> memref<1x64xf32, #tpu.memory_space<vmem>>
    %dma_start3A_1699 = tpu.memref_squeeze %dma_start3A_1698 : memref<1x64xf32, #tpu.memory_space<vmem>> -> memref<64xf32, #tpu.memory_space<vmem>>
    %dma_start3A_1700 = arith.constant 0 : i32
    %dma_start3A_1701 = tpu.memref_slice %arg5[%shift_right_logical3A_1693, %and3A_1695, %dma_start3A_1700] : memref<125000x8x64xf32, #tpu.memory_space<hbm>> -> memref<1x1x64xf32, #tpu.memory_space<hbm>>
    %dma_start3A_1702 = tpu.memref_squeeze %dma_start3A_1701 : memref<1x1x64xf32, #tpu.memory_space<hbm>> -> memref<64xf32, #tpu.memory_space<hbm>>
    %dma_start3A_1703 = arith.constant 0 : i32
    %dma_start3A_1704 = tpu.memref_slice %arg9[%dma_start3A_1696, %dma_start3A_1703] : memref<512x64xf32, #tpu.memory_space<vmem>> -> memref<1x64xf32, #tpu.memory_space<vmem>>
    %dma_start3A_1705 = tpu.memref_squeeze %dma_start3A_1704 : memref<1x64xf32, #tpu.memory_space<vmem>> -> memref<64xf32, #tpu.memory_space<vmem>>
    %dma_start3A_1706 = arith.constant 0 : i32
    %dma_start3A_1707 = tpu.memref_slice %arg5[%shift_right_logical3A_1693, %and3A_1695, %dma_start3A_1706] : memref<125000x8x64xf32, #tpu.memory_space<hbm>> -> memref<1x1x64xf32, #tpu.memory_space<hbm>>
    %dma_start3A_1708 = tpu.memref_squeeze %dma_start3A_1707 : memref<1x1x64xf32, #tpu.memory_space<hbm>> -> memref<64xf32, #tpu.memory_space<hbm>>
    tpu.enqueue_dma source(%dma_start3A_1708 : memref<64xf32, #tpu.memory_space<hbm>>) target(%dma_start3A_1705 : memref<64xf32, #tpu.memory_space<vmem>>) target_semaphore(%arg10 : memref<!tpu.dma_semaphore, #tpu.memory_space<semaphore_mem>>)
    %scan3A_1709 = arith.constant 0 : i32
    %scan3A_1710 = arith.constant 2 : i32
    %scan3A_1711 = arith.constant 30 : i32
    %scan3A_1712 = arith.addi %scan3A_1710, %scan3A_1711 : i32
    %scan3A_1713 = arith.constant 1 : i32
    scf.for %scan3A_2195 = %scan3A_1710 to %scan3A_1712 step %scan3A_1713  : i32 {
      %mul3A_2196 = arith.constant 16 : i32
      %mul3A_2197 = arith.muli %scan3A_2195, %mul3A_2196 : i32
      %get3A_2198 = arith.index_cast %mul3A_2197 : i32 to index
      %get3A_2199 = tpu.vector_load %arg8[%get3A_2198] {strides = array<i32>} : memref<512xi32, #tpu.memory_space<vmem>>, vector<16xi32>,
      %get3A_2200 = vector.shape_cast %get3A_2199 : vector<16xi32> to vector<16xi32>
      %slice3A_2201 = vector.extract_strided_slice %get3A_2200 {offsets = [0], sizes = [1], strides = [1]} : vector<16xi32> to vector<1xi32>
      %squeeze3A_2202 = vector.extract %slice3A_2201[0] : i32 from vector<1xi32>
      %shift_right_logical3A_2203 = arith.constant 3 : i32
      %shift_right_logical3A_2204 = arith.shrui %squeeze3A_2202, %shift_right_logical3A_2203 : i32
      %and3A_2205 = arith.constant 7 : i32
      %and3A_2206 = arith.andi %squeeze3A_2202, %and3A_2205 : i32
      %mul3A_2207 = arith.constant 16 : i32
      %mul3A_2208 = arith.muli %scan3A_2195, %mul3A_2207 : i32
      %add3A_2209 = arith.constant 0 : i32
      %add3A_2210 = arith.addi %mul3A_2208, %add3A_2209 : i32
      %dma_start3A_2211 = arith.constant 0 : i32
      %dma_start3A_2212 = tpu.memref_slice %arg9[%add3A_2210, %dma_start3A_2211] : memref<512x64xf32, #tpu.memory_space<vmem>> -> memref<1x64xf32, #tpu.memory_space<vmem>>
      %dma_start3A_2213 = tpu.memref_squeeze %dma_start3A_2212 : memref<1x64xf32, #tpu.memory_space<vmem>> -> memref<64xf32, #tpu.memory_space<vmem>>
      %dma_start3A_2214 = arith.constant 0 : i32
      %dma_start3A_2215 = tpu.memref_slice %arg5[%shift_right_logical3A_2204, %and3A_2206, %dma_start3A_2214] : memref<125000x8x64xf32, #tpu.memory_space<hbm>> -> memref<1x1x64xf32, #tpu.memory_space<hbm>>
      %dma_start3A_2216 = tpu.memref_squeeze %dma_start3A_2215 : memref<1x1x64xf32, #tpu.memory_space<hbm>> -> memref<64xf32, #tpu.memory_space<hbm>>
      %dma_start3A_2217 = arith.constant 0 : i32
      %dma_start3A_2218 = tpu.memref_slice %arg9[%add3A_2210, %dma_start3A_2217] : memref<512x64xf32, #tpu.memory_space<vmem>> -> memref<1x64xf32, #tpu.memory_space<vmem>>
      %dma_start3A_2219 = tpu.memref_squeeze %dma_start3A_2218 : memref<1x64xf32, #tpu.memory_space<vmem>> -> memref<64xf32, #tpu.memory_space<vmem>>
      %dma_start3A_2220 = arith.constant 0 : i32
      %dma_start3A_2221 = tpu.memref_slice %arg5[%shift_right_logical3A_2204, %and3A_2206, %dma_start3A_2220] : memref<125000x8x64xf32, #tpu.memory_space<hbm>> -> memref<1x1x64xf32, #tpu.memory_space<hbm>>
      %dma_start3A_2222 = tpu.memref_squeeze %dma_start3A_2221 : memref<1x1x64xf32, #tpu.memory_space<hbm>> -> memref<64xf32, #tpu.memory_space<hbm>>
      tpu.enqueue_dma source(%dma_start3A_2222 : memref<64xf32, #tpu.memory_space<hbm>>) target(%dma_start3A_2219 : memref<64xf32, #tpu.memory_space<vmem>>) target_semaphore(%arg10 : memref<!tpu.dma_semaphore, #tpu.memory_space<semaphore_mem>>)
      %slice3A_2223 = vector.extract_strided_slice %get3A_2200 {offsets = [1], sizes = [1], strides = [1]} : vector<16xi32> to vector<1xi32>
      %squeeze3A_2224 = vector.extract %slice3A_2223[0] : i32 from vector<1xi32>
      %shift_right_logical3A_2225 = arith.constant 3 : i32
      %shift_right_logical3A_2226 = arith.shrui %squeeze3A_2224, %shift_right_logical3A_2225 : i32
      %and3A_2227 = arith.constant 7 : i32
      %and3A_2228 = arith.andi %squeeze3A_2224, %and3A_2227 : i32
      %mul3A_2229 = arith.constant 16 : i32
      %mul3A_2230 = arith.muli %scan3A_2195, %mul3A_2229 : i32
      %add3A_2231 = arith.constant 1 : i32
      %add3A_2232 = arith.addi %mul3A_2230, %add3A_2231 : i32
      %dma_start3A_2233 = arith.constant 0 : i32
      %dma_start3A_2234 = tpu.memref_slice %arg9[%add3A_2232, %dma_start3A_2233] : memref<512x64xf32, #tpu.memory_space<vmem>> -> memref<1x64xf32, #tpu.memory_space<vmem>>
      %dma_start3A_2235 = tpu.memref_squeeze %dma_start3A_2234 : memref<1x64xf32, #tpu.memory_space<vmem>> -> memref<64xf32, #tpu.memory_space<vmem>>
      %dma_start3A_2236 = arith.constant 0 : i32
      %dma_start3A_2237 = tpu.memref_slice %arg5[%shift_right_logical3A_2226, %and3A_2228, %dma_start3A_2236] : memref<125000x8x64xf32, #tpu.memory_space<hbm>> -> memref<1x1x64xf32, #tpu.memory_space<hbm>>
      %dma_start3A_2238 = tpu.memref_squeeze %dma_start3A_2237 : memref<1x1x64xf32, #tpu.memory_space<hbm>> -> memref<64xf32, #tpu.memory_space<hbm>>
      %dma_start3A_2239 = arith.constant 0 : i32
      %dma_start3A_2240 = tpu.memref_slice %arg9[%add3A_2232, %dma_start3A_2239] : memref<512x64xf32, #tpu.memory_space<vmem>> -> memref<1x64xf32, #tpu.memory_space<vmem>>
      %dma_start3A_2241 = tpu.memref_squeeze %dma_start3A_2240 : memref<1x64xf32, #tpu.memory_space<vmem>> -> memref<64xf32, #tpu.memory_space<vmem>>
      %dma_start3A_2242 = arith.constant 0 : i32
      %dma_start3A_2243 = tpu.memref_slice %arg5[%shift_right_logical3A_2226, %and3A_2228, %dma_start3A_2242] : memref<125000x8x64xf32, #tpu.memory_space<hbm>> -> memref<1x1x64xf32, #tpu.memory_space<hbm>>
      %dma_start3A_2244 = tpu.memref_squeeze %dma_start3A_2243 : memref<1x1x64xf32, #tpu.memory_space<hbm>> -> memref<64xf32, #tpu.memory_space<hbm>>
      tpu.enqueue_dma source(%dma_start3A_2244 : memref<64xf32, #tpu.memory_space<hbm>>) target(%dma_start3A_2241 : memref<64xf32, #tpu.memory_space<vmem>>) target_semaphore(%arg10 : memref<!tpu.dma_semaphore, #tpu.memory_space<semaphore_mem>>)
      %slice3A_2245 = vector.extract_strided_slice %get3A_2200 {offsets = [2], sizes = [1], strides = [1]} : vector<16xi32> to vector<1xi32>
      %squeeze3A_2246 = vector.extract %slice3A_2245[0] : i32 from vector<1xi32>
      %shift_right_logical3A_2247 = arith.constant 3 : i32
      %shift_right_logical3A_2248 = arith.shrui %squeeze3A_2246, %shift_right_logical3A_2247 : i32
      %and3A_2249 = arith.constant 7 : i32
      %and3A_2250 = arith.andi %squeeze3A_2246, %and3A_2249 : i32
      %mul3A_2251 = arith.constant 16 : i32
      %mul3A_2252 = arith.muli %scan3A_2195, %mul3A_2251 : i32
      %add3A_2253 = arith.constant 2 : i32
      %add3A_2254 = arith.addi %mul3A_2252, %add3A_2253 : i32
      %dma_start3A_2255 = arith.constant 0 : i32
      %dma_start3A_2256 = tpu.memref_slice %arg9[%add3A_2254, %dma_start3A_2255] : memref<512x64xf32, #tpu.memory_space<vmem>> -> memref<1x64xf32, #tpu.memory_space<vmem>>
      %dma_start3A_2257 = tpu.memref_squeeze %dma_start3A_2256 : memref<1x64xf32, #tpu.memory_space<vmem>> -> memref<64xf32, #tpu.memory_space<vmem>>
      %dma_start3A_2258 = arith.constant 0 : i32
      %dma_start3A_2259 = tpu.memref_slice %arg5[%shift_right_logical3A_2248, %and3A_2250, %dma_start3A_2258] : memref<125000x8x64xf32, #tpu.memory_space<hbm>> -> memref<1x1x64xf32, #tpu.memory_space<hbm>>
      %dma_start3A_2260 = tpu.memref_squeeze %dma_start3A_2259 : memref<1x1x64xf32, #tpu.memory_space<hbm>> -> memref<64xf32, #tpu.memory_space<hbm>>
      %dma_start3A_2261 = arith.constant 0 : i32
      %dma_start3A_2262 = tpu.memref_slice %arg9[%add3A_2254, %dma_start3A_2261] : memref<512x64xf32, #tpu.memory_space<vmem>> -> memref<1x64xf32, #tpu.memory_space<vmem>>
      %dma_start3A_2263 = tpu.memref_squeeze %dma_start3A_2262 : memref<1x64xf32, #tpu.memory_space<vmem>> -> memref<64xf32, #tpu.memory_space<vmem>>
      %dma_start3A_2264 = arith.constant 0 : i32
      %dma_start3A_2265 = tpu.memref_slice %arg5[%shift_right_logical3A_2248, %and3A_2250, %dma_start3A_2264] : memref<125000x8x64xf32, #tpu.memory_space<hbm>> -> memref<1x1x64xf32, #tpu.memory_space<hbm>>
      %dma_start3A_2266 = tpu.memref_squeeze %dma_start3A_2265 : memref<1x1x64xf32, #tpu.memory_space<hbm>> -> memref<64xf32, #tpu.memory_space<hbm>>
      tpu.enqueue_dma source(%dma_start3A_2266 : memref<64xf32, #tpu.memory_space<hbm>>) target(%dma_start3A_2263 : memref<64xf32, #tpu.memory_space<vmem>>) target_semaphore(%arg10 : memref<!tpu.dma_semaphore, #tpu.memory_space<semaphore_mem>>)
      %slice3A_2267 = vector.extract_strided_slice %get3A_2200 {offsets = [3], sizes = [1], strides = [1]} : vector<16xi32> to vector<1xi32>
      %squeeze3A_2268 = vector.extract %slice3A_2267[0] : i32 from vector<1xi32>
      %shift_right_logical3A_2269 = arith.constant 3 : i32
      %shift_right_logical3A_2270 = arith.shrui %squeeze3A_2268, %shift_right_logical3A_2269 : i32
      %and3A_2271 = arith.constant 7 : i32
      %and3A_2272 = arith.andi %squeeze3A_2268, %and3A_2271 : i32
      %mul3A_2273 = arith.constant 16 : i32
      %mul3A_2274 = arith.muli %scan3A_2195, %mul3A_2273 : i32
      %add3A_2275 = arith.constant 3 : i32
      %add3A_2276 = arith.addi %mul3A_2274, %add3A_2275 : i32
      %dma_start3A_2277 = arith.constant 0 : i32
      %dma_start3A_2278 = tpu.memref_slice %arg9[%add3A_2276, %dma_start3A_2277] : memref<512x64xf32, #tpu.memory_space<vmem>> -> memref<1x64xf32, #tpu.memory_space<vmem>>
      %dma_start3A_2279 = tpu.memref_squeeze %dma_start3A_2278 : memref<1x64xf32, #tpu.memory_space<vmem>> -> memref<64xf32, #tpu.memory_space<vmem>>
      %dma_start3A_2280 = arith.constant 0 : i32
      %dma_start3A_2281 = tpu.memref_slice %arg5[%shift_right_logical3A_2270, %and3A_2272, %dma_start3A_2280] : memref<125000x8x64xf32, #tpu.memory_space<hbm>> -> memref<1x1x64xf32, #tpu.memory_space<hbm>>
      %dma_start3A_2282 = tpu.memref_squeeze %dma_start3A_2281 : memref<1x1x64xf32, #tpu.memory_space<hbm>> -> memref<64xf32, #tpu.memory_space<hbm>>
      %dma_start3A_2283 = arith.constant 0 : i32
      %dma_start3A_2284 = tpu.memref_slice %arg9[%add3A_2276, %dma_start3A_2283] : memref<512x64xf32, #tpu.memory_space<vmem>> -> memref<1x64xf32, #tpu.memory_space<vmem>>
      %dma_start3A_2285 = tpu.memref_squeeze %dma_start3A_2284 : memref<1x64xf32, #tpu.memory_space<vmem>> -> memref<64xf32, #tpu.memory_space<vmem>>
      %dma_start3A_2286 = arith.constant 0 : i32
      %dma_start3A_2287 = tpu.memref_slice %arg5[%shift_right_logical3A_2270, %and3A_2272, %dma_start3A_2286] : memref<125000x8x64xf32, #tpu.memory_space<hbm>> -> memref<1x1x64xf32, #tpu.memory_space<hbm>>
      %dma_start3A_2288 = tpu.memref_squeeze %dma_start3A_2287 : memref<1x1x64xf32, #tpu.memory_space<hbm>> -> memref<64xf32, #tpu.memory_space<hbm>>
      tpu.enqueue_dma source(%dma_start3A_2288 : memref<64xf32, #tpu.memory_space<hbm>>) target(%dma_start3A_2285 : memref<64xf32, #tpu.memory_space<vmem>>) target_semaphore(%arg10 : memref<!tpu.dma_semaphore, #tpu.memory_space<semaphore_mem>>)
      %slice3A_2289 = vector.extract_strided_slice %get3A_2200 {offsets = [4], sizes = [1], strides = [1]} : vector<16xi32> to vector<1xi32>
      %squeeze3A_2290 = vector.extract %slice3A_2289[0] : i32 from vector<1xi32>
      %shift_right_logical3A_2291 = arith.constant 3 : i32
      %shift_right_logical3A_2292 = arith.shrui %squeeze3A_2290, %shift_right_logical3A_2291 : i32
      %and3A_2293 = arith.constant 7 : i32
      %and3A_2294 = arith.andi %squeeze3A_2290, %and3A_2293 : i32
      %mul3A_2295 = arith.constant 16 : i32
      %mul3A_2296 = arith.muli %scan3A_2195, %mul3A_2295 : i32
      %add3A_2297 = arith.constant 4 : i32
      %add3A_2298 = arith.addi %mul3A_2296, %add3A_2297 : i32
      %dma_start3A_2299 = arith.constant 0 : i32
      %dma_start3A_2300 = tpu.memref_slice %arg9[%add3A_2298, %dma_start3A_2299] : memref<512x64xf32, #tpu.memory_space<vmem>> -> memref<1x64xf32, #tpu.memory_space<vmem>>
      %dma_start3A_2301 = tpu.memref_squeeze %dma_start3A_2300 : memref<1x64xf32, #tpu.memory_space<vmem>> -> memref<64xf32, #tpu.memory_space<vmem>>
      %dma_start3A_2302 = arith.constant 0 : i32
      %dma_start3A_2303 = tpu.memref_slice %arg5[%shift_right_logical3A_2292, %and3A_2294, %dma_start3A_2302] : memref<125000x8x64xf32, #tpu.memory_space<hbm>> -> memref<1x1x64xf32, #tpu.memory_space<hbm>>
      %dma_start3A_2304 = tpu.memref_squeeze %dma_start3A_2303 : memref<1x1x64xf32, #tpu.memory_space<hbm>> -> memref<64xf32, #tpu.memory_space<hbm>>
      %dma_start3A_2305 = arith.constant 0 : i32
      %dma_start3A_2306 = tpu.memref_slice %arg9[%add3A_2298, %dma_start3A_2305] : memref<512x64xf32, #tpu.memory_space<vmem>> -> memref<1x64xf32, #tpu.memory_space<vmem>>
      %dma_start3A_2307 = tpu.memref_squeeze %dma_start3A_2306 : memref<1x64xf32, #tpu.memory_space<vmem>> -> memref<64xf32, #tpu.memory_space<vmem>>
      %dma_start3A_2308 = arith.constant 0 : i32
      %dma_start3A_2309 = tpu.memref_slice %arg5[%shift_right_logical3A_2292, %and3A_2294, %dma_start3A_2308] : memref<125000x8x64xf32, #tpu.memory_space<hbm>> -> memref<1x1x64xf32, #tpu.memory_space<hbm>>
      %dma_start3A_2310 = tpu.memref_squeeze %dma_start3A_2309 : memref<1x1x64xf32, #tpu.memory_space<hbm>> -> memref<64xf32, #tpu.memory_space<hbm>>
      tpu.enqueue_dma source(%dma_start3A_2310 : memref<64xf32, #tpu.memory_space<hbm>>) target(%dma_start3A_2307 : memref<64xf32, #tpu.memory_space<vmem>>) target_semaphore(%arg10 : memref<!tpu.dma_semaphore, #tpu.memory_space<semaphore_mem>>)
      %slice3A_2311 = vector.extract_strided_slice %get3A_2200 {offsets = [5], sizes = [1], strides = [1]} : vector<16xi32> to vector<1xi32>
      %squeeze3A_2312 = vector.extract %slice3A_2311[0] : i32 from vector<1xi32>
      %shift_right_logical3A_2313 = arith.constant 3 : i32
      %shift_right_logical3A_2314 = arith.shrui %squeeze3A_2312, %shift_right_logical3A_2313 : i32
      %and3A_2315 = arith.constant 7 : i32
      %and3A_2316 = arith.andi %squeeze3A_2312, %and3A_2315 : i32
      %mul3A_2317 = arith.constant 16 : i32
      %mul3A_2318 = arith.muli %scan3A_2195, %mul3A_2317 : i32
      %add3A_2319 = arith.constant 5 : i32
      %add3A_2320 = arith.addi %mul3A_2318, %add3A_2319 : i32
      %dma_start3A_2321 = arith.constant 0 : i32
      %dma_start3A_2322 = tpu.memref_slice %arg9[%add3A_2320, %dma_start3A_2321] : memref<512x64xf32, #tpu.memory_space<vmem>> -> memref<1x64xf32, #tpu.memory_space<vmem>>
      %dma_start3A_2323 = tpu.memref_squeeze %dma_start3A_2322 : memref<1x64xf32, #tpu.memory_space<vmem>> -> memref<64xf32, #tpu.memory_space<vmem>>
      %dma_start3A_2324 = arith.constant 0 : i32
      %dma_start3A_2325 = tpu.memref_slice %arg5[%shift_right_logical3A_2314, %and3A_2316, %dma_start3A_2324] : memref<125000x8x64xf32, #tpu.memory_space<hbm>> -> memref<1x1x64xf32, #tpu.memory_space<hbm>>
      %dma_start3A_2326 = tpu.memref_squeeze %dma_start3A_2325 : memref<1x1x64xf32, #tpu.memory_space<hbm>> -> memref<64xf32, #tpu.memory_space<hbm>>
      %dma_start3A_2327 = arith.constant 0 : i32
      %dma_start3A_2328 = tpu.memref_slice %arg9[%add3A_2320, %dma_start3A_2327] : memref<512x64xf32, #tpu.memory_space<vmem>> -> memref<1x64xf32, #tpu.memory_space<vmem>>
      %dma_start3A_2329 = tpu.memref_squeeze %dma_start3A_2328 : memref<1x64xf32, #tpu.memory_space<vmem>> -> memref<64xf32, #tpu.memory_space<vmem>>
      %dma_start3A_2330 = arith.constant 0 : i32
      %dma_start3A_2331 = tpu.memref_slice %arg5[%shift_right_logical3A_2314, %and3A_2316, %dma_start3A_2330] : memref<125000x8x64xf32, #tpu.memory_space<hbm>> -> memref<1x1x64xf32, #tpu.memory_space<hbm>>
      %dma_start3A_2332 = tpu.memref_squeeze %dma_start3A_2331 : memref<1x1x64xf32, #tpu.memory_space<hbm>> -> memref<64xf32, #tpu.memory_space<hbm>>
      tpu.enqueue_dma source(%dma_start3A_2332 : memref<64xf32, #tpu.memory_space<hbm>>) target(%dma_start3A_2329 : memref<64xf32, #tpu.memory_space<vmem>>) target_semaphore(%arg10 : memref<!tpu.dma_semaphore, #tpu.memory_space<semaphore_mem>>)
      %slice3A_2333 = vector.extract_strided_slice %get3A_2200 {offsets = [6], sizes = [1], strides = [1]} : vector<16xi32> to vector<1xi32>
      %squeeze3A_2334 = vector.extract %slice3A_2333[0] : i32 from vector<1xi32>
      %shift_right_logical3A_2335 = arith.constant 3 : i32
      %shift_right_logical3A_2336 = arith.shrui %squeeze3A_2334, %shift_right_logical3A_2335 : i32
      %and3A_2337 = arith.constant 7 : i32
      %and3A_2338 = arith.andi %squeeze3A_2334, %and3A_2337 : i32
      %mul3A_2339 = arith.constant 16 : i32
      %mul3A_2340 = arith.muli %scan3A_2195, %mul3A_2339 : i32
      %add3A_2341 = arith.constant 6 : i32
      %add3A_2342 = arith.addi %mul3A_2340, %add3A_2341 : i32
      %dma_start3A_2343 = arith.constant 0 : i32
      %dma_start3A_2344 = tpu.memref_slice %arg9[%add3A_2342, %dma_start3A_2343] : memref<512x64xf32, #tpu.memory_space<vmem>> -> memref<1x64xf32, #tpu.memory_space<vmem>>
      %dma_start3A_2345 = tpu.memref_squeeze %dma_start3A_2344 : memref<1x64xf32, #tpu.memory_space<vmem>> -> memref<64xf32, #tpu.memory_space<vmem>>
      %dma_start3A_2346 = arith.constant 0 : i32
      %dma_start3A_2347 = tpu.memref_slice %arg5[%shift_right_logical3A_2336, %and3A_2338, %dma_start3A_2346] : memref<125000x8x64xf32, #tpu.memory_space<hbm>> -> memref<1x1x64xf32, #tpu.memory_space<hbm>>
      %dma_start3A_2348 = tpu.memref_squeeze %dma_start3A_2347 : memref<1x1x64xf32, #tpu.memory_space<hbm>> -> memref<64xf32, #tpu.memory_space<hbm>>
      %dma_start3A_2349 = arith.constant 0 : i32
      %dma_start3A_2350 = tpu.memref_slice %arg9[%add3A_2342, %dma_start3A_2349] : memref<512x64xf32, #tpu.memory_space<vmem>> -> memref<1x64xf32, #tpu.memory_space<vmem>>
      %dma_start3A_2351 = tpu.memref_squeeze %dma_start3A_2350 : memref<1x64xf32, #tpu.memory_space<vmem>> -> memref<64xf32, #tpu.memory_space<vmem>>
      %dma_start3A_2352 = arith.constant 0 : i32
      %dma_start3A_2353 = tpu.memref_slice %arg5[%shift_right_logical3A_2336, %and3A_2338, %dma_start3A_2352] : memref<125000x8x64xf32, #tpu.memory_space<hbm>> -> memref<1x1x64xf32, #tpu.memory_space<hbm>>
      %dma_start3A_2354 = tpu.memref_squeeze %dma_start3A_2353 : memref<1x1x64xf32, #tpu.memory_space<hbm>> -> memref<64xf32, #tpu.memory_space<hbm>>
      tpu.enqueue_dma source(%dma_start3A_2354 : memref<64xf32, #tpu.memory_space<hbm>>) target(%dma_start3A_2351 : memref<64xf32, #tpu.memory_space<vmem>>) target_semaphore(%arg10 : memref<!tpu.dma_semaphore, #tpu.memory_space<semaphore_mem>>)
      %slice3A_2355 = vector.extract_strided_slice %get3A_2200 {offsets = [7], sizes = [1], strides = [1]} : vector<16xi32> to vector<1xi32>
      %squeeze3A_2356 = vector.extract %slice3A_2355[0] : i32 from vector<1xi32>
      %shift_right_logical3A_2357 = arith.constant 3 : i32
      %shift_right_logical3A_2358 = arith.shrui %squeeze3A_2356, %shift_right_logical3A_2357 : i32
      %and3A_2359 = arith.constant 7 : i32
      %and3A_2360 = arith.andi %squeeze3A_2356, %and3A_2359 : i32
      %mul3A_2361 = arith.constant 16 : i32
      %mul3A_2362 = arith.muli %scan3A_2195, %mul3A_2361 : i32
      %add3A_2363 = arith.constant 7 : i32
      %add3A_2364 = arith.addi %mul3A_2362, %add3A_2363 : i32
      %dma_start3A_2365 = arith.constant 0 : i32
      %dma_start3A_2366 = tpu.memref_slice %arg9[%add3A_2364, %dma_start3A_2365] : memref<512x64xf32, #tpu.memory_space<vmem>> -> memref<1x64xf32, #tpu.memory_space<vmem>>
      %dma_start3A_2367 = tpu.memref_squeeze %dma_start3A_2366 : memref<1x64xf32, #tpu.memory_space<vmem>> -> memref<64xf32, #tpu.memory_space<vmem>>
      %dma_start3A_2368 = arith.constant 0 : i32
      %dma_start3A_2369 = tpu.memref_slice %arg5[%shift_right_logical3A_2358, %and3A_2360, %dma_start3A_2368] : memref<125000x8x64xf32, #tpu.memory_space<hbm>> -> memref<1x1x64xf32, #tpu.memory_space<hbm>>
      %dma_start3A_2370 = tpu.memref_squeeze %dma_start3A_2369 : memref<1x1x64xf32, #tpu.memory_space<hbm>> -> memref<64xf32, #tpu.memory_space<hbm>>
      %dma_start3A_2371 = arith.constant 0 : i32
      %dma_start3A_2372 = tpu.memref_slice %arg9[%add3A_2364, %dma_start3A_2371] : memref<512x64xf32, #tpu.memory_space<vmem>> -> memref<1x64xf32, #tpu.memory_space<vmem>>
      %dma_start3A_2373 = tpu.memref_squeeze %dma_start3A_2372 : memref<1x64xf32, #tpu.memory_space<vmem>> -> memref<64xf32, #tpu.memory_space<vmem>>
      %dma_start3A_2374 = arith.constant 0 : i32
      %dma_start3A_2375 = tpu.memref_slice %arg5[%shift_right_logical3A_2358, %and3A_2360, %dma_start3A_2374] : memref<125000x8x64xf32, #tpu.memory_space<hbm>> -> memref<1x1x64xf32, #tpu.memory_space<hbm>>
      %dma_start3A_2376 = tpu.memref_squeeze %dma_start3A_2375 : memref<1x1x64xf32, #tpu.memory_space<hbm>> -> memref<64xf32, #tpu.memory_space<hbm>>
      tpu.enqueue_dma source(%dma_start3A_2376 : memref<64xf32, #tpu.memory_space<hbm>>) target(%dma_start3A_2373 : memref<64xf32, #tpu.memory_space<vmem>>) target_semaphore(%arg10 : memref<!tpu.dma_semaphore, #tpu.memory_space<semaphore_mem>>)
      %slice3A_2377 = vector.extract_strided_slice %get3A_2200 {offsets = [8], sizes = [1], strides = [1]} : vector<16xi32> to vector<1xi32>
      %squeeze3A_2378 = vector.extract %slice3A_2377[0] : i32 from vector<1xi32>
      %shift_right_logical3A_2379 = arith.constant 3 : i32
      %shift_right_logical3A_2380 = arith.shrui %squeeze3A_2378, %shift_right_logical3A_2379 : i32
      %and3A_2381 = arith.constant 7 : i32
      %and3A_2382 = arith.andi %squeeze3A_2378, %and3A_2381 : i32
      %mul3A_2383 = arith.constant 16 : i32
      %mul3A_2384 = arith.muli %scan3A_2195, %mul3A_2383 : i32
      %add3A_2385 = arith.constant 8 : i32
      %add3A_2386 = arith.addi %mul3A_2384, %add3A_2385 : i32
      %dma_start3A_2387 = arith.constant 0 : i32
      %dma_start3A_2388 = tpu.memref_slice %arg9[%add3A_2386, %dma_start3A_2387] : memref<512x64xf32, #tpu.memory_space<vmem>> -> memref<1x64xf32, #tpu.memory_space<vmem>>
      %dma_start3A_2389 = tpu.memref_squeeze %dma_start3A_2388 : memref<1x64xf32, #tpu.memory_space<vmem>> -> memref<64xf32, #tpu.memory_space<vmem>>
      %dma_start3A_2390 = arith.constant 0 : i32
      %dma_start3A_2391 = tpu.memref_slice %arg5[%shift_right_logical3A_2380, %and3A_2382, %dma_start3A_2390] : memref<125000x8x64xf32, #tpu.memory_space<hbm>> -> memref<1x1x64xf32, #tpu.memory_space<hbm>>
      %dma_start3A_2392 = tpu.memref_squeeze %dma_start3A_2391 : memref<1x1x64xf32, #tpu.memory_space<hbm>> -> memref<64xf32, #tpu.memory_space<hbm>>
      %dma_start3A_2393 = arith.constant 0 : i32
      %dma_start3A_2394 = tpu.memref_slice %arg9[%add3A_2386, %dma_start3A_2393] : memref<512x64xf32, #tpu.memory_space<vmem>> -> memref<1x64xf32, #tpu.memory_space<vmem>>
      %dma_start3A_2395 = tpu.memref_squeeze %dma_start3A_2394 : memref<1x64xf32, #tpu.memory_space<vmem>> -> memref<64xf32, #tpu.memory_space<vmem>>
      %dma_start3A_2396 = arith.constant 0 : i32
      %dma_start3A_2397 = tpu.memref_slice %arg5[%shift_right_logical3A_2380, %and3A_2382, %dma_start3A_2396] : memref<125000x8x64xf32, #tpu.memory_space<hbm>> -> memref<1x1x64xf32, #tpu.memory_space<hbm>>
      %dma_start3A_2398 = tpu.memref_squeeze %dma_start3A_2397 : memref<1x1x64xf32, #tpu.memory_space<hbm>> -> memref<64xf32, #tpu.memory_space<hbm>>
      tpu.enqueue_dma source(%dma_start3A_2398 : memref<64xf32, #tpu.memory_space<hbm>>) target(%dma_start3A_2395 : memref<64xf32, #tpu.memory_space<vmem>>) target_semaphore(%arg10 : memref<!tpu.dma_semaphore, #tpu.memory_space<semaphore_mem>>)
      %slice3A_2399 = vector.extract_strided_slice %get3A_2200 {offsets = [9], sizes = [1], strides = [1]} : vector<16xi32> to vector<1xi32>
      %squeeze3A_2400 = vector.extract %slice3A_2399[0] : i32 from vector<1xi32>
      %shift_right_logical3A_2401 = arith.constant 3 : i32
      %shift_right_logical3A_2402 = arith.shrui %squeeze3A_2400, %shift_right_logical3A_2401 : i32
      %and3A_2403 = arith.constant 7 : i32
      %and3A_2404 = arith.andi %squeeze3A_2400, %and3A_2403 : i32
      %mul3A_2405 = arith.constant 16 : i32
      %mul3A_2406 = arith.muli %scan3A_2195, %mul3A_2405 : i32
      %add3A_2407 = arith.constant 9 : i32
      %add3A_2408 = arith.addi %mul3A_2406, %add3A_2407 : i32
      %dma_start3A_2409 = arith.constant 0 : i32
      %dma_start3A_2410 = tpu.memref_slice %arg9[%add3A_2408, %dma_start3A_2409] : memref<512x64xf32, #tpu.memory_space<vmem>> -> memref<1x64xf32, #tpu.memory_space<vmem>>
      %dma_start3A_2411 = tpu.memref_squeeze %dma_start3A_2410 : memref<1x64xf32, #tpu.memory_space<vmem>> -> memref<64xf32, #tpu.memory_space<vmem>>
      %dma_start3A_2412 = arith.constant 0 : i32
      %dma_start3A_2413 = tpu.memref_slice %arg5[%shift_right_logical3A_2402, %and3A_2404, %dma_start3A_2412] : memref<125000x8x64xf32, #tpu.memory_space<hbm>> -> memref<1x1x64xf32, #tpu.memory_space<hbm>>
      %dma_start3A_2414 = tpu.memref_squeeze %dma_start3A_2413 : memref<1x1x64xf32, #tpu.memory_space<hbm>> -> memref<64xf32, #tpu.memory_space<hbm>>
      %dma_start3A_2415 = arith.constant 0 : i32
      %dma_start3A_2416 = tpu.memref_slice %arg9[%add3A_2408, %dma_start3A_2415] : memref<512x64xf32, #tpu.memory_space<vmem>> -> memref<1x64xf32, #tpu.memory_space<vmem>>
      %dma_start3A_2417 = tpu.memref_squeeze %dma_start3A_2416 : memref<1x64xf32, #tpu.memory_space<vmem>> -> memref<64xf32, #tpu.memory_space<vmem>>
      %dma_start3A_2418 = arith.constant 0 : i32
      %dma_start3A_2419 = tpu.memref_slice %arg5[%shift_right_logical3A_2402, %and3A_2404, %dma_start3A_2418] : memref<125000x8x64xf32, #tpu.memory_space<hbm>> -> memref<1x1x64xf32, #tpu.memory_space<hbm>>
      %dma_start3A_2420 = tpu.memref_squeeze %dma_start3A_2419 : memref<1x1x64xf32, #tpu.memory_space<hbm>> -> memref<64xf32, #tpu.memory_space<hbm>>
      tpu.enqueue_dma source(%dma_start3A_2420 : memref<64xf32, #tpu.memory_space<hbm>>) target(%dma_start3A_2417 : memref<64xf32, #tpu.memory_space<vmem>>) target_semaphore(%arg10 : memref<!tpu.dma_semaphore, #tpu.memory_space<semaphore_mem>>)
      %slice3A_2421 = vector.extract_strided_slice %get3A_2200 {offsets = [10], sizes = [1], strides = [1]} : vector<16xi32> to vector<1xi32>
      %squeeze3A_2422 = vector.extract %slice3A_2421[0] : i32 from vector<1xi32>
      %shift_right_logical3A_2423 = arith.constant 3 : i32
      %shift_right_logical3A_2424 = arith.shrui %squeeze3A_2422, %shift_right_logical3A_2423 : i32
      %and3A_2425 = arith.constant 7 : i32
      %and3A_2426 = arith.andi %squeeze3A_2422, %and3A_2425 : i32
      %mul3A_2427 = arith.constant 16 : i32
      %mul3A_2428 = arith.muli %scan3A_2195, %mul3A_2427 : i32
      %add3A_2429 = arith.constant 10 : i32
      %add3A_2430 = arith.addi %mul3A_2428, %add3A_2429 : i32
      %dma_start3A_2431 = arith.constant 0 : i32
      %dma_start3A_2432 = tpu.memref_slice %arg9[%add3A_2430, %dma_start3A_2431] : memref<512x64xf32, #tpu.memory_space<vmem>> -> memref<1x64xf32, #tpu.memory_space<vmem>>
      %dma_start3A_2433 = tpu.memref_squeeze %dma_start3A_2432 : memref<1x64xf32, #tpu.memory_space<vmem>> -> memref<64xf32, #tpu.memory_space<vmem>>
      %dma_start3A_2434 = arith.constant 0 : i32
      %dma_start3A_2435 = tpu.memref_slice %arg5[%shift_right_logical3A_2424, %and3A_2426, %dma_start3A_2434] : memref<125000x8x64xf32, #tpu.memory_space<hbm>> -> memref<1x1x64xf32, #tpu.memory_space<hbm>>
      %dma_start3A_2436 = tpu.memref_squeeze %dma_start3A_2435 : memref<1x1x64xf32, #tpu.memory_space<hbm>> -> memref<64xf32, #tpu.memory_space<hbm>>
      %dma_start3A_2437 = arith.constant 0 : i32
      %dma_start3A_2438 = tpu.memref_slice %arg9[%add3A_2430, %dma_start3A_2437] : memref<512x64xf32, #tpu.memory_space<vmem>> -> memref<1x64xf32, #tpu.memory_space<vmem>>
      %dma_start3A_2439 = tpu.memref_squeeze %dma_start3A_2438 : memref<1x64xf32, #tpu.memory_space<vmem>> -> memref<64xf32, #tpu.memory_space<vmem>>
      %dma_start3A_2440 = arith.constant 0 : i32
      %dma_start3A_2441 = tpu.memref_slice %arg5[%shift_right_logical3A_2424, %and3A_2426, %dma_start3A_2440] : memref<125000x8x64xf32, #tpu.memory_space<hbm>> -> memref<1x1x64xf32, #tpu.memory_space<hbm>>
      %dma_start3A_2442 = tpu.memref_squeeze %dma_start3A_2441 : memref<1x1x64xf32, #tpu.memory_space<hbm>> -> memref<64xf32, #tpu.memory_space<hbm>>
      tpu.enqueue_dma source(%dma_start3A_2442 : memref<64xf32, #tpu.memory_space<hbm>>) target(%dma_start3A_2439 : memref<64xf32, #tpu.memory_space<vmem>>) target_semaphore(%arg10 : memref<!tpu.dma_semaphore, #tpu.memory_space<semaphore_mem>>)
      %slice3A_2443 = vector.extract_strided_slice %get3A_2200 {offsets = [11], sizes = [1], strides = [1]} : vector<16xi32> to vector<1xi32>
      %squeeze3A_2444 = vector.extract %slice3A_2443[0] : i32 from vector<1xi32>
      %shift_right_logical3A_2445 = arith.constant 3 : i32
      %shift_right_logical3A_2446 = arith.shrui %squeeze3A_2444, %shift_right_logical3A_2445 : i32
      %and3A_2447 = arith.constant 7 : i32
      %and3A_2448 = arith.andi %squeeze3A_2444, %and3A_2447 : i32
      %mul3A_2449 = arith.constant 16 : i32
      %mul3A_2450 = arith.muli %scan3A_2195, %mul3A_2449 : i32
      %add3A_2451 = arith.constant 11 : i32
      %add3A_2452 = arith.addi %mul3A_2450, %add3A_2451 : i32
      %dma_start3A_2453 = arith.constant 0 : i32
      %dma_start3A_2454 = tpu.memref_slice %arg9[%add3A_2452, %dma_start3A_2453] : memref<512x64xf32, #tpu.memory_space<vmem>> -> memref<1x64xf32, #tpu.memory_space<vmem>>
      %dma_start3A_2455 = tpu.memref_squeeze %dma_start3A_2454 : memref<1x64xf32, #tpu.memory_space<vmem>> -> memref<64xf32, #tpu.memory_space<vmem>>
      %dma_start3A_2456 = arith.constant 0 : i32
      %dma_start3A_2457 = tpu.memref_slice %arg5[%shift_right_logical3A_2446, %and3A_2448, %dma_start3A_2456] : memref<125000x8x64xf32, #tpu.memory_space<hbm>> -> memref<1x1x64xf32, #tpu.memory_space<hbm>>
      %dma_start3A_2458 = tpu.memref_squeeze %dma_start3A_2457 : memref<1x1x64xf32, #tpu.memory_space<hbm>> -> memref<64xf32, #tpu.memory_space<hbm>>
      %dma_start3A_2459 = arith.constant 0 : i32
      %dma_start3A_2460 = tpu.memref_slice %arg9[%add3A_2452, %dma_start3A_2459] : memref<512x64xf32, #tpu.memory_space<vmem>> -> memref<1x64xf32, #tpu.memory_space<vmem>>
      %dma_start3A_2461 = tpu.memref_squeeze %dma_start3A_2460 : memref<1x64xf32, #tpu.memory_space<vmem>> -> memref<64xf32, #tpu.memory_space<vmem>>
      %dma_start3A_2462 = arith.constant 0 : i32
      %dma_start3A_2463 = tpu.memref_slice %arg5[%shift_right_logical3A_2446, %and3A_2448, %dma_start3A_2462] : memref<125000x8x64xf32, #tpu.memory_space<hbm>> -> memref<1x1x64xf32, #tpu.memory_space<hbm>>
      %dma_start3A_2464 = tpu.memref_squeeze %dma_start3A_2463 : memref<1x1x64xf32, #tpu.memory_space<hbm>> -> memref<64xf32, #tpu.memory_space<hbm>>
      tpu.enqueue_dma source(%dma_start3A_2464 : memref<64xf32, #tpu.memory_space<hbm>>) target(%dma_start3A_2461 : memref<64xf32, #tpu.memory_space<vmem>>) target_semaphore(%arg10 : memref<!tpu.dma_semaphore, #tpu.memory_space<semaphore_mem>>)
      %slice3A_2465 = vector.extract_strided_slice %get3A_2200 {offsets = [12], sizes = [1], strides = [1]} : vector<16xi32> to vector<1xi32>
      %squeeze3A_2466 = vector.extract %slice3A_2465[0] : i32 from vector<1xi32>
      %shift_right_logical3A_2467 = arith.constant 3 : i32
      %shift_right_logical3A_2468 = arith.shrui %squeeze3A_2466, %shift_right_logical3A_2467 : i32
      %and3A_2469 = arith.constant 7 : i32
      %and3A_2470 = arith.andi %squeeze3A_2466, %and3A_2469 : i32
      %mul3A_2471 = arith.constant 16 : i32
      %mul3A_2472 = arith.muli %scan3A_2195, %mul3A_2471 : i32
      %add3A_2473 = arith.constant 12 : i32
      %add3A_2474 = arith.addi %mul3A_2472, %add3A_2473 : i32
      %dma_start3A_2475 = arith.constant 0 : i32
      %dma_start3A_2476 = tpu.memref_slice %arg9[%add3A_2474, %dma_start3A_2475] : memref<512x64xf32, #tpu.memory_space<vmem>> -> memref<1x64xf32, #tpu.memory_space<vmem>>
      %dma_start3A_2477 = tpu.memref_squeeze %dma_start3A_2476 : memref<1x64xf32, #tpu.memory_space<vmem>> -> memref<64xf32, #tpu.memory_space<vmem>>
      %dma_start3A_2478 = arith.constant 0 : i32
      %dma_start3A_2479 = tpu.memref_slice %arg5[%shift_right_logical3A_2468, %and3A_2470, %dma_start3A_2478] : memref<125000x8x64xf32, #tpu.memory_space<hbm>> -> memref<1x1x64xf32, #tpu.memory_space<hbm>>
      %dma_start3A_2480 = tpu.memref_squeeze %dma_start3A_2479 : memref<1x1x64xf32, #tpu.memory_space<hbm>> -> memref<64xf32, #tpu.memory_space<hbm>>
      %dma_start3A_2481 = arith.constant 0 : i32
      %dma_start3A_2482 = tpu.memref_slice %arg9[%add3A_2474, %dma_start3A_2481] : memref<512x64xf32, #tpu.memory_space<vmem>> -> memref<1x64xf32, #tpu.memory_space<vmem>>
      %dma_start3A_2483 = tpu.memref_squeeze %dma_start3A_2482 : memref<1x64xf32, #tpu.memory_space<vmem>> -> memref<64xf32, #tpu.memory_space<vmem>>
      %dma_start3A_2484 = arith.constant 0 : i32
      %dma_start3A_2485 = tpu.memref_slice %arg5[%shift_right_logical3A_2468, %and3A_2470, %dma_start3A_2484] : memref<125000x8x64xf32, #tpu.memory_space<hbm>> -> memref<1x1x64xf32, #tpu.memory_space<hbm>>
      %dma_start3A_2486 = tpu.memref_squeeze %dma_start3A_2485 : memref<1x1x64xf32, #tpu.memory_space<hbm>> -> memref<64xf32, #tpu.memory_space<hbm>>
      tpu.enqueue_dma source(%dma_start3A_2486 : memref<64xf32, #tpu.memory_space<hbm>>) target(%dma_start3A_2483 : memref<64xf32, #tpu.memory_space<vmem>>) target_semaphore(%arg10 : memref<!tpu.dma_semaphore, #tpu.memory_space<semaphore_mem>>)
      %slice3A_2487 = vector.extract_strided_slice %get3A_2200 {offsets = [13], sizes = [1], strides = [1]} : vector<16xi32> to vector<1xi32>
      %squeeze3A_2488 = vector.extract %slice3A_2487[0] : i32 from vector<1xi32>
      %shift_right_logical3A_2489 = arith.constant 3 : i32
      %shift_right_logical3A_2490 = arith.shrui %squeeze3A_2488, %shift_right_logical3A_2489 : i32
      %and3A_2491 = arith.constant 7 : i32
      %and3A_2492 = arith.andi %squeeze3A_2488, %and3A_2491 : i32
      %mul3A_2493 = arith.constant 16 : i32
      %mul3A_2494 = arith.muli %scan3A_2195, %mul3A_2493 : i32
      %add3A_2495 = arith.constant 13 : i32
      %add3A_2496 = arith.addi %mul3A_2494, %add3A_2495 : i32
      %dma_start3A_2497 = arith.constant 0 : i32
      %dma_start3A_2498 = tpu.memref_slice %arg9[%add3A_2496, %dma_start3A_2497] : memref<512x64xf32, #tpu.memory_space<vmem>> -> memref<1x64xf32, #tpu.memory_space<vmem>>
      %dma_start3A_2499 = tpu.memref_squeeze %dma_start3A_2498 : memref<1x64xf32, #tpu.memory_space<vmem>> -> memref<64xf32, #tpu.memory_space<vmem>>
      %dma_start3A_2500 = arith.constant 0 : i32
      %dma_start3A_2501 = tpu.memref_slice %arg5[%shift_right_logical3A_2490, %and3A_2492, %dma_start3A_2500] : memref<125000x8x64xf32, #tpu.memory_space<hbm>> -> memref<1x1x64xf32, #tpu.memory_space<hbm>>
      %dma_start3A_2502 = tpu.memref_squeeze %dma_start3A_2501 : memref<1x1x64xf32, #tpu.memory_space<hbm>> -> memref<64xf32, #tpu.memory_space<hbm>>
      %dma_start3A_2503 = arith.constant 0 : i32
      %dma_start3A_2504 = tpu.memref_slice %arg9[%add3A_2496, %dma_start3A_2503] : memref<512x64xf32, #tpu.memory_space<vmem>> -> memref<1x64xf32, #tpu.memory_space<vmem>>
      %dma_start3A_2505 = tpu.memref_squeeze %dma_start3A_2504 : memref<1x64xf32, #tpu.memory_space<vmem>> -> memref<64xf32, #tpu.memory_space<vmem>>
      %dma_start3A_2506 = arith.constant 0 : i32
      %dma_start3A_2507 = tpu.memref_slice %arg5[%shift_right_logical3A_2490, %and3A_2492, %dma_start3A_2506] : memref<125000x8x64xf32, #tpu.memory_space<hbm>> -> memref<1x1x64xf32, #tpu.memory_space<hbm>>
      %dma_start3A_2508 = tpu.memref_squeeze %dma_start3A_2507 : memref<1x1x64xf32, #tpu.memory_space<hbm>> -> memref<64xf32, #tpu.memory_space<hbm>>
      tpu.enqueue_dma source(%dma_start3A_2508 : memref<64xf32, #tpu.memory_space<hbm>>) target(%dma_start3A_2505 : memref<64xf32, #tpu.memory_space<vmem>>) target_semaphore(%arg10 : memref<!tpu.dma_semaphore, #tpu.memory_space<semaphore_mem>>)
      %slice3A_2509 = vector.extract_strided_slice %get3A_2200 {offsets = [14], sizes = [1], strides = [1]} : vector<16xi32> to vector<1xi32>
      %squeeze3A_2510 = vector.extract %slice3A_2509[0] : i32 from vector<1xi32>
      %shift_right_logical3A_2511 = arith.constant 3 : i32
      %shift_right_logical3A_2512 = arith.shrui %squeeze3A_2510, %shift_right_logical3A_2511 : i32
      %and3A_2513 = arith.constant 7 : i32
      %and3A_2514 = arith.andi %squeeze3A_2510, %and3A_2513 : i32
      %mul3A_2515 = arith.constant 16 : i32
      %mul3A_2516 = arith.muli %scan3A_2195, %mul3A_2515 : i32
      %add3A_2517 = arith.constant 14 : i32
      %add3A_2518 = arith.addi %mul3A_2516, %add3A_2517 : i32
      %dma_start3A_2519 = arith.constant 0 : i32
      %dma_start3A_2520 = tpu.memref_slice %arg9[%add3A_2518, %dma_start3A_2519] : memref<512x64xf32, #tpu.memory_space<vmem>> -> memref<1x64xf32, #tpu.memory_space<vmem>>
      %dma_start3A_2521 = tpu.memref_squeeze %dma_start3A_2520 : memref<1x64xf32, #tpu.memory_space<vmem>> -> memref<64xf32, #tpu.memory_space<vmem>>
      %dma_start3A_2522 = arith.constant 0 : i32
      %dma_start3A_2523 = tpu.memref_slice %arg5[%shift_right_logical3A_2512, %and3A_2514, %dma_start3A_2522] : memref<125000x8x64xf32, #tpu.memory_space<hbm>> -> memref<1x1x64xf32, #tpu.memory_space<hbm>>
      %dma_start3A_2524 = tpu.memref_squeeze %dma_start3A_2523 : memref<1x1x64xf32, #tpu.memory_space<hbm>> -> memref<64xf32, #tpu.memory_space<hbm>>
      %dma_start3A_2525 = arith.constant 0 : i32
      %dma_start3A_2526 = tpu.memref_slice %arg9[%add3A_2518, %dma_start3A_2525] : memref<512x64xf32, #tpu.memory_space<vmem>> -> memref<1x64xf32, #tpu.memory_space<vmem>>
      %dma_start3A_2527 = tpu.memref_squeeze %dma_start3A_2526 : memref<1x64xf32, #tpu.memory_space<vmem>> -> memref<64xf32, #tpu.memory_space<vmem>>
      %dma_start3A_2528 = arith.constant 0 : i32
      %dma_start3A_2529 = tpu.memref_slice %arg5[%shift_right_logical3A_2512, %and3A_2514, %dma_start3A_2528] : memref<125000x8x64xf32, #tpu.memory_space<hbm>> -> memref<1x1x64xf32, #tpu.memory_space<hbm>>
      %dma_start3A_2530 = tpu.memref_squeeze %dma_start3A_2529 : memref<1x1x64xf32, #tpu.memory_space<hbm>> -> memref<64xf32, #tpu.memory_space<hbm>>
      tpu.enqueue_dma source(%dma_start3A_2530 : memref<64xf32, #tpu.memory_space<hbm>>) target(%dma_start3A_2527 : memref<64xf32, #tpu.memory_space<vmem>>) target_semaphore(%arg10 : memref<!tpu.dma_semaphore, #tpu.memory_space<semaphore_mem>>)
      %slice3A_2531 = vector.extract_strided_slice %get3A_2200 {offsets = [15], sizes = [1], strides = [1]} : vector<16xi32> to vector<1xi32>
      %squeeze3A_2532 = vector.extract %slice3A_2531[0] : i32 from vector<1xi32>
      %shift_right_logical3A_2533 = arith.constant 3 : i32
      %shift_right_logical3A_2534 = arith.shrui %squeeze3A_2532, %shift_right_logical3A_2533 : i32
      %and3A_2535 = arith.constant 7 : i32
      %and3A_2536 = arith.andi %squeeze3A_2532, %and3A_2535 : i32
      %mul3A_2537 = arith.constant 16 : i32
      %mul3A_2538 = arith.muli %scan3A_2195, %mul3A_2537 : i32
      %add3A_2539 = arith.constant 15 : i32
      %add3A_2540 = arith.addi %mul3A_2538, %add3A_2539 : i32
      %dma_start3A_2541 = arith.constant 0 : i32
      %dma_start3A_2542 = tpu.memref_slice %arg9[%add3A_2540, %dma_start3A_2541] : memref<512x64xf32, #tpu.memory_space<vmem>> -> memref<1x64xf32, #tpu.memory_space<vmem>>
      %dma_start3A_2543 = tpu.memref_squeeze %dma_start3A_2542 : memref<1x64xf32, #tpu.memory_space<vmem>> -> memref<64xf32, #tpu.memory_space<vmem>>
      %dma_start3A_2544 = arith.constant 0 : i32
      %dma_start3A_2545 = tpu.memref_slice %arg5[%shift_right_logical3A_2534, %and3A_2536, %dma_start3A_2544] : memref<125000x8x64xf32, #tpu.memory_space<hbm>> -> memref<1x1x64xf32, #tpu.memory_space<hbm>>
      %dma_start3A_2546 = tpu.memref_squeeze %dma_start3A_2545 : memref<1x1x64xf32, #tpu.memory_space<hbm>> -> memref<64xf32, #tpu.memory_space<hbm>>
      %dma_start3A_2547 = arith.constant 0 : i32
      %dma_start3A_2548 = tpu.memref_slice %arg9[%add3A_2540, %dma_start3A_2547] : memref<512x64xf32, #tpu.memory_space<vmem>> -> memref<1x64xf32, #tpu.memory_space<vmem>>
      %dma_start3A_2549 = tpu.memref_squeeze %dma_start3A_2548 : memref<1x64xf32, #tpu.memory_space<vmem>> -> memref<64xf32, #tpu.memory_space<vmem>>
      %dma_start3A_2550 = arith.constant 0 : i32
      %dma_start3A_2551 = tpu.memref_slice %arg5[%shift_right_logical3A_2534, %and3A_2536, %dma_start3A_2550] : memref<125000x8x64xf32, #tpu.memory_space<hbm>> -> memref<1x1x64xf32, #tpu.memory_space<hbm>>
      %dma_start3A_2552 = tpu.memref_squeeze %dma_start3A_2551 : memref<1x1x64xf32, #tpu.memory_space<hbm>> -> memref<64xf32, #tpu.memory_space<hbm>>
      tpu.enqueue_dma source(%dma_start3A_2552 : memref<64xf32, #tpu.memory_space<hbm>>) target(%dma_start3A_2549 : memref<64xf32, #tpu.memory_space<vmem>>) target_semaphore(%arg10 : memref<!tpu.dma_semaphore, #tpu.memory_space<semaphore_mem>>)
      %dma_wait3A_2553 = arith.constant 0 : i32
      %dma_wait3A_2554 = arith.constant 0 : i32
      %dma_wait3A_2555 = arith.constant 0 : i32
      %dma_wait3A_2556 = arith.constant 0 : i32
      %dma_wait3A_2557 = tpu.memref_slice %arg9[%dma_wait3A_2555, %dma_wait3A_2556] : memref<512x64xf32, #tpu.memory_space<vmem>> -> memref<1x64xf32, #tpu.memory_space<vmem>>
      %dma_wait3A_2558 = tpu.memref_squeeze %dma_wait3A_2557 : memref<1x64xf32, #tpu.memory_space<vmem>> -> memref<64xf32, #tpu.memory_space<vmem>>
      %dma_wait3A_2559 = arith.constant 0 : i32
      %dma_wait3A_2560 = tpu.memref_slice %arg5[%dma_wait3A_2553, %dma_wait3A_2554, %dma_wait3A_2559] : memref<125000x8x64xf32, #tpu.memory_space<hbm>> -> memref<1x1x64xf32, #tpu.memory_space<hbm>>
      %dma_wait3A_2561 = tpu.memref_squeeze %dma_wait3A_2560 : memref<1x1x64xf32, #tpu.memory_space<hbm>> -> memref<64xf32, #tpu.memory_space<hbm>>
      %dma_wait3A_2562 = arith.constant 0 : i32
      %dma_wait3A_2563 = tpu.memref_slice %arg9[%dma_wait3A_2555, %dma_wait3A_2562] : memref<512x64xf32, #tpu.memory_space<vmem>> -> memref<1x64xf32, #tpu.memory_space<vmem>>
      %dma_wait3A_2564 = tpu.memref_squeeze %dma_wait3A_2563 : memref<1x64xf32, #tpu.memory_space<vmem>> -> memref<64xf32, #tpu.memory_space<vmem>>
      %dma_wait3A_2565 = arith.constant 0 : i32
      %dma_wait3A_2566 = tpu.memref_slice %arg5[%dma_wait3A_2553, %dma_wait3A_2554, %dma_wait3A_2565] : memref<125000x8x64xf32, #tpu.memory_space<hbm>> -> memref<1x1x64xf32, #tpu.memory_space<hbm>>
      %dma_wait3A_2567 = tpu.memref_squeeze %dma_wait3A_2566 : memref<1x1x64xf32, #tpu.memory_space<hbm>> -> memref<64xf32, #tpu.memory_space<hbm>>
      tpu.wait_dma2 semaphore(%arg10 : memref<!tpu.dma_semaphore, #tpu.memory_space<semaphore_mem>>) src(%dma_wait3A_2567 : memref<64xf32, #tpu.memory_space<hbm>>) dst(%dma_wait3A_2564 : memref<64xf32, #tpu.memory_space<vmem>>)
      %dma_wait3A_2568 = arith.constant 0 : i32
      %dma_wait3A_2569 = arith.constant 0 : i32
      %dma_wait3A_2570 = arith.constant 0 : i32
      %dma_wait3A_2571 = arith.constant 0 : i32
      %dma_wait3A_2572 = tpu.memref_slice %arg9[%dma_wait3A_2570, %dma_wait3A_2571] : memref<512x64xf32, #tpu.memory_space<vmem>> -> memref<1x64xf32, #tpu.memory_space<vmem>>
      %dma_wait3A_2573 = tpu.memref_squeeze %dma_wait3A_2572 : memref<1x64xf32, #tpu.memory_space<vmem>> -> memref<64xf32, #tpu.memory_space<vmem>>
      %dma_wait3A_2574 = arith.constant 0 : i32
      %dma_wait3A_2575 = tpu.memref_slice %arg5[%dma_wait3A_2568, %dma_wait3A_2569, %dma_wait3A_2574] : memref<125000x8x64xf32, #tpu.memory_space<hbm>> -> memref<1x1x64xf32, #tpu.memory_space<hbm>>
      %dma_wait3A_2576 = tpu.memref_squeeze %dma_wait3A_2575 : memref<1x1x64xf32, #tpu.memory_space<hbm>> -> memref<64xf32, #tpu.memory_space<hbm>>
      %dma_wait3A_2577 = arith.constant 0 : i32
      %dma_wait3A_2578 = tpu.memref_slice %arg9[%dma_wait3A_2570, %dma_wait3A_2577] : memref<512x64xf32, #tpu.memory_space<vmem>> -> memref<1x64xf32, #tpu.memory_space<vmem>>
      %dma_wait3A_2579 = tpu.memref_squeeze %dma_wait3A_2578 : memref<1x64xf32, #tpu.memory_space<vmem>> -> memref<64xf32, #tpu.memory_space<vmem>>
      %dma_wait3A_2580 = arith.constant 0 : i32
      %dma_wait3A_2581 = tpu.memref_slice %arg5[%dma_wait3A_2568, %dma_wait3A_2569, %dma_wait3A_2580] : memref<125000x8x64xf32, #tpu.memory_space<hbm>> -> memref<1x1x64xf32, #tpu.memory_space<hbm>>
      %dma_wait3A_2582 = tpu.memref_squeeze %dma_wait3A_2581 : memref<1x1x64xf32, #tpu.memory_space<hbm>> -> memref<64xf32, #tpu.memory_space<hbm>>
      tpu.wait_dma2 semaphore(%arg10 : memref<!tpu.dma_semaphore, #tpu.memory_space<semaphore_mem>>) src(%dma_wait3A_2582 : memref<64xf32, #tpu.memory_space<hbm>>) dst(%dma_wait3A_2579 : memref<64xf32, #tpu.memory_space<vmem>>)
      %dma_wait3A_2583 = arith.constant 0 : i32
      %dma_wait3A_2584 = arith.constant 0 : i32
      %dma_wait3A_2585 = arith.constant 0 : i32
      %dma_wait3A_2586 = arith.constant 0 : i32
      %dma_wait3A_2587 = tpu.memref_slice %arg9[%dma_wait3A_2585, %dma_wait3A_2586] : memref<512x64xf32, #tpu.memory_space<vmem>> -> memref<1x64xf32, #tpu.memory_space<vmem>>
      %dma_wait3A_2588 = tpu.memref_squeeze %dma_wait3A_2587 : memref<1x64xf32, #tpu.memory_space<vmem>> -> memref<64xf32, #tpu.memory_space<vmem>>
      %dma_wait3A_2589 = arith.constant 0 : i32
      %dma_wait3A_2590 = tpu.memref_slice %arg5[%dma_wait3A_2583, %dma_wait3A_2584, %dma_wait3A_2589] : memref<125000x8x64xf32, #tpu.memory_space<hbm>> -> memref<1x1x64xf32, #tpu.memory_space<hbm>>
      %dma_wait3A_2591 = tpu.memref_squeeze %dma_wait3A_2590 : memref<1x1x64xf32, #tpu.memory_space<hbm>> -> memref<64xf32, #tpu.memory_space<hbm>>
      %dma_wait3A_2592 = arith.constant 0 : i32
      %dma_wait3A_2593 = tpu.memref_slice %arg9[%dma_wait3A_2585, %dma_wait3A_2592] : memref<512x64xf32, #tpu.memory_space<vmem>> -> memref<1x64xf32, #tpu.memory_space<vmem>>
      %dma_wait3A_2594 = tpu.memref_squeeze %dma_wait3A_2593 : memref<1x64xf32, #tpu.memory_space<vmem>> -> memref<64xf32, #tpu.memory_space<vmem>>
      %dma_wait3A_2595 = arith.constant 0 : i32
      %dma_wait3A_2596 = tpu.memref_slice %arg5[%dma_wait3A_2583, %dma_wait3A_2584, %dma_wait3A_2595] : memref<125000x8x64xf32, #tpu.memory_space<hbm>> -> memref<1x1x64xf32, #tpu.memory_space<hbm>>
      %dma_wait3A_2597 = tpu.memref_squeeze %dma_wait3A_2596 : memref<1x1x64xf32, #tpu.memory_space<hbm>> -> memref<64xf32, #tpu.memory_space<hbm>>
      tpu.wait_dma2 semaphore(%arg10 : memref<!tpu.dma_semaphore, #tpu.memory_space<semaphore_mem>>) src(%dma_wait3A_2597 : memref<64xf32, #tpu.memory_space<hbm>>) dst(%dma_wait3A_2594 : memref<64xf32, #tpu.memory_space<vmem>>)
      %dma_wait3A_2598 = arith.constant 0 : i32
      %dma_wait3A_2599 = arith.constant 0 : i32
      %dma_wait3A_2600 = arith.constant 0 : i32
      %dma_wait3A_2601 = arith.constant 0 : i32
      %dma_wait3A_2602 = tpu.memref_slice %arg9[%dma_wait3A_2600, %dma_wait3A_2601] : memref<512x64xf32, #tpu.memory_space<vmem>> -> memref<1x64xf32, #tpu.memory_space<vmem>>
      %dma_wait3A_2603 = tpu.memref_squeeze %dma_wait3A_2602 : memref<1x64xf32, #tpu.memory_space<vmem>> -> memref<64xf32, #tpu.memory_space<vmem>>
      %dma_wait3A_2604 = arith.constant 0 : i32
      %dma_wait3A_2605 = tpu.memref_slice %arg5[%dma_wait3A_2598, %dma_wait3A_2599, %dma_wait3A_2604] : memref<125000x8x64xf32, #tpu.memory_space<hbm>> -> memref<1x1x64xf32, #tpu.memory_space<hbm>>
      %dma_wait3A_2606 = tpu.memref_squeeze %dma_wait3A_2605 : memref<1x1x64xf32, #tpu.memory_space<hbm>> -> memref<64xf32, #tpu.memory_space<hbm>>
      %dma_wait3A_2607 = arith.constant 0 : i32
      %dma_wait3A_2608 = tpu.memref_slice %arg9[%dma_wait3A_2600, %dma_wait3A_2607] : memref<512x64xf32, #tpu.memory_space<vmem>> -> memref<1x64xf32, #tpu.memory_space<vmem>>
      %dma_wait3A_2609 = tpu.memref_squeeze %dma_wait3A_2608 : memref<1x64xf32, #tpu.memory_space<vmem>> -> memref<64xf32, #tpu.memory_space<vmem>>
      %dma_wait3A_2610 = arith.constant 0 : i32
      %dma_wait3A_2611 = tpu.memref_slice %arg5[%dma_wait3A_2598, %dma_wait3A_2599, %dma_wait3A_2610] : memref<125000x8x64xf32, #tpu.memory_space<hbm>> -> memref<1x1x64xf32, #tpu.memory_space<hbm>>
      %dma_wait3A_2612 = tpu.memref_squeeze %dma_wait3A_2611 : memref<1x1x64xf32, #tpu.memory_space<hbm>> -> memref<64xf32, #tpu.memory_space<hbm>>
      tpu.wait_dma2 semaphore(%arg10 : memref<!tpu.dma_semaphore, #tpu.memory_space<semaphore_mem>>) src(%dma_wait3A_2612 : memref<64xf32, #tpu.memory_space<hbm>>) dst(%dma_wait3A_2609 : memref<64xf32, #tpu.memory_space<vmem>>)
      %dma_wait3A_2613 = arith.constant 0 : i32
      %dma_wait3A_2614 = arith.constant 0 : i32
      %dma_wait3A_2615 = arith.constant 0 : i32
      %dma_wait3A_2616 = arith.constant 0 : i32
      %dma_wait3A_2617 = tpu.memref_slice %arg9[%dma_wait3A_2615, %dma_wait3A_2616] : memref<512x64xf32, #tpu.memory_space<vmem>> -> memref<1x64xf32, #tpu.memory_space<vmem>>
      %dma_wait3A_2618 = tpu.memref_squeeze %dma_wait3A_2617 : memref<1x64xf32, #tpu.memory_space<vmem>> -> memref<64xf32, #tpu.memory_space<vmem>>
      %dma_wait3A_2619 = arith.constant 0 : i32
      %dma_wait3A_2620 = tpu.memref_slice %arg5[%dma_wait3A_2613, %dma_wait3A_2614, %dma_wait3A_2619] : memref<125000x8x64xf32, #tpu.memory_space<hbm>> -> memref<1x1x64xf32, #tpu.memory_space<hbm>>
      %dma_wait3A_2621 = tpu.memref_squeeze %dma_wait3A_2620 : memref<1x1x64xf32, #tpu.memory_space<hbm>> -> memref<64xf32, #tpu.memory_space<hbm>>
      %dma_wait3A_2622 = arith.constant 0 : i32
      %dma_wait3A_2623 = tpu.memref_slice %arg9[%dma_wait3A_2615, %dma_wait3A_2622] : memref<512x64xf32, #tpu.memory_space<vmem>> -> memref<1x64xf32, #tpu.memory_space<vmem>>
      %dma_wait3A_2624 = tpu.memref_squeeze %dma_wait3A_2623 : memref<1x64xf32, #tpu.memory_space<vmem>> -> memref<64xf32, #tpu.memory_space<vmem>>
      %dma_wait3A_2625 = arith.constant 0 : i32
      %dma_wait3A_2626 = tpu.memref_slice %arg5[%dma_wait3A_2613, %dma_wait3A_2614, %dma_wait3A_2625] : memref<125000x8x64xf32, #tpu.memory_space<hbm>> -> memref<1x1x64xf32, #tpu.memory_space<hbm>>
      %dma_wait3A_2627 = tpu.memref_squeeze %dma_wait3A_2626 : memref<1x1x64xf32, #tpu.memory_space<hbm>> -> memref<64xf32, #tpu.memory_space<hbm>>
      tpu.wait_dma2 semaphore(%arg10 : memref<!tpu.dma_semaphore, #tpu.memory_space<semaphore_mem>>) src(%dma_wait3A_2627 : memref<64xf32, #tpu.memory_space<hbm>>) dst(%dma_wait3A_2624 : memref<64xf32, #tpu.memory_space<vmem>>)
      %dma_wait3A_2628 = arith.constant 0 : i32
      %dma_wait3A_2629 = arith.constant 0 : i32
      %dma_wait3A_2630 = arith.constant 0 : i32
      %dma_wait3A_2631 = arith.constant 0 : i32
      %dma_wait3A_2632 = tpu.memref_slice %arg9[%dma_wait3A_2630, %dma_wait3A_2631] : memref<512x64xf32, #tpu.memory_space<vmem>> -> memref<1x64xf32, #tpu.memory_space<vmem>>
      %dma_wait3A_2633 = tpu.memref_squeeze %dma_wait3A_2632 : memref<1x64xf32, #tpu.memory_space<vmem>> -> memref<64xf32, #tpu.memory_space<vmem>>
      %dma_wait3A_2634 = arith.constant 0 : i32
      %dma_wait3A_2635 = tpu.memref_slice %arg5[%dma_wait3A_2628, %dma_wait3A_2629, %dma_wait3A_2634] : memref<125000x8x64xf32, #tpu.memory_space<hbm>> -> memref<1x1x64xf32, #tpu.memory_space<hbm>>
      %dma_wait3A_2636 = tpu.memref_squeeze %dma_wait3A_2635 : memref<1x1x64xf32, #tpu.memory_space<hbm>> -> memref<64xf32, #tpu.memory_space<hbm>>
      %dma_wait3A_2637 = arith.constant 0 : i32
      %dma_wait3A_2638 = tpu.memref_slice %arg9[%dma_wait3A_2630, %dma_wait3A_2637] : memref<512x64xf32, #tpu.memory_space<vmem>> -> memref<1x64xf32, #tpu.memory_space<vmem>>
      %dma_wait3A_2639 = tpu.memref_squeeze %dma_wait3A_2638 : memref<1x64xf32, #tpu.memory_space<vmem>> -> memref<64xf32, #tpu.memory_space<vmem>>
      %dma_wait3A_2640 = arith.constant 0 : i32
      %dma_wait3A_2641 = tpu.memref_slice %arg5[%dma_wait3A_2628, %dma_wait3A_2629, %dma_wait3A_2640] : memref<125000x8x64xf32, #tpu.memory_space<hbm>> -> memref<1x1x64xf32, #tpu.memory_space<hbm>>
      %dma_wait3A_2642 = tpu.memref_squeeze %dma_wait3A_2641 : memref<1x1x64xf32, #tpu.memory_space<hbm>> -> memref<64xf32, #tpu.memory_space<hbm>>
      tpu.wait_dma2 semaphore(%arg10 : memref<!tpu.dma_semaphore, #tpu.memory_space<semaphore_mem>>) src(%dma_wait3A_2642 : memref<64xf32, #tpu.memory_space<hbm>>) dst(%dma_wait3A_2639 : memref<64xf32, #tpu.memory_space<vmem>>)
      %dma_wait3A_2643 = arith.constant 0 : i32
      %dma_wait3A_2644 = arith.constant 0 : i32
      %dma_wait3A_2645 = arith.constant 0 : i32
      %dma_wait3A_2646 = arith.constant 0 : i32
      %dma_wait3A_2647 = tpu.memref_slice %arg9[%dma_wait3A_2645, %dma_wait3A_2646] : memref<512x64xf32, #tpu.memory_space<vmem>> -> memref<1x64xf32, #tpu.memory_space<vmem>>
      %dma_wait3A_2648 = tpu.memref_squeeze %dma_wait3A_2647 : memref<1x64xf32, #tpu.memory_space<vmem>> -> memref<64xf32, #tpu.memory_space<vmem>>
      %dma_wait3A_2649 = arith.constant 0 : i32
      %dma_wait3A_2650 = tpu.memref_slice %arg5[%dma_wait3A_2643, %dma_wait3A_2644, %dma_wait3A_2649] : memref<125000x8x64xf32, #tpu.memory_space<hbm>> -> memref<1x1x64xf32, #tpu.memory_space<hbm>>
      %dma_wait3A_2651 = tpu.memref_squeeze %dma_wait3A_2650 : memref<1x1x64xf32, #tpu.memory_space<hbm>> -> memref<64xf32, #tpu.memory_space<hbm>>
      %dma_wait3A_2652 = arith.constant 0 : i32
      %dma_wait3A_2653 = tpu.memref_slice %arg9[%dma_wait3A_2645, %dma_wait3A_2652] : memref<512x64xf32, #tpu.memory_space<vmem>> -> memref<1x64xf32, #tpu.memory_space<vmem>>
      %dma_wait3A_2654 = tpu.memref_squeeze %dma_wait3A_2653 : memref<1x64xf32, #tpu.memory_space<vmem>> -> memref<64xf32, #tpu.memory_space<vmem>>
      %dma_wait3A_2655 = arith.constant 0 : i32
      %dma_wait3A_2656 = tpu.memref_slice %arg5[%dma_wait3A_2643, %dma_wait3A_2644, %dma_wait3A_2655] : memref<125000x8x64xf32, #tpu.memory_space<hbm>> -> memref<1x1x64xf32, #tpu.memory_space<hbm>>
      %dma_wait3A_2657 = tpu.memref_squeeze %dma_wait3A_2656 : memref<1x1x64xf32, #tpu.memory_space<hbm>> -> memref<64xf32, #tpu.memory_space<hbm>>
      tpu.wait_dma2 semaphore(%arg10 : memref<!tpu.dma_semaphore, #tpu.memory_space<semaphore_mem>>) src(%dma_wait3A_2657 : memref<64xf32, #tpu.memory_space<hbm>>) dst(%dma_wait3A_2654 : memref<64xf32, #tpu.memory_space<vmem>>)
      %dma_wait3A_2658 = arith.constant 0 : i32
      %dma_wait3A_2659 = arith.constant 0 : i32
      %dma_wait3A_2660 = arith.constant 0 : i32
      %dma_wait3A_2661 = arith.constant 0 : i32
      %dma_wait3A_2662 = tpu.memref_slice %arg9[%dma_wait3A_2660, %dma_wait3A_2661] : memref<512x64xf32, #tpu.memory_space<vmem>> -> memref<1x64xf32, #tpu.memory_space<vmem>>
      %dma_wait3A_2663 = tpu.memref_squeeze %dma_wait3A_2662 : memref<1x64xf32, #tpu.memory_space<vmem>> -> memref<64xf32, #tpu.memory_space<vmem>>
      %dma_wait3A_2664 = arith.constant 0 : i32
      %dma_wait3A_2665 = tpu.memref_slice %arg5[%dma_wait3A_2658, %dma_wait3A_2659, %dma_wait3A_2664] : memref<125000x8x64xf32, #tpu.memory_space<hbm>> -> memref<1x1x64xf32, #tpu.memory_space<hbm>>
      %dma_wait3A_2666 = tpu.memref_squeeze %dma_wait3A_2665 : memref<1x1x64xf32, #tpu.memory_space<hbm>> -> memref<64xf32, #tpu.memory_space<hbm>>
      %dma_wait3A_2667 = arith.constant 0 : i32
      %dma_wait3A_2668 = tpu.memref_slice %arg9[%dma_wait3A_2660, %dma_wait3A_2667] : memref<512x64xf32, #tpu.memory_space<vmem>> -> memref<1x64xf32, #tpu.memory_space<vmem>>
      %dma_wait3A_2669 = tpu.memref_squeeze %dma_wait3A_2668 : memref<1x64xf32, #tpu.memory_space<vmem>> -> memref<64xf32, #tpu.memory_space<vmem>>
      %dma_wait3A_2670 = arith.constant 0 : i32
      %dma_wait3A_2671 = tpu.memref_slice %arg5[%dma_wait3A_2658, %dma_wait3A_2659, %dma_wait3A_2670] : memref<125000x8x64xf32, #tpu.memory_space<hbm>> -> memref<1x1x64xf32, #tpu.memory_space<hbm>>
      %dma_wait3A_2672 = tpu.memref_squeeze %dma_wait3A_2671 : memref<1x1x64xf32, #tpu.memory_space<hbm>> -> memref<64xf32, #tpu.memory_space<hbm>>
      tpu.wait_dma2 semaphore(%arg10 : memref<!tpu.dma_semaphore, #tpu.memory_space<semaphore_mem>>) src(%dma_wait3A_2672 : memref<64xf32, #tpu.memory_space<hbm>>) dst(%dma_wait3A_2669 : memref<64xf32, #tpu.memory_space<vmem>>)
      %dma_wait3A_2673 = arith.constant 0 : i32
      %dma_wait3A_2674 = arith.constant 0 : i32
      %dma_wait3A_2675 = arith.constant 0 : i32
      %dma_wait3A_2676 = arith.constant 0 : i32
      %dma_wait3A_2677 = tpu.memref_slice %arg9[%dma_wait3A_2675, %dma_wait3A_2676] : memref<512x64xf32, #tpu.memory_space<vmem>> -> memref<1x64xf32, #tpu.memory_space<vmem>>
      %dma_wait3A_2678 = tpu.memref_squeeze %dma_wait3A_2677 : memref<1x64xf32, #tpu.memory_space<vmem>> -> memref<64xf32, #tpu.memory_space<vmem>>
      %dma_wait3A_2679 = arith.constant 0 : i32
      %dma_wait3A_2680 = tpu.memref_slice %arg5[%dma_wait3A_2673, %dma_wait3A_2674, %dma_wait3A_2679] : memref<125000x8x64xf32, #tpu.memory_space<hbm>> -> memref<1x1x64xf32, #tpu.memory_space<hbm>>
      %dma_wait3A_2681 = tpu.memref_squeeze %dma_wait3A_2680 : memref<1x1x64xf32, #tpu.memory_space<hbm>> -> memref<64xf32, #tpu.memory_space<hbm>>
      %dma_wait3A_2682 = arith.constant 0 : i32
      %dma_wait3A_2683 = tpu.memref_slice %arg9[%dma_wait3A_2675, %dma_wait3A_2682] : memref<512x64xf32, #tpu.memory_space<vmem>> -> memref<1x64xf32, #tpu.memory_space<vmem>>
      %dma_wait3A_2684 = tpu.memref_squeeze %dma_wait3A_2683 : memref<1x64xf32, #tpu.memory_space<vmem>> -> memref<64xf32, #tpu.memory_space<vmem>>
      %dma_wait3A_2685 = arith.constant 0 : i32
      %dma_wait3A_2686 = tpu.memref_slice %arg5[%dma_wait3A_2673, %dma_wait3A_2674, %dma_wait3A_2685] : memref<125000x8x64xf32, #tpu.memory_space<hbm>> -> memref<1x1x64xf32, #tpu.memory_space<hbm>>
      %dma_wait3A_2687 = tpu.memref_squeeze %dma_wait3A_2686 : memref<1x1x64xf32, #tpu.memory_space<hbm>> -> memref<64xf32, #tpu.memory_space<hbm>>
      tpu.wait_dma2 semaphore(%arg10 : memref<!tpu.dma_semaphore, #tpu.memory_space<semaphore_mem>>) src(%dma_wait3A_2687 : memref<64xf32, #tpu.memory_space<hbm>>) dst(%dma_wait3A_2684 : memref<64xf32, #tpu.memory_space<vmem>>)
      %dma_wait3A_2688 = arith.constant 0 : i32
      %dma_wait3A_2689 = arith.constant 0 : i32
      %dma_wait3A_2690 = arith.constant 0 : i32
      %dma_wait3A_2691 = arith.constant 0 : i32
      %dma_wait3A_2692 = tpu.memref_slice %arg9[%dma_wait3A_2690, %dma_wait3A_2691] : memref<512x64xf32, #tpu.memory_space<vmem>> -> memref<1x64xf32, #tpu.memory_space<vmem>>
      %dma_wait3A_2693 = tpu.memref_squeeze %dma_wait3A_2692 : memref<1x64xf32, #tpu.memory_space<vmem>> -> memref<64xf32, #tpu.memory_space<vmem>>
      %dma_wait3A_2694 = arith.constant 0 : i32
      %dma_wait3A_2695 = tpu.memref_slice %arg5[%dma_wait3A_2688, %dma_wait3A_2689, %dma_wait3A_2694] : memref<125000x8x64xf32, #tpu.memory_space<hbm>> -> memref<1x1x64xf32, #tpu.memory_space<hbm>>
      %dma_wait3A_2696 = tpu.memref_squeeze %dma_wait3A_2695 : memref<1x1x64xf32, #tpu.memory_space<hbm>> -> memref<64xf32, #tpu.memory_space<hbm>>
      %dma_wait3A_2697 = arith.constant 0 : i32
      %dma_wait3A_2698 = tpu.memref_slice %arg9[%dma_wait3A_2690, %dma_wait3A_2697] : memref<512x64xf32, #tpu.memory_space<vmem>> -> memref<1x64xf32, #tpu.memory_space<vmem>>
      %dma_wait3A_2699 = tpu.memref_squeeze %dma_wait3A_2698 : memref<1x64xf32, #tpu.memory_space<vmem>> -> memref<64xf32, #tpu.memory_space<vmem>>
      %dma_wait3A_2700 = arith.constant 0 : i32
      %dma_wait3A_2701 = tpu.memref_slice %arg5[%dma_wait3A_2688, %dma_wait3A_2689, %dma_wait3A_2700] : memref<125000x8x64xf32, #tpu.memory_space<hbm>> -> memref<1x1x64xf32, #tpu.memory_space<hbm>>
      %dma_wait3A_2702 = tpu.memref_squeeze %dma_wait3A_2701 : memref<1x1x64xf32, #tpu.memory_space<hbm>> -> memref<64xf32, #tpu.memory_space<hbm>>
      tpu.wait_dma2 semaphore(%arg10 : memref<!tpu.dma_semaphore, #tpu.memory_space<semaphore_mem>>) src(%dma_wait3A_2702 : memref<64xf32, #tpu.memory_space<hbm>>) dst(%dma_wait3A_2699 : memref<64xf32, #tpu.memory_space<vmem>>)
      %dma_wait3A_2703 = arith.constant 0 : i32
      %dma_wait3A_2704 = arith.constant 0 : i32
      %dma_wait3A_2705 = arith.constant 0 : i32
      %dma_wait3A_2706 = arith.constant 0 : i32
      %dma_wait3A_2707 = tpu.memref_slice %arg9[%dma_wait3A_2705, %dma_wait3A_2706] : memref<512x64xf32, #tpu.memory_space<vmem>> -> memref<1x64xf32, #tpu.memory_space<vmem>>
      %dma_wait3A_2708 = tpu.memref_squeeze %dma_wait3A_2707 : memref<1x64xf32, #tpu.memory_space<vmem>> -> memref<64xf32, #tpu.memory_space<vmem>>
      %dma_wait3A_2709 = arith.constant 0 : i32
      %dma_wait3A_2710 = tpu.memref_slice %arg5[%dma_wait3A_2703, %dma_wait3A_2704, %dma_wait3A_2709] : memref<125000x8x64xf32, #tpu.memory_space<hbm>> -> memref<1x1x64xf32, #tpu.memory_space<hbm>>
      %dma_wait3A_2711 = tpu.memref_squeeze %dma_wait3A_2710 : memref<1x1x64xf32, #tpu.memory_space<hbm>> -> memref<64xf32, #tpu.memory_space<hbm>>
      %dma_wait3A_2712 = arith.constant 0 : i32
      %dma_wait3A_2713 = tpu.memref_slice %arg9[%dma_wait3A_2705, %dma_wait3A_2712] : memref<512x64xf32, #tpu.memory_space<vmem>> -> memref<1x64xf32, #tpu.memory_space<vmem>>
      %dma_wait3A_2714 = tpu.memref_squeeze %dma_wait3A_2713 : memref<1x64xf32, #tpu.memory_space<vmem>> -> memref<64xf32, #tpu.memory_space<vmem>>
      %dma_wait3A_2715 = arith.constant 0 : i32
      %dma_wait3A_2716 = tpu.memref_slice %arg5[%dma_wait3A_2703, %dma_wait3A_2704, %dma_wait3A_2715] : memref<125000x8x64xf32, #tpu.memory_space<hbm>> -> memref<1x1x64xf32, #tpu.memory_space<hbm>>
      %dma_wait3A_2717 = tpu.memref_squeeze %dma_wait3A_2716 : memref<1x1x64xf32, #tpu.memory_space<hbm>> -> memref<64xf32, #tpu.memory_space<hbm>>
      tpu.wait_dma2 semaphore(%arg10 : memref<!tpu.dma_semaphore, #tpu.memory_space<semaphore_mem>>) src(%dma_wait3A_2717 : memref<64xf32, #tpu.memory_space<hbm>>) dst(%dma_wait3A_2714 : memref<64xf32, #tpu.memory_space<vmem>>)
      %dma_wait3A_2718 = arith.constant 0 : i32
      %dma_wait3A_2719 = arith.constant 0 : i32
      %dma_wait3A_2720 = arith.constant 0 : i32
      %dma_wait3A_2721 = arith.constant 0 : i32
      %dma_wait3A_2722 = tpu.memref_slice %arg9[%dma_wait3A_2720, %dma_wait3A_2721] : memref<512x64xf32, #tpu.memory_space<vmem>> -> memref<1x64xf32, #tpu.memory_space<vmem>>
      %dma_wait3A_2723 = tpu.memref_squeeze %dma_wait3A_2722 : memref<1x64xf32, #tpu.memory_space<vmem>> -> memref<64xf32, #tpu.memory_space<vmem>>
      %dma_wait3A_2724 = arith.constant 0 : i32
      %dma_wait3A_2725 = tpu.memref_slice %arg5[%dma_wait3A_2718, %dma_wait3A_2719, %dma_wait3A_2724] : memref<125000x8x64xf32, #tpu.memory_space<hbm>> -> memref<1x1x64xf32, #tpu.memory_space<hbm>>
      %dma_wait3A_2726 = tpu.memref_squeeze %dma_wait3A_2725 : memref<1x1x64xf32, #tpu.memory_space<hbm>> -> memref<64xf32, #tpu.memory_space<hbm>>
      %dma_wait3A_2727 = arith.constant 0 : i32
      %dma_wait3A_2728 = tpu.memref_slice %arg9[%dma_wait3A_2720, %dma_wait3A_2727] : memref<512x64xf32, #tpu.memory_space<vmem>> -> memref<1x64xf32, #tpu.memory_space<vmem>>
      %dma_wait3A_2729 = tpu.memref_squeeze %dma_wait3A_2728 : memref<1x64xf32, #tpu.memory_space<vmem>> -> memref<64xf32, #tpu.memory_space<vmem>>
      %dma_wait3A_2730 = arith.constant 0 : i32
      %dma_wait3A_2731 = tpu.memref_slice %arg5[%dma_wait3A_2718, %dma_wait3A_2719, %dma_wait3A_2730] : memref<125000x8x64xf32, #tpu.memory_space<hbm>> -> memref<1x1x64xf32, #tpu.memory_space<hbm>>
      %dma_wait3A_2732 = tpu.memref_squeeze %dma_wait3A_2731 : memref<1x1x64xf32, #tpu.memory_space<hbm>> -> memref<64xf32, #tpu.memory_space<hbm>>
      tpu.wait_dma2 semaphore(%arg10 : memref<!tpu.dma_semaphore, #tpu.memory_space<semaphore_mem>>) src(%dma_wait3A_2732 : memref<64xf32, #tpu.memory_space<hbm>>) dst(%dma_wait3A_2729 : memref<64xf32, #tpu.memory_space<vmem>>)
      %dma_wait3A_2733 = arith.constant 0 : i32
      %dma_wait3A_2734 = arith.constant 0 : i32
      %dma_wait3A_2735 = arith.constant 0 : i32
      %dma_wait3A_2736 = arith.constant 0 : i32
      %dma_wait3A_2737 = tpu.memref_slice %arg9[%dma_wait3A_2735, %dma_wait3A_2736] : memref<512x64xf32, #tpu.memory_space<vmem>> -> memref<1x64xf32, #tpu.memory_space<vmem>>
      %dma_wait3A_2738 = tpu.memref_squeeze %dma_wait3A_2737 : memref<1x64xf32, #tpu.memory_space<vmem>> -> memref<64xf32, #tpu.memory_space<vmem>>
      %dma_wait3A_2739 = arith.constant 0 : i32
      %dma_wait3A_2740 = tpu.memref_slice %arg5[%dma_wait3A_2733, %dma_wait3A_2734, %dma_wait3A_2739] : memref<125000x8x64xf32, #tpu.memory_space<hbm>> -> memref<1x1x64xf32, #tpu.memory_space<hbm>>
      %dma_wait3A_2741 = tpu.memref_squeeze %dma_wait3A_2740 : memref<1x1x64xf32, #tpu.memory_space<hbm>> -> memref<64xf32, #tpu.memory_space<hbm>>
      %dma_wait3A_2742 = arith.constant 0 : i32
      %dma_wait3A_2743 = tpu.memref_slice %arg9[%dma_wait3A_2735, %dma_wait3A_2742] : memref<512x64xf32, #tpu.memory_space<vmem>> -> memref<1x64xf32, #tpu.memory_space<vmem>>
      %dma_wait3A_2744 = tpu.memref_squeeze %dma_wait3A_2743 : memref<1x64xf32, #tpu.memory_space<vmem>> -> memref<64xf32, #tpu.memory_space<vmem>>
      %dma_wait3A_2745 = arith.constant 0 : i32
      %dma_wait3A_2746 = tpu.memref_slice %arg5[%dma_wait3A_2733, %dma_wait3A_2734, %dma_wait3A_2745] : memref<125000x8x64xf32, #tpu.memory_space<hbm>> -> memref<1x1x64xf32, #tpu.memory_space<hbm>>
      %dma_wait3A_2747 = tpu.memref_squeeze %dma_wait3A_2746 : memref<1x1x64xf32, #tpu.memory_space<hbm>> -> memref<64xf32, #tpu.memory_space<hbm>>
      tpu.wait_dma2 semaphore(%arg10 : memref<!tpu.dma_semaphore, #tpu.memory_space<semaphore_mem>>) src(%dma_wait3A_2747 : memref<64xf32, #tpu.memory_space<hbm>>) dst(%dma_wait3A_2744 : memref<64xf32, #tpu.memory_space<vmem>>)
      %dma_wait3A_2748 = arith.constant 0 : i32
      %dma_wait3A_2749 = arith.constant 0 : i32
      %dma_wait3A_2750 = arith.constant 0 : i32
      %dma_wait3A_2751 = arith.constant 0 : i32
      %dma_wait3A_2752 = tpu.memref_slice %arg9[%dma_wait3A_2750, %dma_wait3A_2751] : memref<512x64xf32, #tpu.memory_space<vmem>> -> memref<1x64xf32, #tpu.memory_space<vmem>>
      %dma_wait3A_2753 = tpu.memref_squeeze %dma_wait3A_2752 : memref<1x64xf32, #tpu.memory_space<vmem>> -> memref<64xf32, #tpu.memory_space<vmem>>
      %dma_wait3A_2754 = arith.constant 0 : i32
      %dma_wait3A_2755 = tpu.memref_slice %arg5[%dma_wait3A_2748, %dma_wait3A_2749, %dma_wait3A_2754] : memref<125000x8x64xf32, #tpu.memory_space<hbm>> -> memref<1x1x64xf32, #tpu.memory_space<hbm>>
      %dma_wait3A_2756 = tpu.memref_squeeze %dma_wait3A_2755 : memref<1x1x64xf32, #tpu.memory_space<hbm>> -> memref<64xf32, #tpu.memory_space<hbm>>
      %dma_wait3A_2757 = arith.constant 0 : i32
      %dma_wait3A_2758 = tpu.memref_slice %arg9[%dma_wait3A_2750, %dma_wait3A_2757] : memref<512x64xf32, #tpu.memory_space<vmem>> -> memref<1x64xf32, #tpu.memory_space<vmem>>
      %dma_wait3A_2759 = tpu.memref_squeeze %dma_wait3A_2758 : memref<1x64xf32, #tpu.memory_space<vmem>> -> memref<64xf32, #tpu.memory_space<vmem>>
      %dma_wait3A_2760 = arith.constant 0 : i32
      %dma_wait3A_2761 = tpu.memref_slice %arg5[%dma_wait3A_2748, %dma_wait3A_2749, %dma_wait3A_2760] : memref<125000x8x64xf32, #tpu.memory_space<hbm>> -> memref<1x1x64xf32, #tpu.memory_space<hbm>>
      %dma_wait3A_2762 = tpu.memref_squeeze %dma_wait3A_2761 : memref<1x1x64xf32, #tpu.memory_space<hbm>> -> memref<64xf32, #tpu.memory_space<hbm>>
      tpu.wait_dma2 semaphore(%arg10 : memref<!tpu.dma_semaphore, #tpu.memory_space<semaphore_mem>>) src(%dma_wait3A_2762 : memref<64xf32, #tpu.memory_space<hbm>>) dst(%dma_wait3A_2759 : memref<64xf32, #tpu.memory_space<vmem>>)
      %dma_wait3A_2763 = arith.constant 0 : i32
      %dma_wait3A_2764 = arith.constant 0 : i32
      %dma_wait3A_2765 = arith.constant 0 : i32
      %dma_wait3A_2766 = arith.constant 0 : i32
      %dma_wait3A_2767 = tpu.memref_slice %arg9[%dma_wait3A_2765, %dma_wait3A_2766] : memref<512x64xf32, #tpu.memory_space<vmem>> -> memref<1x64xf32, #tpu.memory_space<vmem>>
      %dma_wait3A_2768 = tpu.memref_squeeze %dma_wait3A_2767 : memref<1x64xf32, #tpu.memory_space<vmem>> -> memref<64xf32, #tpu.memory_space<vmem>>
      %dma_wait3A_2769 = arith.constant 0 : i32
      %dma_wait3A_2770 = tpu.memref_slice %arg5[%dma_wait3A_2763, %dma_wait3A_2764, %dma_wait3A_2769] : memref<125000x8x64xf32, #tpu.memory_space<hbm>> -> memref<1x1x64xf32, #tpu.memory_space<hbm>>
      %dma_wait3A_2771 = tpu.memref_squeeze %dma_wait3A_2770 : memref<1x1x64xf32, #tpu.memory_space<hbm>> -> memref<64xf32, #tpu.memory_space<hbm>>
      %dma_wait3A_2772 = arith.constant 0 : i32
      %dma_wait3A_2773 = tpu.memref_slice %arg9[%dma_wait3A_2765, %dma_wait3A_2772] : memref<512x64xf32, #tpu.memory_space<vmem>> -> memref<1x64xf32, #tpu.memory_space<vmem>>
      %dma_wait3A_2774 = tpu.memref_squeeze %dma_wait3A_2773 : memref<1x64xf32, #tpu.memory_space<vmem>> -> memref<64xf32, #tpu.memory_space<vmem>>
      %dma_wait3A_2775 = arith.constant 0 : i32
      %dma_wait3A_2776 = tpu.memref_slice %arg5[%dma_wait3A_2763, %dma_wait3A_2764, %dma_wait3A_2775] : memref<125000x8x64xf32, #tpu.memory_space<hbm>> -> memref<1x1x64xf32, #tpu.memory_space<hbm>>
      %dma_wait3A_2777 = tpu.memref_squeeze %dma_wait3A_2776 : memref<1x1x64xf32, #tpu.memory_space<hbm>> -> memref<64xf32, #tpu.memory_space<hbm>>
      tpu.wait_dma2 semaphore(%arg10 : memref<!tpu.dma_semaphore, #tpu.memory_space<semaphore_mem>>) src(%dma_wait3A_2777 : memref<64xf32, #tpu.memory_space<hbm>>) dst(%dma_wait3A_2774 : memref<64xf32, #tpu.memory_space<vmem>>)
      %dma_wait3A_2778 = arith.constant 0 : i32
      %dma_wait3A_2779 = arith.constant 0 : i32
      %dma_wait3A_2780 = arith.constant 0 : i32
      %dma_wait3A_2781 = arith.constant 0 : i32
      %dma_wait3A_2782 = tpu.memref_slice %arg9[%dma_wait3A_2780, %dma_wait3A_2781] : memref<512x64xf32, #tpu.memory_space<vmem>> -> memref<1x64xf32, #tpu.memory_space<vmem>>
      %dma_wait3A_2783 = tpu.memref_squeeze %dma_wait3A_2782 : memref<1x64xf32, #tpu.memory_space<vmem>> -> memref<64xf32, #tpu.memory_space<vmem>>
      %dma_wait3A_2784 = arith.constant 0 : i32
      %dma_wait3A_2785 = tpu.memref_slice %arg5[%dma_wait3A_2778, %dma_wait3A_2779, %dma_wait3A_2784] : memref<125000x8x64xf32, #tpu.memory_space<hbm>> -> memref<1x1x64xf32, #tpu.memory_space<hbm>>
      %dma_wait3A_2786 = tpu.memref_squeeze %dma_wait3A_2785 : memref<1x1x64xf32, #tpu.memory_space<hbm>> -> memref<64xf32, #tpu.memory_space<hbm>>
      %dma_wait3A_2787 = arith.constant 0 : i32
      %dma_wait3A_2788 = tpu.memref_slice %arg9[%dma_wait3A_2780, %dma_wait3A_2787] : memref<512x64xf32, #tpu.memory_space<vmem>> -> memref<1x64xf32, #tpu.memory_space<vmem>>
      %dma_wait3A_2789 = tpu.memref_squeeze %dma_wait3A_2788 : memref<1x64xf32, #tpu.memory_space<vmem>> -> memref<64xf32, #tpu.memory_space<vmem>>
      %dma_wait3A_2790 = arith.constant 0 : i32
      %dma_wait3A_2791 = tpu.memref_slice %arg5[%dma_wait3A_2778, %dma_wait3A_2779, %dma_wait3A_2790] : memref<125000x8x64xf32, #tpu.memory_space<hbm>> -> memref<1x1x64xf32, #tpu.memory_space<hbm>>
      %dma_wait3A_2792 = tpu.memref_squeeze %dma_wait3A_2791 : memref<1x1x64xf32, #tpu.memory_space<hbm>> -> memref<64xf32, #tpu.memory_space<hbm>>
      tpu.wait_dma2 semaphore(%arg10 : memref<!tpu.dma_semaphore, #tpu.memory_space<semaphore_mem>>) src(%dma_wait3A_2792 : memref<64xf32, #tpu.memory_space<hbm>>) dst(%dma_wait3A_2789 : memref<64xf32, #tpu.memory_space<vmem>>)
    }
    %scan3A_1714 = arith.constant 30 : i32
    %dma_wait3A_1715 = arith.constant 0 : i32
    %dma_wait3A_1716 = arith.constant 0 : i32
    %dma_wait3A_1717 = arith.constant 0 : i32
    %dma_wait3A_1718 = arith.constant 0 : i32
    %dma_wait3A_1719 = tpu.memref_slice %arg9[%dma_wait3A_1717, %dma_wait3A_1718] : memref<512x64xf32, #tpu.memory_space<vmem>> -> memref<1x64xf32, #tpu.memory_space<vmem>>
    %dma_wait3A_1720 = tpu.memref_squeeze %dma_wait3A_1719 : memref<1x64xf32, #tpu.memory_space<vmem>> -> memref<64xf32, #tpu.memory_space<vmem>>
    %dma_wait3A_1721 = arith.constant 0 : i32
    %dma_wait3A_1722 = tpu.memref_slice %arg5[%dma_wait3A_1715, %dma_wait3A_1716, %dma_wait3A_1721] : memref<125000x8x64xf32, #tpu.memory_space<hbm>> -> memref<1x1x64xf32, #tpu.memory_space<hbm>>
    %dma_wait3A_1723 = tpu.memref_squeeze %dma_wait3A_1722 : memref<1x1x64xf32, #tpu.memory_space<hbm>> -> memref<64xf32, #tpu.memory_space<hbm>>
    %dma_wait3A_1724 = arith.constant 0 : i32
    %dma_wait3A_1725 = tpu.memref_slice %arg9[%dma_wait3A_1717, %dma_wait3A_1724] : memref<512x64xf32, #tpu.memory_space<vmem>> -> memref<1x64xf32, #tpu.memory_space<vmem>>
    %dma_wait3A_1726 = tpu.memref_squeeze %dma_wait3A_1725 : memref<1x64xf32, #tpu.memory_space<vmem>> -> memref<64xf32, #tpu.memory_space<vmem>>
    %dma_wait3A_1727 = arith.constant 0 : i32
    %dma_wait3A_1728 = tpu.memref_slice %arg5[%dma_wait3A_1715, %dma_wait3A_1716, %dma_wait3A_1727] : memref<125000x8x64xf32, #tpu.memory_space<hbm>> -> memref<1x1x64xf32, #tpu.memory_space<hbm>>
    %dma_wait3A_1729 = tpu.memref_squeeze %dma_wait3A_1728 : memref<1x1x64xf32, #tpu.memory_space<hbm>> -> memref<64xf32, #tpu.memory_space<hbm>>
    tpu.wait_dma2 semaphore(%arg10 : memref<!tpu.dma_semaphore, #tpu.memory_space<semaphore_mem>>) src(%dma_wait3A_1729 : memref<64xf32, #tpu.memory_space<hbm>>) dst(%dma_wait3A_1726 : memref<64xf32, #tpu.memory_space<vmem>>)
    %dma_wait3A_1730 = arith.constant 0 : i32
    %dma_wait3A_1731 = arith.constant 0 : i32
    %dma_wait3A_1732 = arith.constant 0 : i32
    %dma_wait3A_1733 = arith.constant 0 : i32
    %dma_wait3A_1734 = tpu.memref_slice %arg9[%dma_wait3A_1732, %dma_wait3A_1733] : memref<512x64xf32, #tpu.memory_space<vmem>> -> memref<1x64xf32, #tpu.memory_space<vmem>>
    %dma_wait3A_1735 = tpu.memref_squeeze %dma_wait3A_1734 : memref<1x64xf32, #tpu.memory_space<vmem>> -> memref<64xf32, #tpu.memory_space<vmem>>
    %dma_wait3A_1736 = arith.constant 0 : i32
    %dma_wait3A_1737 = tpu.memref_slice %arg5[%dma_wait3A_1730, %dma_wait3A_1731, %dma_wait3A_1736] : memref<125000x8x64xf32, #tpu.memory_space<hbm>> -> memref<1x1x64xf32, #tpu.memory_space<hbm>>
    %dma_wait3A_1738 = tpu.memref_squeeze %dma_wait3A_1737 : memref<1x1x64xf32, #tpu.memory_space<hbm>> -> memref<64xf32, #tpu.memory_space<hbm>>
    %dma_wait3A_1739 = arith.constant 0 : i32
    %dma_wait3A_1740 = tpu.memref_slice %arg9[%dma_wait3A_1732, %dma_wait3A_1739] : memref<512x64xf32, #tpu.memory_space<vmem>> -> memref<1x64xf32, #tpu.memory_space<vmem>>
    %dma_wait3A_1741 = tpu.memref_squeeze %dma_wait3A_1740 : memref<1x64xf32, #tpu.memory_space<vmem>> -> memref<64xf32, #tpu.memory_space<vmem>>
    %dma_wait3A_1742 = arith.constant 0 : i32
    %dma_wait3A_1743 = tpu.memref_slice %arg5[%dma_wait3A_1730, %dma_wait3A_1731, %dma_wait3A_1742] : memref<125000x8x64xf32, #tpu.memory_space<hbm>> -> memref<1x1x64xf32, #tpu.memory_space<hbm>>
    %dma_wait3A_1744 = tpu.memref_squeeze %dma_wait3A_1743 : memref<1x1x64xf32, #tpu.memory_space<hbm>> -> memref<64xf32, #tpu.memory_space<hbm>>
    tpu.wait_dma2 semaphore(%arg10 : memref<!tpu.dma_semaphore, #tpu.memory_space<semaphore_mem>>) src(%dma_wait3A_1744 : memref<64xf32, #tpu.memory_space<hbm>>) dst(%dma_wait3A_1741 : memref<64xf32, #tpu.memory_space<vmem>>)
    %dma_wait3A_1745 = arith.constant 0 : i32
    %dma_wait3A_1746 = arith.constant 0 : i32
    %dma_wait3A_1747 = arith.constant 0 : i32
    %dma_wait3A_1748 = arith.constant 0 : i32
    %dma_wait3A_1749 = tpu.memref_slice %arg9[%dma_wait3A_1747, %dma_wait3A_1748] : memref<512x64xf32, #tpu.memory_space<vmem>> -> memref<1x64xf32, #tpu.memory_space<vmem>>
    %dma_wait3A_1750 = tpu.memref_squeeze %dma_wait3A_1749 : memref<1x64xf32, #tpu.memory_space<vmem>> -> memref<64xf32, #tpu.memory_space<vmem>>
    %dma_wait3A_1751 = arith.constant 0 : i32
    %dma_wait3A_1752 = tpu.memref_slice %arg5[%dma_wait3A_1745, %dma_wait3A_1746, %dma_wait3A_1751] : memref<125000x8x64xf32, #tpu.memory_space<hbm>> -> memref<1x1x64xf32, #tpu.memory_space<hbm>>
    %dma_wait3A_1753 = tpu.memref_squeeze %dma_wait3A_1752 : memref<1x1x64xf32, #tpu.memory_space<hbm>> -> memref<64xf32, #tpu.memory_space<hbm>>
    %dma_wait3A_1754 = arith.constant 0 : i32
    %dma_wait3A_1755 = tpu.memref_slice %arg9[%dma_wait3A_1747, %dma_wait3A_1754] : memref<512x64xf32, #tpu.memory_space<vmem>> -> memref<1x64xf32, #tpu.memory_space<vmem>>
    %dma_wait3A_1756 = tpu.memref_squeeze %dma_wait3A_1755 : memref<1x64xf32, #tpu.memory_space<vmem>> -> memref<64xf32, #tpu.memory_space<vmem>>
    %dma_wait3A_1757 = arith.constant 0 : i32
    %dma_wait3A_1758 = tpu.memref_slice %arg5[%dma_wait3A_1745, %dma_wait3A_1746, %dma_wait3A_1757] : memref<125000x8x64xf32, #tpu.memory_space<hbm>> -> memref<1x1x64xf32, #tpu.memory_space<hbm>>
    %dma_wait3A_1759 = tpu.memref_squeeze %dma_wait3A_1758 : memref<1x1x64xf32, #tpu.memory_space<hbm>> -> memref<64xf32, #tpu.memory_space<hbm>>
    tpu.wait_dma2 semaphore(%arg10 : memref<!tpu.dma_semaphore, #tpu.memory_space<semaphore_mem>>) src(%dma_wait3A_1759 : memref<64xf32, #tpu.memory_space<hbm>>) dst(%dma_wait3A_1756 : memref<64xf32, #tpu.memory_space<vmem>>)
    %dma_wait3A_1760 = arith.constant 0 : i32
    %dma_wait3A_1761 = arith.constant 0 : i32
    %dma_wait3A_1762 = arith.constant 0 : i32
    %dma_wait3A_1763 = arith.constant 0 : i32
    %dma_wait3A_1764 = tpu.memref_slice %arg9[%dma_wait3A_1762, %dma_wait3A_1763] : memref<512x64xf32, #tpu.memory_space<vmem>> -> memref<1x64xf32, #tpu.memory_space<vmem>>
    %dma_wait3A_1765 = tpu.memref_squeeze %dma_wait3A_1764 : memref<1x64xf32, #tpu.memory_space<vmem>> -> memref<64xf32, #tpu.memory_space<vmem>>
    %dma_wait3A_1766 = arith.constant 0 : i32
    %dma_wait3A_1767 = tpu.memref_slice %arg5[%dma_wait3A_1760, %dma_wait3A_1761, %dma_wait3A_1766] : memref<125000x8x64xf32, #tpu.memory_space<hbm>> -> memref<1x1x64xf32, #tpu.memory_space<hbm>>
    %dma_wait3A_1768 = tpu.memref_squeeze %dma_wait3A_1767 : memref<1x1x64xf32, #tpu.memory_space<hbm>> -> memref<64xf32, #tpu.memory_space<hbm>>
    %dma_wait3A_1769 = arith.constant 0 : i32
    %dma_wait3A_1770 = tpu.memref_slice %arg9[%dma_wait3A_1762, %dma_wait3A_1769] : memref<512x64xf32, #tpu.memory_space<vmem>> -> memref<1x64xf32, #tpu.memory_space<vmem>>
    %dma_wait3A_1771 = tpu.memref_squeeze %dma_wait3A_1770 : memref<1x64xf32, #tpu.memory_space<vmem>> -> memref<64xf32, #tpu.memory_space<vmem>>
    %dma_wait3A_1772 = arith.constant 0 : i32
    %dma_wait3A_1773 = tpu.memref_slice %arg5[%dma_wait3A_1760, %dma_wait3A_1761, %dma_wait3A_1772] : memref<125000x8x64xf32, #tpu.memory_space<hbm>> -> memref<1x1x64xf32, #tpu.memory_space<hbm>>
    %dma_wait3A_1774 = tpu.memref_squeeze %dma_wait3A_1773 : memref<1x1x64xf32, #tpu.memory_space<hbm>> -> memref<64xf32, #tpu.memory_space<hbm>>
    tpu.wait_dma2 semaphore(%arg10 : memref<!tpu.dma_semaphore, #tpu.memory_space<semaphore_mem>>) src(%dma_wait3A_1774 : memref<64xf32, #tpu.memory_space<hbm>>) dst(%dma_wait3A_1771 : memref<64xf32, #tpu.memory_space<vmem>>)
    %dma_wait3A_1775 = arith.constant 0 : i32
    %dma_wait3A_1776 = arith.constant 0 : i32
    %dma_wait3A_1777 = arith.constant 0 : i32
    %dma_wait3A_1778 = arith.constant 0 : i32
    %dma_wait3A_1779 = tpu.memref_slice %arg9[%dma_wait3A_1777, %dma_wait3A_1778] : memref<512x64xf32, #tpu.memory_space<vmem>> -> memref<1x64xf32, #tpu.memory_space<vmem>>
    %dma_wait3A_1780 = tpu.memref_squeeze %dma_wait3A_1779 : memref<1x64xf32, #tpu.memory_space<vmem>> -> memref<64xf32, #tpu.memory_space<vmem>>
    %dma_wait3A_1781 = arith.constant 0 : i32
    %dma_wait3A_1782 = tpu.memref_slice %arg5[%dma_wait3A_1775, %dma_wait3A_1776, %dma_wait3A_1781] : memref<125000x8x64xf32, #tpu.memory_space<hbm>> -> memref<1x1x64xf32, #tpu.memory_space<hbm>>
    %dma_wait3A_1783 = tpu.memref_squeeze %dma_wait3A_1782 : memref<1x1x64xf32, #tpu.memory_space<hbm>> -> memref<64xf32, #tpu.memory_space<hbm>>
    %dma_wait3A_1784 = arith.constant 0 : i32
    %dma_wait3A_1785 = tpu.memref_slice %arg9[%dma_wait3A_1777, %dma_wait3A_1784] : memref<512x64xf32, #tpu.memory_space<vmem>> -> memref<1x64xf32, #tpu.memory_space<vmem>>
    %dma_wait3A_1786 = tpu.memref_squeeze %dma_wait3A_1785 : memref<1x64xf32, #tpu.memory_space<vmem>> -> memref<64xf32, #tpu.memory_space<vmem>>
    %dma_wait3A_1787 = arith.constant 0 : i32
    %dma_wait3A_1788 = tpu.memref_slice %arg5[%dma_wait3A_1775, %dma_wait3A_1776, %dma_wait3A_1787] : memref<125000x8x64xf32, #tpu.memory_space<hbm>> -> memref<1x1x64xf32, #tpu.memory_space<hbm>>
    %dma_wait3A_1789 = tpu.memref_squeeze %dma_wait3A_1788 : memref<1x1x64xf32, #tpu.memory_space<hbm>> -> memref<64xf32, #tpu.memory_space<hbm>>
    tpu.wait_dma2 semaphore(%arg10 : memref<!tpu.dma_semaphore, #tpu.memory_space<semaphore_mem>>) src(%dma_wait3A_1789 : memref<64xf32, #tpu.memory_space<hbm>>) dst(%dma_wait3A_1786 : memref<64xf32, #tpu.memory_space<vmem>>)
    %dma_wait3A_1790 = arith.constant 0 : i32
    %dma_wait3A_1791 = arith.constant 0 : i32
    %dma_wait3A_1792 = arith.constant 0 : i32
    %dma_wait3A_1793 = arith.constant 0 : i32
    %dma_wait3A_1794 = tpu.memref_slice %arg9[%dma_wait3A_1792, %dma_wait3A_1793] : memref<512x64xf32, #tpu.memory_space<vmem>> -> memref<1x64xf32, #tpu.memory_space<vmem>>
    %dma_wait3A_1795 = tpu.memref_squeeze %dma_wait3A_1794 : memref<1x64xf32, #tpu.memory_space<vmem>> -> memref<64xf32, #tpu.memory_space<vmem>>
    %dma_wait3A_1796 = arith.constant 0 : i32
    %dma_wait3A_1797 = tpu.memref_slice %arg5[%dma_wait3A_1790, %dma_wait3A_1791, %dma_wait3A_1796] : memref<125000x8x64xf32, #tpu.memory_space<hbm>> -> memref<1x1x64xf32, #tpu.memory_space<hbm>>
    %dma_wait3A_1798 = tpu.memref_squeeze %dma_wait3A_1797 : memref<1x1x64xf32, #tpu.memory_space<hbm>> -> memref<64xf32, #tpu.memory_space<hbm>>
    %dma_wait3A_1799 = arith.constant 0 : i32
    %dma_wait3A_1800 = tpu.memref_slice %arg9[%dma_wait3A_1792, %dma_wait3A_1799] : memref<512x64xf32, #tpu.memory_space<vmem>> -> memref<1x64xf32, #tpu.memory_space<vmem>>
    %dma_wait3A_1801 = tpu.memref_squeeze %dma_wait3A_1800 : memref<1x64xf32, #tpu.memory_space<vmem>> -> memref<64xf32, #tpu.memory_space<vmem>>
    %dma_wait3A_1802 = arith.constant 0 : i32
    %dma_wait3A_1803 = tpu.memref_slice %arg5[%dma_wait3A_1790, %dma_wait3A_1791, %dma_wait3A_1802] : memref<125000x8x64xf32, #tpu.memory_space<hbm>> -> memref<1x1x64xf32, #tpu.memory_space<hbm>>
    %dma_wait3A_1804 = tpu.memref_squeeze %dma_wait3A_1803 : memref<1x1x64xf32, #tpu.memory_space<hbm>> -> memref<64xf32, #tpu.memory_space<hbm>>
    tpu.wait_dma2 semaphore(%arg10 : memref<!tpu.dma_semaphore, #tpu.memory_space<semaphore_mem>>) src(%dma_wait3A_1804 : memref<64xf32, #tpu.memory_space<hbm>>) dst(%dma_wait3A_1801 : memref<64xf32, #tpu.memory_space<vmem>>)
    %dma_wait3A_1805 = arith.constant 0 : i32
    %dma_wait3A_1806 = arith.constant 0 : i32
    %dma_wait3A_1807 = arith.constant 0 : i32
    %dma_wait3A_1808 = arith.constant 0 : i32
    %dma_wait3A_1809 = tpu.memref_slice %arg9[%dma_wait3A_1807, %dma_wait3A_1808] : memref<512x64xf32, #tpu.memory_space<vmem>> -> memref<1x64xf32, #tpu.memory_space<vmem>>
    %dma_wait3A_1810 = tpu.memref_squeeze %dma_wait3A_1809 : memref<1x64xf32, #tpu.memory_space<vmem>> -> memref<64xf32, #tpu.memory_space<vmem>>
    %dma_wait3A_1811 = arith.constant 0 : i32
    %dma_wait3A_1812 = tpu.memref_slice %arg5[%dma_wait3A_1805, %dma_wait3A_1806, %dma_wait3A_1811] : memref<125000x8x64xf32, #tpu.memory_space<hbm>> -> memref<1x1x64xf32, #tpu.memory_space<hbm>>
    %dma_wait3A_1813 = tpu.memref_squeeze %dma_wait3A_1812 : memref<1x1x64xf32, #tpu.memory_space<hbm>> -> memref<64xf32, #tpu.memory_space<hbm>>
    %dma_wait3A_1814 = arith.constant 0 : i32
    %dma_wait3A_1815 = tpu.memref_slice %arg9[%dma_wait3A_1807, %dma_wait3A_1814] : memref<512x64xf32, #tpu.memory_space<vmem>> -> memref<1x64xf32, #tpu.memory_space<vmem>>
    %dma_wait3A_1816 = tpu.memref_squeeze %dma_wait3A_1815 : memref<1x64xf32, #tpu.memory_space<vmem>> -> memref<64xf32, #tpu.memory_space<vmem>>
    %dma_wait3A_1817 = arith.constant 0 : i32
    %dma_wait3A_1818 = tpu.memref_slice %arg5[%dma_wait3A_1805, %dma_wait3A_1806, %dma_wait3A_1817] : memref<125000x8x64xf32, #tpu.memory_space<hbm>> -> memref<1x1x64xf32, #tpu.memory_space<hbm>>
    %dma_wait3A_1819 = tpu.memref_squeeze %dma_wait3A_1818 : memref<1x1x64xf32, #tpu.memory_space<hbm>> -> memref<64xf32, #tpu.memory_space<hbm>>
    tpu.wait_dma2 semaphore(%arg10 : memref<!tpu.dma_semaphore, #tpu.memory_space<semaphore_mem>>) src(%dma_wait3A_1819 : memref<64xf32, #tpu.memory_space<hbm>>) dst(%dma_wait3A_1816 : memref<64xf32, #tpu.memory_space<vmem>>)
    %dma_wait3A_1820 = arith.constant 0 : i32
    %dma_wait3A_1821 = arith.constant 0 : i32
    %dma_wait3A_1822 = arith.constant 0 : i32
    %dma_wait3A_1823 = arith.constant 0 : i32
    %dma_wait3A_1824 = tpu.memref_slice %arg9[%dma_wait3A_1822, %dma_wait3A_1823] : memref<512x64xf32, #tpu.memory_space<vmem>> -> memref<1x64xf32, #tpu.memory_space<vmem>>
    %dma_wait3A_1825 = tpu.memref_squeeze %dma_wait3A_1824 : memref<1x64xf32, #tpu.memory_space<vmem>> -> memref<64xf32, #tpu.memory_space<vmem>>
    %dma_wait3A_1826 = arith.constant 0 : i32
    %dma_wait3A_1827 = tpu.memref_slice %arg5[%dma_wait3A_1820, %dma_wait3A_1821, %dma_wait3A_1826] : memref<125000x8x64xf32, #tpu.memory_space<hbm>> -> memref<1x1x64xf32, #tpu.memory_space<hbm>>
    %dma_wait3A_1828 = tpu.memref_squeeze %dma_wait3A_1827 : memref<1x1x64xf32, #tpu.memory_space<hbm>> -> memref<64xf32, #tpu.memory_space<hbm>>
    %dma_wait3A_1829 = arith.constant 0 : i32
    %dma_wait3A_1830 = tpu.memref_slice %arg9[%dma_wait3A_1822, %dma_wait3A_1829] : memref<512x64xf32, #tpu.memory_space<vmem>> -> memref<1x64xf32, #tpu.memory_space<vmem>>
    %dma_wait3A_1831 = tpu.memref_squeeze %dma_wait3A_1830 : memref<1x64xf32, #tpu.memory_space<vmem>> -> memref<64xf32, #tpu.memory_space<vmem>>
    %dma_wait3A_1832 = arith.constant 0 : i32
    %dma_wait3A_1833 = tpu.memref_slice %arg5[%dma_wait3A_1820, %dma_wait3A_1821, %dma_wait3A_1832] : memref<125000x8x64xf32, #tpu.memory_space<hbm>> -> memref<1x1x64xf32, #tpu.memory_space<hbm>>
    %dma_wait3A_1834 = tpu.memref_squeeze %dma_wait3A_1833 : memref<1x1x64xf32, #tpu.memory_space<hbm>> -> memref<64xf32, #tpu.memory_space<hbm>>
    tpu.wait_dma2 semaphore(%arg10 : memref<!tpu.dma_semaphore, #tpu.memory_space<semaphore_mem>>) src(%dma_wait3A_1834 : memref<64xf32, #tpu.memory_space<hbm>>) dst(%dma_wait3A_1831 : memref<64xf32, #tpu.memory_space<vmem>>)
    %dma_wait3A_1835 = arith.constant 0 : i32
    %dma_wait3A_1836 = arith.constant 0 : i32
    %dma_wait3A_1837 = arith.constant 0 : i32
    %dma_wait3A_1838 = arith.constant 0 : i32
    %dma_wait3A_1839 = tpu.memref_slice %arg9[%dma_wait3A_1837, %dma_wait3A_1838] : memref<512x64xf32, #tpu.memory_space<vmem>> -> memref<1x64xf32, #tpu.memory_space<vmem>>
    %dma_wait3A_1840 = tpu.memref_squeeze %dma_wait3A_1839 : memref<1x64xf32, #tpu.memory_space<vmem>> -> memref<64xf32, #tpu.memory_space<vmem>>
    %dma_wait3A_1841 = arith.constant 0 : i32
    %dma_wait3A_1842 = tpu.memref_slice %arg5[%dma_wait3A_1835, %dma_wait3A_1836, %dma_wait3A_1841] : memref<125000x8x64xf32, #tpu.memory_space<hbm>> -> memref<1x1x64xf32, #tpu.memory_space<hbm>>
    %dma_wait3A_1843 = tpu.memref_squeeze %dma_wait3A_1842 : memref<1x1x64xf32, #tpu.memory_space<hbm>> -> memref<64xf32, #tpu.memory_space<hbm>>
    %dma_wait3A_1844 = arith.constant 0 : i32
    %dma_wait3A_1845 = tpu.memref_slice %arg9[%dma_wait3A_1837, %dma_wait3A_1844] : memref<512x64xf32, #tpu.memory_space<vmem>> -> memref<1x64xf32, #tpu.memory_space<vmem>>
    %dma_wait3A_1846 = tpu.memref_squeeze %dma_wait3A_1845 : memref<1x64xf32, #tpu.memory_space<vmem>> -> memref<64xf32, #tpu.memory_space<vmem>>
    %dma_wait3A_1847 = arith.constant 0 : i32
    %dma_wait3A_1848 = tpu.memref_slice %arg5[%dma_wait3A_1835, %dma_wait3A_1836, %dma_wait3A_1847] : memref<125000x8x64xf32, #tpu.memory_space<hbm>> -> memref<1x1x64xf32, #tpu.memory_space<hbm>>
    %dma_wait3A_1849 = tpu.memref_squeeze %dma_wait3A_1848 : memref<1x1x64xf32, #tpu.memory_space<hbm>> -> memref<64xf32, #tpu.memory_space<hbm>>
    tpu.wait_dma2 semaphore(%arg10 : memref<!tpu.dma_semaphore, #tpu.memory_space<semaphore_mem>>) src(%dma_wait3A_1849 : memref<64xf32, #tpu.memory_space<hbm>>) dst(%dma_wait3A_1846 : memref<64xf32, #tpu.memory_space<vmem>>)
    %dma_wait3A_1850 = arith.constant 0 : i32
    %dma_wait3A_1851 = arith.constant 0 : i32
    %dma_wait3A_1852 = arith.constant 0 : i32
    %dma_wait3A_1853 = arith.constant 0 : i32
    %dma_wait3A_1854 = tpu.memref_slice %arg9[%dma_wait3A_1852, %dma_wait3A_1853] : memref<512x64xf32, #tpu.memory_space<vmem>> -> memref<1x64xf32, #tpu.memory_space<vmem>>
    %dma_wait3A_1855 = tpu.memref_squeeze %dma_wait3A_1854 : memref<1x64xf32, #tpu.memory_space<vmem>> -> memref<64xf32, #tpu.memory_space<vmem>>
    %dma_wait3A_1856 = arith.constant 0 : i32
    %dma_wait3A_1857 = tpu.memref_slice %arg5[%dma_wait3A_1850, %dma_wait3A_1851, %dma_wait3A_1856] : memref<125000x8x64xf32, #tpu.memory_space<hbm>> -> memref<1x1x64xf32, #tpu.memory_space<hbm>>
    %dma_wait3A_1858 = tpu.memref_squeeze %dma_wait3A_1857 : memref<1x1x64xf32, #tpu.memory_space<hbm>> -> memref<64xf32, #tpu.memory_space<hbm>>
    %dma_wait3A_1859 = arith.constant 0 : i32
    %dma_wait3A_1860 = tpu.memref_slice %arg9[%dma_wait3A_1852, %dma_wait3A_1859] : memref<512x64xf32, #tpu.memory_space<vmem>> -> memref<1x64xf32, #tpu.memory_space<vmem>>
    %dma_wait3A_1861 = tpu.memref_squeeze %dma_wait3A_1860 : memref<1x64xf32, #tpu.memory_space<vmem>> -> memref<64xf32, #tpu.memory_space<vmem>>
    %dma_wait3A_1862 = arith.constant 0 : i32
    %dma_wait3A_1863 = tpu.memref_slice %arg5[%dma_wait3A_1850, %dma_wait3A_1851, %dma_wait3A_1862] : memref<125000x8x64xf32, #tpu.memory_space<hbm>> -> memref<1x1x64xf32, #tpu.memory_space<hbm>>
    %dma_wait3A_1864 = tpu.memref_squeeze %dma_wait3A_1863 : memref<1x1x64xf32, #tpu.memory_space<hbm>> -> memref<64xf32, #tpu.memory_space<hbm>>
    tpu.wait_dma2 semaphore(%arg10 : memref<!tpu.dma_semaphore, #tpu.memory_space<semaphore_mem>>) src(%dma_wait3A_1864 : memref<64xf32, #tpu.memory_space<hbm>>) dst(%dma_wait3A_1861 : memref<64xf32, #tpu.memory_space<vmem>>)
    %dma_wait3A_1865 = arith.constant 0 : i32
    %dma_wait3A_1866 = arith.constant 0 : i32
    %dma_wait3A_1867 = arith.constant 0 : i32
    %dma_wait3A_1868 = arith.constant 0 : i32
    %dma_wait3A_1869 = tpu.memref_slice %arg9[%dma_wait3A_1867, %dma_wait3A_1868] : memref<512x64xf32, #tpu.memory_space<vmem>> -> memref<1x64xf32, #tpu.memory_space<vmem>>
    %dma_wait3A_1870 = tpu.memref_squeeze %dma_wait3A_1869 : memref<1x64xf32, #tpu.memory_space<vmem>> -> memref<64xf32, #tpu.memory_space<vmem>>
    %dma_wait3A_1871 = arith.constant 0 : i32
    %dma_wait3A_1872 = tpu.memref_slice %arg5[%dma_wait3A_1865, %dma_wait3A_1866, %dma_wait3A_1871] : memref<125000x8x64xf32, #tpu.memory_space<hbm>> -> memref<1x1x64xf32, #tpu.memory_space<hbm>>
    %dma_wait3A_1873 = tpu.memref_squeeze %dma_wait3A_1872 : memref<1x1x64xf32, #tpu.memory_space<hbm>> -> memref<64xf32, #tpu.memory_space<hbm>>
    %dma_wait3A_1874 = arith.constant 0 : i32
    %dma_wait3A_1875 = tpu.memref_slice %arg9[%dma_wait3A_1867, %dma_wait3A_1874] : memref<512x64xf32, #tpu.memory_space<vmem>> -> memref<1x64xf32, #tpu.memory_space<vmem>>
    %dma_wait3A_1876 = tpu.memref_squeeze %dma_wait3A_1875 : memref<1x64xf32, #tpu.memory_space<vmem>> -> memref<64xf32, #tpu.memory_space<vmem>>
    %dma_wait3A_1877 = arith.constant 0 : i32
    %dma_wait3A_1878 = tpu.memref_slice %arg5[%dma_wait3A_1865, %dma_wait3A_1866, %dma_wait3A_1877] : memref<125000x8x64xf32, #tpu.memory_space<hbm>> -> memref<1x1x64xf32, #tpu.memory_space<hbm>>
    %dma_wait3A_1879 = tpu.memref_squeeze %dma_wait3A_1878 : memref<1x1x64xf32, #tpu.memory_space<hbm>> -> memref<64xf32, #tpu.memory_space<hbm>>
    tpu.wait_dma2 semaphore(%arg10 : memref<!tpu.dma_semaphore, #tpu.memory_space<semaphore_mem>>) src(%dma_wait3A_1879 : memref<64xf32, #tpu.memory_space<hbm>>) dst(%dma_wait3A_1876 : memref<64xf32, #tpu.memory_space<vmem>>)
    %dma_wait3A_1880 = arith.constant 0 : i32
    %dma_wait3A_1881 = arith.constant 0 : i32
    %dma_wait3A_1882 = arith.constant 0 : i32
    %dma_wait3A_1883 = arith.constant 0 : i32
    %dma_wait3A_1884 = tpu.memref_slice %arg9[%dma_wait3A_1882, %dma_wait3A_1883] : memref<512x64xf32, #tpu.memory_space<vmem>> -> memref<1x64xf32, #tpu.memory_space<vmem>>
    %dma_wait3A_1885 = tpu.memref_squeeze %dma_wait3A_1884 : memref<1x64xf32, #tpu.memory_space<vmem>> -> memref<64xf32, #tpu.memory_space<vmem>>
    %dma_wait3A_1886 = arith.constant 0 : i32
    %dma_wait3A_1887 = tpu.memref_slice %arg5[%dma_wait3A_1880, %dma_wait3A_1881, %dma_wait3A_1886] : memref<125000x8x64xf32, #tpu.memory_space<hbm>> -> memref<1x1x64xf32, #tpu.memory_space<hbm>>
    %dma_wait3A_1888 = tpu.memref_squeeze %dma_wait3A_1887 : memref<1x1x64xf32, #tpu.memory_space<hbm>> -> memref<64xf32, #tpu.memory_space<hbm>>
    %dma_wait3A_1889 = arith.constant 0 : i32
    %dma_wait3A_1890 = tpu.memref_slice %arg9[%dma_wait3A_1882, %dma_wait3A_1889] : memref<512x64xf32, #tpu.memory_space<vmem>> -> memref<1x64xf32, #tpu.memory_space<vmem>>
    %dma_wait3A_1891 = tpu.memref_squeeze %dma_wait3A_1890 : memref<1x64xf32, #tpu.memory_space<vmem>> -> memref<64xf32, #tpu.memory_space<vmem>>
    %dma_wait3A_1892 = arith.constant 0 : i32
    %dma_wait3A_1893 = tpu.memref_slice %arg5[%dma_wait3A_1880, %dma_wait3A_1881, %dma_wait3A_1892] : memref<125000x8x64xf32, #tpu.memory_space<hbm>> -> memref<1x1x64xf32, #tpu.memory_space<hbm>>
    %dma_wait3A_1894 = tpu.memref_squeeze %dma_wait3A_1893 : memref<1x1x64xf32, #tpu.memory_space<hbm>> -> memref<64xf32, #tpu.memory_space<hbm>>
    tpu.wait_dma2 semaphore(%arg10 : memref<!tpu.dma_semaphore, #tpu.memory_space<semaphore_mem>>) src(%dma_wait3A_1894 : memref<64xf32, #tpu.memory_space<hbm>>) dst(%dma_wait3A_1891 : memref<64xf32, #tpu.memory_space<vmem>>)
    %dma_wait3A_1895 = arith.constant 0 : i32
    %dma_wait3A_1896 = arith.constant 0 : i32
    %dma_wait3A_1897 = arith.constant 0 : i32
    %dma_wait3A_1898 = arith.constant 0 : i32
    %dma_wait3A_1899 = tpu.memref_slice %arg9[%dma_wait3A_1897, %dma_wait3A_1898] : memref<512x64xf32, #tpu.memory_space<vmem>> -> memref<1x64xf32, #tpu.memory_space<vmem>>
    %dma_wait3A_1900 = tpu.memref_squeeze %dma_wait3A_1899 : memref<1x64xf32, #tpu.memory_space<vmem>> -> memref<64xf32, #tpu.memory_space<vmem>>
    %dma_wait3A_1901 = arith.constant 0 : i32
    %dma_wait3A_1902 = tpu.memref_slice %arg5[%dma_wait3A_1895, %dma_wait3A_1896, %dma_wait3A_1901] : memref<125000x8x64xf32, #tpu.memory_space<hbm>> -> memref<1x1x64xf32, #tpu.memory_space<hbm>>
    %dma_wait3A_1903 = tpu.memref_squeeze %dma_wait3A_1902 : memref<1x1x64xf32, #tpu.memory_space<hbm>> -> memref<64xf32, #tpu.memory_space<hbm>>
    %dma_wait3A_1904 = arith.constant 0 : i32
    %dma_wait3A_1905 = tpu.memref_slice %arg9[%dma_wait3A_1897, %dma_wait3A_1904] : memref<512x64xf32, #tpu.memory_space<vmem>> -> memref<1x64xf32, #tpu.memory_space<vmem>>
    %dma_wait3A_1906 = tpu.memref_squeeze %dma_wait3A_1905 : memref<1x64xf32, #tpu.memory_space<vmem>> -> memref<64xf32, #tpu.memory_space<vmem>>
    %dma_wait3A_1907 = arith.constant 0 : i32
    %dma_wait3A_1908 = tpu.memref_slice %arg5[%dma_wait3A_1895, %dma_wait3A_1896, %dma_wait3A_1907] : memref<125000x8x64xf32, #tpu.memory_space<hbm>> -> memref<1x1x64xf32, #tpu.memory_space<hbm>>
    %dma_wait3A_1909 = tpu.memref_squeeze %dma_wait3A_1908 : memref<1x1x64xf32, #tpu.memory_space<hbm>> -> memref<64xf32, #tpu.memory_space<hbm>>
    tpu.wait_dma2 semaphore(%arg10 : memref<!tpu.dma_semaphore, #tpu.memory_space<semaphore_mem>>) src(%dma_wait3A_1909 : memref<64xf32, #tpu.memory_space<hbm>>) dst(%dma_wait3A_1906 : memref<64xf32, #tpu.memory_space<vmem>>)
    %dma_wait3A_1910 = arith.constant 0 : i32
    %dma_wait3A_1911 = arith.constant 0 : i32
    %dma_wait3A_1912 = arith.constant 0 : i32
    %dma_wait3A_1913 = arith.constant 0 : i32
    %dma_wait3A_1914 = tpu.memref_slice %arg9[%dma_wait3A_1912, %dma_wait3A_1913] : memref<512x64xf32, #tpu.memory_space<vmem>> -> memref<1x64xf32, #tpu.memory_space<vmem>>
    %dma_wait3A_1915 = tpu.memref_squeeze %dma_wait3A_1914 : memref<1x64xf32, #tpu.memory_space<vmem>> -> memref<64xf32, #tpu.memory_space<vmem>>
    %dma_wait3A_1916 = arith.constant 0 : i32
    %dma_wait3A_1917 = tpu.memref_slice %arg5[%dma_wait3A_1910, %dma_wait3A_1911, %dma_wait3A_1916] : memref<125000x8x64xf32, #tpu.memory_space<hbm>> -> memref<1x1x64xf32, #tpu.memory_space<hbm>>
    %dma_wait3A_1918 = tpu.memref_squeeze %dma_wait3A_1917 : memref<1x1x64xf32, #tpu.memory_space<hbm>> -> memref<64xf32, #tpu.memory_space<hbm>>
    %dma_wait3A_1919 = arith.constant 0 : i32
    %dma_wait3A_1920 = tpu.memref_slice %arg9[%dma_wait3A_1912, %dma_wait3A_1919] : memref<512x64xf32, #tpu.memory_space<vmem>> -> memref<1x64xf32, #tpu.memory_space<vmem>>
    %dma_wait3A_1921 = tpu.memref_squeeze %dma_wait3A_1920 : memref<1x64xf32, #tpu.memory_space<vmem>> -> memref<64xf32, #tpu.memory_space<vmem>>
    %dma_wait3A_1922 = arith.constant 0 : i32
    %dma_wait3A_1923 = tpu.memref_slice %arg5[%dma_wait3A_1910, %dma_wait3A_1911, %dma_wait3A_1922] : memref<125000x8x64xf32, #tpu.memory_space<hbm>> -> memref<1x1x64xf32, #tpu.memory_space<hbm>>
    %dma_wait3A_1924 = tpu.memref_squeeze %dma_wait3A_1923 : memref<1x1x64xf32, #tpu.memory_space<hbm>> -> memref<64xf32, #tpu.memory_space<hbm>>
    tpu.wait_dma2 semaphore(%arg10 : memref<!tpu.dma_semaphore, #tpu.memory_space<semaphore_mem>>) src(%dma_wait3A_1924 : memref<64xf32, #tpu.memory_space<hbm>>) dst(%dma_wait3A_1921 : memref<64xf32, #tpu.memory_space<vmem>>)
    %dma_wait3A_1925 = arith.constant 0 : i32
    %dma_wait3A_1926 = arith.constant 0 : i32
    %dma_wait3A_1927 = arith.constant 0 : i32
    %dma_wait3A_1928 = arith.constant 0 : i32
    %dma_wait3A_1929 = tpu.memref_slice %arg9[%dma_wait3A_1927, %dma_wait3A_1928] : memref<512x64xf32, #tpu.memory_space<vmem>> -> memref<1x64xf32, #tpu.memory_space<vmem>>
    %dma_wait3A_1930 = tpu.memref_squeeze %dma_wait3A_1929 : memref<1x64xf32, #tpu.memory_space<vmem>> -> memref<64xf32, #tpu.memory_space<vmem>>
    %dma_wait3A_1931 = arith.constant 0 : i32
    %dma_wait3A_1932 = tpu.memref_slice %arg5[%dma_wait3A_1925, %dma_wait3A_1926, %dma_wait3A_1931] : memref<125000x8x64xf32, #tpu.memory_space<hbm>> -> memref<1x1x64xf32, #tpu.memory_space<hbm>>
    %dma_wait3A_1933 = tpu.memref_squeeze %dma_wait3A_1932 : memref<1x1x64xf32, #tpu.memory_space<hbm>> -> memref<64xf32, #tpu.memory_space<hbm>>
    %dma_wait3A_1934 = arith.constant 0 : i32
    %dma_wait3A_1935 = tpu.memref_slice %arg9[%dma_wait3A_1927, %dma_wait3A_1934] : memref<512x64xf32, #tpu.memory_space<vmem>> -> memref<1x64xf32, #tpu.memory_space<vmem>>
    %dma_wait3A_1936 = tpu.memref_squeeze %dma_wait3A_1935 : memref<1x64xf32, #tpu.memory_space<vmem>> -> memref<64xf32, #tpu.memory_space<vmem>>
    %dma_wait3A_1937 = arith.constant 0 : i32
    %dma_wait3A_1938 = tpu.memref_slice %arg5[%dma_wait3A_1925, %dma_wait3A_1926, %dma_wait3A_1937] : memref<125000x8x64xf32, #tpu.memory_space<hbm>> -> memref<1x1x64xf32, #tpu.memory_space<hbm>>
    %dma_wait3A_1939 = tpu.memref_squeeze %dma_wait3A_1938 : memref<1x1x64xf32, #tpu.memory_space<hbm>> -> memref<64xf32, #tpu.memory_space<hbm>>
    tpu.wait_dma2 semaphore(%arg10 : memref<!tpu.dma_semaphore, #tpu.memory_space<semaphore_mem>>) src(%dma_wait3A_1939 : memref<64xf32, #tpu.memory_space<hbm>>) dst(%dma_wait3A_1936 : memref<64xf32, #tpu.memory_space<vmem>>)
    %dma_wait3A_1940 = arith.constant 0 : i32
    %dma_wait3A_1941 = arith.constant 0 : i32
    %dma_wait3A_1942 = arith.constant 0 : i32
    %dma_wait3A_1943 = arith.constant 0 : i32
    %dma_wait3A_1944 = tpu.memref_slice %arg9[%dma_wait3A_1942, %dma_wait3A_1943] : memref<512x64xf32, #tpu.memory_space<vmem>> -> memref<1x64xf32, #tpu.memory_space<vmem>>
    %dma_wait3A_1945 = tpu.memref_squeeze %dma_wait3A_1944 : memref<1x64xf32, #tpu.memory_space<vmem>> -> memref<64xf32, #tpu.memory_space<vmem>>
    %dma_wait3A_1946 = arith.constant 0 : i32
    %dma_wait3A_1947 = tpu.memref_slice %arg5[%dma_wait3A_1940, %dma_wait3A_1941, %dma_wait3A_1946] : memref<125000x8x64xf32, #tpu.memory_space<hbm>> -> memref<1x1x64xf32, #tpu.memory_space<hbm>>
    %dma_wait3A_1948 = tpu.memref_squeeze %dma_wait3A_1947 : memref<1x1x64xf32, #tpu.memory_space<hbm>> -> memref<64xf32, #tpu.memory_space<hbm>>
    %dma_wait3A_1949 = arith.constant 0 : i32
    %dma_wait3A_1950 = tpu.memref_slice %arg9[%dma_wait3A_1942, %dma_wait3A_1949] : memref<512x64xf32, #tpu.memory_space<vmem>> -> memref<1x64xf32, #tpu.memory_space<vmem>>
    %dma_wait3A_1951 = tpu.memref_squeeze %dma_wait3A_1950 : memref<1x64xf32, #tpu.memory_space<vmem>> -> memref<64xf32, #tpu.memory_space<vmem>>
    %dma_wait3A_1952 = arith.constant 0 : i32
    %dma_wait3A_1953 = tpu.memref_slice %arg5[%dma_wait3A_1940, %dma_wait3A_1941, %dma_wait3A_1952] : memref<125000x8x64xf32, #tpu.memory_space<hbm>> -> memref<1x1x64xf32, #tpu.memory_space<hbm>>
    %dma_wait3A_1954 = tpu.memref_squeeze %dma_wait3A_1953 : memref<1x1x64xf32, #tpu.memory_space<hbm>> -> memref<64xf32, #tpu.memory_space<hbm>>
    tpu.wait_dma2 semaphore(%arg10 : memref<!tpu.dma_semaphore, #tpu.memory_space<semaphore_mem>>) src(%dma_wait3A_1954 : memref<64xf32, #tpu.memory_space<hbm>>) dst(%dma_wait3A_1951 : memref<64xf32, #tpu.memory_space<vmem>>)
    %dma_wait3A_1955 = arith.constant 0 : i32
    %dma_wait3A_1956 = arith.constant 0 : i32
    %dma_wait3A_1957 = arith.constant 0 : i32
    %dma_wait3A_1958 = arith.constant 0 : i32
    %dma_wait3A_1959 = tpu.memref_slice %arg9[%dma_wait3A_1957, %dma_wait3A_1958] : memref<512x64xf32, #tpu.memory_space<vmem>> -> memref<1x64xf32, #tpu.memory_space<vmem>>
    %dma_wait3A_1960 = tpu.memref_squeeze %dma_wait3A_1959 : memref<1x64xf32, #tpu.memory_space<vmem>> -> memref<64xf32, #tpu.memory_space<vmem>>
    %dma_wait3A_1961 = arith.constant 0 : i32
    %dma_wait3A_1962 = tpu.memref_slice %arg5[%dma_wait3A_1955, %dma_wait3A_1956, %dma_wait3A_1961] : memref<125000x8x64xf32, #tpu.memory_space<hbm>> -> memref<1x1x64xf32, #tpu.memory_space<hbm>>
    %dma_wait3A_1963 = tpu.memref_squeeze %dma_wait3A_1962 : memref<1x1x64xf32, #tpu.memory_space<hbm>> -> memref<64xf32, #tpu.memory_space<hbm>>
    %dma_wait3A_1964 = arith.constant 0 : i32
    %dma_wait3A_1965 = tpu.memref_slice %arg9[%dma_wait3A_1957, %dma_wait3A_1964] : memref<512x64xf32, #tpu.memory_space<vmem>> -> memref<1x64xf32, #tpu.memory_space<vmem>>
    %dma_wait3A_1966 = tpu.memref_squeeze %dma_wait3A_1965 : memref<1x64xf32, #tpu.memory_space<vmem>> -> memref<64xf32, #tpu.memory_space<vmem>>
    %dma_wait3A_1967 = arith.constant 0 : i32
    %dma_wait3A_1968 = tpu.memref_slice %arg5[%dma_wait3A_1955, %dma_wait3A_1956, %dma_wait3A_1967] : memref<125000x8x64xf32, #tpu.memory_space<hbm>> -> memref<1x1x64xf32, #tpu.memory_space<hbm>>
    %dma_wait3A_1969 = tpu.memref_squeeze %dma_wait3A_1968 : memref<1x1x64xf32, #tpu.memory_space<hbm>> -> memref<64xf32, #tpu.memory_space<hbm>>
    tpu.wait_dma2 semaphore(%arg10 : memref<!tpu.dma_semaphore, #tpu.memory_space<semaphore_mem>>) src(%dma_wait3A_1969 : memref<64xf32, #tpu.memory_space<hbm>>) dst(%dma_wait3A_1966 : memref<64xf32, #tpu.memory_space<vmem>>)
    %dma_wait3A_1970 = arith.constant 0 : i32
    %dma_wait3A_1971 = arith.constant 0 : i32
    %dma_wait3A_1972 = arith.constant 0 : i32
    %dma_wait3A_1973 = arith.constant 0 : i32
    %dma_wait3A_1974 = tpu.memref_slice %arg9[%dma_wait3A_1972, %dma_wait3A_1973] : memref<512x64xf32, #tpu.memory_space<vmem>> -> memref<1x64xf32, #tpu.memory_space<vmem>>
    %dma_wait3A_1975 = tpu.memref_squeeze %dma_wait3A_1974 : memref<1x64xf32, #tpu.memory_space<vmem>> -> memref<64xf32, #tpu.memory_space<vmem>>
    %dma_wait3A_1976 = arith.constant 0 : i32
    %dma_wait3A_1977 = tpu.memref_slice %arg5[%dma_wait3A_1970, %dma_wait3A_1971, %dma_wait3A_1976] : memref<125000x8x64xf32, #tpu.memory_space<hbm>> -> memref<1x1x64xf32, #tpu.memory_space<hbm>>
    %dma_wait3A_1978 = tpu.memref_squeeze %dma_wait3A_1977 : memref<1x1x64xf32, #tpu.memory_space<hbm>> -> memref<64xf32, #tpu.memory_space<hbm>>
    %dma_wait3A_1979 = arith.constant 0 : i32
    %dma_wait3A_1980 = tpu.memref_slice %arg9[%dma_wait3A_1972, %dma_wait3A_1979] : memref<512x64xf32, #tpu.memory_space<vmem>> -> memref<1x64xf32, #tpu.memory_space<vmem>>
    %dma_wait3A_1981 = tpu.memref_squeeze %dma_wait3A_1980 : memref<1x64xf32, #tpu.memory_space<vmem>> -> memref<64xf32, #tpu.memory_space<vmem>>
    %dma_wait3A_1982 = arith.constant 0 : i32
    %dma_wait3A_1983 = tpu.memref_slice %arg5[%dma_wait3A_1970, %dma_wait3A_1971, %dma_wait3A_1982] : memref<125000x8x64xf32, #tpu.memory_space<hbm>> -> memref<1x1x64xf32, #tpu.memory_space<hbm>>
    %dma_wait3A_1984 = tpu.memref_squeeze %dma_wait3A_1983 : memref<1x1x64xf32, #tpu.memory_space<hbm>> -> memref<64xf32, #tpu.memory_space<hbm>>
    tpu.wait_dma2 semaphore(%arg10 : memref<!tpu.dma_semaphore, #tpu.memory_space<semaphore_mem>>) src(%dma_wait3A_1984 : memref<64xf32, #tpu.memory_space<hbm>>) dst(%dma_wait3A_1981 : memref<64xf32, #tpu.memory_space<vmem>>)
    %dma_wait3A_1985 = arith.constant 0 : i32
    %dma_wait3A_1986 = arith.constant 0 : i32
    %dma_wait3A_1987 = arith.constant 0 : i32
    %dma_wait3A_1988 = arith.constant 0 : i32
    %dma_wait3A_1989 = tpu.memref_slice %arg9[%dma_wait3A_1987, %dma_wait3A_1988] : memref<512x64xf32, #tpu.memory_space<vmem>> -> memref<1x64xf32, #tpu.memory_space<vmem>>
    %dma_wait3A_1990 = tpu.memref_squeeze %dma_wait3A_1989 : memref<1x64xf32, #tpu.memory_space<vmem>> -> memref<64xf32, #tpu.memory_space<vmem>>
    %dma_wait3A_1991 = arith.constant 0 : i32
    %dma_wait3A_1992 = tpu.memref_slice %arg5[%dma_wait3A_1985, %dma_wait3A_1986, %dma_wait3A_1991] : memref<125000x8x64xf32, #tpu.memory_space<hbm>> -> memref<1x1x64xf32, #tpu.memory_space<hbm>>
    %dma_wait3A_1993 = tpu.memref_squeeze %dma_wait3A_1992 : memref<1x1x64xf32, #tpu.memory_space<hbm>> -> memref<64xf32, #tpu.memory_space<hbm>>
    %dma_wait3A_1994 = arith.constant 0 : i32
    %dma_wait3A_1995 = tpu.memref_slice %arg9[%dma_wait3A_1987, %dma_wait3A_1994] : memref<512x64xf32, #tpu.memory_space<vmem>> -> memref<1x64xf32, #tpu.memory_space<vmem>>
    %dma_wait3A_1996 = tpu.memref_squeeze %dma_wait3A_1995 : memref<1x64xf32, #tpu.memory_space<vmem>> -> memref<64xf32, #tpu.memory_space<vmem>>
    %dma_wait3A_1997 = arith.constant 0 : i32
    %dma_wait3A_1998 = tpu.memref_slice %arg5[%dma_wait3A_1985, %dma_wait3A_1986, %dma_wait3A_1997] : memref<125000x8x64xf32, #tpu.memory_space<hbm>> -> memref<1x1x64xf32, #tpu.memory_space<hbm>>
    %dma_wait3A_1999 = tpu.memref_squeeze %dma_wait3A_1998 : memref<1x1x64xf32, #tpu.memory_space<hbm>> -> memref<64xf32, #tpu.memory_space<hbm>>
    tpu.wait_dma2 semaphore(%arg10 : memref<!tpu.dma_semaphore, #tpu.memory_space<semaphore_mem>>) src(%dma_wait3A_1999 : memref<64xf32, #tpu.memory_space<hbm>>) dst(%dma_wait3A_1996 : memref<64xf32, #tpu.memory_space<vmem>>)
    %dma_wait3A_2000 = arith.constant 0 : i32
    %dma_wait3A_2001 = arith.constant 0 : i32
    %dma_wait3A_2002 = arith.constant 0 : i32
    %dma_wait3A_2003 = arith.constant 0 : i32
    %dma_wait3A_2004 = tpu.memref_slice %arg9[%dma_wait3A_2002, %dma_wait3A_2003] : memref<512x64xf32, #tpu.memory_space<vmem>> -> memref<1x64xf32, #tpu.memory_space<vmem>>
    %dma_wait3A_2005 = tpu.memref_squeeze %dma_wait3A_2004 : memref<1x64xf32, #tpu.memory_space<vmem>> -> memref<64xf32, #tpu.memory_space<vmem>>
    %dma_wait3A_2006 = arith.constant 0 : i32
    %dma_wait3A_2007 = tpu.memref_slice %arg5[%dma_wait3A_2000, %dma_wait3A_2001, %dma_wait3A_2006] : memref<125000x8x64xf32, #tpu.memory_space<hbm>> -> memref<1x1x64xf32, #tpu.memory_space<hbm>>
    %dma_wait3A_2008 = tpu.memref_squeeze %dma_wait3A_2007 : memref<1x1x64xf32, #tpu.memory_space<hbm>> -> memref<64xf32, #tpu.memory_space<hbm>>
    %dma_wait3A_2009 = arith.constant 0 : i32
    %dma_wait3A_2010 = tpu.memref_slice %arg9[%dma_wait3A_2002, %dma_wait3A_2009] : memref<512x64xf32, #tpu.memory_space<vmem>> -> memref<1x64xf32, #tpu.memory_space<vmem>>
    %dma_wait3A_2011 = tpu.memref_squeeze %dma_wait3A_2010 : memref<1x64xf32, #tpu.memory_space<vmem>> -> memref<64xf32, #tpu.memory_space<vmem>>
    %dma_wait3A_2012 = arith.constant 0 : i32
    %dma_wait3A_2013 = tpu.memref_slice %arg5[%dma_wait3A_2000, %dma_wait3A_2001, %dma_wait3A_2012] : memref<125000x8x64xf32, #tpu.memory_space<hbm>> -> memref<1x1x64xf32, #tpu.memory_space<hbm>>
    %dma_wait3A_2014 = tpu.memref_squeeze %dma_wait3A_2013 : memref<1x1x64xf32, #tpu.memory_space<hbm>> -> memref<64xf32, #tpu.memory_space<hbm>>
    tpu.wait_dma2 semaphore(%arg10 : memref<!tpu.dma_semaphore, #tpu.memory_space<semaphore_mem>>) src(%dma_wait3A_2014 : memref<64xf32, #tpu.memory_space<hbm>>) dst(%dma_wait3A_2011 : memref<64xf32, #tpu.memory_space<vmem>>)
    %dma_wait3A_2015 = arith.constant 0 : i32
    %dma_wait3A_2016 = arith.constant 0 : i32
    %dma_wait3A_2017 = arith.constant 0 : i32
    %dma_wait3A_2018 = arith.constant 0 : i32
    %dma_wait3A_2019 = tpu.memref_slice %arg9[%dma_wait3A_2017, %dma_wait3A_2018] : memref<512x64xf32, #tpu.memory_space<vmem>> -> memref<1x64xf32, #tpu.memory_space<vmem>>
    %dma_wait3A_2020 = tpu.memref_squeeze %dma_wait3A_2019 : memref<1x64xf32, #tpu.memory_space<vmem>> -> memref<64xf32, #tpu.memory_space<vmem>>
    %dma_wait3A_2021 = arith.constant 0 : i32
    %dma_wait3A_2022 = tpu.memref_slice %arg5[%dma_wait3A_2015, %dma_wait3A_2016, %dma_wait3A_2021] : memref<125000x8x64xf32, #tpu.memory_space<hbm>> -> memref<1x1x64xf32, #tpu.memory_space<hbm>>
    %dma_wait3A_2023 = tpu.memref_squeeze %dma_wait3A_2022 : memref<1x1x64xf32, #tpu.memory_space<hbm>> -> memref<64xf32, #tpu.memory_space<hbm>>
    %dma_wait3A_2024 = arith.constant 0 : i32
    %dma_wait3A_2025 = tpu.memref_slice %arg9[%dma_wait3A_2017, %dma_wait3A_2024] : memref<512x64xf32, #tpu.memory_space<vmem>> -> memref<1x64xf32, #tpu.memory_space<vmem>>
    %dma_wait3A_2026 = tpu.memref_squeeze %dma_wait3A_2025 : memref<1x64xf32, #tpu.memory_space<vmem>> -> memref<64xf32, #tpu.memory_space<vmem>>
    %dma_wait3A_2027 = arith.constant 0 : i32
    %dma_wait3A_2028 = tpu.memref_slice %arg5[%dma_wait3A_2015, %dma_wait3A_2016, %dma_wait3A_2027] : memref<125000x8x64xf32, #tpu.memory_space<hbm>> -> memref<1x1x64xf32, #tpu.memory_space<hbm>>
    %dma_wait3A_2029 = tpu.memref_squeeze %dma_wait3A_2028 : memref<1x1x64xf32, #tpu.memory_space<hbm>> -> memref<64xf32, #tpu.memory_space<hbm>>
    tpu.wait_dma2 semaphore(%arg10 : memref<!tpu.dma_semaphore, #tpu.memory_space<semaphore_mem>>) src(%dma_wait3A_2029 : memref<64xf32, #tpu.memory_space<hbm>>) dst(%dma_wait3A_2026 : memref<64xf32, #tpu.memory_space<vmem>>)
    %dma_wait3A_2030 = arith.constant 0 : i32
    %dma_wait3A_2031 = arith.constant 0 : i32
    %dma_wait3A_2032 = arith.constant 0 : i32
    %dma_wait3A_2033 = arith.constant 0 : i32
    %dma_wait3A_2034 = tpu.memref_slice %arg9[%dma_wait3A_2032, %dma_wait3A_2033] : memref<512x64xf32, #tpu.memory_space<vmem>> -> memref<1x64xf32, #tpu.memory_space<vmem>>
    %dma_wait3A_2035 = tpu.memref_squeeze %dma_wait3A_2034 : memref<1x64xf32, #tpu.memory_space<vmem>> -> memref<64xf32, #tpu.memory_space<vmem>>
    %dma_wait3A_2036 = arith.constant 0 : i32
    %dma_wait3A_2037 = tpu.memref_slice %arg5[%dma_wait3A_2030, %dma_wait3A_2031, %dma_wait3A_2036] : memref<125000x8x64xf32, #tpu.memory_space<hbm>> -> memref<1x1x64xf32, #tpu.memory_space<hbm>>
    %dma_wait3A_2038 = tpu.memref_squeeze %dma_wait3A_2037 : memref<1x1x64xf32, #tpu.memory_space<hbm>> -> memref<64xf32, #tpu.memory_space<hbm>>
    %dma_wait3A_2039 = arith.constant 0 : i32
    %dma_wait3A_2040 = tpu.memref_slice %arg9[%dma_wait3A_2032, %dma_wait3A_2039] : memref<512x64xf32, #tpu.memory_space<vmem>> -> memref<1x64xf32, #tpu.memory_space<vmem>>
    %dma_wait3A_2041 = tpu.memref_squeeze %dma_wait3A_2040 : memref<1x64xf32, #tpu.memory_space<vmem>> -> memref<64xf32, #tpu.memory_space<vmem>>
    %dma_wait3A_2042 = arith.constant 0 : i32
    %dma_wait3A_2043 = tpu.memref_slice %arg5[%dma_wait3A_2030, %dma_wait3A_2031, %dma_wait3A_2042] : memref<125000x8x64xf32, #tpu.memory_space<hbm>> -> memref<1x1x64xf32, #tpu.memory_space<hbm>>
    %dma_wait3A_2044 = tpu.memref_squeeze %dma_wait3A_2043 : memref<1x1x64xf32, #tpu.memory_space<hbm>> -> memref<64xf32, #tpu.memory_space<hbm>>
    tpu.wait_dma2 semaphore(%arg10 : memref<!tpu.dma_semaphore, #tpu.memory_space<semaphore_mem>>) src(%dma_wait3A_2044 : memref<64xf32, #tpu.memory_space<hbm>>) dst(%dma_wait3A_2041 : memref<64xf32, #tpu.memory_space<vmem>>)
    %dma_wait3A_2045 = arith.constant 0 : i32
    %dma_wait3A_2046 = arith.constant 0 : i32
    %dma_wait3A_2047 = arith.constant 0 : i32
    %dma_wait3A_2048 = arith.constant 0 : i32
    %dma_wait3A_2049 = tpu.memref_slice %arg9[%dma_wait3A_2047, %dma_wait3A_2048] : memref<512x64xf32, #tpu.memory_space<vmem>> -> memref<1x64xf32, #tpu.memory_space<vmem>>
    %dma_wait3A_2050 = tpu.memref_squeeze %dma_wait3A_2049 : memref<1x64xf32, #tpu.memory_space<vmem>> -> memref<64xf32, #tpu.memory_space<vmem>>
    %dma_wait3A_2051 = arith.constant 0 : i32
    %dma_wait3A_2052 = tpu.memref_slice %arg5[%dma_wait3A_2045, %dma_wait3A_2046, %dma_wait3A_2051] : memref<125000x8x64xf32, #tpu.memory_space<hbm>> -> memref<1x1x64xf32, #tpu.memory_space<hbm>>
    %dma_wait3A_2053 = tpu.memref_squeeze %dma_wait3A_2052 : memref<1x1x64xf32, #tpu.memory_space<hbm>> -> memref<64xf32, #tpu.memory_space<hbm>>
    %dma_wait3A_2054 = arith.constant 0 : i32
    %dma_wait3A_2055 = tpu.memref_slice %arg9[%dma_wait3A_2047, %dma_wait3A_2054] : memref<512x64xf32, #tpu.memory_space<vmem>> -> memref<1x64xf32, #tpu.memory_space<vmem>>
    %dma_wait3A_2056 = tpu.memref_squeeze %dma_wait3A_2055 : memref<1x64xf32, #tpu.memory_space<vmem>> -> memref<64xf32, #tpu.memory_space<vmem>>
    %dma_wait3A_2057 = arith.constant 0 : i32
    %dma_wait3A_2058 = tpu.memref_slice %arg5[%dma_wait3A_2045, %dma_wait3A_2046, %dma_wait3A_2057] : memref<125000x8x64xf32, #tpu.memory_space<hbm>> -> memref<1x1x64xf32, #tpu.memory_space<hbm>>
    %dma_wait3A_2059 = tpu.memref_squeeze %dma_wait3A_2058 : memref<1x1x64xf32, #tpu.memory_space<hbm>> -> memref<64xf32, #tpu.memory_space<hbm>>
    tpu.wait_dma2 semaphore(%arg10 : memref<!tpu.dma_semaphore, #tpu.memory_space<semaphore_mem>>) src(%dma_wait3A_2059 : memref<64xf32, #tpu.memory_space<hbm>>) dst(%dma_wait3A_2056 : memref<64xf32, #tpu.memory_space<vmem>>)
    %dma_wait3A_2060 = arith.constant 0 : i32
    %dma_wait3A_2061 = arith.constant 0 : i32
    %dma_wait3A_2062 = arith.constant 0 : i32
    %dma_wait3A_2063 = arith.constant 0 : i32
    %dma_wait3A_2064 = tpu.memref_slice %arg9[%dma_wait3A_2062, %dma_wait3A_2063] : memref<512x64xf32, #tpu.memory_space<vmem>> -> memref<1x64xf32, #tpu.memory_space<vmem>>
    %dma_wait3A_2065 = tpu.memref_squeeze %dma_wait3A_2064 : memref<1x64xf32, #tpu.memory_space<vmem>> -> memref<64xf32, #tpu.memory_space<vmem>>
    %dma_wait3A_2066 = arith.constant 0 : i32
    %dma_wait3A_2067 = tpu.memref_slice %arg5[%dma_wait3A_2060, %dma_wait3A_2061, %dma_wait3A_2066] : memref<125000x8x64xf32, #tpu.memory_space<hbm>> -> memref<1x1x64xf32, #tpu.memory_space<hbm>>
    %dma_wait3A_2068 = tpu.memref_squeeze %dma_wait3A_2067 : memref<1x1x64xf32, #tpu.memory_space<hbm>> -> memref<64xf32, #tpu.memory_space<hbm>>
    %dma_wait3A_2069 = arith.constant 0 : i32
    %dma_wait3A_2070 = tpu.memref_slice %arg9[%dma_wait3A_2062, %dma_wait3A_2069] : memref<512x64xf32, #tpu.memory_space<vmem>> -> memref<1x64xf32, #tpu.memory_space<vmem>>
    %dma_wait3A_2071 = tpu.memref_squeeze %dma_wait3A_2070 : memref<1x64xf32, #tpu.memory_space<vmem>> -> memref<64xf32, #tpu.memory_space<vmem>>
    %dma_wait3A_2072 = arith.constant 0 : i32
    %dma_wait3A_2073 = tpu.memref_slice %arg5[%dma_wait3A_2060, %dma_wait3A_2061, %dma_wait3A_2072] : memref<125000x8x64xf32, #tpu.memory_space<hbm>> -> memref<1x1x64xf32, #tpu.memory_space<hbm>>
    %dma_wait3A_2074 = tpu.memref_squeeze %dma_wait3A_2073 : memref<1x1x64xf32, #tpu.memory_space<hbm>> -> memref<64xf32, #tpu.memory_space<hbm>>
    tpu.wait_dma2 semaphore(%arg10 : memref<!tpu.dma_semaphore, #tpu.memory_space<semaphore_mem>>) src(%dma_wait3A_2074 : memref<64xf32, #tpu.memory_space<hbm>>) dst(%dma_wait3A_2071 : memref<64xf32, #tpu.memory_space<vmem>>)
    %dma_wait3A_2075 = arith.constant 0 : i32
    %dma_wait3A_2076 = arith.constant 0 : i32
    %dma_wait3A_2077 = arith.constant 0 : i32
    %dma_wait3A_2078 = arith.constant 0 : i32
    %dma_wait3A_2079 = tpu.memref_slice %arg9[%dma_wait3A_2077, %dma_wait3A_2078] : memref<512x64xf32, #tpu.memory_space<vmem>> -> memref<1x64xf32, #tpu.memory_space<vmem>>
    %dma_wait3A_2080 = tpu.memref_squeeze %dma_wait3A_2079 : memref<1x64xf32, #tpu.memory_space<vmem>> -> memref<64xf32, #tpu.memory_space<vmem>>
    %dma_wait3A_2081 = arith.constant 0 : i32
    %dma_wait3A_2082 = tpu.memref_slice %arg5[%dma_wait3A_2075, %dma_wait3A_2076, %dma_wait3A_2081] : memref<125000x8x64xf32, #tpu.memory_space<hbm>> -> memref<1x1x64xf32, #tpu.memory_space<hbm>>
    %dma_wait3A_2083 = tpu.memref_squeeze %dma_wait3A_2082 : memref<1x1x64xf32, #tpu.memory_space<hbm>> -> memref<64xf32, #tpu.memory_space<hbm>>
    %dma_wait3A_2084 = arith.constant 0 : i32
    %dma_wait3A_2085 = tpu.memref_slice %arg9[%dma_wait3A_2077, %dma_wait3A_2084] : memref<512x64xf32, #tpu.memory_space<vmem>> -> memref<1x64xf32, #tpu.memory_space<vmem>>
    %dma_wait3A_2086 = tpu.memref_squeeze %dma_wait3A_2085 : memref<1x64xf32, #tpu.memory_space<vmem>> -> memref<64xf32, #tpu.memory_space<vmem>>
    %dma_wait3A_2087 = arith.constant 0 : i32
    %dma_wait3A_2088 = tpu.memref_slice %arg5[%dma_wait3A_2075, %dma_wait3A_2076, %dma_wait3A_2087] : memref<125000x8x64xf32, #tpu.memory_space<hbm>> -> memref<1x1x64xf32, #tpu.memory_space<hbm>>
    %dma_wait3A_2089 = tpu.memref_squeeze %dma_wait3A_2088 : memref<1x1x64xf32, #tpu.memory_space<hbm>> -> memref<64xf32, #tpu.memory_space<hbm>>
    tpu.wait_dma2 semaphore(%arg10 : memref<!tpu.dma_semaphore, #tpu.memory_space<semaphore_mem>>) src(%dma_wait3A_2089 : memref<64xf32, #tpu.memory_space<hbm>>) dst(%dma_wait3A_2086 : memref<64xf32, #tpu.memory_space<vmem>>)
    %dma_wait3A_2090 = arith.constant 0 : i32
    %dma_wait3A_2091 = arith.constant 0 : i32
    %dma_wait3A_2092 = arith.constant 0 : i32
    %dma_wait3A_2093 = arith.constant 0 : i32
    %dma_wait3A_2094 = tpu.memref_slice %arg9[%dma_wait3A_2092, %dma_wait3A_2093] : memref<512x64xf32, #tpu.memory_space<vmem>> -> memref<1x64xf32, #tpu.memory_space<vmem>>
    %dma_wait3A_2095 = tpu.memref_squeeze %dma_wait3A_2094 : memref<1x64xf32, #tpu.memory_space<vmem>> -> memref<64xf32, #tpu.memory_space<vmem>>
    %dma_wait3A_2096 = arith.constant 0 : i32
    %dma_wait3A_2097 = tpu.memref_slice %arg5[%dma_wait3A_2090, %dma_wait3A_2091, %dma_wait3A_2096] : memref<125000x8x64xf32, #tpu.memory_space<hbm>> -> memref<1x1x64xf32, #tpu.memory_space<hbm>>
    %dma_wait3A_2098 = tpu.memref_squeeze %dma_wait3A_2097 : memref<1x1x64xf32, #tpu.memory_space<hbm>> -> memref<64xf32, #tpu.memory_space<hbm>>
    %dma_wait3A_2099 = arith.constant 0 : i32
    %dma_wait3A_2100 = tpu.memref_slice %arg9[%dma_wait3A_2092, %dma_wait3A_2099] : memref<512x64xf32, #tpu.memory_space<vmem>> -> memref<1x64xf32, #tpu.memory_space<vmem>>
    %dma_wait3A_2101 = tpu.memref_squeeze %dma_wait3A_2100 : memref<1x64xf32, #tpu.memory_space<vmem>> -> memref<64xf32, #tpu.memory_space<vmem>>
    %dma_wait3A_2102 = arith.constant 0 : i32
    %dma_wait3A_2103 = tpu.memref_slice %arg5[%dma_wait3A_2090, %dma_wait3A_2091, %dma_wait3A_2102] : memref<125000x8x64xf32, #tpu.memory_space<hbm>> -> memref<1x1x64xf32, #tpu.memory_space<hbm>>
    %dma_wait3A_2104 = tpu.memref_squeeze %dma_wait3A_2103 : memref<1x1x64xf32, #tpu.memory_space<hbm>> -> memref<64xf32, #tpu.memory_space<hbm>>
    tpu.wait_dma2 semaphore(%arg10 : memref<!tpu.dma_semaphore, #tpu.memory_space<semaphore_mem>>) src(%dma_wait3A_2104 : memref<64xf32, #tpu.memory_space<hbm>>) dst(%dma_wait3A_2101 : memref<64xf32, #tpu.memory_space<vmem>>)
    %dma_wait3A_2105 = arith.constant 0 : i32
    %dma_wait3A_2106 = arith.constant 0 : i32
    %dma_wait3A_2107 = arith.constant 0 : i32
    %dma_wait3A_2108 = arith.constant 0 : i32
    %dma_wait3A_2109 = tpu.memref_slice %arg9[%dma_wait3A_2107, %dma_wait3A_2108] : memref<512x64xf32, #tpu.memory_space<vmem>> -> memref<1x64xf32, #tpu.memory_space<vmem>>
    %dma_wait3A_2110 = tpu.memref_squeeze %dma_wait3A_2109 : memref<1x64xf32, #tpu.memory_space<vmem>> -> memref<64xf32, #tpu.memory_space<vmem>>
    %dma_wait3A_2111 = arith.constant 0 : i32
    %dma_wait3A_2112 = tpu.memref_slice %arg5[%dma_wait3A_2105, %dma_wait3A_2106, %dma_wait3A_2111] : memref<125000x8x64xf32, #tpu.memory_space<hbm>> -> memref<1x1x64xf32, #tpu.memory_space<hbm>>
    %dma_wait3A_2113 = tpu.memref_squeeze %dma_wait3A_2112 : memref<1x1x64xf32, #tpu.memory_space<hbm>> -> memref<64xf32, #tpu.memory_space<hbm>>
    %dma_wait3A_2114 = arith.constant 0 : i32
    %dma_wait3A_2115 = tpu.memref_slice %arg9[%dma_wait3A_2107, %dma_wait3A_2114] : memref<512x64xf32, #tpu.memory_space<vmem>> -> memref<1x64xf32, #tpu.memory_space<vmem>>
    %dma_wait3A_2116 = tpu.memref_squeeze %dma_wait3A_2115 : memref<1x64xf32, #tpu.memory_space<vmem>> -> memref<64xf32, #tpu.memory_space<vmem>>
    %dma_wait3A_2117 = arith.constant 0 : i32
    %dma_wait3A_2118 = tpu.memref_slice %arg5[%dma_wait3A_2105, %dma_wait3A_2106, %dma_wait3A_2117] : memref<125000x8x64xf32, #tpu.memory_space<hbm>> -> memref<1x1x64xf32, #tpu.memory_space<hbm>>
    %dma_wait3A_2119 = tpu.memref_squeeze %dma_wait3A_2118 : memref<1x1x64xf32, #tpu.memory_space<hbm>> -> memref<64xf32, #tpu.memory_space<hbm>>
    tpu.wait_dma2 semaphore(%arg10 : memref<!tpu.dma_semaphore, #tpu.memory_space<semaphore_mem>>) src(%dma_wait3A_2119 : memref<64xf32, #tpu.memory_space<hbm>>) dst(%dma_wait3A_2116 : memref<64xf32, #tpu.memory_space<vmem>>)
    %dma_wait3A_2120 = arith.constant 0 : i32
    %dma_wait3A_2121 = arith.constant 0 : i32
    %dma_wait3A_2122 = arith.constant 0 : i32
    %dma_wait3A_2123 = arith.constant 0 : i32
    %dma_wait3A_2124 = tpu.memref_slice %arg9[%dma_wait3A_2122, %dma_wait3A_2123] : memref<512x64xf32, #tpu.memory_space<vmem>> -> memref<1x64xf32, #tpu.memory_space<vmem>>
    %dma_wait3A_2125 = tpu.memref_squeeze %dma_wait3A_2124 : memref<1x64xf32, #tpu.memory_space<vmem>> -> memref<64xf32, #tpu.memory_space<vmem>>
    %dma_wait3A_2126 = arith.constant 0 : i32
    %dma_wait3A_2127 = tpu.memref_slice %arg5[%dma_wait3A_2120, %dma_wait3A_2121, %dma_wait3A_2126] : memref<125000x8x64xf32, #tpu.memory_space<hbm>> -> memref<1x1x64xf32, #tpu.memory_space<hbm>>
    %dma_wait3A_2128 = tpu.memref_squeeze %dma_wait3A_2127 : memref<1x1x64xf32, #tpu.memory_space<hbm>> -> memref<64xf32, #tpu.memory_space<hbm>>
    %dma_wait3A_2129 = arith.constant 0 : i32
    %dma_wait3A_2130 = tpu.memref_slice %arg9[%dma_wait3A_2122, %dma_wait3A_2129] : memref<512x64xf32, #tpu.memory_space<vmem>> -> memref<1x64xf32, #tpu.memory_space<vmem>>
    %dma_wait3A_2131 = tpu.memref_squeeze %dma_wait3A_2130 : memref<1x64xf32, #tpu.memory_space<vmem>> -> memref<64xf32, #tpu.memory_space<vmem>>
    %dma_wait3A_2132 = arith.constant 0 : i32
    %dma_wait3A_2133 = tpu.memref_slice %arg5[%dma_wait3A_2120, %dma_wait3A_2121, %dma_wait3A_2132] : memref<125000x8x64xf32, #tpu.memory_space<hbm>> -> memref<1x1x64xf32, #tpu.memory_space<hbm>>
    %dma_wait3A_2134 = tpu.memref_squeeze %dma_wait3A_2133 : memref<1x1x64xf32, #tpu.memory_space<hbm>> -> memref<64xf32, #tpu.memory_space<hbm>>
    tpu.wait_dma2 semaphore(%arg10 : memref<!tpu.dma_semaphore, #tpu.memory_space<semaphore_mem>>) src(%dma_wait3A_2134 : memref<64xf32, #tpu.memory_space<hbm>>) dst(%dma_wait3A_2131 : memref<64xf32, #tpu.memory_space<vmem>>)
    %dma_wait3A_2135 = arith.constant 0 : i32
    %dma_wait3A_2136 = arith.constant 0 : i32
    %dma_wait3A_2137 = arith.constant 0 : i32
    %dma_wait3A_2138 = arith.constant 0 : i32
    %dma_wait3A_2139 = tpu.memref_slice %arg9[%dma_wait3A_2137, %dma_wait3A_2138] : memref<512x64xf32, #tpu.memory_space<vmem>> -> memref<1x64xf32, #tpu.memory_space<vmem>>
    %dma_wait3A_2140 = tpu.memref_squeeze %dma_wait3A_2139 : memref<1x64xf32, #tpu.memory_space<vmem>> -> memref<64xf32, #tpu.memory_space<vmem>>
    %dma_wait3A_2141 = arith.constant 0 : i32
    %dma_wait3A_2142 = tpu.memref_slice %arg5[%dma_wait3A_2135, %dma_wait3A_2136, %dma_wait3A_2141] : memref<125000x8x64xf32, #tpu.memory_space<hbm>> -> memref<1x1x64xf32, #tpu.memory_space<hbm>>
    %dma_wait3A_2143 = tpu.memref_squeeze %dma_wait3A_2142 : memref<1x1x64xf32, #tpu.memory_space<hbm>> -> memref<64xf32, #tpu.memory_space<hbm>>
    %dma_wait3A_2144 = arith.constant 0 : i32
    %dma_wait3A_2145 = tpu.memref_slice %arg9[%dma_wait3A_2137, %dma_wait3A_2144] : memref<512x64xf32, #tpu.memory_space<vmem>> -> memref<1x64xf32, #tpu.memory_space<vmem>>
    %dma_wait3A_2146 = tpu.memref_squeeze %dma_wait3A_2145 : memref<1x64xf32, #tpu.memory_space<vmem>> -> memref<64xf32, #tpu.memory_space<vmem>>
    %dma_wait3A_2147 = arith.constant 0 : i32
    %dma_wait3A_2148 = tpu.memref_slice %arg5[%dma_wait3A_2135, %dma_wait3A_2136, %dma_wait3A_2147] : memref<125000x8x64xf32, #tpu.memory_space<hbm>> -> memref<1x1x64xf32, #tpu.memory_space<hbm>>
    %dma_wait3A_2149 = tpu.memref_squeeze %dma_wait3A_2148 : memref<1x1x64xf32, #tpu.memory_space<hbm>> -> memref<64xf32, #tpu.memory_space<hbm>>
    tpu.wait_dma2 semaphore(%arg10 : memref<!tpu.dma_semaphore, #tpu.memory_space<semaphore_mem>>) src(%dma_wait3A_2149 : memref<64xf32, #tpu.memory_space<hbm>>) dst(%dma_wait3A_2146 : memref<64xf32, #tpu.memory_space<vmem>>)
    %dma_wait3A_2150 = arith.constant 0 : i32
    %dma_wait3A_2151 = arith.constant 0 : i32
    %dma_wait3A_2152 = arith.constant 0 : i32
    %dma_wait3A_2153 = arith.constant 0 : i32
    %dma_wait3A_2154 = tpu.memref_slice %arg9[%dma_wait3A_2152, %dma_wait3A_2153] : memref<512x64xf32, #tpu.memory_space<vmem>> -> memref<1x64xf32, #tpu.memory_space<vmem>>
    %dma_wait3A_2155 = tpu.memref_squeeze %dma_wait3A_2154 : memref<1x64xf32, #tpu.memory_space<vmem>> -> memref<64xf32, #tpu.memory_space<vmem>>
    %dma_wait3A_2156 = arith.constant 0 : i32
    %dma_wait3A_2157 = tpu.memref_slice %arg5[%dma_wait3A_2150, %dma_wait3A_2151, %dma_wait3A_2156] : memref<125000x8x64xf32, #tpu.memory_space<hbm>> -> memref<1x1x64xf32, #tpu.memory_space<hbm>>
    %dma_wait3A_2158 = tpu.memref_squeeze %dma_wait3A_2157 : memref<1x1x64xf32, #tpu.memory_space<hbm>> -> memref<64xf32, #tpu.memory_space<hbm>>
    %dma_wait3A_2159 = arith.constant 0 : i32
    %dma_wait3A_2160 = tpu.memref_slice %arg9[%dma_wait3A_2152, %dma_wait3A_2159] : memref<512x64xf32, #tpu.memory_space<vmem>> -> memref<1x64xf32, #tpu.memory_space<vmem>>
    %dma_wait3A_2161 = tpu.memref_squeeze %dma_wait3A_2160 : memref<1x64xf32, #tpu.memory_space<vmem>> -> memref<64xf32, #tpu.memory_space<vmem>>
    %dma_wait3A_2162 = arith.constant 0 : i32
    %dma_wait3A_2163 = tpu.memref_slice %arg5[%dma_wait3A_2150, %dma_wait3A_2151, %dma_wait3A_2162] : memref<125000x8x64xf32, #tpu.memory_space<hbm>> -> memref<1x1x64xf32, #tpu.memory_space<hbm>>
    %dma_wait3A_2164 = tpu.memref_squeeze %dma_wait3A_2163 : memref<1x1x64xf32, #tpu.memory_space<hbm>> -> memref<64xf32, #tpu.memory_space<hbm>>
    tpu.wait_dma2 semaphore(%arg10 : memref<!tpu.dma_semaphore, #tpu.memory_space<semaphore_mem>>) src(%dma_wait3A_2164 : memref<64xf32, #tpu.memory_space<hbm>>) dst(%dma_wait3A_2161 : memref<64xf32, #tpu.memory_space<vmem>>)
    %dma_wait3A_2165 = arith.constant 0 : i32
    %dma_wait3A_2166 = arith.constant 0 : i32
    %dma_wait3A_2167 = arith.constant 0 : i32
    %dma_wait3A_2168 = arith.constant 0 : i32
    %dma_wait3A_2169 = tpu.memref_slice %arg9[%dma_wait3A_2167, %dma_wait3A_2168] : memref<512x64xf32, #tpu.memory_space<vmem>> -> memref<1x64xf32, #tpu.memory_space<vmem>>
    %dma_wait3A_2170 = tpu.memref_squeeze %dma_wait3A_2169 : memref<1x64xf32, #tpu.memory_space<vmem>> -> memref<64xf32, #tpu.memory_space<vmem>>
    %dma_wait3A_2171 = arith.constant 0 : i32
    %dma_wait3A_2172 = tpu.memref_slice %arg5[%dma_wait3A_2165, %dma_wait3A_2166, %dma_wait3A_2171] : memref<125000x8x64xf32, #tpu.memory_space<hbm>> -> memref<1x1x64xf32, #tpu.memory_space<hbm>>
    %dma_wait3A_2173 = tpu.memref_squeeze %dma_wait3A_2172 : memref<1x1x64xf32, #tpu.memory_space<hbm>> -> memref<64xf32, #tpu.memory_space<hbm>>
    %dma_wait3A_2174 = arith.constant 0 : i32
    %dma_wait3A_2175 = tpu.memref_slice %arg9[%dma_wait3A_2167, %dma_wait3A_2174] : memref<512x64xf32, #tpu.memory_space<vmem>> -> memref<1x64xf32, #tpu.memory_space<vmem>>
    %dma_wait3A_2176 = tpu.memref_squeeze %dma_wait3A_2175 : memref<1x64xf32, #tpu.memory_space<vmem>> -> memref<64xf32, #tpu.memory_space<vmem>>
    %dma_wait3A_2177 = arith.constant 0 : i32
    %dma_wait3A_2178 = tpu.memref_slice %arg5[%dma_wait3A_2165, %dma_wait3A_2166, %dma_wait3A_2177] : memref<125000x8x64xf32, #tpu.memory_space<hbm>> -> memref<1x1x64xf32, #tpu.memory_space<hbm>>
    %dma_wait3A_2179 = tpu.memref_squeeze %dma_wait3A_2178 : memref<1x1x64xf32, #tpu.memory_space<hbm>> -> memref<64xf32, #tpu.memory_space<hbm>>
    tpu.wait_dma2 semaphore(%arg10 : memref<!tpu.dma_semaphore, #tpu.memory_space<semaphore_mem>>) src(%dma_wait3A_2179 : memref<64xf32, #tpu.memory_space<hbm>>) dst(%dma_wait3A_2176 : memref<64xf32, #tpu.memory_space<vmem>>)
    %dma_wait3A_2180 = arith.constant 0 : i32
    %dma_wait3A_2181 = arith.constant 0 : i32
    %dma_wait3A_2182 = arith.constant 0 : i32
    %dma_wait3A_2183 = arith.constant 0 : i32
    %dma_wait3A_2184 = tpu.memref_slice %arg9[%dma_wait3A_2182, %dma_wait3A_2183] : memref<512x64xf32, #tpu.memory_space<vmem>> -> memref<1x64xf32, #tpu.memory_space<vmem>>
    %dma_wait3A_2185 = tpu.memref_squeeze %dma_wait3A_2184 : memref<1x64xf32, #tpu.memory_space<vmem>> -> memref<64xf32, #tpu.memory_space<vmem>>
    %dma_wait3A_2186 = arith.constant 0 : i32
    %dma_wait3A_2187 = tpu.memref_slice %arg5[%dma_wait3A_2180, %dma_wait3A_2181, %dma_wait3A_2186] : memref<125000x8x64xf32, #tpu.memory_space<hbm>> -> memref<1x1x64xf32, #tpu.memory_space<hbm>>
    %dma_wait3A_2188 = tpu.memref_squeeze %dma_wait3A_2187 : memref<1x1x64xf32, #tpu.memory_space<hbm>> -> memref<64xf32, #tpu.memory_space<hbm>>
    %dma_wait3A_2189 = arith.constant 0 : i32
    %dma_wait3A_2190 = tpu.memref_slice %arg9[%dma_wait3A_2182, %dma_wait3A_2189] : memref<512x64xf32, #tpu.memory_space<vmem>> -> memref<1x64xf32, #tpu.memory_space<vmem>>
    %dma_wait3A_2191 = tpu.memref_squeeze %dma_wait3A_2190 : memref<1x64xf32, #tpu.memory_space<vmem>> -> memref<64xf32, #tpu.memory_space<vmem>>
    %dma_wait3A_2192 = arith.constant 0 : i32
    %dma_wait3A_2193 = tpu.memref_slice %arg5[%dma_wait3A_2180, %dma_wait3A_2181, %dma_wait3A_2192] : memref<125000x8x64xf32, #tpu.memory_space<hbm>> -> memref<1x1x64xf32, #tpu.memory_space<hbm>>
    %dma_wait3A_2194 = tpu.memref_squeeze %dma_wait3A_2193 : memref<1x1x64xf32, #tpu.memory_space<hbm>> -> memref<64xf32, #tpu.memory_space<hbm>>
    tpu.wait_dma2 semaphore(%arg10 : memref<!tpu.dma_semaphore, #tpu.memory_space<semaphore_mem>>) src(%dma_wait3A_2194 : memref<64xf32, #tpu.memory_space<hbm>>) dst(%dma_wait3A_2191 : memref<64xf32, #tpu.memory_space<vmem>>)
    "tpu.region"() ({
      %run_scoped3A = tpu.sem_alloc : memref<!tpu.dma_semaphore, #tpu.memory_space<semaphore_mem>>
      %dma_start3A_2195 = arith.constant 0 : i32
      %dma_start3A_2196 = tpu.memref_slice %arg7[%multiple_of3A, %dma_start3A_2195] : memref<16384x64xf32, #tpu.memory_space<hbm>> -> memref<512x64xf32, #tpu.memory_space<hbm>>
      %dma_start3A_2197 = arith.constant 0 : i32
      %dma_start3A_2198 = tpu.memref_slice %arg7[%multiple_of3A, %dma_start3A_2197] : memref<16384x64xf32, #tpu.memory_space<hbm>> -> memref<512x64xf32, #tpu.memory_space<hbm>>
      tpu.enqueue_dma source(%arg9 : memref<512x64xf32, #tpu.memory_space<vmem>>) target(%dma_start3A_2198 : memref<512x64xf32, #tpu.memory_space<hbm>>) target_semaphore(%run_scoped3A : memref<!tpu.dma_semaphore, #tpu.memory_space<semaphore_mem>>)
      %dma_wait3A_2199 = arith.constant 0 : i32
      %dma_wait3A_2200 = tpu.memref_slice %arg7[%multiple_of3A, %dma_wait3A_2199] : memref<16384x64xf32, #tpu.memory_space<hbm>> -> memref<512x64xf32, #tpu.memory_space<hbm>>
      %dma_wait3A_2201 = arith.constant 0 : i32
      %dma_wait3A_2202 = tpu.memref_slice %arg7[%multiple_of3A, %dma_wait3A_2201] : memref<16384x64xf32, #tpu.memory_space<hbm>> -> memref<512x64xf32, #tpu.memory_space<hbm>>
      tpu.wait_dma2 semaphore(%run_scoped3A : memref<!tpu.dma_semaphore, #tpu.memory_space<semaphore_mem>>) src(%arg9 : memref<512x64xf32, #tpu.memory_space<vmem>>) dst(%dma_wait3A_2202 : memref<512x64xf32, #tpu.memory_space<hbm>>)
      tpu.yield
    }) : () -> ()
    return
  }
}

</mosaic_0001>

<sc_bundles>
// kernel: kernel.3.cloned.1.call-start
scs
__scs_entry_jumppad:
0x0: {  	(pc) =	sbr.rel $0x88, $3  }
0x1: {  	(tag) =	ssettag $0x0;
	lr =	simm.s32 $0x1  }
0x2: {  	[smem:$0x3F9D] =	sst lr;
	_ =	strace $0xD0000000  }
0x3: {  	_ = 	snop  }
0x4: {  	_ = 	snop  }
0x5: {  	_ = 	snop  }
0x6: {  	_ = 	snop  }
0x7: {  	_ = 	snop  }
__scs_overlays_trampoline_lowered:
0x8: {  	[smem:$0x3FAC] =	sst s0  }
0x9: {  	[smem:$0x3FAD] =	sst s1  }
0xa: {  	[smem:$0x3FAE] =	sst s2  }
0xb: {  	[smem:$0x3FAF] =	sst s3  }
0xc: {  	[smem:$0x3FB0] =	sst s4  }
0xd: {  	[smem:$0x3FB1] =	sst s5  }
0xe: {  	[smem:$0x3FB2] =	sst s6  }
0xf: {  	[smem:$0x3FB3] =	sst s7  }
0x10: {  	[smem:$0x3FB4] =	sst s8  }
0x11: {  	[smem:$0x3FB5] =	sst s9;
	s0 =	simm.s32 @!p0 $0x0  }
0x12: {  	s1 =	sld [smem:$0x3F9B];
	s0 =	simm.s32 @p0 $0x1  }
0x13: {  	[smem:$0x3FB6] =	sst s0;
	s0 =	simm.s32 @!p1 $0x0  }
0x14: {  	s2 =	sld [smem:$0x3F9A];
	s0 =	simm.s32 @p1 $0x1  }
0x15: {  	[smem:$0x3FB7] =	sst s0;
	s0 =	simm.s32 @!p2 $0x0  }
0x16: {  	s3 =	sld [smem:$0x3FDB];
	s0 =	simm.s32 @p2 $0x1  }
0x17: {  	s4 =	simm.s32 $0x1BF5;
	[smem:$0x3FB9] =	sst s0  }
0x18: {  	s0 =	sld [smem:$0x3F9C];
	_ =	swait.ge [sflag:s4], $0x0  }
0x19: {  	s7 =	sld [smem:$0x3F9D]  }
0x1a: {  	s8 =	sadd.s32 $0xFFFFE003, lr  }
0x1b: {  	s9 =	sadd.s32 $0xFFFFFEF7, lr;
	s5 =	simm.s32 $0xFFFFFFFF;
	p2 =	slt.u32 s8, $0xFFFFF086  }
0x1c: {  	p1 =	slt.u32 s9, $0xF7A;
	s5 =	simm.s32 @!p2 $0x0  }
0x1d: {  	s5 =	simm.s32 @p1 $0x1;
	p0 =	seq.s32 s7, s2  }
0x1e: {  	s7 =	smul.u32 @!p0 $0xF7A, s2;
	p2 =	seq.s32 @!p0 s5, $0x0  }
0x1f: {  	s9 =	smul.u32 $0xF7A, s1;
	s8 =	simm.s32 @!p0 $0x1BF5;
	p2 =	por !p2, p0  }
0x20: {  	[sflag:s8] =	ssyncset.s32 @!p0 $0xFFFFF086;
	s6 =	sadd.s32 @!p0 s3, s7;
	s7 =	simm.s32 @!p0 $0x108  }
0x21: {  	s3 =	sadd.s32 s3, s9;
	s6 =	sadd.s32 @!p0 $0x88, s6;
	s7 =	simm.s32 @p2 $0x1082  }
0x22: {  	[simem:s7], [sflag:s8] =	dma.local @!p0 [hbm:s6], $0xF7A  }
0x23: {  	s9 =	sor.u32 $0xD0000000, s2;
	s6 =	simm.s32 $0x108;
	_ =	swait.ge @!p0 [sflag:s8], $0x0  }
0x24: {  	s3 =	sadd.s32 $0x88, s3;
	s6 =	simm.s32 @!p1 $0x1082;
	[sflag:s4] =	ssyncset.s32 $0xFFFFF086  }
0x25: {  	[simem:s6], [sflag:s4] =	dma.local [hbm:s3], $0xF7A  }
0x26: {  	[smem:$0x3F9D] =	sst s1;
	(tag) =	ssettag s2;
	_ =	strace s9  }
0x27: {  	s1 =	sld [smem:$0x3FAD]  }
0x28: {  	s2 =	sld [smem:$0x3FAE]  }
0x29: {  	s4 =	sld [smem:$0x3FB0]  }
0x2a: {  	p0 =	seq.s32 s5, $0x0;
	s5 =	sld [smem:$0x3FB1]  }
0x2b: {  	s6 =	sld [smem:$0x3FB2]  }
0x2c: {  	s7 =	sld [smem:$0x3FB3]  }
0x2d: {  	s3 =	simm.s32 $0x108;
	s8 =	sld [smem:$0x3FB4]  }
0x2e: {  	s3 =	simm.s32 @!p0 $0x1082;
	s9 =	sld [smem:$0x3FB5]  }
0x2f: {  	lr =	sadd.s32 s0, s3;
	s0 =	sld [smem:$0x3FAC]  }
0x30: {  	s3 =	sld [smem:$0x3FAF]  }
0x31: {  	[smem:$0x3FB8] =	sst s10  }
0x32: {  	s10 =	sld [smem:$0x3FB6];
	_ =	sdelay $0x3  }
0x33: {  	p0 =	seq.s32 s10, $0x1;
	s10 =	sld [smem:$0x3FB8];
	_ =	sdelay $0x3  }
0x34: {  	[smem:$0x3FB8] =	sst s10  }
0x35: {  	s10 =	sld [smem:$0x3FB7];
	_ =	sdelay $0x3  }
0x36: {  	p1 =	seq.s32 s10, $0x1;
	s10 =	sld [smem:$0x3FB8];
	_ =	sdelay $0x3  }
0x37: {  	[smem:$0x3FB8] =	sst s10  }
0x38: {  	s10 =	sld [smem:$0x3FB9]  }
0x39: {  	_ = 	snop;
	(pc) =	sbr.ind lr, $3  }
0x3a: {  	_ = 	snop  }
0x3b: {  	_ = 	snop  }
0x3c: {  	p2 =	seq.s32 s10, $0x1;
	s10 =	sld [smem:$0x3FB8]  }
0x3d: {  	_ =	shalt  }
0x3e: {  	_ =	shalt  }
0x3f: {  	_ =	shalt  }
0x40: {  	_ =	shalt  }
0x41: {  	_ =	shalt  }
0x42: {  	_ =	shalt  }
0x43: {  	_ =	shalt  }
0x44: {  	_ =	shalt  }
0x45: {  	_ =	shalt  }
0x46: {  	_ =	shalt  }
0x47: {  	_ =	shalt  }
0x48: {  	_ =	shalt  }
0x49: {  	_ =	shalt  }
0x4a: {  	_ =	shalt  }
0x4b: {  	_ =	shalt  }
0x4c: {  	_ =	shalt  }
0x4d: {  	_ =	shalt  }
0x4e: {  	_ =	shalt  }
0x4f: {  	_ =	shalt  }
0x50: {  	_ =	shalt  }
0x51: {  	_ =	shalt  }
0x52: {  	_ =	shalt  }
0x53: {  	_ =	shalt  }
0x54: {  	_ =	shalt  }
0x55: {  	_ =	shalt  }
0x56: {  	_ =	shalt  }
0x57: {  	_ =	shalt  }
0x58: {  	_ =	shalt  }
0x59: {  	_ =	shalt  }
0x5a: {  	_ =	shalt  }
0x5b: {  	_ =	shalt  }
0x5c: {  	_ =	shalt  }
0x5d: {  	_ =	shalt  }
0x5e: {  	_ =	shalt  }
0x5f: {  	_ =	shalt  }
0x60: {  	_ =	shalt  }
0x61: {  	_ =	shalt  }
0x62: {  	_ =	shalt  }
0x63: {  	_ =	shalt  }
0x64: {  	_ =	shalt  }
0x65: {  	_ =	shalt  }
0x66: {  	_ =	shalt  }
0x67: {  	_ =	shalt  }
0x68: {  	_ =	shalt  }
0x69: {  	_ =	shalt  }
0x6a: {  	_ =	shalt  }
0x6b: {  	_ =	shalt  }
0x6c: {  	_ =	shalt  }
0x6d: {  	_ =	shalt  }
0x6e: {  	_ =	shalt  }
0x6f: {  	_ =	shalt  }
0x70: {  	_ =	shalt  }
0x71: {  	_ =	shalt  }
0x72: {  	_ =	shalt  }
0x73: {  	_ =	shalt  }
0x74: {  	_ =	shalt  }
0x75: {  	_ =	shalt  }
0x76: {  	_ =	shalt  }
0x77: {  	_ =	shalt  }
0x78: {  	_ =	shalt  }
0x79: {  	_ =	shalt  }
0x7a: {  	_ =	shalt  }
0x7b: {  	_ =	shalt  }
0x7c: {  	_ =	shalt  }
0x7d: {  	_ =	shalt  }
0x7e: {  	_ =	shalt  }
0x7f: {  	_ =	shalt  }
0x80: {  	_ =	shalt  }
0x81: {  	_ =	shalt  }
0x82: {  	_ =	shalt  }
0x83: {  	_ =	shalt  }
0x84: {  	_ =	shalt  }
0x85: {  	_ =	shalt  }
0x86: {  	_ =	shalt  }
0x87: {  	_ =	shalt  }
.Lfunc_end0:
.L_simem_size_0:
called_computation_lowered:
.L_overlay_start_0:
0x88: {  	s2 =	sld [smem:$0x3FD9]  }
0x89: {  	s3 =	sld [smem:$0x3FFE];
	_ =	sdelay $0x1  }
0x8a: {  	s1 =	srdreg.scid  }
0x8b: {  	s0 =	sand.u32 $0x1, s1  }
0x8c: {  	s17 =	sshll.u32 s0, $0xA;
	s2 =	sadd.s32 s3, s2  }
0x8d: {  	s2 =	sadd.s32 s2, s17  }
0x8e: {  	[smem:$0x3FC4] =	sst s2  }
0x8f: {  	_ = 	snop  }
0x90: {  	s2 =	sld [smem:$0x3FC9]  }
0x91: {  	s18 =	sld [smem:$0x3FC8];
	(tm) =	ssettm $0x1  }
0x92: {  	s4 =	sld [smem:$0x3FFB];
	_ =	sdelay $0x3  }
0x93: {  	_ =	strace s4  }
0x94: {  	s4 =	sld [smem:$0x3FFC];
	_ =	sdelay $0x3  }
0x95: {  	_ =	strace s4  }
0x96: {  	s4 =	sld [smem:$0x3FFD];
	_ =	sdelay $0x3  }
0x97: {  	_ =	strace s4  }
0x98: {  	_ =	strace $0x8FFFFFFF  }
0x99: {  	s19 =	sld [smem:$0x3FDB];
	_ =	sdelay $0x1  }
0x9a: {  	s5 =	simm.s32 $_scs_section_size  }
0x9b: {  	s6 =	simm.s32 $_size__tile_overlayer_lowered;
	s7 =	simm.s32 $_tile_overlayer_lowered  }
0x9c: {  	s22 =	simm.s32 $0x1BFF;
	s21 =	sshll.u32 s7, $0x1;
	s4 =	sadd.s32 s5, s19  }
0x9d: {  	s8 =	simm.s32 $0x0;
	s20 =	sshll.u32 s6, $0x1;
	s6 =	sadd.s32 s21, s4  }
0x9e: {  	[timem:s8], [sflag:s22] =	dma.local [hbm:s6], s20  }
0x9f: {  	_ =	swait.ge [sflag:s22], s20  }
0xa0: {  	s5 =	ssub.s32 $0x0, s20;
	[sflag:s22] =	ssyncset.done $0x0  }
0xa1: {  	[sflag:s22] =	ssyncadd.s32 s5;
	_ =	sdelay $0x1  }
0xa2: {  	s23 =	simm.s32 $0x1B8B  }
0xa3: {  	_ =	swait.ge [sflag:s23], $0x1  }
0xa4: {  	[sflag:s23] =	ssyncset.done $0x0  }
0xa5: {  	s25 =	simm.s32 $0x1B8E;
	s24 =	sld [smem:$0x3FFE];
	[sflag:s23] =	ssyncadd.s32 $0xFFFFFFFF  }
0xa6: {  	s26 =	simm.s32 $execute0_lowered;
	[smem:$0x3FD2] =	sst s25  }
0xa7: {  	s6 =	sshll.u32 s26, $0x1;
	_ =	strace $0x80000046;
	[dreg:$0x1] =	wrdreg $0xFFFFFFFF  }
0xa8: {  	s28 =	simm.s32 $_size_execute0_lowered;
	s4 =	sadd.s32 s4, s6;
	[dreg:$0x0] =	wrdreg $0x0  }
0xa9: {  	s6 =	sshll.u32 s28, $0x1;
	[dreg:$0x2] =	wrdreg s4  }
0xaa: {  	[dreg:$0x3] =	wrdreg s6  }
0xab: {  	[dreg:$0x4] =	wrdreg $0xC0  }
0xac: {  	_ =	task [dreg:s8], $0x5FFFF  }
0xad: {  	[dreg:$0x1] =	wrdreg $0xFFFFFFFF  }
0xae: {  	[dreg:$0x0] =	wrdreg $0x60  }
0xaf: {  	[dreg:$0x2] =	wrdreg s2  }
0xb0: {  	[dreg:$0x3] =	wrdreg s18  }
0xb1: {  	[dreg:$0x4] =	wrdreg s24  }
0xb2: {  	[dreg:$0x5] =	wrdreg $0x9  }
0xb3: {  	_ =	task.clear_ibuf [dreg:s8], $0x6FFFF;
	_ =	strace $0x90000046  }
0xb4: {  	s29 =	simm.s32 $0x9;
	_ =	strace $0x80000048  }
0xb5: {  	_ =	swait.ge [sflag:s29], $0x1  }
0xb6: {  	[sflag:s29] =	ssyncadd.s32 $0xFFFFFFFF  }
0xb7: {  	_ =	strace $0x90000048  }
0xb8: {  	_ =	sfence  }
0xb9: {  	s30 =	sld [smem:$0x0];
	_ =	sdelay $0x2  }
0xba: {  	s31 =	sshll.u32 s1, $0xD;
	s1 =	sshrl.u32 s1, $0x2  }
0xbb: {  	s3 =	sand.u32 $0x4000, s31;
	s1 =	sadd.s32 s1, s30  }
0xbc: {  	s0 =	sor.u32 s3, s0;
	s1 =	sshll.u32 s1, $0x11  }
0xbd: {  	s0 =	sor.u32 s1, s0  }
0xbe: {  	s0 =	sadd.s32 $0x8F2B, s0  }
0xbf: {  	[sflag:s0] =	ssyncadd.remote.s32 $0x1  }
0xc0: {  	_ =	sfence.sel $0xFFFF  }
0xc1: {  	[dreg:$0x0] =	wrdreg $0xFFFFFFFF;
	(pc) =	sbr.abs _section_cstart, $3  }
0xc2: {  	[dreg:$0x1] =	wrdreg $0xFFFFFFFF  }
0xc3: {  	_ =	task.clear_ibuf [dreg:s8], $0x2FFFF;
	_ =	strace $0x9FFFFFFF  }
0xc4: {  	(tm) =	ssettm $0x7FFFFFFF  }
0xc5: {  	_ =	shalt  }
tec
execute0_lowered:
.L_overlay_start_1:
0x0: {  	(tag) =	ssettag $0x1  }
0x1: {  	s0 =	rddreg [dreg:$0x0]  }
0x2: {  	s1 =	rddreg [dreg:$0x1]  }
0x3: {  	s5 =	rddreg [dreg:$0x2];
	s2 =	simm.s32 $0x0  }
0x4: {  	s3 =	srdreg.scid;
	s4 =	stileid.u32;
	s10 =	simm.s32 $0x2  }
0x5: {  	s11 =	simm.s32 $0x200;
	s19 =	simm.s32 $0x1080;
	s6 =	sand.u32 $0x1, s3  }
0x6: {  	[smem:$0x7FF] =	sst s2;
	s7 =	sshll.u32 s4, $0xA;
	s8 =	sshll.u32 s6, $0x9  }
0x7: {  	s3 =	sadd.s32 $0x800, s5;
	s4 =	sadd.s32 $0xF42C00, s5;
	s7 =	sor.u32 s8, s7  }
0x8: {  	s6 =	ssub.s32 $0x2, s6;
	s8 =	sshll.u32 s7, $0x4;
	s7 =	sshrl.u32 s7, $0x3  }
0x9: {  	_ =	strace $0x80000047;
	s9 =	sshrl.u32 s6, $0x1;
	s0 =	sadd.s32 s0, s7  }
0xa: {  	s6 =	ssub.s32 s6, s9;
	s29 =	sadd.s32 s1, s7;
	[dreg:$0x4] =	wrdreg s0  }
0xb: {  	s5 =	sadd.s32 s8, s5;
	s31 =	smax.u32 s6, $0x1;
	[dreg:$0x6] =	wrdreg s29  }
0xc: {  	s20 =	simm.s32 $0x1100;
	s28 =	sadd.s32 $0x1E85000, s5;
	[dreg:$0x8] =	wrdreg s31  }
0xd: {  	s21 =	simm.s32 $0x1180;
	s30 =	sadd.s32 $0x1EC5000, s5;
	[dreg:$0x5] =	wrdreg s28  }
0xe: {  	s22 =	simm.s32 $0x1;
	s23 =	simm.s32 $0x0;
	[dreg:$0x7] =	wrdreg s30  }
.LBB2_1:
0xf: {  	s0 =	rddreg [dreg:$0x4]  }
0x10: {  	[tilespmem:s2], [sflag:$0x2] =	stream.linear.gather [hbm4b:s0+s2], $0x200, $0x38;
	[tilespmem:$0x10200] =	vst v63  }
0x11: {  	_ =	swait.ge [sflag:s10], $0x200  }
0x12: {  	[sflag:s10] =	ssyncset.done $0x0  }
0x13: {  	[sflag:s10] =	ssyncadd.s32 $0xFFFFFE00  }
0x14: {  	v0 =	vld [tilespmem:$0x0];
	_ =	sdelay $0x4  }
0x15: {  	v0 =	vshll.u32 v0, $0x4  }
0x16: {  	(v2sf) =	vpush v0, $0x0;
	_ =	sdelay $0x1  }
0x17: {  	(v2sf) =	vpush v0, $0x1;
	_ =	sdelay $0x1  }
0x18: {  	(v2sf) =	vpush v0, $0x2;
	_ =	sdelay $0x2  }
0x19: {  	(v2sf) =	vpush v0, $0x3;
	_ =	sdelay $0x7  }
0x1a: {  	s5 =	spop (v2sf);
	(v2sf) =	vpush v0, $0x4;
	_ =	sdelay $0x1  }
0x1b: {  	s12 =	spop (v2sf);
	(v2sf) =	vpush v0, $0x5;
	_ =	sdelay $0x1  }
0x1c: {  	s14 =	spop (v2sf);
	(v2sf) =	vpush v0, $0x6;
	_ =	sdelay $0x1  }
0x1d: {  	s5 =	sand.u32 $0x1FFFFFF0, s5  }
0x1e: {  	s5 =	sadd.s32 s3, s5;
	s16 =	spop (v2sf);
	(v2sf) =	vpush v0, $0x7  }
0x1f: {  	[tilespmem:s11], [sflag:$0x1] =	stream.linear.gather [hbm4b:s5+s2], $0x80, $0x38;
	[tilespmem:$0x10200] =	vst v63  }
0x20: {  	s5 =	sand.u32 $0x1FFFFFF0, s12  }
0x21: {  	s13 =	simm.s32 $0x280;
	s5 =	sadd.s32 s3, s5  }
0x22: {  	[tilespmem:s13], [sflag:$0x1] =	stream.linear.gather [hbm4b:s5+s2], $0x80, $0x38;
	[tilespmem:$0x10200] =	vst v63  }
0x23: {  	s5 =	sand.u32 $0x1FFFFFF0, s14  }
0x24: {  	s15 =	simm.s32 $0x300;
	s5 =	sadd.s32 s3, s5  }
0x25: {  	[tilespmem:s15], [sflag:$0x1] =	stream.linear.gather [hbm4b:s5+s2], $0x80, $0x38;
	[tilespmem:$0x10200] =	vst v63  }
0x26: {  	s18 =	spop (v2sf);
	(v2sf) =	vpush v0, $0x8  }
0x27: {  	s5 =	sand.u32 $0x1FFFFFF0, s16  }
0x28: {  	s17 =	simm.s32 $0x380;
	s5 =	sadd.s32 s3, s5;
	s25 =	spop (v2sf);
	(v2sf) =	vpush v0, $0x9  }
0x29: {  	[tilespmem:s17], [sflag:$0x1] =	stream.linear.gather [hbm4b:s5+s2], $0x80, $0x38;
	[tilespmem:$0x10200] =	vst v63  }
0x2a: {  	s5 =	sand.u32 $0x1FFFFFF0, s18;
	s28 =	spop (v2sf);
	(v2sf) =	vpush v0, $0xA  }
0x2b: {  	s24 =	simm.s32 $0x400;
	s5 =	sadd.s32 s3, s5  }
0x2c: {  	[tilespmem:s24], [sflag:$0x1] =	stream.linear.gather [hbm4b:s5+s2], $0x80, $0x38;
	[tilespmem:$0x10200] =	vst v63  }
0x2d: {  	s30 =	spop (v2sf);
	(v2sf) =	vpush v0, $0xB  }
0x2e: {  	s5 =	sand.u32 $0x1FFFFFF0, s25  }
0x2f: {  	s26 =	simm.s32 $0x480;
	s5 =	sadd.s32 s3, s5  }
0x30: {  	[tilespmem:s26], [sflag:$0x1] =	stream.linear.gather [hbm4b:s5+s2], $0x80, $0x38;
	[tilespmem:$0x10200] =	vst v63  }
0x31: {  	s5 =	sand.u32 $0x1FFFFFF0, s28  }
0x32: {  	s29 =	simm.s32 $0x500;
	s5 =	sadd.s32 s3, s5  }
0x33: {  	[tilespmem:s29], [sflag:$0x1] =	stream.linear.gather [hbm4b:s5+s2], $0x80, $0x38;
	[tilespmem:$0x10200] =	vst v63  }
0x34: {  	s5 =	sand.u32 $0x1FFFFFF0, s30  }
0x35: {  	s31 =	simm.s32 $0x580;
	s5 =	sadd.s32 s3, s5;
	s0 =	spop (v2sf);
	(v2sf) =	vpush v0, $0xC  }
0x36: {  	[tilespmem:s31], [sflag:$0x1] =	stream.linear.gather [hbm4b:s5+s2], $0x80, $0x38;
	[tilespmem:$0x10200] =	vst v63  }
0x37: {  	s6 =	spop (v2sf);
	(v2sf) =	vpush v0, $0xD  }
0x38: {  	s5 =	sand.u32 $0x1FFFFFF0, s0  }
0x39: {  	s1 =	simm.s32 $0x600;
	s5 =	sadd.s32 s3, s5;
	s8 =	spop (v2sf)  }
0x3a: {  	(v2sf) =	vpush v0, $0xE;
	[tilespmem:s1], [sflag:$0x1] =	stream.linear.gather [hbm4b:s5+s2], $0x80, $0x38;
	[tilespmem:$0x10200] =	vst v63  }
0x3b: {  	s5 =	sand.u32 $0x1FFFFFF0, s6  }
0x3c: {  	s7 =	simm.s32 $0x680;
	s12 =	spop (v2sf);
	s5 =	sadd.s32 s3, s5  }
0x3d: {  	(v2sf) =	vpush v0, $0xF;
	[tilespmem:s7], [sflag:$0x1] =	stream.linear.gather [hbm4b:s5+s2], $0x80, $0x38;
	[tilespmem:$0x10200] =	vst v63  }
0x3e: {  	s5 =	sand.u32 $0x1FFFFFF0, s8  }
0x3f: {  	s9 =	simm.s32 $0x700;
	s5 =	sadd.s32 s3, s5  }
0x40: {  	[tilespmem:s9], [sflag:$0x1] =	stream.linear.gather [hbm4b:s5+s2], $0x80, $0x38;
	[tilespmem:$0x10200] =	vst v63  }
0x41: {  	s5 =	sand.u32 $0x1FFFFFF0, s12  }
0x42: {  	s13 =	simm.s32 $0x780;
	s5 =	sadd.s32 s3, s5  }
0x43: {  	[tilespmem:s13], [sflag:$0x1] =	stream.linear.gather [hbm4b:s5+s2], $0x80, $0x38;
	[tilespmem:$0x10200] =	vst v63  }
0x44: {  	s14 =	spop (v2sf)  }
0x45: {  	s5 =	sand.u32 $0x1FFFFFF0, s14  }
0x46: {  	s15 =	simm.s32 $0x800;
	s16 =	spop (v2sf);
	s5 =	sadd.s32 s3, s5  }
0x47: {  	[tilespmem:s15], [sflag:$0x1] =	stream.linear.gather [hbm4b:s5+s2], $0x80, $0x38;
	[tilespmem:$0x10200] =	vst v63  }
0x48: {  	s5 =	sand.u32 $0x1FFFFFF0, s16  }
0x49: {  	s17 =	simm.s32 $0x880;
	s18 =	spop (v2sf);
	s5 =	sadd.s32 s3, s5  }
0x4a: {  	[tilespmem:s17], [sflag:$0x1] =	stream.linear.gather [hbm4b:s5+s2], $0x80, $0x38;
	[tilespmem:$0x10200] =	vst v63  }
0x4b: {  	s5 =	sand.u32 $0x1FFFFFF0, s18  }
0x4c: {  	s24 =	simm.s32 $0x900;
	s25 =	spop (v2sf);
	s5 =	sadd.s32 s3, s5  }
0x4d: {  	[tilespmem:s24], [sflag:$0x1] =	stream.linear.gather [hbm4b:s5+s2], $0x80, $0x38;
	[tilespmem:$0x10200] =	vst v63  }
0x4e: {  	s5 =	sand.u32 $0x1FFFFFF0, s25  }
0x4f: {  	s26 =	simm.s32 $0x980;
	s5 =	sadd.s32 s3, s5  }
0x50: {  	[tilespmem:s26], [sflag:$0x1] =	stream.linear.gather [hbm4b:s5+s2], $0x80, $0x38;
	[tilespmem:$0x10200] =	vst v63  }
0x51: {  	v62 =	vld [tilespmem:$0x10];
	_ =	sdelay $0x4  }
0x52: {  	v0 =	vshll.u32 v62, $0x4  }
0x53: {  	(v2sf) =	vpush v0, $0x0;
	_ =	sdelay $0x1  }
0x54: {  	(v2sf) =	vpush v0, $0x1;
	_ =	sdelay $0x1  }
0x55: {  	(v2sf) =	vpush v0, $0x2;
	_ =	sdelay $0x2  }
0x56: {  	(v2sf) =	vpush v0, $0x3;
	_ =	sdelay $0x7  }
0x57: {  	s28 =	spop (v2sf);
	(v2sf) =	vpush v0, $0x4;
	_ =	sdelay $0x1  }
0x58: {  	s30 =	spop (v2sf);
	(v2sf) =	vpush v0, $0x5;
	_ =	sdelay $0x1  }
0x59: {  	s0 =	spop (v2sf);
	(v2sf) =	vpush v0, $0x6;
	_ =	sdelay $0x1  }
0x5a: {  	s5 =	sand.u32 $0x1FFFFFF0, s28  }
0x5b: {  	s29 =	simm.s32 $0xA00;
	s5 =	sadd.s32 s3, s5;
	s6 =	spop (v2sf);
	(v2sf) =	vpush v0, $0x7  }
0x5c: {  	[tilespmem:s29], [sflag:$0x1] =	stream.linear.gather [hbm4b:s5+s2], $0x80, $0x38;
	[tilespmem:$0x10200] =	vst v63  }
0x5d: {  	s5 =	sand.u32 $0x1FFFFFF0, s30  }
0x5e: {  	s31 =	simm.s32 $0xA80;
	s5 =	sadd.s32 s3, s5  }
0x5f: {  	[tilespmem:s31], [sflag:$0x1] =	stream.linear.gather [hbm4b:s5+s2], $0x80, $0x38;
	[tilespmem:$0x10200] =	vst v63  }
0x60: {  	s5 =	sand.u32 $0x1FFFFFF0, s0  }
0x61: {  	s1 =	simm.s32 $0xB00;
	s5 =	sadd.s32 s3, s5  }
0x62: {  	[tilespmem:s1], [sflag:$0x1] =	stream.linear.gather [hbm4b:s5+s2], $0x80, $0x38;
	[tilespmem:$0x10200] =	vst v63  }
0x63: {  	s8 =	spop (v2sf);
	(v2sf) =	vpush v0, $0x8  }
0x64: {  	s5 =	sand.u32 $0x1FFFFFF0, s6  }
0x65: {  	s7 =	simm.s32 $0xB80;
	s5 =	sadd.s32 s3, s5;
	s12 =	spop (v2sf);
	(v2sf) =	vpush v0, $0x9  }
0x66: {  	[tilespmem:s7], [sflag:$0x1] =	stream.linear.gather [hbm4b:s5+s2], $0x80, $0x38;
	[tilespmem:$0x10200] =	vst v63  }
0x67: {  	s5 =	sand.u32 $0x1FFFFFF0, s8;
	s14 =	spop (v2sf);
	(v2sf) =	vpush v0, $0xA  }
0x68: {  	s9 =	simm.s32 $0xC00;
	s5 =	sadd.s32 s3, s5  }
0x69: {  	[tilespmem:s9], [sflag:$0x1] =	stream.linear.gather [hbm4b:s5+s2], $0x80, $0x38;
	[tilespmem:$0x10200] =	vst v63  }
0x6a: {  	s16 =	spop (v2sf);
	(v2sf) =	vpush v0, $0xB  }
0x6b: {  	s5 =	sand.u32 $0x1FFFFFF0, s12  }
0x6c: {  	s13 =	simm.s32 $0xC80;
	s5 =	sadd.s32 s3, s5  }
0x6d: {  	[tilespmem:s13], [sflag:$0x1] =	stream.linear.gather [hbm4b:s5+s2], $0x80, $0x38;
	[tilespmem:$0x10200] =	vst v63  }
0x6e: {  	s5 =	sand.u32 $0x1FFFFFF0, s14  }
0x6f: {  	s15 =	simm.s32 $0xD00;
	s5 =	sadd.s32 s3, s5  }
0x70: {  	[tilespmem:s15], [sflag:$0x1] =	stream.linear.gather [hbm4b:s5+s2], $0x80, $0x38;
	[tilespmem:$0x10200] =	vst v63  }
0x71: {  	s5 =	sand.u32 $0x1FFFFFF0, s16  }
0x72: {  	s17 =	simm.s32 $0xD80;
	s5 =	sadd.s32 s3, s5;
	s18 =	spop (v2sf);
	(v2sf) =	vpush v0, $0xC  }
0x73: {  	[tilespmem:s17], [sflag:$0x1] =	stream.linear.gather [hbm4b:s5+s2], $0x80, $0x38;
	[tilespmem:$0x10200] =	vst v63  }
0x74: {  	s25 =	spop (v2sf);
	(v2sf) =	vpush v0, $0xD  }
0x75: {  	s5 =	sand.u32 $0x1FFFFFF0, s18  }
0x76: {  	s24 =	simm.s32 $0xE00;
	s5 =	sadd.s32 s3, s5;
	s28 =	spop (v2sf)  }
0x77: {  	(v2sf) =	vpush v0, $0xE;
	[tilespmem:s24], [sflag:$0x1] =	stream.linear.gather [hbm4b:s5+s2], $0x80, $0x38;
	[tilespmem:$0x10200] =	vst v63  }
0x78: {  	s5 =	sand.u32 $0x1FFFFFF0, s25  }
0x79: {  	s26 =	simm.s32 $0xE80;
	s30 =	spop (v2sf);
	s5 =	sadd.s32 s3, s5  }
0x7a: {  	(v2sf) =	vpush v0, $0xF;
	[tilespmem:s26], [sflag:$0x1] =	stream.linear.gather [hbm4b:s5+s2], $0x80, $0x38;
	[tilespmem:$0x10200] =	vst v63  }
0x7b: {  	s5 =	sand.u32 $0x1FFFFFF0, s28  }
0x7c: {  	s29 =	simm.s32 $0xF00;
	s5 =	sadd.s32 s3, s5  }
0x7d: {  	[tilespmem:s29], [sflag:$0x1] =	stream.linear.gather [hbm4b:s5+s2], $0x80, $0x38;
	[tilespmem:$0x10200] =	vst v63  }
0x7e: {  	s5 =	sand.u32 $0x1FFFFFF0, s30  }
0x7f: {  	s31 =	simm.s32 $0xF80;
	s5 =	sadd.s32 s3, s5  }
0x80: {  	[tilespmem:s31], [sflag:$0x1] =	stream.linear.gather [hbm4b:s5+s2], $0x80, $0x38;
	[tilespmem:$0x10200] =	vst v63  }
0x81: {  	s1 =	spop (v2sf)  }
0x82: {  	s5 =	sand.u32 $0x1FFFFFF0, s1  }
0x83: {  	s6 =	simm.s32 $0x1000;
	s7 =	spop (v2sf);
	s5 =	sadd.s32 s3, s5  }
0x84: {  	[tilespmem:s6], [sflag:$0x1] =	stream.linear.gather [hbm4b:s5+s2], $0x80, $0x38;
	[tilespmem:$0x10200] =	vst v63  }
0x85: {  	s5 =	sand.u32 $0x1FFFFFF0, s7  }
0x86: {  	s8 =	spop (v2sf);
	s5 =	sadd.s32 s3, s5  }
0x87: {  	[tilespmem:s19], [sflag:$0x1] =	stream.linear.gather [hbm4b:s5+s2], $0x80, $0x38;
	[tilespmem:$0x10200] =	vst v63  }
0x88: {  	s5 =	sand.u32 $0x1FFFFFF0, s8  }
0x89: {  	s9 =	spop (v2sf);
	s5 =	sadd.s32 s3, s5  }
0x8a: {  	[tilespmem:s20], [sflag:$0x1] =	stream.linear.gather [hbm4b:s5+s2], $0x80, $0x38;
	[tilespmem:$0x10200] =	vst v63  }
0x8b: {  	s5 =	sand.u32 $0x1FFFFFF0, s9  }
0x8c: {  	s24 =	simm.s32 $0x20;
	s5 =	sadd.s32 s3, s5  }
0x8d: {  	[tilespmem:s21], [sflag:$0x1] =	stream.linear.gather [hbm4b:s5+s2], $0x80, $0x38;
	[tilespmem:$0x10200] =	vst v63  }
0x8e: {  	v63 =	vld [tilespmem:s24+$0x0];
	_ =	sdelay $0x4  }
0x8f: {  	v0 =	vshll.u32 v63, $0x4  }
0x90: {  	(v2sf) =	vpush v0, $0x0;
	_ =	sdelay $0x1  }
0x91: {  	(v2sf) =	vpush v0, $0x1;
	_ =	sdelay $0x1  }
0x92: {  	(v2sf) =	vpush v0, $0x2;
	_ =	sdelay $0x2  }
0x93: {  	(v2sf) =	vpush v0, $0x3;
	_ =	sdelay $0x7  }
0x94: {  	s12 =	spop (v2sf);
	(v2sf) =	vpush v0, $0x4;
	_ =	sdelay $0x1  }
0x95: {  	s13 =	spop (v2sf);
	(v2sf) =	vpush v0, $0x5;
	_ =	sdelay $0x1  }
0x96: {  	s15 =	spop (v2sf);
	(v2sf) =	vpush v0, $0x6;
	_ =	sdelay $0x1  }
0x97: {  	s5 =	sand.u32 $0x1FFFFFF0, s12  }
0x98: {  	s6 =	simm.s32 $0x1200;
	s5 =	sadd.s32 s3, s5;
	s17 =	spop (v2sf);
	(v2sf) =	vpush v0, $0x7  }
0x99: {  	[tilespmem:s6], [sflag:$0x1] =	stream.linear.gather [hbm4b:s5+s2], $0x80, $0x38;
	[tilespmem:$0x10200] =	vst v63  }
0x9a: {  	s5 =	sand.u32 $0x1FFFFFF0, s13  }
0x9b: {  	s14 =	simm.s32 $0x1280;
	s5 =	sadd.s32 s3, s5  }
0x9c: {  	[tilespmem:s14], [sflag:$0x1] =	stream.linear.gather [hbm4b:s5+s2], $0x80, $0x38;
	[tilespmem:$0x10200] =	vst v63  }
0x9d: {  	s5 =	sand.u32 $0x1FFFFFF0, s15  }
0x9e: {  	s16 =	simm.s32 $0x1300;
	s5 =	sadd.s32 s3, s5  }
0x9f: {  	[tilespmem:s16], [sflag:$0x1] =	stream.linear.gather [hbm4b:s5+s2], $0x80, $0x38;
	[tilespmem:$0x10200] =	vst v63  }
0xa0: {  	s25 =	spop (v2sf);
	(v2sf) =	vpush v0, $0x8  }
0xa1: {  	s5 =	sand.u32 $0x1FFFFFF0, s17  }
0xa2: {  	s18 =	simm.s32 $0x1380;
	s5 =	sadd.s32 s3, s5;
	s28 =	spop (v2sf);
	(v2sf) =	vpush v0, $0x9  }
0xa3: {  	[tilespmem:s18], [sflag:$0x1] =	stream.linear.gather [hbm4b:s5+s2], $0x80, $0x38;
	[tilespmem:$0x10200] =	vst v63  }
0xa4: {  	s5 =	sand.u32 $0x1FFFFFF0, s25;
	s30 =	spop (v2sf);
	(v2sf) =	vpush v0, $0xA  }
0xa5: {  	s26 =	simm.s32 $0x1400;
	s5 =	sadd.s32 s3, s5  }
0xa6: {  	[tilespmem:s26], [sflag:$0x1] =	stream.linear.gather [hbm4b:s5+s2], $0x80, $0x38;
	[tilespmem:$0x10200] =	vst v63  }
0xa7: {  	s0 =	spop (v2sf);
	(v2sf) =	vpush v0, $0xB  }
0xa8: {  	s5 =	sand.u32 $0x1FFFFFF0, s28  }
0xa9: {  	s29 =	simm.s32 $0x1480;
	s5 =	sadd.s32 s3, s5  }
0xaa: {  	[tilespmem:s29], [sflag:$0x1] =	stream.linear.gather [hbm4b:s5+s2], $0x80, $0x38;
	[tilespmem:$0x10200] =	vst v63  }
0xab: {  	s5 =	sand.u32 $0x1FFFFFF0, s30  }
0xac: {  	s31 =	simm.s32 $0x1500;
	s5 =	sadd.s32 s3, s5  }
0xad: {  	[tilespmem:s31], [sflag:$0x1] =	stream.linear.gather [hbm4b:s5+s2], $0x80, $0x38;
	[tilespmem:$0x10200] =	vst v63  }
0xae: {  	s5 =	sand.u32 $0x1FFFFFF0, s0  }
0xaf: {  	s1 =	simm.s32 $0x1580;
	s5 =	sadd.s32 s3, s5;
	s7 =	spop (v2sf);
	(v2sf) =	vpush v0, $0xC  }
0xb0: {  	[tilespmem:s1], [sflag:$0x1] =	stream.linear.gather [hbm4b:s5+s2], $0x80, $0x38;
	[tilespmem:$0x10200] =	vst v63  }
0xb1: {  	s9 =	spop (v2sf);
	(v2sf) =	vpush v0, $0xD  }
0xb2: {  	s5 =	sand.u32 $0x1FFFFFF0, s7  }
0xb3: {  	s8 =	simm.s32 $0x1600;
	s5 =	sadd.s32 s3, s5;
	s13 =	spop (v2sf)  }
0xb4: {  	(v2sf) =	vpush v0, $0xE;
	[tilespmem:s8], [sflag:$0x1] =	stream.linear.gather [hbm4b:s5+s2], $0x80, $0x38;
	[tilespmem:$0x10200] =	vst v63  }
0xb5: {  	s5 =	sand.u32 $0x1FFFFFF0, s9  }
0xb6: {  	s12 =	simm.s32 $0x1680;
	s15 =	spop (v2sf);
	s5 =	sadd.s32 s3, s5  }
0xb7: {  	(v2sf) =	vpush v0, $0xF;
	[tilespmem:s12], [sflag:$0x1] =	stream.linear.gather [hbm4b:s5+s2], $0x80, $0x38;
	[tilespmem:$0x10200] =	vst v63  }
0xb8: {  	s5 =	sand.u32 $0x1FFFFFF0, s13  }
0xb9: {  	s14 =	simm.s32 $0x1700;
	s5 =	sadd.s32 s3, s5  }
0xba: {  	[tilespmem:s14], [sflag:$0x1] =	stream.linear.gather [hbm4b:s5+s2], $0x80, $0x38;
	[tilespmem:$0x10200] =	vst v63  }
0xbb: {  	s5 =	sand.u32 $0x1FFFFFF0, s15  }
0xbc: {  	s16 =	simm.s32 $0x1780;
	s5 =	sadd.s32 s3, s5  }
0xbd: {  	[tilespmem:s16], [sflag:$0x1] =	stream.linear.gather [hbm4b:s5+s2], $0x80, $0x38;
	[tilespmem:$0x10200] =	vst v63  }
0xbe: {  	s17 =	spop (v2sf)  }
0xbf: {  	s5 =	sand.u32 $0x1FFFFFF0, s17  }
0xc0: {  	s18 =	simm.s32 $0x1800;
	s25 =	spop (v2sf);
	s5 =	sadd.s32 s3, s5  }
0xc1: {  	[tilespmem:s18], [sflag:$0x1] =	stream.linear.gather [hbm4b:s5+s2], $0x80, $0x38;
	[tilespmem:$0x10200] =	vst v63  }
0xc2: {  	s5 =	sand.u32 $0x1FFFFFF0, s25  }
0xc3: {  	s26 =	simm.s32 $0x1880;
	s28 =	spop (v2sf);
	s5 =	sadd.s32 s3, s5  }
0xc4: {  	[tilespmem:s26], [sflag:$0x1] =	stream.linear.gather [hbm4b:s5+s2], $0x80, $0x38;
	[tilespmem:$0x10200] =	vst v63  }
0xc5: {  	s5 =	sand.u32 $0x1FFFFFF0, s28  }
0xc6: {  	s29 =	simm.s32 $0x1900;
	s30 =	spop (v2sf);
	s5 =	sadd.s32 s3, s5  }
0xc7: {  	[tilespmem:s29], [sflag:$0x1] =	stream.linear.gather [hbm4b:s5+s2], $0x80, $0x38;
	[tilespmem:$0x10200] =	vst v63  }
0xc8: {  	s5 =	sand.u32 $0x1FFFFFF0, s30  }
0xc9: {  	s31 =	simm.s32 $0x1980;
	s5 =	sadd.s32 s3, s5  }
0xca: {  	[tilespmem:s31], [sflag:$0x1] =	stream.linear.gather [hbm4b:s5+s2], $0x80, $0x38;
	[tilespmem:$0x10200] =	vst v63  }
0xcb: {  	_ =	swait.ge [sflag:s22], $0x80  }
0xcc: {  	[sflag:s22] =	ssyncset.done $0x0  }
0xcd: {  	[sflag:s22] =	ssyncadd.s32 $0xFFFFFF80  }
0xce: {  	_ =	swait.ge [sflag:s22], $0x80  }
0xcf: {  	[sflag:s22] =	ssyncset.done $0x0  }
0xd0: {  	[sflag:s22] =	ssyncadd.s32 $0xFFFFFF80  }
0xd1: {  	_ =	swait.ge [sflag:s22], $0x80  }
0xd2: {  	[sflag:s22] =	ssyncset.done $0x0  }
0xd3: {  	[sflag:s22] =	ssyncadd.s32 $0xFFFFFF80  }
0xd4: {  	_ =	swait.ge [sflag:s22], $0x80  }
0xd5: {  	[sflag:s22] =	ssyncset.done $0x0  }
0xd6: {  	[sflag:s22] =	ssyncadd.s32 $0xFFFFFF80  }
0xd7: {  	_ =	swait.ge [sflag:s22], $0x80  }
0xd8: {  	[sflag:s22] =	ssyncset.done $0x0  }
0xd9: {  	[sflag:s22] =	ssyncadd.s32 $0xFFFFFF80  }
0xda: {  	_ =	swait.ge [sflag:s22], $0x80  }
0xdb: {  	[sflag:s22] =	ssyncset.done $0x0  }
0xdc: {  	[sflag:s22] =	ssyncadd.s32 $0xFFFFFF80  }
0xdd: {  	_ =	swait.ge [sflag:s22], $0x80  }
0xde: {  	[sflag:s22] =	ssyncset.done $0x0  }
0xdf: {  	[sflag:s22] =	ssyncadd.s32 $0xFFFFFF80  }
0xe0: {  	_ =	swait.ge [sflag:s22], $0x80  }
0xe1: {  	[sflag:s22] =	ssyncset.done $0x0  }
0xe2: {  	[sflag:s22] =	ssyncadd.s32 $0xFFFFFF80  }
0xe3: {  	_ =	swait.ge [sflag:s22], $0x80  }
0xe4: {  	[sflag:s22] =	ssyncset.done $0x0  }
0xe5: {  	[sflag:s22] =	ssyncadd.s32 $0xFFFFFF80  }
0xe6: {  	_ =	swait.ge [sflag:s22], $0x80  }
0xe7: {  	[sflag:s22] =	ssyncset.done $0x0  }
0xe8: {  	[sflag:s22] =	ssyncadd.s32 $0xFFFFFF80  }
0xe9: {  	_ =	swait.ge [sflag:s22], $0x80  }
0xea: {  	[sflag:s22] =	ssyncset.done $0x0  }
0xeb: {  	[sflag:s22] =	ssyncadd.s32 $0xFFFFFF80  }
0xec: {  	_ =	swait.ge [sflag:s22], $0x80  }
0xed: {  	[sflag:s22] =	ssyncset.done $0x0  }
0xee: {  	[sflag:s22] =	ssyncadd.s32 $0xFFFFFF80  }
0xef: {  	_ =	swait.ge [sflag:s22], $0x80  }
0xf0: {  	[sflag:s22] =	ssyncset.done $0x0  }
0xf1: {  	[sflag:s22] =	ssyncadd.s32 $0xFFFFFF80  }
0xf2: {  	s25 =	simm.s32 $0x2000;
	_ =	swait.ge [sflag:s22], $0x80  }
.LBB2_2:
0xf3: {  	p0 =	sne.s32 s25, $0x3A000;
	[sflag:s22] =	ssyncset.done $0x0;
	s24 =	sadd.s32 $0x10, s24  }
0xf4: {  	s5 =	smov.u32 s25;
	s25 =	sadd.s32 $0x2000, s25;
	[sflag:s22] =	ssyncadd.s32 $0xFFFFFF80  }
0xf5: {  	_ =	swait.ge [sflag:s22], $0x80  }
0xf6: {  	[sflag:s22] =	ssyncset.done $0x0  }
0xf7: {  	[sflag:s22] =	ssyncadd.s32 $0xFFFFFF80  }
0xf8: {  	_ =	swait.ge [sflag:s22], $0x80  }
0xf9: {  	[sflag:s22] =	ssyncset.done $0x0  }
0xfa: {  	[sflag:s22] =	ssyncadd.s32 $0xFFFFFF80  }
0xfb: {  	v0 =	vld [tilespmem:s24+$0x0];
	_ =	sdelay $0x4  }
0xfc: {  	v0 =	vshll.u32 v0, $0x4  }
0xfd: {  	(v2sf) =	vpush v0, $0x0  }
0xfe: {  	(v2sf) =	vpush v0, $0x1  }
0xff: {  	(v2sf) =	vpush v0, $0x2;
	_ =	sdelay $0x1  }
0x100: {  	(v2sf) =	vpush v0, $0x3;
	_ =	sdelay $0x1  }
0x101: {  	(v2sf) =	vpush v0, $0x4;
	_ =	sdelay $0x1  }
0x102: {  	(v2sf) =	vpush v0, $0x5  }
0x103: {  	s26 =	sshra.s32 s5, $0x2  }
0x104: {  	s31 =	sadd.s32 $0x1280, s26;
	s9 =	sadd.s32 $0x1380, s26;
	s0 =	sadd.s32 $0x1400, s26;
	(v2sf) =	vpush v0, $0x6  }
0x105: {  	s1 =	sadd.s32 $0x1200, s26;
	s12 =	sadd.s32 $0x1300, s26  }
0x106: {  	s13 =	sadd.s32 $0x1480, s26;
	(v2sf) =	vpush v0, $0x7  }
0x107: {  	s6 =	sadd.s32 $0x1800, s26;
	s28 =	sadd.s32 $0x1880, s26;
	s5 =	sadd.s32 $0x1980, s26  }
0x108: {  	s14 =	sadd.s32 $0x1500, s26;
	s7 =	sadd.s32 $0x1700, s26;
	s29 =	sadd.s32 $0x1780, s26;
	(v2sf) =	vpush v0, $0x8  }
0x109: {  	s8 =	sadd.s32 $0x1600, s26;
	s30 =	sadd.s32 $0x1680, s26;
	s15 =	spop (v2sf)  }
0x10a: {  	s16 =	sadd.s32 $0x1580, s26;
	s15 =	sand.u32 $0x1FFFFFF0, s15;
	s17 =	spop (v2sf);
	(v2sf) =	vpush v0, $0x9  }
0x10b: {  	s15 =	sadd.s32 s3, s15;
	s17 =	sand.u32 $0x1FFFFFF0, s17;
	s18 =	spop (v2sf)  }
0x10c: {  	[tilespmem:s1], [sflag:$0x1] =	stream.linear.gather [hbm4b:s15+s2], $0x80, $0x38;
	(v2sf) =	vpush v0, $0xA;
	[tilespmem:$0x10200] =	vst v63  }
0x10d: {  	s1 =	sadd.s32 s3, s17;
	s15 =	sand.u32 $0x1FFFFFF0, s18;
	s17 =	spop (v2sf)  }
0x10e: {  	[tilespmem:s31], [sflag:$0x1] =	stream.linear.gather [hbm4b:s1+s2], $0x80, $0x38;
	(v2sf) =	vpush v0, $0xB;
	[tilespmem:$0x10200] =	vst v63  }
0x10f: {  	s1 =	sadd.s32 s3, s15;
	s15 =	sand.u32 $0x1FFFFFF0, s17;
	s17 =	spop (v2sf)  }
0x110: {  	[tilespmem:s12], [sflag:$0x1] =	stream.linear.gather [hbm4b:s1+s2], $0x80, $0x38;
	(v2sf) =	vpush v0, $0xC;
	[tilespmem:$0x10200] =	vst v63  }
0x111: {  	s1 =	sadd.s32 s3, s15;
	s12 =	sand.u32 $0x1FFFFFF0, s17;
	s15 =	spop (v2sf)  }
0x112: {  	[tilespmem:s9], [sflag:$0x1] =	stream.linear.gather [hbm4b:s1+s2], $0x80, $0x38;
	(v2sf) =	vpush v0, $0xD;
	[tilespmem:$0x10200] =	vst v63  }
0x113: {  	s1 =	sadd.s32 s3, s12;
	s9 =	sand.u32 $0x1FFFFFF0, s15;
	s12 =	spop (v2sf)  }
0x114: {  	[tilespmem:s0], [sflag:$0x1] =	stream.linear.gather [hbm4b:s1+s2], $0x80, $0x38;
	(v2sf) =	vpush v0, $0xE;
	[tilespmem:$0x10200] =	vst v63  }
0x115: {  	s0 =	sadd.s32 s3, s9;
	s1 =	sand.u32 $0x1FFFFFF0, s12;
	s9 =	spop (v2sf)  }
0x116: {  	[tilespmem:s13], [sflag:$0x1] =	stream.linear.gather [hbm4b:s0+s2], $0x80, $0x38;
	(v2sf) =	vpush v0, $0xF;
	[tilespmem:$0x10200] =	vst v63  }
0x117: {  	s0 =	sadd.s32 s3, s1;
	s1 =	sand.u32 $0x1FFFFFF0, s9;
	s9 =	spop (v2sf)  }
0x118: {  	[tilespmem:s14], [sflag:$0x1] =	stream.linear.gather [hbm4b:s0+s2], $0x80, $0x38;
	[tilespmem:$0x10200] =	vst v63  }
0x119: {  	s0 =	sadd.s32 s3, s1;
	s1 =	sand.u32 $0x1FFFFFF0, s9;
	s9 =	spop (v2sf)  }
0x11a: {  	[tilespmem:s16], [sflag:$0x1] =	stream.linear.gather [hbm4b:s0+s2], $0x80, $0x38;
	[tilespmem:$0x10200] =	vst v63  }
0x11b: {  	s0 =	sadd.s32 s3, s1;
	s1 =	sand.u32 $0x1FFFFFF0, s9;
	s9 =	spop (v2sf)  }
0x11c: {  	[tilespmem:s8], [sflag:$0x1] =	stream.linear.gather [hbm4b:s0+s2], $0x80, $0x38;
	[tilespmem:$0x10200] =	vst v63  }
0x11d: {  	s0 =	sadd.s32 s3, s1;
	s1 =	sand.u32 $0x1FFFFFF0, s9;
	s8 =	spop (v2sf)  }
0x11e: {  	[tilespmem:s30], [sflag:$0x1] =	stream.linear.gather [hbm4b:s0+s2], $0x80, $0x38;
	[tilespmem:$0x10200] =	vst v63  }
0x11f: {  	s0 =	sadd.s32 s3, s1;
	s1 =	sand.u32 $0x1FFFFFF0, s8;
	s8 =	spop (v2sf)  }
0x120: {  	[tilespmem:s7], [sflag:$0x1] =	stream.linear.gather [hbm4b:s0+s2], $0x80, $0x38;
	[tilespmem:$0x10200] =	vst v63  }
0x121: {  	s0 =	sadd.s32 s3, s1;
	s1 =	sand.u32 $0x1FFFFFF0, s8;
	s7 =	spop (v2sf)  }
0x122: {  	[tilespmem:s29], [sflag:$0x1] =	stream.linear.gather [hbm4b:s0+s2], $0x80, $0x38;
	[tilespmem:$0x10200] =	vst v63  }
0x123: {  	s0 =	sadd.s32 s3, s1;
	s1 =	sand.u32 $0x1FFFFFF0, s7;
	s7 =	spop (v2sf)  }
0x124: {  	[tilespmem:s6], [sflag:$0x1] =	stream.linear.gather [hbm4b:s0+s2], $0x80, $0x38;
	[tilespmem:$0x10200] =	vst v63  }
0x125: {  	s0 =	sadd.s32 s3, s1;
	s1 =	sand.u32 $0x1FFFFFF0, s7;
	s6 =	spop (v2sf)  }
0x126: {  	[tilespmem:s28], [sflag:$0x1] =	stream.linear.gather [hbm4b:s0+s2], $0x80, $0x38;
	[tilespmem:$0x10200] =	vst v63  }
0x127: {  	s1 =	sadd.s32 s3, s1;
	s0 =	sadd.s32 $0x1900, s26;
	s6 =	sand.u32 $0x1FFFFFF0, s6  }
0x128: {  	[tilespmem:s0], [sflag:$0x1] =	stream.linear.gather [hbm4b:s1+s2], $0x80, $0x38;
	[tilespmem:$0x10200] =	vst v63  }
0x129: {  	s0 =	sadd.s32 s3, s6  }
0x12a: {  	[tilespmem:s5], [sflag:$0x1] =	stream.linear.gather [hbm4b:s0+s2], $0x80, $0x38;
	[tilespmem:$0x10200] =	vst v63  }
0x12b: {  	_ =	swait.ge [sflag:s22], $0x80  }
0x12c: {  	[sflag:s22] =	ssyncset.done $0x0  }
0x12d: {  	[sflag:s22] =	ssyncadd.s32 $0xFFFFFF80  }
0x12e: {  	_ =	swait.ge [sflag:s22], $0x80  }
0x12f: {  	[sflag:s22] =	ssyncset.done $0x0  }
0x130: {  	[sflag:s22] =	ssyncadd.s32 $0xFFFFFF80  }
0x131: {  	_ =	swait.ge [sflag:s22], $0x80  }
0x132: {  	[sflag:s22] =	ssyncset.done $0x0  }
0x133: {  	[sflag:s22] =	ssyncadd.s32 $0xFFFFFF80  }
0x134: {  	_ =	swait.ge [sflag:s22], $0x80  }
0x135: {  	[sflag:s22] =	ssyncset.done $0x0  }
0x136: {  	[sflag:s22] =	ssyncadd.s32 $0xFFFFFF80  }
0x137: {  	_ =	swait.ge [sflag:s22], $0x80  }
0x138: {  	[sflag:s22] =	ssyncset.done $0x0  }
0x139: {  	[sflag:s22] =	ssyncadd.s32 $0xFFFFFF80  }
0x13a: {  	_ =	swait.ge [sflag:s22], $0x80  }
0x13b: {  	[sflag:s22] =	ssyncset.done $0x0  }
0x13c: {  	[sflag:s22] =	ssyncadd.s32 $0xFFFFFF80  }
0x13d: {  	_ =	swait.ge [sflag:s22], $0x80  }
0x13e: {  	[sflag:s22] =	ssyncset.done $0x0  }
0x13f: {  	[sflag:s22] =	ssyncadd.s32 $0xFFFFFF80  }
0x140: {  	_ =	swait.ge [sflag:s22], $0x80  }
0x141: {  	[sflag:s22] =	ssyncset.done $0x0  }
0x142: {  	[sflag:s22] =	ssyncadd.s32 $0xFFFFFF80  }
0x143: {  	_ =	swait.ge [sflag:s22], $0x80  }
0x144: {  	[sflag:s22] =	ssyncset.done $0x0  }
0x145: {  	[sflag:s22] =	ssyncadd.s32 $0xFFFFFF80  }
0x146: {  	_ =	swait.ge [sflag:s22], $0x80  }
0x147: {  	[sflag:s22] =	ssyncset.done $0x0  }
0x148: {  	[sflag:s22] =	ssyncadd.s32 $0xFFFFFF80  }
0x149: {  	_ =	swait.ge [sflag:s22], $0x80  }
0x14a: {  	[sflag:s22] =	ssyncset.done $0x0  }
0x14b: {  	[sflag:s22] =	ssyncadd.s32 $0xFFFFFF80  }
0x14c: {  	_ =	swait.ge [sflag:s22], $0x80  }
0x14d: {  	[sflag:s22] =	ssyncset.done $0x0  }
.Ltmp0:
0x14e: {  	[sflag:s22] =	ssyncadd.s32 $0xFFFFFF80;
	(pc) =	sbr.rel @p0 .LBB2_2-.Ltmp0, $4  }
0x14f: {  	_ =	swait.ge [sflag:s22], $0x80  }
0x150: {  	[sflag:s22] =	ssyncset.done $0x0  }
0x151: {  	[sflag:s22] =	ssyncadd.s32 $0xFFFFFF80  }
0x152: {  	_ =	swait.ge [sflag:s22], $0x80  }
0x153: {  	[sflag:s22] =	ssyncset.done $0x0  }
0x154: {  	[sflag:s22] =	ssyncadd.s32 $0xFFFFFF80  }
0x155: {  	_ =	swait.ge [sflag:s22], $0x80  }
0x156: {  	[sflag:s22] =	ssyncset.done $0x0  }
0x157: {  	[sflag:s22] =	ssyncadd.s32 $0xFFFFFF80  }
0x158: {  	_ =	swait.ge [sflag:s22], $0x80  }
0x159: {  	[sflag:s22] =	ssyncset.done $0x0  }
0x15a: {  	[sflag:s22] =	ssyncadd.s32 $0xFFFFFF80  }
0x15b: {  	_ =	swait.ge [sflag:s22], $0x80  }
0x15c: {  	[sflag:s22] =	ssyncset.done $0x0  }
0x15d: {  	[sflag:s22] =	ssyncadd.s32 $0xFFFFFF80  }
0x15e: {  	_ =	swait.ge [sflag:s22], $0x80  }
0x15f: {  	[sflag:s22] =	ssyncset.done $0x0  }
0x160: {  	[sflag:s22] =	ssyncadd.s32 $0xFFFFFF80  }
0x161: {  	_ =	swait.ge [sflag:s22], $0x80  }
0x162: {  	[sflag:s22] =	ssyncset.done $0x0  }
0x163: {  	[sflag:s22] =	ssyncadd.s32 $0xFFFFFF80  }
0x164: {  	_ =	swait.ge [sflag:s22], $0x80  }
0x165: {  	[sflag:s22] =	ssyncset.done $0x0  }
0x166: {  	[sflag:s22] =	ssyncadd.s32 $0xFFFFFF80  }
0x167: {  	_ =	swait.ge [sflag:s22], $0x80  }
0x168: {  	[sflag:s22] =	ssyncset.done $0x0  }
0x169: {  	[sflag:s22] =	ssyncadd.s32 $0xFFFFFF80  }
0x16a: {  	_ =	swait.ge [sflag:s22], $0x80  }
0x16b: {  	[sflag:s22] =	ssyncset.done $0x0  }
0x16c: {  	[sflag:s22] =	ssyncadd.s32 $0xFFFFFF80  }
0x16d: {  	_ =	swait.ge [sflag:s22], $0x80  }
0x16e: {  	[sflag:s22] =	ssyncset.done $0x0  }
0x16f: {  	[sflag:s22] =	ssyncadd.s32 $0xFFFFFF80  }
0x170: {  	_ =	swait.ge [sflag:s22], $0x80  }
0x171: {  	[sflag:s22] =	ssyncset.done $0x0  }
0x172: {  	[sflag:s22] =	ssyncadd.s32 $0xFFFFFF80  }
0x173: {  	_ =	swait.ge [sflag:s22], $0x80  }
0x174: {  	[sflag:s22] =	ssyncset.done $0x0  }
0x175: {  	[sflag:s22] =	ssyncadd.s32 $0xFFFFFF80  }
0x176: {  	_ =	swait.ge [sflag:s22], $0x80  }
0x177: {  	[sflag:s22] =	ssyncset.done $0x0  }
0x178: {  	[sflag:s22] =	ssyncadd.s32 $0xFFFFFF80  }
0x179: {  	_ =	swait.ge [sflag:s22], $0x80  }
0x17a: {  	[sflag:s22] =	ssyncset.done $0x0  }
0x17b: {  	[sflag:s22] =	ssyncadd.s32 $0xFFFFFF80  }
0x17c: {  	_ =	swait.ge [sflag:s22], $0x80  }
0x17d: {  	[sflag:s22] =	ssyncset.done $0x0  }
0x17e: {  	[sflag:s22] =	ssyncadd.s32 $0xFFFFFF80  }
0x17f: {  	_ =	swait.ge [sflag:s22], $0x80  }
0x180: {  	[sflag:s22] =	ssyncset.done $0x0  }
0x181: {  	[sflag:s22] =	ssyncadd.s32 $0xFFFFFF80  }
0x182: {  	_ =	swait.ge [sflag:s22], $0x80  }
0x183: {  	[sflag:s22] =	ssyncset.done $0x0  }
0x184: {  	[sflag:s22] =	ssyncadd.s32 $0xFFFFFF80  }
0x185: {  	_ =	swait.ge [sflag:s22], $0x80  }
0x186: {  	[sflag:s22] =	ssyncset.done $0x0  }
0x187: {  	[sflag:s22] =	ssyncadd.s32 $0xFFFFFF80  }
0x188: {  	_ =	swait.ge [sflag:s22], $0x80  }
0x189: {  	[sflag:s22] =	ssyncset.done $0x0  }
0x18a: {  	[sflag:s22] =	ssyncadd.s32 $0xFFFFFF80  }
0x18b: {  	_ =	swait.ge [sflag:s22], $0x80  }
0x18c: {  	[sflag:s22] =	ssyncset.done $0x0  }
0x18d: {  	[sflag:s22] =	ssyncadd.s32 $0xFFFFFF80  }
0x18e: {  	_ =	swait.ge [sflag:s22], $0x80  }
0x18f: {  	[sflag:s22] =	ssyncset.done $0x0  }
0x190: {  	[sflag:s22] =	ssyncadd.s32 $0xFFFFFF80  }
0x191: {  	_ =	swait.ge [sflag:s22], $0x80  }
0x192: {  	[sflag:s22] =	ssyncset.done $0x0  }
0x193: {  	[sflag:s22] =	ssyncadd.s32 $0xFFFFFF80  }
0x194: {  	_ =	swait.ge [sflag:s22], $0x80  }
0x195: {  	[sflag:s22] =	ssyncset.done $0x0  }
0x196: {  	[sflag:s22] =	ssyncadd.s32 $0xFFFFFF80  }
0x197: {  	_ =	swait.ge [sflag:s22], $0x80  }
0x198: {  	[sflag:s22] =	ssyncset.done $0x0  }
0x199: {  	[sflag:s22] =	ssyncadd.s32 $0xFFFFFF80  }
0x19a: {  	_ =	swait.ge [sflag:s22], $0x80  }
0x19b: {  	[sflag:s22] =	ssyncset.done $0x0  }
0x19c: {  	[sflag:s22] =	ssyncadd.s32 $0xFFFFFF80  }
0x19d: {  	_ =	swait.ge [sflag:s22], $0x80  }
0x19e: {  	[sflag:s22] =	ssyncset.done $0x0  }
0x19f: {  	[sflag:s22] =	ssyncadd.s32 $0xFFFFFF80  }
0x1a0: {  	_ =	swait.ge [sflag:s22], $0x80  }
0x1a1: {  	[sflag:s22] =	ssyncset.done $0x0  }
0x1a2: {  	[sflag:s22] =	ssyncadd.s32 $0xFFFFFF80  }
0x1a3: {  	_ =	swait.ge [sflag:s22], $0x80  }
0x1a4: {  	[sflag:s22] =	ssyncset.done $0x0  }
0x1a5: {  	[sflag:s22] =	ssyncadd.s32 $0xFFFFFF80  }
0x1a6: {  	_ =	swait.ge [sflag:s22], $0x80  }
0x1a7: {  	[sflag:s22] =	ssyncset.done $0x0  }
0x1a8: {  	[sflag:s22] =	ssyncadd.s32 $0xFFFFFF80  }
0x1a9: {  	_ =	swait.ge [sflag:s22], $0x80  }
0x1aa: {  	[sflag:s22] =	ssyncset.done $0x0  }
0x1ab: {  	[sflag:s22] =	ssyncadd.s32 $0xFFFFFF80  }
0x1ac: {  	_ =	swait.ge [sflag:s22], $0x80  }
0x1ad: {  	[sflag:s22] =	ssyncset.done $0x0  }
0x1ae: {  	[sflag:s22] =	ssyncadd.s32 $0xFFFFFF80  }
0x1af: {  	_ =	swait.ge [sflag:s22], $0x80  }
0x1b0: {  	[sflag:s22] =	ssyncset.done $0x0  }
0x1b1: {  	[sflag:s22] =	ssyncadd.s32 $0xFFFFFF80  }
0x1b2: {  	_ =	swait.ge [sflag:s22], $0x80  }
0x1b3: {  	[sflag:s22] =	ssyncset.done $0x0  }
0x1b4: {  	[sflag:s22] =	ssyncadd.s32 $0xFFFFFF80  }
0x1b5: {  	_ =	swait.ge [sflag:s22], $0x80  }
0x1b6: {  	[sflag:s22] =	ssyncset.done $0x0  }
0x1b7: {  	[sflag:s22] =	ssyncadd.s32 $0xFFFFFF80  }
0x1b8: {  	_ =	swait.ge [sflag:s22], $0x80  }
0x1b9: {  	[sflag:s22] =	ssyncset.done $0x0  }
0x1ba: {  	s24 =	simm.s32 $0x0;
	s0 =	rddreg [dreg:$0x5];
	[sflag:s22] =	ssyncadd.s32 $0xFFFFFF80  }
0x1bb: {  	[hbm4b:s0+s24] =	stream.linear.scatter [tilespmem:s11], [sflag:$0x2], $0x10000, $0x38;
	[tilespmem:$0x10200] =	vst v63  }
0x1bc: {  	_ =	swait.ge [sflag:s10], $0x10000  }
0x1bd: {  	[sflag:s10] =	ssyncset.done $0x0  }
0x1be: {  	s1 =	rddreg [dreg:$0x6];
	[sflag:s10] =	ssyncadd.s32 $0xFFFF0000  }
0x1bf: {  	[tilespmem:s24], [sflag:$0x2] =	stream.linear.gather [hbm4b:s1+s24], $0x200, $0x38;
	[tilespmem:$0x10200] =	vst v63  }
0x1c0: {  	_ =	swait.ge [sflag:s10], $0x200  }
0x1c1: {  	[sflag:s10] =	ssyncset.done $0x0  }
0x1c2: {  	[sflag:s10] =	ssyncadd.s32 $0xFFFFFE00  }
0x1c3: {  	v0 =	vld [tilespmem:$0x0];
	_ =	sdelay $0x4  }
0x1c4: {  	v0 =	vshll.u32 v0, $0x4  }
0x1c5: {  	(v2sf) =	vpush v0, $0x0;
	_ =	sdelay $0x1  }
0x1c6: {  	(v2sf) =	vpush v0, $0x1;
	_ =	sdelay $0x1  }
0x1c7: {  	(v2sf) =	vpush v0, $0x2;
	_ =	sdelay $0x2  }
0x1c8: {  	(v2sf) =	vpush v0, $0x3;
	_ =	sdelay $0x7  }
0x1c9: {  	s5 =	spop (v2sf);
	(v2sf) =	vpush v0, $0x4;
	_ =	sdelay $0x1  }
0x1ca: {  	s6 =	spop (v2sf);
	(v2sf) =	vpush v0, $0x5;
	_ =	sdelay $0x1  }
0x1cb: {  	s7 =	spop (v2sf);
	(v2sf) =	vpush v0, $0x6;
	_ =	sdelay $0x1  }
0x1cc: {  	s0 =	sand.u32 $0x1FFFFFF0, s5  }
0x1cd: {  	s0 =	sadd.s32 s4, s0;
	s9 =	spop (v2sf);
	(v2sf) =	vpush v0, $0x7  }
0x1ce: {  	[tilespmem:s11], [sflag:$0x1] =	stream.linear.gather [hbm4b:s0+s24], $0x80, $0x38;
	[tilespmem:$0x10200] =	vst v63  }
0x1cf: {  	s0 =	sand.u32 $0x1FFFFFF0, s6  }
0x1d0: {  	s1 =	simm.s32 $0x280;
	s0 =	sadd.s32 s4, s0  }
0x1d1: {  	[tilespmem:s1], [sflag:$0x1] =	stream.linear.gather [hbm4b:s0+s24], $0x80, $0x38;
	[tilespmem:$0x10200] =	vst v63  }
0x1d2: {  	s0 =	sand.u32 $0x1FFFFFF0, s7  }
0x1d3: {  	s8 =	simm.s32 $0x300;
	s0 =	sadd.s32 s4, s0  }
0x1d4: {  	[tilespmem:s8], [sflag:$0x1] =	stream.linear.gather [hbm4b:s0+s24], $0x80, $0x38;
	[tilespmem:$0x10200] =	vst v63  }
0x1d5: {  	s13 =	spop (v2sf);
	(v2sf) =	vpush v0, $0x8  }
0x1d6: {  	s0 =	sand.u32 $0x1FFFFFF0, s9  }
0x1d7: {  	s12 =	simm.s32 $0x380;
	s0 =	sadd.s32 s4, s0;
	s15 =	spop (v2sf);
	(v2sf) =	vpush v0, $0x9  }
0x1d8: {  	[tilespmem:s12], [sflag:$0x1] =	stream.linear.gather [hbm4b:s0+s24], $0x80, $0x38;
	[tilespmem:$0x10200] =	vst v63  }
0x1d9: {  	s0 =	sand.u32 $0x1FFFFFF0, s13;
	s17 =	spop (v2sf);
	(v2sf) =	vpush v0, $0xA  }
0x1da: {  	s14 =	simm.s32 $0x400;
	s0 =	sadd.s32 s4, s0  }
0x1db: {  	[tilespmem:s14], [sflag:$0x1] =	stream.linear.gather [hbm4b:s0+s24], $0x80, $0x38;
	[tilespmem:$0x10200] =	vst v63  }
0x1dc: {  	s25 =	spop (v2sf);
	(v2sf) =	vpush v0, $0xB  }
0x1dd: {  	s0 =	sand.u32 $0x1FFFFFF0, s15  }
0x1de: {  	s16 =	simm.s32 $0x480;
	s0 =	sadd.s32 s4, s0  }
0x1df: {  	[tilespmem:s16], [sflag:$0x1] =	stream.linear.gather [hbm4b:s0+s24], $0x80, $0x38;
	[tilespmem:$0x10200] =	vst v63  }
0x1e0: {  	s0 =	sand.u32 $0x1FFFFFF0, s17  }
0x1e1: {  	s18 =	simm.s32 $0x500;
	s0 =	sadd.s32 s4, s0  }
0x1e2: {  	[tilespmem:s18], [sflag:$0x1] =	stream.linear.gather [hbm4b:s0+s24], $0x80, $0x38;
	[tilespmem:$0x10200] =	vst v63  }
0x1e3: {  	s0 =	sand.u32 $0x1FFFFFF0, s25  }
0x1e4: {  	s26 =	simm.s32 $0x580;
	s0 =	sadd.s32 s4, s0;
	s28 =	spop (v2sf);
	(v2sf) =	vpush v0, $0xC  }
0x1e5: {  	[tilespmem:s26], [sflag:$0x1] =	stream.linear.gather [hbm4b:s0+s24], $0x80, $0x38;
	[tilespmem:$0x10200] =	vst v63  }
0x1e6: {  	s30 =	spop (v2sf);
	(v2sf) =	vpush v0, $0xD  }
0x1e7: {  	s0 =	sand.u32 $0x1FFFFFF0, s28  }
0x1e8: {  	s29 =	simm.s32 $0x600;
	s0 =	sadd.s32 s4, s0;
	s5 =	spop (v2sf)  }
0x1e9: {  	(v2sf) =	vpush v0, $0xE;
	[tilespmem:s29], [sflag:$0x1] =	stream.linear.gather [hbm4b:s0+s24], $0x80, $0x38;
	[tilespmem:$0x10200] =	vst v63  }
0x1ea: {  	s0 =	sand.u32 $0x1FFFFFF0, s30  }
0x1eb: {  	s31 =	simm.s32 $0x680;
	s7 =	spop (v2sf);
	s0 =	sadd.s32 s4, s0  }
0x1ec: {  	(v2sf) =	vpush v0, $0xF;
	[tilespmem:s31], [sflag:$0x1] =	stream.linear.gather [hbm4b:s0+s24], $0x80, $0x38;
	[tilespmem:$0x10200] =	vst v63  }
0x1ed: {  	s0 =	sand.u32 $0x1FFFFFF0, s5  }
0x1ee: {  	s6 =	simm.s32 $0x700;
	s0 =	sadd.s32 s4, s0  }
0x1ef: {  	[tilespmem:s6], [sflag:$0x1] =	stream.linear.gather [hbm4b:s0+s24], $0x80, $0x38;
	[tilespmem:$0x10200] =	vst v63  }
0x1f0: {  	s0 =	sand.u32 $0x1FFFFFF0, s7  }
0x1f1: {  	s8 =	simm.s32 $0x780;
	s0 =	sadd.s32 s4, s0  }
0x1f2: {  	[tilespmem:s8], [sflag:$0x1] =	stream.linear.gather [hbm4b:s0+s24], $0x80, $0x38;
	[tilespmem:$0x10200] =	vst v63  }
0x1f3: {  	s9 =	spop (v2sf)  }
0x1f4: {  	s0 =	sand.u32 $0x1FFFFFF0, s9  }
0x1f5: {  	s12 =	simm.s32 $0x800;
	s13 =	spop (v2sf);
	s0 =	sadd.s32 s4, s0  }
0x1f6: {  	[tilespmem:s12], [sflag:$0x1] =	stream.linear.gather [hbm4b:s0+s24], $0x80, $0x38;
	[tilespmem:$0x10200] =	vst v63  }
0x1f7: {  	s0 =	sand.u32 $0x1FFFFFF0, s13  }
0x1f8: {  	s14 =	simm.s32 $0x880;
	s15 =	spop (v2sf);
	s0 =	sadd.s32 s4, s0  }
0x1f9: {  	[tilespmem:s14], [sflag:$0x1] =	stream.linear.gather [hbm4b:s0+s24], $0x80, $0x38;
	[tilespmem:$0x10200] =	vst v63  }
0x1fa: {  	s0 =	sand.u32 $0x1FFFFFF0, s15  }
0x1fb: {  	s16 =	simm.s32 $0x900;
	s17 =	spop (v2sf);
	s0 =	sadd.s32 s4, s0  }
0x1fc: {  	[tilespmem:s16], [sflag:$0x1] =	stream.linear.gather [hbm4b:s0+s24], $0x80, $0x38;
	[tilespmem:$0x10200] =	vst v63  }
0x1fd: {  	s0 =	sand.u32 $0x1FFFFFF0, s17  }
0x1fe: {  	s18 =	simm.s32 $0x980;
	s0 =	sadd.s32 s4, s0  }
0x1ff: {  	[tilespmem:s18], [sflag:$0x1] =	stream.linear.gather [hbm4b:s0+s24], $0x80, $0x38;
	[tilespmem:$0x10200] =	vst v63  }
0x200: {  	v62 =	vld [tilespmem:$0x10];
	_ =	sdelay $0x4  }
0x201: {  	v0 =	vshll.u32 v62, $0x4  }
0x202: {  	(v2sf) =	vpush v0, $0x0;
	_ =	sdelay $0x1  }
0x203: {  	(v2sf) =	vpush v0, $0x1;
	_ =	sdelay $0x1  }
0x204: {  	(v2sf) =	vpush v0, $0x2;
	_ =	sdelay $0x2  }
0x205: {  	(v2sf) =	vpush v0, $0x3;
	_ =	sdelay $0x7  }
0x206: {  	s25 =	spop (v2sf);
	(v2sf) =	vpush v0, $0x4;
	_ =	sdelay $0x1  }
0x207: {  	s28 =	spop (v2sf);
	(v2sf) =	vpush v0, $0x5;
	_ =	sdelay $0x1  }
0x208: {  	s30 =	spop (v2sf);
	(v2sf) =	vpush v0, $0x6;
	_ =	sdelay $0x1  }
0x209: {  	s0 =	sand.u32 $0x1FFFFFF0, s25  }
0x20a: {  	s26 =	simm.s32 $0xA00;
	s0 =	sadd.s32 s4, s0;
	s5 =	spop (v2sf);
	(v2sf) =	vpush v0, $0x7  }
0x20b: {  	[tilespmem:s26], [sflag:$0x1] =	stream.linear.gather [hbm4b:s0+s24], $0x80, $0x38;
	[tilespmem:$0x10200] =	vst v63  }
0x20c: {  	s0 =	sand.u32 $0x1FFFFFF0, s28  }
0x20d: {  	s29 =	simm.s32 $0xA80;
	s0 =	sadd.s32 s4, s0  }
0x20e: {  	[tilespmem:s29], [sflag:$0x1] =	stream.linear.gather [hbm4b:s0+s24], $0x80, $0x38;
	[tilespmem:$0x10200] =	vst v63  }
0x20f: {  	s0 =	sand.u32 $0x1FFFFFF0, s30  }
0x210: {  	s31 =	simm.s32 $0xB00;
	s0 =	sadd.s32 s4, s0  }
0x211: {  	[tilespmem:s31], [sflag:$0x1] =	stream.linear.gather [hbm4b:s0+s24], $0x80, $0x38;
	[tilespmem:$0x10200] =	vst v63  }
0x212: {  	s7 =	spop (v2sf);
	(v2sf) =	vpush v0, $0x8  }
0x213: {  	s0 =	sand.u32 $0x1FFFFFF0, s5  }
0x214: {  	s6 =	simm.s32 $0xB80;
	s0 =	sadd.s32 s4, s0;
	s9 =	spop (v2sf);
	(v2sf) =	vpush v0, $0x9  }
0x215: {  	[tilespmem:s6], [sflag:$0x1] =	stream.linear.gather [hbm4b:s0+s24], $0x80, $0x38;
	[tilespmem:$0x10200] =	vst v63  }
0x216: {  	s0 =	sand.u32 $0x1FFFFFF0, s7;
	s13 =	spop (v2sf);
	(v2sf) =	vpush v0, $0xA  }
0x217: {  	s8 =	simm.s32 $0xC00;
	s0 =	sadd.s32 s4, s0  }
0x218: {  	[tilespmem:s8], [sflag:$0x1] =	stream.linear.gather [hbm4b:s0+s24], $0x80, $0x38;
	[tilespmem:$0x10200] =	vst v63  }
0x219: {  	s15 =	spop (v2sf);
	(v2sf) =	vpush v0, $0xB  }
0x21a: {  	s0 =	sand.u32 $0x1FFFFFF0, s9  }
0x21b: {  	s12 =	simm.s32 $0xC80;
	s0 =	sadd.s32 s4, s0  }
0x21c: {  	[tilespmem:s12], [sflag:$0x1] =	stream.linear.gather [hbm4b:s0+s24], $0x80, $0x38;
	[tilespmem:$0x10200] =	vst v63  }
0x21d: {  	s0 =	sand.u32 $0x1FFFFFF0, s13  }
0x21e: {  	s14 =	simm.s32 $0xD00;
	s0 =	sadd.s32 s4, s0  }
0x21f: {  	[tilespmem:s14], [sflag:$0x1] =	stream.linear.gather [hbm4b:s0+s24], $0x80, $0x38;
	[tilespmem:$0x10200] =	vst v63  }
0x220: {  	s0 =	sand.u32 $0x1FFFFFF0, s15  }
0x221: {  	s16 =	simm.s32 $0xD80;
	s0 =	sadd.s32 s4, s0;
	s17 =	spop (v2sf);
	(v2sf) =	vpush v0, $0xC  }
0x222: {  	[tilespmem:s16], [sflag:$0x1] =	stream.linear.gather [hbm4b:s0+s24], $0x80, $0x38;
	[tilespmem:$0x10200] =	vst v63  }
0x223: {  	s25 =	spop (v2sf);
	(v2sf) =	vpush v0, $0xD  }
0x224: {  	s0 =	sand.u32 $0x1FFFFFF0, s17  }
0x225: {  	s18 =	simm.s32 $0xE00;
	s0 =	sadd.s32 s4, s0;
	s28 =	spop (v2sf)  }
0x226: {  	(v2sf) =	vpush v0, $0xE;
	[tilespmem:s18], [sflag:$0x1] =	stream.linear.gather [hbm4b:s0+s24], $0x80, $0x38;
	[tilespmem:$0x10200] =	vst v63  }
0x227: {  	s0 =	sand.u32 $0x1FFFFFF0, s25  }
0x228: {  	s26 =	simm.s32 $0xE80;
	s30 =	spop (v2sf);
	s0 =	sadd.s32 s4, s0  }
0x229: {  	(v2sf) =	vpush v0, $0xF;
	[tilespmem:s26], [sflag:$0x1] =	stream.linear.gather [hbm4b:s0+s24], $0x80, $0x38;
	[tilespmem:$0x10200] =	vst v63  }
0x22a: {  	s0 =	sand.u32 $0x1FFFFFF0, s28  }
0x22b: {  	s29 =	simm.s32 $0xF00;
	s0 =	sadd.s32 s4, s0  }
0x22c: {  	[tilespmem:s29], [sflag:$0x1] =	stream.linear.gather [hbm4b:s0+s24], $0x80, $0x38;
	[tilespmem:$0x10200] =	vst v63  }
0x22d: {  	s0 =	sand.u32 $0x1FFFFFF0, s30  }
0x22e: {  	s31 =	simm.s32 $0xF80;
	s0 =	sadd.s32 s4, s0  }
0x22f: {  	[tilespmem:s31], [sflag:$0x1] =	stream.linear.gather [hbm4b:s0+s24], $0x80, $0x38;
	[tilespmem:$0x10200] =	vst v63  }
0x230: {  	s1 =	spop (v2sf)  }
0x231: {  	s0 =	sand.u32 $0x1FFFFFF0, s1  }
0x232: {  	s5 =	simm.s32 $0x1000;
	s6 =	spop (v2sf);
	s0 =	sadd.s32 s4, s0  }
0x233: {  	[tilespmem:s5], [sflag:$0x1] =	stream.linear.gather [hbm4b:s0+s24], $0x80, $0x38;
	[tilespmem:$0x10200] =	vst v63  }
0x234: {  	s0 =	sand.u32 $0x1FFFFFF0, s6  }
0x235: {  	s7 =	spop (v2sf);
	s0 =	sadd.s32 s4, s0  }
0x236: {  	[tilespmem:s19], [sflag:$0x1] =	stream.linear.gather [hbm4b:s0+s24], $0x80, $0x38;
	[tilespmem:$0x10200] =	vst v63  }
0x237: {  	s0 =	sand.u32 $0x1FFFFFF0, s7  }
0x238: {  	s8 =	spop (v2sf);
	s0 =	sadd.s32 s4, s0  }
0x239: {  	[tilespmem:s20], [sflag:$0x1] =	stream.linear.gather [hbm4b:s0+s24], $0x80, $0x38;
	[tilespmem:$0x10200] =	vst v63  }
0x23a: {  	s0 =	sand.u32 $0x1FFFFFF0, s8  }
0x23b: {  	s0 =	sadd.s32 s4, s0  }
0x23c: {  	[tilespmem:s21], [sflag:$0x1] =	stream.linear.gather [hbm4b:s0+s24], $0x80, $0x38;
	[tilespmem:$0x10200] =	vst v63  }
0x23d: {  	s24 =	simm.s32 $0x20  }
0x23e: {  	v63 =	vld [tilespmem:s24+$0x0];
	_ =	sdelay $0x4  }
0x23f: {  	v0 =	vshll.u32 v63, $0x4  }
0x240: {  	(v2sf) =	vpush v0, $0x0;
	_ =	sdelay $0x1  }
0x241: {  	(v2sf) =	vpush v0, $0x1;
	_ =	sdelay $0x1  }
0x242: {  	(v2sf) =	vpush v0, $0x2;
	_ =	sdelay $0x2  }
0x243: {  	(v2sf) =	vpush v0, $0x3;
	_ =	sdelay $0x7  }
0x244: {  	s9 =	spop (v2sf);
	(v2sf) =	vpush v0, $0x4;
	_ =	sdelay $0x1  }
0x245: {  	s13 =	spop (v2sf);
	(v2sf) =	vpush v0, $0x5;
	_ =	sdelay $0x1  }
0x246: {  	s15 =	spop (v2sf);
	(v2sf) =	vpush v0, $0x6;
	_ =	sdelay $0x1  }
0x247: {  	s0 =	sand.u32 $0x1FFFFFF0, s9  }
0x248: {  	s12 =	simm.s32 $0x1200;
	s0 =	sadd.s32 s4, s0;
	s17 =	spop (v2sf);
	(v2sf) =	vpush v0, $0x7  }
0x249: {  	[tilespmem:s12], [sflag:$0x1] =	stream.linear.gather [hbm4b:s0+s2], $0x80, $0x38;
	[tilespmem:$0x10200] =	vst v63  }
0x24a: {  	s0 =	sand.u32 $0x1FFFFFF0, s13  }
0x24b: {  	s14 =	simm.s32 $0x1280;
	s0 =	sadd.s32 s4, s0  }
0x24c: {  	[tilespmem:s14], [sflag:$0x1] =	stream.linear.gather [hbm4b:s0+s2], $0x80, $0x38;
	[tilespmem:$0x10200] =	vst v63  }
0x24d: {  	s0 =	sand.u32 $0x1FFFFFF0, s15  }
0x24e: {  	s16 =	simm.s32 $0x1300;
	s0 =	sadd.s32 s4, s0  }
0x24f: {  	[tilespmem:s16], [sflag:$0x1] =	stream.linear.gather [hbm4b:s0+s2], $0x80, $0x38;
	[tilespmem:$0x10200] =	vst v63  }
0x250: {  	s25 =	spop (v2sf);
	(v2sf) =	vpush v0, $0x8  }
0x251: {  	s0 =	sand.u32 $0x1FFFFFF0, s17  }
0x252: {  	s18 =	simm.s32 $0x1380;
	s0 =	sadd.s32 s4, s0;
	s28 =	spop (v2sf);
	(v2sf) =	vpush v0, $0x9  }
0x253: {  	[tilespmem:s18], [sflag:$0x1] =	stream.linear.gather [hbm4b:s0+s2], $0x80, $0x38;
	[tilespmem:$0x10200] =	vst v63  }
0x254: {  	s0 =	sand.u32 $0x1FFFFFF0, s25;
	s30 =	spop (v2sf);
	(v2sf) =	vpush v0, $0xA  }
0x255: {  	s26 =	simm.s32 $0x1400;
	s0 =	sadd.s32 s4, s0  }
0x256: {  	[tilespmem:s26], [sflag:$0x1] =	stream.linear.gather [hbm4b:s0+s2], $0x80, $0x38;
	[tilespmem:$0x10200] =	vst v63  }
0x257: {  	s5 =	spop (v2sf);
	(v2sf) =	vpush v0, $0xB  }
0x258: {  	s0 =	sand.u32 $0x1FFFFFF0, s28  }
0x259: {  	s29 =	simm.s32 $0x1480;
	s0 =	sadd.s32 s4, s0  }
0x25a: {  	[tilespmem:s29], [sflag:$0x1] =	stream.linear.gather [hbm4b:s0+s2], $0x80, $0x38;
	[tilespmem:$0x10200] =	vst v63  }
0x25b: {  	s0 =	sand.u32 $0x1FFFFFF0, s30  }
0x25c: {  	s31 =	simm.s32 $0x1500;
	s0 =	sadd.s32 s4, s0  }
0x25d: {  	[tilespmem:s31], [sflag:$0x1] =	stream.linear.gather [hbm4b:s0+s2], $0x80, $0x38;
	[tilespmem:$0x10200] =	vst v63  }
0x25e: {  	s0 =	sand.u32 $0x1FFFFFF0, s5  }
0x25f: {  	s6 =	simm.s32 $0x1580;
	s0 =	sadd.s32 s4, s0;
	s7 =	spop (v2sf);
	(v2sf) =	vpush v0, $0xC  }
0x260: {  	[tilespmem:s6], [sflag:$0x1] =	stream.linear.gather [hbm4b:s0+s2], $0x80, $0x38;
	[tilespmem:$0x10200] =	vst v63  }
0x261: {  	s9 =	spop (v2sf);
	(v2sf) =	vpush v0, $0xD  }
0x262: {  	s0 =	sand.u32 $0x1FFFFFF0, s7  }
0x263: {  	s8 =	simm.s32 $0x1600;
	s0 =	sadd.s32 s4, s0;
	s13 =	spop (v2sf)  }
0x264: {  	(v2sf) =	vpush v0, $0xE;
	[tilespmem:s8], [sflag:$0x1] =	stream.linear.gather [hbm4b:s0+s2], $0x80, $0x38;
	[tilespmem:$0x10200] =	vst v63  }
0x265: {  	s0 =	sand.u32 $0x1FFFFFF0, s9  }
0x266: {  	s12 =	simm.s32 $0x1680;
	s15 =	spop (v2sf);
	s0 =	sadd.s32 s4, s0  }
0x267: {  	(v2sf) =	vpush v0, $0xF;
	[tilespmem:s12], [sflag:$0x1] =	stream.linear.gather [hbm4b:s0+s2], $0x80, $0x38;
	[tilespmem:$0x10200] =	vst v63  }
0x268: {  	s0 =	sand.u32 $0x1FFFFFF0, s13  }
0x269: {  	s14 =	simm.s32 $0x1700;
	s0 =	sadd.s32 s4, s0  }
0x26a: {  	[tilespmem:s14], [sflag:$0x1] =	stream.linear.gather [hbm4b:s0+s2], $0x80, $0x38;
	[tilespmem:$0x10200] =	vst v63  }
0x26b: {  	s0 =	sand.u32 $0x1FFFFFF0, s15  }
0x26c: {  	s16 =	simm.s32 $0x1780;
	s0 =	sadd.s32 s4, s0  }
0x26d: {  	[tilespmem:s16], [sflag:$0x1] =	stream.linear.gather [hbm4b:s0+s2], $0x80, $0x38;
	[tilespmem:$0x10200] =	vst v63  }
0x26e: {  	s17 =	spop (v2sf)  }
0x26f: {  	s0 =	sand.u32 $0x1FFFFFF0, s17  }
0x270: {  	s18 =	simm.s32 $0x1800;
	s25 =	spop (v2sf);
	s0 =	sadd.s32 s4, s0  }
0x271: {  	[tilespmem:s18], [sflag:$0x1] =	stream.linear.gather [hbm4b:s0+s2], $0x80, $0x38;
	[tilespmem:$0x10200] =	vst v63  }
0x272: {  	s0 =	sand.u32 $0x1FFFFFF0, s25  }
0x273: {  	s26 =	simm.s32 $0x1880;
	s28 =	spop (v2sf);
	s0 =	sadd.s32 s4, s0  }
0x274: {  	[tilespmem:s26], [sflag:$0x1] =	stream.linear.gather [hbm4b:s0+s2], $0x80, $0x38;
	[tilespmem:$0x10200] =	vst v63  }
0x275: {  	s0 =	sand.u32 $0x1FFFFFF0, s28  }
0x276: {  	s29 =	simm.s32 $0x1900;
	s30 =	spop (v2sf);
	s0 =	sadd.s32 s4, s0  }
0x277: {  	[tilespmem:s29], [sflag:$0x1] =	stream.linear.gather [hbm4b:s0+s2], $0x80, $0x38;
	[tilespmem:$0x10200] =	vst v63  }
0x278: {  	s0 =	sand.u32 $0x1FFFFFF0, s30  }
0x279: {  	s31 =	simm.s32 $0x1980;
	s0 =	sadd.s32 s4, s0  }
0x27a: {  	[tilespmem:s31], [sflag:$0x1] =	stream.linear.gather [hbm4b:s0+s2], $0x80, $0x38;
	[tilespmem:$0x10200] =	vst v63  }
0x27b: {  	_ =	swait.ge [sflag:s22], $0x80  }
0x27c: {  	[sflag:s22] =	ssyncset.done $0x0  }
0x27d: {  	[sflag:s22] =	ssyncadd.s32 $0xFFFFFF80  }
0x27e: {  	_ =	swait.ge [sflag:s22], $0x80  }
0x27f: {  	[sflag:s22] =	ssyncset.done $0x0  }
0x280: {  	[sflag:s22] =	ssyncadd.s32 $0xFFFFFF80  }
0x281: {  	_ =	swait.ge [sflag:s22], $0x80  }
0x282: {  	[sflag:s22] =	ssyncset.done $0x0  }
0x283: {  	[sflag:s22] =	ssyncadd.s32 $0xFFFFFF80  }
0x284: {  	_ =	swait.ge [sflag:s22], $0x80  }
0x285: {  	[sflag:s22] =	ssyncset.done $0x0  }
0x286: {  	[sflag:s22] =	ssyncadd.s32 $0xFFFFFF80  }
0x287: {  	_ =	swait.ge [sflag:s22], $0x80  }
0x288: {  	[sflag:s22] =	ssyncset.done $0x0  }
0x289: {  	[sflag:s22] =	ssyncadd.s32 $0xFFFFFF80  }
0x28a: {  	_ =	swait.ge [sflag:s22], $0x80  }
0x28b: {  	[sflag:s22] =	ssyncset.done $0x0  }
0x28c: {  	[sflag:s22] =	ssyncadd.s32 $0xFFFFFF80  }
0x28d: {  	_ =	swait.ge [sflag:s22], $0x80  }
0x28e: {  	[sflag:s22] =	ssyncset.done $0x0  }
0x28f: {  	[sflag:s22] =	ssyncadd.s32 $0xFFFFFF80  }
0x290: {  	_ =	swait.ge [sflag:s22], $0x80  }
0x291: {  	[sflag:s22] =	ssyncset.done $0x0  }
0x292: {  	[sflag:s22] =	ssyncadd.s32 $0xFFFFFF80  }
0x293: {  	_ =	swait.ge [sflag:s22], $0x80  }
0x294: {  	[sflag:s22] =	ssyncset.done $0x0  }
0x295: {  	[sflag:s22] =	ssyncadd.s32 $0xFFFFFF80  }
0x296: {  	_ =	swait.ge [sflag:s22], $0x80  }
0x297: {  	[sflag:s22] =	ssyncset.done $0x0  }
0x298: {  	[sflag:s22] =	ssyncadd.s32 $0xFFFFFF80  }
0x299: {  	_ =	swait.ge [sflag:s22], $0x80  }
0x29a: {  	[sflag:s22] =	ssyncset.done $0x0  }
0x29b: {  	[sflag:s22] =	ssyncadd.s32 $0xFFFFFF80  }
0x29c: {  	_ =	swait.ge [sflag:s22], $0x80  }
0x29d: {  	[sflag:s22] =	ssyncset.done $0x0  }
0x29e: {  	[sflag:s22] =	ssyncadd.s32 $0xFFFFFF80  }
0x29f: {  	_ =	swait.ge [sflag:s22], $0x80  }
0x2a0: {  	[sflag:s22] =	ssyncset.done $0x0  }
0x2a1: {  	[sflag:s22] =	ssyncadd.s32 $0xFFFFFF80  }
0x2a2: {  	s25 =	simm.s32 $0x2000;
	_ =	swait.ge [sflag:s22], $0x80  }
.LBB2_4:
0x2a3: {  	p0 =	sne.s32 s25, $0x3A000;
	[sflag:s22] =	ssyncset.done $0x0;
	s24 =	sadd.s32 $0x10, s24  }
0x2a4: {  	s0 =	smov.u32 s25;
	s25 =	sadd.s32 $0x2000, s25;
	[sflag:s22] =	ssyncadd.s32 $0xFFFFFF80  }
0x2a5: {  	_ =	swait.ge [sflag:s22], $0x80  }
0x2a6: {  	[sflag:s22] =	ssyncset.done $0x0  }
0x2a7: {  	[sflag:s22] =	ssyncadd.s32 $0xFFFFFF80  }
0x2a8: {  	_ =	swait.ge [sflag:s22], $0x80  }
0x2a9: {  	[sflag:s22] =	ssyncset.done $0x0  }
0x2aa: {  	[sflag:s22] =	ssyncadd.s32 $0xFFFFFF80  }
0x2ab: {  	v0 =	vld [tilespmem:s24+$0x0];
	_ =	sdelay $0x4  }
0x2ac: {  	v0 =	vshll.u32 v0, $0x4  }
0x2ad: {  	(v2sf) =	vpush v0, $0x0  }
0x2ae: {  	(v2sf) =	vpush v0, $0x1  }
0x2af: {  	(v2sf) =	vpush v0, $0x2;
	_ =	sdelay $0x1  }
0x2b0: {  	(v2sf) =	vpush v0, $0x3;
	_ =	sdelay $0x1  }
0x2b1: {  	(v2sf) =	vpush v0, $0x4;
	_ =	sdelay $0x1  }
0x2b2: {  	(v2sf) =	vpush v0, $0x5  }
0x2b3: {  	s26 =	sshra.s32 s0, $0x2  }
0x2b4: {  	s0 =	sadd.s32 $0x1280, s26;
	s1 =	sadd.s32 $0x1380, s26;
	s9 =	sadd.s32 $0x1400, s26;
	(v2sf) =	vpush v0, $0x6  }
0x2b5: {  	s12 =	sadd.s32 $0x1200, s26;
	s13 =	sadd.s32 $0x1300, s26  }
0x2b6: {  	s14 =	sadd.s32 $0x1480, s26;
	(v2sf) =	vpush v0, $0x7  }
0x2b7: {  	s6 =	sadd.s32 $0x1800, s26;
	s28 =	sadd.s32 $0x1880, s26;
	s5 =	sadd.s32 $0x1980, s26  }
0x2b8: {  	s15 =	sadd.s32 $0x1500, s26;
	s7 =	sadd.s32 $0x1700, s26;
	s29 =	sadd.s32 $0x1780, s26;
	(v2sf) =	vpush v0, $0x8  }
0x2b9: {  	s8 =	sadd.s32 $0x1600, s26;
	s30 =	sadd.s32 $0x1680, s26;
	s16 =	spop (v2sf)  }
0x2ba: {  	s17 =	sadd.s32 $0x1580, s26;
	s16 =	sand.u32 $0x1FFFFFF0, s16;
	s18 =	spop (v2sf);
	(v2sf) =	vpush v0, $0x9  }
0x2bb: {  	s16 =	sadd.s32 s4, s16;
	s18 =	sand.u32 $0x1FFFFFF0, s18;
	s31 =	spop (v2sf)  }
0x2bc: {  	[tilespmem:s12], [sflag:$0x1] =	stream.linear.gather [hbm4b:s16+s2], $0x80, $0x38;
	(v2sf) =	vpush v0, $0xA;
	[tilespmem:$0x10200] =	vst v63  }
0x2bd: {  	s12 =	sadd.s32 s4, s18;
	s16 =	sand.u32 $0x1FFFFFF0, s31;
	s18 =	spop (v2sf)  }
0x2be: {  	[tilespmem:s0], [sflag:$0x1] =	stream.linear.gather [hbm4b:s12+s2], $0x80, $0x38;
	(v2sf) =	vpush v0, $0xB;
	[tilespmem:$0x10200] =	vst v63  }
0x2bf: {  	s0 =	sadd.s32 s4, s16;
	s12 =	sand.u32 $0x1FFFFFF0, s18;
	s16 =	spop (v2sf)  }
0x2c0: {  	[tilespmem:s13], [sflag:$0x1] =	stream.linear.gather [hbm4b:s0+s2], $0x80, $0x38;
	(v2sf) =	vpush v0, $0xC;
	[tilespmem:$0x10200] =	vst v63  }
0x2c1: {  	s0 =	sadd.s32 s4, s12;
	s12 =	sand.u32 $0x1FFFFFF0, s16;
	s13 =	spop (v2sf)  }
0x2c2: {  	[tilespmem:s1], [sflag:$0x1] =	stream.linear.gather [hbm4b:s0+s2], $0x80, $0x38;
	(v2sf) =	vpush v0, $0xD;
	[tilespmem:$0x10200] =	vst v63  }
0x2c3: {  	s0 =	sadd.s32 s4, s12;
	s1 =	sand.u32 $0x1FFFFFF0, s13;
	s12 =	spop (v2sf)  }
0x2c4: {  	[tilespmem:s9], [sflag:$0x1] =	stream.linear.gather [hbm4b:s0+s2], $0x80, $0x38;
	(v2sf) =	vpush v0, $0xE;
	[tilespmem:$0x10200] =	vst v63  }
0x2c5: {  	s0 =	sadd.s32 s4, s1;
	s1 =	sand.u32 $0x1FFFFFF0, s12;
	s9 =	spop (v2sf)  }
0x2c6: {  	[tilespmem:s14], [sflag:$0x1] =	stream.linear.gather [hbm4b:s0+s2], $0x80, $0x38;
	(v2sf) =	vpush v0, $0xF;
	[tilespmem:$0x10200] =	vst v63  }
0x2c7: {  	s0 =	sadd.s32 s4, s1;
	s1 =	sand.u32 $0x1FFFFFF0, s9;
	s9 =	spop (v2sf)  }
0x2c8: {  	[tilespmem:s15], [sflag:$0x1] =	stream.linear.gather [hbm4b:s0+s2], $0x80, $0x38;
	[tilespmem:$0x10200] =	vst v63  }
0x2c9: {  	s0 =	sadd.s32 s4, s1;
	s1 =	sand.u32 $0x1FFFFFF0, s9;
	s9 =	spop (v2sf)  }
0x2ca: {  	[tilespmem:s17], [sflag:$0x1] =	stream.linear.gather [hbm4b:s0+s2], $0x80, $0x38;
	[tilespmem:$0x10200] =	vst v63  }
0x2cb: {  	s0 =	sadd.s32 s4, s1;
	s1 =	sand.u32 $0x1FFFFFF0, s9;
	s9 =	spop (v2sf)  }
0x2cc: {  	[tilespmem:s8], [sflag:$0x1] =	stream.linear.gather [hbm4b:s0+s2], $0x80, $0x38;
	[tilespmem:$0x10200] =	vst v63  }
0x2cd: {  	s0 =	sadd.s32 s4, s1;
	s1 =	sand.u32 $0x1FFFFFF0, s9;
	s8 =	spop (v2sf)  }
0x2ce: {  	[tilespmem:s30], [sflag:$0x1] =	stream.linear.gather [hbm4b:s0+s2], $0x80, $0x38;
	[tilespmem:$0x10200] =	vst v63  }
0x2cf: {  	s0 =	sadd.s32 s4, s1;
	s1 =	sand.u32 $0x1FFFFFF0, s8;
	s8 =	spop (v2sf)  }
0x2d0: {  	[tilespmem:s7], [sflag:$0x1] =	stream.linear.gather [hbm4b:s0+s2], $0x80, $0x38;
	[tilespmem:$0x10200] =	vst v63  }
0x2d1: {  	s0 =	sadd.s32 s4, s1;
	s1 =	sand.u32 $0x1FFFFFF0, s8;
	s7 =	spop (v2sf)  }
0x2d2: {  	[tilespmem:s29], [sflag:$0x1] =	stream.linear.gather [hbm4b:s0+s2], $0x80, $0x38;
	[tilespmem:$0x10200] =	vst v63  }
0x2d3: {  	s0 =	sadd.s32 s4, s1;
	s1 =	sand.u32 $0x1FFFFFF0, s7;
	s7 =	spop (v2sf)  }
0x2d4: {  	[tilespmem:s6], [sflag:$0x1] =	stream.linear.gather [hbm4b:s0+s2], $0x80, $0x38;
	[tilespmem:$0x10200] =	vst v63  }
0x2d5: {  	s0 =	sadd.s32 s4, s1;
	s1 =	sand.u32 $0x1FFFFFF0, s7;
	s6 =	spop (v2sf)  }
0x2d6: {  	[tilespmem:s28], [sflag:$0x1] =	stream.linear.gather [hbm4b:s0+s2], $0x80, $0x38;
	[tilespmem:$0x10200] =	vst v63  }
0x2d7: {  	s1 =	sadd.s32 s4, s1;
	s0 =	sadd.s32 $0x1900, s26;
	s6 =	sand.u32 $0x1FFFFFF0, s6  }
0x2d8: {  	[tilespmem:s0], [sflag:$0x1] =	stream.linear.gather [hbm4b:s1+s2], $0x80, $0x38;
	[tilespmem:$0x10200] =	vst v63  }
0x2d9: {  	s0 =	sadd.s32 s4, s6  }
0x2da: {  	[tilespmem:s5], [sflag:$0x1] =	stream.linear.gather [hbm4b:s0+s2], $0x80, $0x38;
	[tilespmem:$0x10200] =	vst v63  }
0x2db: {  	_ =	swait.ge [sflag:s22], $0x80  }
0x2dc: {  	[sflag:s22] =	ssyncset.done $0x0  }
0x2dd: {  	[sflag:s22] =	ssyncadd.s32 $0xFFFFFF80  }
0x2de: {  	_ =	swait.ge [sflag:s22], $0x80  }
0x2df: {  	[sflag:s22] =	ssyncset.done $0x0  }
0x2e0: {  	[sflag:s22] =	ssyncadd.s32 $0xFFFFFF80  }
0x2e1: {  	_ =	swait.ge [sflag:s22], $0x80  }
0x2e2: {  	[sflag:s22] =	ssyncset.done $0x0  }
0x2e3: {  	[sflag:s22] =	ssyncadd.s32 $0xFFFFFF80  }
0x2e4: {  	_ =	swait.ge [sflag:s22], $0x80  }
0x2e5: {  	[sflag:s22] =	ssyncset.done $0x0  }
0x2e6: {  	[sflag:s22] =	ssyncadd.s32 $0xFFFFFF80  }
0x2e7: {  	_ =	swait.ge [sflag:s22], $0x80  }
0x2e8: {  	[sflag:s22] =	ssyncset.done $0x0  }
0x2e9: {  	[sflag:s22] =	ssyncadd.s32 $0xFFFFFF80  }
0x2ea: {  	_ =	swait.ge [sflag:s22], $0x80  }
0x2eb: {  	[sflag:s22] =	ssyncset.done $0x0  }
0x2ec: {  	[sflag:s22] =	ssyncadd.s32 $0xFFFFFF80  }
0x2ed: {  	_ =	swait.ge [sflag:s22], $0x80  }
0x2ee: {  	[sflag:s22] =	ssyncset.done $0x0  }
0x2ef: {  	[sflag:s22] =	ssyncadd.s32 $0xFFFFFF80  }
0x2f0: {  	_ =	swait.ge [sflag:s22], $0x80  }
0x2f1: {  	[sflag:s22] =	ssyncset.done $0x0  }
0x2f2: {  	[sflag:s22] =	ssyncadd.s32 $0xFFFFFF80  }
0x2f3: {  	_ =	swait.ge [sflag:s22], $0x80  }
0x2f4: {  	[sflag:s22] =	ssyncset.done $0x0  }
0x2f5: {  	[sflag:s22] =	ssyncadd.s32 $0xFFFFFF80  }
0x2f6: {  	_ =	swait.ge [sflag:s22], $0x80  }
0x2f7: {  	[sflag:s22] =	ssyncset.done $0x0  }
0x2f8: {  	[sflag:s22] =	ssyncadd.s32 $0xFFFFFF80  }
0x2f9: {  	_ =	swait.ge [sflag:s22], $0x80  }
0x2fa: {  	[sflag:s22] =	ssyncset.done $0x0  }
0x2fb: {  	[sflag:s22] =	ssyncadd.s32 $0xFFFFFF80  }
0x2fc: {  	_ =	swait.ge [sflag:s22], $0x80  }
0x2fd: {  	[sflag:s22] =	ssyncset.done $0x0  }
.Ltmp1:
0x2fe: {  	[sflag:s22] =	ssyncadd.s32 $0xFFFFFF80;
	(pc) =	sbr.rel @p0 .LBB2_4-.Ltmp1, $4  }
0x2ff: {  	_ =	swait.ge [sflag:s22], $0x80  }
0x300: {  	[sflag:s22] =	ssyncset.done $0x0  }
0x301: {  	[sflag:s22] =	ssyncadd.s32 $0xFFFFFF80  }
0x302: {  	_ =	swait.ge [sflag:s22], $0x80  }
0x303: {  	[sflag:s22] =	ssyncset.done $0x0  }
0x304: {  	[sflag:s22] =	ssyncadd.s32 $0xFFFFFF80  }
0x305: {  	_ =	swait.ge [sflag:s22], $0x80  }
0x306: {  	[sflag:s22] =	ssyncset.done $0x0  }
0x307: {  	[sflag:s22] =	ssyncadd.s32 $0xFFFFFF80  }
0x308: {  	_ =	swait.ge [sflag:s22], $0x80  }
0x309: {  	[sflag:s22] =	ssyncset.done $0x0  }
0x30a: {  	[sflag:s22] =	ssyncadd.s32 $0xFFFFFF80  }
0x30b: {  	_ =	swait.ge [sflag:s22], $0x80  }
0x30c: {  	[sflag:s22] =	ssyncset.done $0x0  }
0x30d: {  	[sflag:s22] =	ssyncadd.s32 $0xFFFFFF80  }
0x30e: {  	_ =	swait.ge [sflag:s22], $0x80  }
0x30f: {  	[sflag:s22] =	ssyncset.done $0x0  }
0x310: {  	[sflag:s22] =	ssyncadd.s32 $0xFFFFFF80  }
0x311: {  	_ =	swait.ge [sflag:s22], $0x80  }
0x312: {  	[sflag:s22] =	ssyncset.done $0x0  }
0x313: {  	[sflag:s22] =	ssyncadd.s32 $0xFFFFFF80  }
0x314: {  	_ =	swait.ge [sflag:s22], $0x80  }
0x315: {  	[sflag:s22] =	ssyncset.done $0x0  }
0x316: {  	[sflag:s22] =	ssyncadd.s32 $0xFFFFFF80  }
0x317: {  	_ =	swait.ge [sflag:s22], $0x80  }
0x318: {  	[sflag:s22] =	ssyncset.done $0x0  }
0x319: {  	[sflag:s22] =	ssyncadd.s32 $0xFFFFFF80  }
0x31a: {  	_ =	swait.ge [sflag:s22], $0x80  }
0x31b: {  	[sflag:s22] =	ssyncset.done $0x0  }
0x31c: {  	[sflag:s22] =	ssyncadd.s32 $0xFFFFFF80  }
0x31d: {  	_ =	swait.ge [sflag:s22], $0x80  }
0x31e: {  	[sflag:s22] =	ssyncset.done $0x0  }
0x31f: {  	[sflag:s22] =	ssyncadd.s32 $0xFFFFFF80  }
0x320: {  	_ =	swait.ge [sflag:s22], $0x80  }
0x321: {  	[sflag:s22] =	ssyncset.done $0x0  }
0x322: {  	[sflag:s22] =	ssyncadd.s32 $0xFFFFFF80  }
0x323: {  	_ =	swait.ge [sflag:s22], $0x80  }
0x324: {  	[sflag:s22] =	ssyncset.done $0x0  }
0x325: {  	[sflag:s22] =	ssyncadd.s32 $0xFFFFFF80  }
0x326: {  	_ =	swait.ge [sflag:s22], $0x80  }
0x327: {  	[sflag:s22] =	ssyncset.done $0x0  }
0x328: {  	[sflag:s22] =	ssyncadd.s32 $0xFFFFFF80  }
0x329: {  	_ =	swait.ge [sflag:s22], $0x80  }
0x32a: {  	[sflag:s22] =	ssyncset.done $0x0  }
0x32b: {  	[sflag:s22] =	ssyncadd.s32 $0xFFFFFF80  }
0x32c: {  	_ =	swait.ge [sflag:s22], $0x80  }
0x32d: {  	[sflag:s22] =	ssyncset.done $0x0  }
0x32e: {  	[sflag:s22] =	ssyncadd.s32 $0xFFFFFF80  }
0x32f: {  	_ =	swait.ge [sflag:s22], $0x80  }
0x330: {  	[sflag:s22] =	ssyncset.done $0x0  }
0x331: {  	[sflag:s22] =	ssyncadd.s32 $0xFFFFFF80  }
0x332: {  	_ =	swait.ge [sflag:s22], $0x80  }
0x333: {  	[sflag:s22] =	ssyncset.done $0x0  }
0x334: {  	[sflag:s22] =	ssyncadd.s32 $0xFFFFFF80  }
0x335: {  	_ =	swait.ge [sflag:s22], $0x80  }
0x336: {  	[sflag:s22] =	ssyncset.done $0x0  }
0x337: {  	[sflag:s22] =	ssyncadd.s32 $0xFFFFFF80  }
0x338: {  	_ =	swait.ge [sflag:s22], $0x80  }
0x339: {  	[sflag:s22] =	ssyncset.done $0x0  }
0x33a: {  	[sflag:s22] =	ssyncadd.s32 $0xFFFFFF80  }
0x33b: {  	_ =	swait.ge [sflag:s22], $0x80  }
0x33c: {  	[sflag:s22] =	ssyncset.done $0x0  }
0x33d: {  	[sflag:s22] =	ssyncadd.s32 $0xFFFFFF80  }
0x33e: {  	_ =	swait.ge [sflag:s22], $0x80  }
0x33f: {  	[sflag:s22] =	ssyncset.done $0x0  }
0x340: {  	[sflag:s22] =	ssyncadd.s32 $0xFFFFFF80  }
0x341: {  	_ =	swait.ge [sflag:s22], $0x80  }
0x342: {  	[sflag:s22] =	ssyncset.done $0x0  }
0x343: {  	[sflag:s22] =	ssyncadd.s32 $0xFFFFFF80  }
0x344: {  	_ =	swait.ge [sflag:s22], $0x80  }
0x345: {  	[sflag:s22] =	ssyncset.done $0x0  }
0x346: {  	[sflag:s22] =	ssyncadd.s32 $0xFFFFFF80  }
0x347: {  	_ =	swait.ge [sflag:s22], $0x80  }
0x348: {  	[sflag:s22] =	ssyncset.done $0x0  }
0x349: {  	[sflag:s22] =	ssyncadd.s32 $0xFFFFFF80  }
0x34a: {  	_ =	swait.ge [sflag:s22], $0x80  }
0x34b: {  	[sflag:s22] =	ssyncset.done $0x0  }
0x34c: {  	[sflag:s22] =	ssyncadd.s32 $0xFFFFFF80  }
0x34d: {  	_ =	swait.ge [sflag:s22], $0x80  }
0x34e: {  	[sflag:s22] =	ssyncset.done $0x0  }
0x34f: {  	[sflag:s22] =	ssyncadd.s32 $0xFFFFFF80  }
0x350: {  	_ =	swait.ge [sflag:s22], $0x80  }
0x351: {  	[sflag:s22] =	ssyncset.done $0x0  }
0x352: {  	[sflag:s22] =	ssyncadd.s32 $0xFFFFFF80  }
0x353: {  	_ =	swait.ge [sflag:s22], $0x80  }
0x354: {  	[sflag:s22] =	ssyncset.done $0x0  }
0x355: {  	[sflag:s22] =	ssyncadd.s32 $0xFFFFFF80  }
0x356: {  	_ =	swait.ge [sflag:s22], $0x80  }
0x357: {  	[sflag:s22] =	ssyncset.done $0x0  }
0x358: {  	[sflag:s22] =	ssyncadd.s32 $0xFFFFFF80  }
0x359: {  	_ =	swait.ge [sflag:s22], $0x80  }
0x35a: {  	[sflag:s22] =	ssyncset.done $0x0  }
0x35b: {  	[sflag:s22] =	ssyncadd.s32 $0xFFFFFF80  }
0x35c: {  	_ =	swait.ge [sflag:s22], $0x80  }
0x35d: {  	[sflag:s22] =	ssyncset.done $0x0  }
0x35e: {  	[sflag:s22] =	ssyncadd.s32 $0xFFFFFF80  }
0x35f: {  	_ =	swait.ge [sflag:s22], $0x80  }
0x360: {  	[sflag:s22] =	ssyncset.done $0x0  }
0x361: {  	[sflag:s22] =	ssyncadd.s32 $0xFFFFFF80  }
0x362: {  	_ =	swait.ge [sflag:s22], $0x80  }
0x363: {  	[sflag:s22] =	ssyncset.done $0x0  }
0x364: {  	[sflag:s22] =	ssyncadd.s32 $0xFFFFFF80  }
0x365: {  	_ =	swait.ge [sflag:s22], $0x80  }
0x366: {  	[sflag:s22] =	ssyncset.done $0x0  }
0x367: {  	[sflag:s22] =	ssyncadd.s32 $0xFFFFFF80  }
0x368: {  	_ =	swait.ge [sflag:s22], $0x80  }
0x369: {  	[sflag:s22] =	ssyncset.done $0x0  }
0x36a: {  	s0 =	rddreg [dreg:$0x7];
	[sflag:s22] =	ssyncadd.s32 $0xFFFFFF80  }
0x36b: {  	[hbm4b:s0+s2] =	stream.linear.scatter [tilespmem:s11], [sflag:$0x2], $0x10000, $0x38;
	[tilespmem:$0x10200] =	vst v63  }
0x36c: {  	_ =	swait.ge [sflag:s10], $0x10000  }
0x36d: {  	s23 =	sadd.s32 $0x1, s23;
	s31 =	rddreg [dreg:$0x8]  }
0x36e: {  	p0 =	sne.s32 s23, s31  }
.Ltmp2:
0x36f: {  	_ = 	snop;
	(pc) =	sbr.rel @p0 .LBB2_1-.Ltmp2, $3  }
0x370: {  	_ =	sdelay $0x1  }
0x371: {  	[sflag:s10] =	ssyncset.done $0x0  }
0x372: {  	[sflag:s10] =	ssyncadd.s32 $0xFFFF0000  }
0x373: {  	_ =	sfence.sel $0x180000  }
0x374: {  	[bflag:$0x0] =	sbarrier.arrive $0xFFFF  }
0x375: {  	_ =	strace $0x90000047  }
0x376: {  	s0 =	stileid.u32;
	[bflag:$0x2] =	sbarrier.arrive $0xFFFF  }
0x377: {  	p0 =	sne.s32 s0, $0x0;
	s0 =	rddreg [dreg:$0x3]  }
0x378: {  	s0 =	sadd.s32 @!p0 $0x100000, s0  }
0x379: {  	[sflag:s0] =	ssyncadd.tile.s32 @!p0 $0x1;
	_ =	shalt  }
.Lfunc_end2:
_tile_overlayer_lowered:
.L_overlay_start_2:
0x37a: {  	(tag) =	ssettag $0x2  }
0x37b: {  	s0 =	rddreg [dreg:$0x0];
	s2 =	stileid.u32  }
0x37c: {  	s1 =	rddreg [dreg:$0x1];
	p0 =	sne.s32 s2, $0x0  }
0x37d: {  	s3 =	rddreg [dreg:$0x2];
	[bflag:$0x3] =	sbarrier.arrive $0xFFFF;
	s2 =	simm.s32 @!p0 $0x1C02  }
0x37e: {  	[timem:s3], [sflag:s2] =	dma.local @!p0 [hbm:s0], s1  }
0x37f: {  	s0 =	simm.s32 @!p0 $0x2  }
0x380: {  	_ =	swait.ge @!p0 [sflag:s0], s1  }
0x381: {  	s1 =	ssub.s32 @!p0 $0x0, s1;
	[sflag:s0] =	ssyncset.done @!p0 $0x0  }
0x382: {  	[sflag:s0] =	ssyncadd.s32 @!p0 s1  }
0x383: {  	[bflag:$0x3] =	sbarrier.arrive $0xFFFF  }
0x384: {  	_ =	shalt  }

</sc_bundles>
